<compile_context>
chip_gen: v7x
topology: tpu7x:2x2x1
jax: 0.10.2.dev20260603
libtpu: 0.0.44.dev20260713+nightly
codegen_flags: <defaults>
</compile_context>

<pallas_src>
import functools

import jax
import jax.numpy as jnp
from jax import lax
from jax.experimental import pallas as pl
from jax.experimental.pallas import tpu as pltpu
from jax.experimental.pallas import tpu_sc as plsc

_D = 128
_NC = 2
_NS = 16
_NW = _NC * _NS


def _pad_up(v, m):
    return ((v + m - 1) // m) * m


@functools.lru_cache(maxsize=None)
def _make_deg(npad, epad):
    per_w = epad // _NW
    n_chunks = per_w // 128
    rpt = npad // _NS
    mesh = plsc.VectorSubcoreMesh(core_axis_name="c", subcore_axis_name="s")

    def body(dst_hbm, out_hbm, didx_all, ones_v, zb_v, deg_sh):
        c = lax.axis_index("c")
        s = lax.axis_index("s")
        wid = c * _NS + s
        pltpu.sync_copy(dst_hbm.at[pl.ds(wid * n_chunks, n_chunks)], didx_all)
        for l in range(8):
            ones_v[pl.ds(l * 16, 16)] = jnp.full((16,), 1.0, jnp.float32)
        for i in range(rpt // 16):
            zb_v[pl.ds(i * 16, 16)] = jnp.zeros((16,), jnp.float32)
        pltpu.sync_copy(zb_v, deg_sh.at[pl.ds(s * rpt, rpt)])
        plsc.subcore_barrier()

        def chunk(g, carry):
            pltpu.sync_copy(ones_v, deg_sh.at[didx_all.at[g]], add=True)
            return carry

        lax.fori_loop(0, n_chunks, chunk, 0)
        plsc.subcore_barrier()
        pltpu.sync_copy(deg_sh.at[pl.ds(s * rpt, rpt)],
                        out_hbm.at[c, pl.ds(s * rpt, rpt)])

    return pl.kernel(
        body,
        out_type=jax.ShapeDtypeStruct((_NC, npad), jnp.float32),
        mesh=mesh,
        scratch_types=[
            pltpu.VMEM((n_chunks, 128), jnp.int32),
            pltpu.VMEM((128,), jnp.float32),
            pltpu.VMEM((rpt,), jnp.float32),
            pltpu.VMEM_SHARED((npad,), jnp.float32),
        ],
    )


_CH = 64
_NB = 4
_NH = 5
_FAST = 0
_FRAC_NUM = 9
_FRAC_DEN = 10


@functools.lru_cache(maxsize=None)
def _make_prop(npad, epad):
    per_w = epad // _NW
    n_chunks = per_w // _CH
    hc = n_chunks // _NH
    n_groups = hc // _NB
    rpt = npad // _NS
    mesh = plsc.VectorSubcoreMesh(core_axis_name="c", subcore_axis_name="s")

    n_blocks = _NW * _NH
    fast_blocks = (_NH * _NW * _FRAC_NUM) // (_FRAC_DEN * _NS)
    slow_blocks = n_blocks // _NS - fast_blocks
    max_blocks = max(fast_blocks, slow_blocks)

    def body(src_hbm, dst_hbm, y_hbm, z_hbm, out_hbm,
             sidx_all, didx_all, rows, gsems, isems, acc_sh):
        c = lax.axis_index("c")
        s = lax.axis_index("s")
        pltpu.sync_copy(z_hbm.at[pl.ds(s * rpt, rpt)],
                        acc_sh.at[pl.ds(s * rpt, rpt)])
        plsc.subcore_barrier()

        is_fast = (c == _FAST)
        my_blocks = jnp.where(is_fast, fast_blocks, slow_blocks)
        blk0 = jnp.where(is_fast, s * fast_blocks,
                         _NS * fast_blocks + s * slow_blocks)

        for k in range(max_blocks):
            @pl.when(k < my_blocks)
            def _do_block():
                off = (blk0 + k) * hc
                ih0 = pltpu.async_copy(src_hbm.at[pl.ds(off, hc)], sidx_all,
                                       isems[0])
                ih1 = pltpu.async_copy(dst_hbm.at[pl.ds(off, hc)], didx_all,
                                       isems[1])
                ih0.wait()
                ih1.wait()

                def group(g, carry):
                    base = g * _NB
                    gh = []
                    for b in range(_NB):
                        gh.append(pltpu.async_copy(
                            y_hbm.at[sidx_all.at[base + b]], rows.at[b],
                            gsems[b]))
                    for b in range(_NB):
                        gh[b].wait()
                        pltpu.sync_copy(
                            rows.at[b], acc_sh.at[didx_all.at[base + b]],
                            add=True)
                    return carry

                lax.fori_loop(0, n_groups, group, 0)

        plsc.subcore_barrier()
        pltpu.sync_copy(acc_sh.at[pl.ds(s * rpt, rpt)],
                        out_hbm.at[c, pl.ds(s * rpt, rpt)])

    return pl.kernel(
        body,
        out_type=jax.ShapeDtypeStruct((_NC, npad, _D), jnp.float32),
        mesh=mesh,
        scratch_types=[
            pltpu.VMEM((hc, _CH), jnp.int32),
            pltpu.VMEM((hc, _CH), jnp.int32),
            pltpu.VMEM((_NB, _CH, _D), jnp.float32),
            [pltpu.SemaphoreType.DMA] * _NB,
            [pltpu.SemaphoreType.DMA] * 2,
            pltpu.VMEM_SHARED((npad, _D), jnp.float32),
        ],
    )


def _scale_body(d0_ref, d1_ref, x_ref, y_ref, dis_ref):
    deg = d0_ref[...] + d1_ref[...] + 1.0
    dis = lax.rsqrt(deg)
    dis_ref[...] = dis
    y_ref[...] = x_ref[...] * dis


@functools.lru_cache(maxsize=None)
def _make_scale(npad, blk):
    grid = npad // blk
    return pl.pallas_call(
        _scale_body,
        grid=(grid,),
        in_specs=[
            pl.BlockSpec((blk, 1), lambda i: (i, 0)),
            pl.BlockSpec((blk, 1), lambda i: (i, 0)),
            pl.BlockSpec((blk, _D), lambda i: (i, 0)),
        ],
        out_specs=[
            pl.BlockSpec((blk, _D), lambda i: (i, 0)),
            pl.BlockSpec((blk, 1), lambda i: (i, 0)),
        ],
        out_shape=[
            jax.ShapeDtypeStruct((npad, _D), jnp.float32),
            jax.ShapeDtypeStruct((npad, 1), jnp.float32),
        ],
    )


def _final_body(s0_ref, s1_ref, y_ref, dis_ref, w_ref, b_ref, out_ref):
    z = (s0_ref[...] + s1_ref[...] + y_ref[...]) * dis_ref[...]
    o = jnp.dot(z, w_ref[...], preferred_element_type=jnp.float32) + b_ref[...]
    m = jnp.max(o, axis=1, keepdims=True)
    ex = jnp.exp(o - m)
    lse = jnp.log(jnp.sum(ex, axis=1, keepdims=True))
    out_ref[...] = o - m - lse


@functools.lru_cache(maxsize=None)
def _make_final(npad, blk):
    grid = npad // blk
    return pl.pallas_call(
        _final_body,
        grid=(grid,),
        in_specs=[
            pl.BlockSpec((blk, _D), lambda i: (i, 0)),
            pl.BlockSpec((blk, _D), lambda i: (i, 0)),
            pl.BlockSpec((blk, _D), lambda i: (i, 0)),
            pl.BlockSpec((blk, 1), lambda i: (i, 0)),
            pl.BlockSpec((_D, _D), lambda i: (0, 0)),
            pl.BlockSpec((1, _D), lambda i: (0, 0)),
        ],
        out_specs=pl.BlockSpec((blk, _D), lambda i: (i, 0)),
        out_shape=jax.ShapeDtypeStruct((npad, _D), jnp.float32),
    )


@jax.jit
def kernel(x, edge_index, W, b):
    n, d = x.shape
    e = edge_index.shape[1]
    npad = _pad_up(n, 1024)
    per_w = _pad_up(-(-e // _NW), 1024)
    epad = per_w * _NW

    fill = jnp.full((epad - e,), npad - 1, jnp.int32)
    src1 = jnp.concatenate([edge_index[0], fill])
    dst1 = jnp.concatenate([edge_index[1], fill])
    src = src1.reshape(epad // _CH, _CH)
    dst = dst1.reshape(epad // _CH, _CH)
    dsth = dst1.reshape(epad // 128, 128)
    xp = jnp.pad(x, ((0, npad - n), (0, 0)))
    zeros2 = jnp.zeros((npad, d), jnp.float32)

    degp = _make_deg(npad, epad)(dsth)
    y, dis = _make_scale(npad, 2048)(
        degp[0].reshape(npad, 1), degp[1].reshape(npad, 1), xp)
    sp = _make_prop(npad, epad)(src, dst, y, zeros2)
    out = _make_final(npad, 1024)(sp[0], sp[1], y, dis, W, b.reshape(1, d))
    return out[:n]

# --- scband reference (transcript-rebuilt; emitter-appended) ---
"""Pipeline reference for scband-sgcnet-60430189854799 (READ-ONLY COPY).

The authoritative reference and input builder live on the scoring server;
editing this copy changes nothing except your own understanding.
"""

import jax, jax.numpy as jnp
import numpy as np

N = 10000
E = 320000
D_IN = 128
D_OUT = 128


def setup_inputs(seed: int = 0) -> dict:
    key = jax.random.key(seed)
    k1, k2, k3 = jax.random.split(key, 3)
    x = jax.random.normal(k1, (N, D_IN), dtype=jnp.float32)
    edge_index = jax.random.randint(k2, (2, E), 0, N, dtype=jnp.int32)
    W = jax.random.normal(k3, (D_IN, D_OUT), dtype=jnp.float32) * 0.05
    b = jnp.zeros((D_OUT,), dtype=jnp.float32)
    return {"x": x, "edge_index": edge_index, "W": W, "b": b}


def reference(x, edge_index, W, b):
    # SGConv with K=1: x' = D^{-1/2} (A + I) D^{-1/2} x, then linear, then log_softmax
    src = edge_index[0]
    dst = edge_index[1]
    loop = jnp.arange(N, dtype=src.dtype)
    src = jnp.concatenate([src, loop])
    dst = jnp.concatenate([dst, loop])
    # symmetric normalization based on in-degree of (A + I)
    deg = jax.ops.segment_sum(jnp.ones_like(src, dtype=x.dtype), dst, num_segments=N)
    deg_inv_sqrt = jnp.where(deg > 0, 1.0 / jnp.sqrt(deg), 0.0)
    norm = deg_inv_sqrt[src] * deg_inv_sqrt[dst]
    # propagate: gather, scale, scatter-add
    msg = x[src] * norm[:, None]
    agg = jax.ops.segment_sum(msg, dst, num_segments=N)
    # linear projection
    out = agg @ W + b
    return jax.nn.log_softmax(out, axis=1)

if __name__ == "__main__":
    import jax
    _d = setup_inputs()
    print(jax.jit(kernel)(*tuple(_d.values())))

</pallas_src>

<mosaic_0001>
#map = affine_map<(d0, d1) -> (0, 0)>
module attributes {stable_mosaic.version = 14 : i64} {
  func.func @body(%arg0: i32, %arg1: i32, %arg2: memref<2560x128xi32, #tpu.memory_space<hbm>>, %arg3: memref<2x10240xf32, #tpu.memory_space<hbm>>, %arg4: memref<80x128xi32, #tpu.memory_space<vmem>>, %arg5: memref<128xf32, #tpu.memory_space<vmem>>, %arg6: memref<640xf32, #tpu.memory_space<vmem>>, %arg7: memref<10240xf32, #tpu.memory_space<vmem_shared>>) attributes {dimension_semantics = [#tpu.dimension_semantics<core_parallel>, #tpu.dimension_semantics<subcore_parallel>], iteration_bounds = array<i64: 2, 16>, scalar_prefetch = 0 : i64, scratch_operands = 4 : i64, tpu.core_type = #tpu.core_type<sc_vector_subcore>, window_params = [{transform_indices = #map}, {transform_indices = #map}]} {
    %mul3A = arith.constant 16 : i32
    %mul3A_0 = arith.muli %arg0, %mul3A : i32
    %add3A = arith.addi %mul3A_0, %arg1 : i32
    %mul3A_1 = arith.constant 80 : i32
    %mul3A_2 = arith.muli %add3A, %mul3A_1 : i32
    "tpu.region"() ({
      %run_scoped3A = tpu.sem_alloc : memref<!tpu.dma_semaphore, #tpu.memory_space<semaphore_mem>>
      %dma_start3A = arith.constant 0 : i32
      %dma_start3A_301 = tpu.memref_slice %arg2[%mul3A_2, %dma_start3A] : memref<2560x128xi32, #tpu.memory_space<hbm>> -> memref<80x128xi32, #tpu.memory_space<hbm>>
      %dma_start3A_302 = arith.constant 0 : i32
      %dma_start3A_303 = tpu.memref_slice %arg2[%mul3A_2, %dma_start3A_302] : memref<2560x128xi32, #tpu.memory_space<hbm>> -> memref<80x128xi32, #tpu.memory_space<hbm>>
      tpu.enqueue_dma source(%dma_start3A_303 : memref<80x128xi32, #tpu.memory_space<hbm>>) target(%arg4 : memref<80x128xi32, #tpu.memory_space<vmem>>) target_semaphore(%run_scoped3A : memref<!tpu.dma_semaphore, #tpu.memory_space<semaphore_mem>>)
      %dma_wait3A = arith.constant 0 : i32
      %dma_wait3A_304 = tpu.memref_slice %arg2[%mul3A_2, %dma_wait3A] : memref<2560x128xi32, #tpu.memory_space<hbm>> -> memref<80x128xi32, #tpu.memory_space<hbm>>
      %dma_wait3A_305 = arith.constant 0 : i32
      %dma_wait3A_306 = tpu.memref_slice %arg2[%mul3A_2, %dma_wait3A_305] : memref<2560x128xi32, #tpu.memory_space<hbm>> -> memref<80x128xi32, #tpu.memory_space<hbm>>
      tpu.wait_dma2 semaphore(%run_scoped3A : memref<!tpu.dma_semaphore, #tpu.memory_space<semaphore_mem>>) src(%dma_wait3A_306 : memref<80x128xi32, #tpu.memory_space<hbm>>) dst(%arg4 : memref<80x128xi32, #tpu.memory_space<vmem>>)
      tpu.yield
    }) : () -> ()
    %broadcast_in_dim3A = arith.constant 1.000000e+00 : f32
    %broadcast_in_dim3A_3 = vector.broadcast %broadcast_in_dim3A : f32 to vector<16xf32>
    %swap3A = arith.constant 0 : index
    %swap3A_4 = tpu.vector_load %arg5[%swap3A] {strides = array<i32>} : memref<128xf32, #tpu.memory_space<vmem>>, vector<16xf32>,
    %swap3A_5 = vector.shape_cast %swap3A_4 : vector<16xf32> to vector<16xf32>
    %swap3A_6 = vector.shape_cast %broadcast_in_dim3A_3 : vector<16xf32> to vector<16xf32>
    tpu.vector_store %arg5[%swap3A], %swap3A_6 {strides = array<i32>} : memref<128xf32, #tpu.memory_space<vmem>>, vector<16xf32>,
    %broadcast_in_dim3A_7 = arith.constant 1.000000e+00 : f32
    %broadcast_in_dim3A_8 = vector.broadcast %broadcast_in_dim3A_7 : f32 to vector<16xf32>
    %swap3A_9 = arith.constant 16 : index
    %swap3A_10 = tpu.vector_load %arg5[%swap3A_9] {strides = array<i32>} : memref<128xf32, #tpu.memory_space<vmem>>, vector<16xf32>,
    %swap3A_11 = vector.shape_cast %swap3A_10 : vector<16xf32> to vector<16xf32>
    %swap3A_12 = vector.shape_cast %broadcast_in_dim3A_8 : vector<16xf32> to vector<16xf32>
    tpu.vector_store %arg5[%swap3A_9], %swap3A_12 {strides = array<i32>} : memref<128xf32, #tpu.memory_space<vmem>>, vector<16xf32>,
    %broadcast_in_dim3A_13 = arith.constant 1.000000e+00 : f32
    %broadcast_in_dim3A_14 = vector.broadcast %broadcast_in_dim3A_13 : f32 to vector<16xf32>
    %swap3A_15 = arith.constant 32 : index
    %swap3A_16 = tpu.vector_load %arg5[%swap3A_15] {strides = array<i32>} : memref<128xf32, #tpu.memory_space<vmem>>, vector<16xf32>,
    %swap3A_17 = vector.shape_cast %swap3A_16 : vector<16xf32> to vector<16xf32>
    %swap3A_18 = vector.shape_cast %broadcast_in_dim3A_14 : vector<16xf32> to vector<16xf32>
    tpu.vector_store %arg5[%swap3A_15], %swap3A_18 {strides = array<i32>} : memref<128xf32, #tpu.memory_space<vmem>>, vector<16xf32>,
    %broadcast_in_dim3A_19 = arith.constant 1.000000e+00 : f32
    %broadcast_in_dim3A_20 = vector.broadcast %broadcast_in_dim3A_19 : f32 to vector<16xf32>
    %swap3A_21 = arith.constant 48 : index
    %swap3A_22 = tpu.vector_load %arg5[%swap3A_21] {strides = array<i32>} : memref<128xf32, #tpu.memory_space<vmem>>, vector<16xf32>,
    %swap3A_23 = vector.shape_cast %swap3A_22 : vector<16xf32> to vector<16xf32>
    %swap3A_24 = vector.shape_cast %broadcast_in_dim3A_20 : vector<16xf32> to vector<16xf32>
    tpu.vector_store %arg5[%swap3A_21], %swap3A_24 {strides = array<i32>} : memref<128xf32, #tpu.memory_space<vmem>>, vector<16xf32>,
    %broadcast_in_dim3A_25 = arith.constant 1.000000e+00 : f32
    %broadcast_in_dim3A_26 = vector.broadcast %broadcast_in_dim3A_25 : f32 to vector<16xf32>
    %swap3A_27 = arith.constant 64 : index
    %swap3A_28 = tpu.vector_load %arg5[%swap3A_27] {strides = array<i32>} : memref<128xf32, #tpu.memory_space<vmem>>, vector<16xf32>,
    %swap3A_29 = vector.shape_cast %swap3A_28 : vector<16xf32> to vector<16xf32>
    %swap3A_30 = vector.shape_cast %broadcast_in_dim3A_26 : vector<16xf32> to vector<16xf32>
    tpu.vector_store %arg5[%swap3A_27], %swap3A_30 {strides = array<i32>} : memref<128xf32, #tpu.memory_space<vmem>>, vector<16xf32>,
    %broadcast_in_dim3A_31 = arith.constant 1.000000e+00 : f32
    %broadcast_in_dim3A_32 = vector.broadcast %broadcast_in_dim3A_31 : f32 to vector<16xf32>
    %swap3A_33 = arith.constant 80 : index
    %swap3A_34 = tpu.vector_load %arg5[%swap3A_33] {strides = array<i32>} : memref<128xf32, #tpu.memory_space<vmem>>, vector<16xf32>,
    %swap3A_35 = vector.shape_cast %swap3A_34 : vector<16xf32> to vector<16xf32>
    %swap3A_36 = vector.shape_cast %broadcast_in_dim3A_32 : vector<16xf32> to vector<16xf32>
    tpu.vector_store %arg5[%swap3A_33], %swap3A_36 {strides = array<i32>} : memref<128xf32, #tpu.memory_space<vmem>>, vector<16xf32>,
    %broadcast_in_dim3A_37 = arith.constant 1.000000e+00 : f32
    %broadcast_in_dim3A_38 = vector.broadcast %broadcast_in_dim3A_37 : f32 to vector<16xf32>
    %swap3A_39 = arith.constant 96 : index
    %swap3A_40 = tpu.vector_load %arg5[%swap3A_39] {strides = array<i32>} : memref<128xf32, #tpu.memory_space<vmem>>, vector<16xf32>,
    %swap3A_41 = vector.shape_cast %swap3A_40 : vector<16xf32> to vector<16xf32>
    %swap3A_42 = vector.shape_cast %broadcast_in_dim3A_38 : vector<16xf32> to vector<16xf32>
    tpu.vector_store %arg5[%swap3A_39], %swap3A_42 {strides = array<i32>} : memref<128xf32, #tpu.memory_space<vmem>>, vector<16xf32>,
    %broadcast_in_dim3A_43 = arith.constant 1.000000e+00 : f32
    %broadcast_in_dim3A_44 = vector.broadcast %broadcast_in_dim3A_43 : f32 to vector<16xf32>
    %swap3A_45 = arith.constant 112 : index
    %swap3A_46 = tpu.vector_load %arg5[%swap3A_45] {strides = array<i32>} : memref<128xf32, #tpu.memory_space<vmem>>, vector<16xf32>,
    %swap3A_47 = vector.shape_cast %swap3A_46 : vector<16xf32> to vector<16xf32>
    %swap3A_48 = vector.shape_cast %broadcast_in_dim3A_44 : vector<16xf32> to vector<16xf32>
    tpu.vector_store %arg5[%swap3A_45], %swap3A_48 {strides = array<i32>} : memref<128xf32, #tpu.memory_space<vmem>>, vector<16xf32>,
    %broadcast_in_dim3A_49 = arith.constant 0.000000e+00 : f32
    %broadcast_in_dim3A_50 = vector.broadcast %broadcast_in_dim3A_49 : f32 to vector<16xf32>
    %swap3A_51 = arith.constant 0 : index
    %swap3A_52 = tpu.vector_load %arg6[%swap3A_51] {strides = array<i32>} : memref<640xf32, #tpu.memory_space<vmem>>, vector<16xf32>,
    %swap3A_53 = vector.shape_cast %swap3A_52 : vector<16xf32> to vector<16xf32>
    %swap3A_54 = vector.shape_cast %broadcast_in_dim3A_50 : vector<16xf32> to vector<16xf32>
    tpu.vector_store %arg6[%swap3A_51], %swap3A_54 {strides = array<i32>} : memref<640xf32, #tpu.memory_space<vmem>>, vector<16xf32>,
    %broadcast_in_dim3A_55 = arith.constant 0.000000e+00 : f32
    %broadcast_in_dim3A_56 = vector.broadcast %broadcast_in_dim3A_55 : f32 to vector<16xf32>
    %swap3A_57 = arith.constant 16 : index
    %swap3A_58 = tpu.vector_load %arg6[%swap3A_57] {strides = array<i32>} : memref<640xf32, #tpu.memory_space<vmem>>, vector<16xf32>,
    %swap3A_59 = vector.shape_cast %swap3A_58 : vector<16xf32> to vector<16xf32>
    %swap3A_60 = vector.shape_cast %broadcast_in_dim3A_56 : vector<16xf32> to vector<16xf32>
    tpu.vector_store %arg6[%swap3A_57], %swap3A_60 {strides = array<i32>} : memref<640xf32, #tpu.memory_space<vmem>>, vector<16xf32>,
    %broadcast_in_dim3A_61 = arith.constant 0.000000e+00 : f32
    %broadcast_in_dim3A_62 = vector.broadcast %broadcast_in_dim3A_61 : f32 to vector<16xf32>
    %swap3A_63 = arith.constant 32 : index
    %swap3A_64 = tpu.vector_load %arg6[%swap3A_63] {strides = array<i32>} : memref<640xf32, #tpu.memory_space<vmem>>, vector<16xf32>,
    %swap3A_65 = vector.shape_cast %swap3A_64 : vector<16xf32> to vector<16xf32>
    %swap3A_66 = vector.shape_cast %broadcast_in_dim3A_62 : vector<16xf32> to vector<16xf32>
    tpu.vector_store %arg6[%swap3A_63], %swap3A_66 {strides = array<i32>} : memref<640xf32, #tpu.memory_space<vmem>>, vector<16xf32>,
    %broadcast_in_dim3A_67 = arith.constant 0.000000e+00 : f32
    %broadcast_in_dim3A_68 = vector.broadcast %broadcast_in_dim3A_67 : f32 to vector<16xf32>
    %swap3A_69 = arith.constant 48 : index
    %swap3A_70 = tpu.vector_load %arg6[%swap3A_69] {strides = array<i32>} : memref<640xf32, #tpu.memory_space<vmem>>, vector<16xf32>,
    %swap3A_71 = vector.shape_cast %swap3A_70 : vector<16xf32> to vector<16xf32>
    %swap3A_72 = vector.shape_cast %broadcast_in_dim3A_68 : vector<16xf32> to vector<16xf32>
    tpu.vector_store %arg6[%swap3A_69], %swap3A_72 {strides = array<i32>} : memref<640xf32, #tpu.memory_space<vmem>>, vector<16xf32>,
    %broadcast_in_dim3A_73 = arith.constant 0.000000e+00 : f32
    %broadcast_in_dim3A_74 = vector.broadcast %broadcast_in_dim3A_73 : f32 to vector<16xf32>
    %swap3A_75 = arith.constant 64 : index
    %swap3A_76 = tpu.vector_load %arg6[%swap3A_75] {strides = array<i32>} : memref<640xf32, #tpu.memory_space<vmem>>, vector<16xf32>,
    %swap3A_77 = vector.shape_cast %swap3A_76 : vector<16xf32> to vector<16xf32>
    %swap3A_78 = vector.shape_cast %broadcast_in_dim3A_74 : vector<16xf32> to vector<16xf32>
    tpu.vector_store %arg6[%swap3A_75], %swap3A_78 {strides = array<i32>} : memref<640xf32, #tpu.memory_space<vmem>>, vector<16xf32>,
    %broadcast_in_dim3A_79 = arith.constant 0.000000e+00 : f32
    %broadcast_in_dim3A_80 = vector.broadcast %broadcast_in_dim3A_79 : f32 to vector<16xf32>
    %swap3A_81 = arith.constant 80 : index
    %swap3A_82 = tpu.vector_load %arg6[%swap3A_81] {strides = array<i32>} : memref<640xf32, #tpu.memory_space<vmem>>, vector<16xf32>,
    %swap3A_83 = vector.shape_cast %swap3A_82 : vector<16xf32> to vector<16xf32>
    %swap3A_84 = vector.shape_cast %broadcast_in_dim3A_80 : vector<16xf32> to vector<16xf32>
    tpu.vector_store %arg6[%swap3A_81], %swap3A_84 {strides = array<i32>} : memref<640xf32, #tpu.memory_space<vmem>>, vector<16xf32>,
    %broadcast_in_dim3A_85 = arith.constant 0.000000e+00 : f32
    %broadcast_in_dim3A_86 = vector.broadcast %broadcast_in_dim3A_85 : f32 to vector<16xf32>
    %swap3A_87 = arith.constant 96 : index
    %swap3A_88 = tpu.vector_load %arg6[%swap3A_87] {strides = array<i32>} : memref<640xf32, #tpu.memory_space<vmem>>, vector<16xf32>,
    %swap3A_89 = vector.shape_cast %swap3A_88 : vector<16xf32> to vector<16xf32>
    %swap3A_90 = vector.shape_cast %broadcast_in_dim3A_86 : vector<16xf32> to vector<16xf32>
    tpu.vector_store %arg6[%swap3A_87], %swap3A_90 {strides = array<i32>} : memref<640xf32, #tpu.memory_space<vmem>>, vector<16xf32>,
    %broadcast_in_dim3A_91 = arith.constant 0.000000e+00 : f32
    %broadcast_in_dim3A_92 = vector.broadcast %broadcast_in_dim3A_91 : f32 to vector<16xf32>
    %swap3A_93 = arith.constant 112 : index
    %swap3A_94 = tpu.vector_load %arg6[%swap3A_93] {strides = array<i32>} : memref<640xf32, #tpu.memory_space<vmem>>, vector<16xf32>,
    %swap3A_95 = vector.shape_cast %swap3A_94 : vector<16xf32> to vector<16xf32>
    %swap3A_96 = vector.shape_cast %broadcast_in_dim3A_92 : vector<16xf32> to vector<16xf32>
    tpu.vector_store %arg6[%swap3A_93], %swap3A_96 {strides = array<i32>} : memref<640xf32, #tpu.memory_space<vmem>>, vector<16xf32>,
    %broadcast_in_dim3A_97 = arith.constant 0.000000e+00 : f32
    %broadcast_in_dim3A_98 = vector.broadcast %broadcast_in_dim3A_97 : f32 to vector<16xf32>
    %swap3A_99 = arith.constant 128 : index
    %swap3A_100 = tpu.vector_load %arg6[%swap3A_99] {strides = array<i32>} : memref<640xf32, #tpu.memory_space<vmem>>, vector<16xf32>,
    %swap3A_101 = vector.shape_cast %swap3A_100 : vector<16xf32> to vector<16xf32>
    %swap3A_102 = vector.shape_cast %broadcast_in_dim3A_98 : vector<16xf32> to vector<16xf32>
    tpu.vector_store %arg6[%swap3A_99], %swap3A_102 {strides = array<i32>} : memref<640xf32, #tpu.memory_space<vmem>>, vector<16xf32>,
    %broadcast_in_dim3A_103 = arith.constant 0.000000e+00 : f32
    %broadcast_in_dim3A_104 = vector.broadcast %broadcast_in_dim3A_103 : f32 to vector<16xf32>
    %swap3A_105 = arith.constant 144 : index
    %swap3A_106 = tpu.vector_load %arg6[%swap3A_105] {strides = array<i32>} : memref<640xf32, #tpu.memory_space<vmem>>, vector<16xf32>,
    %swap3A_107 = vector.shape_cast %swap3A_106 : vector<16xf32> to vector<16xf32>
    %swap3A_108 = vector.shape_cast %broadcast_in_dim3A_104 : vector<16xf32> to vector<16xf32>
    tpu.vector_store %arg6[%swap3A_105], %swap3A_108 {strides = array<i32>} : memref<640xf32, #tpu.memory_space<vmem>>, vector<16xf32>,
    %broadcast_in_dim3A_109 = arith.constant 0.000000e+00 : f32
    %broadcast_in_dim3A_110 = vector.broadcast %broadcast_in_dim3A_109 : f32 to vector<16xf32>
    %swap3A_111 = arith.constant 160 : index
    %swap3A_112 = tpu.vector_load %arg6[%swap3A_111] {strides = array<i32>} : memref<640xf32, #tpu.memory_space<vmem>>, vector<16xf32>,
    %swap3A_113 = vector.shape_cast %swap3A_112 : vector<16xf32> to vector<16xf32>
    %swap3A_114 = vector.shape_cast %broadcast_in_dim3A_110 : vector<16xf32> to vector<16xf32>
    tpu.vector_store %arg6[%swap3A_111], %swap3A_114 {strides = array<i32>} : memref<640xf32, #tpu.memory_space<vmem>>, vector<16xf32>,
    %broadcast_in_dim3A_115 = arith.constant 0.000000e+00 : f32
    %broadcast_in_dim3A_116 = vector.broadcast %broadcast_in_dim3A_115 : f32 to vector<16xf32>
    %swap3A_117 = arith.constant 176 : index
    %swap3A_118 = tpu.vector_load %arg6[%swap3A_117] {strides = array<i32>} : memref<640xf32, #tpu.memory_space<vmem>>, vector<16xf32>,
    %swap3A_119 = vector.shape_cast %swap3A_118 : vector<16xf32> to vector<16xf32>
    %swap3A_120 = vector.shape_cast %broadcast_in_dim3A_116 : vector<16xf32> to vector<16xf32>
    tpu.vector_store %arg6[%swap3A_117], %swap3A_120 {strides = array<i32>} : memref<640xf32, #tpu.memory_space<vmem>>, vector<16xf32>,
    %broadcast_in_dim3A_121 = arith.constant 0.000000e+00 : f32
    %broadcast_in_dim3A_122 = vector.broadcast %broadcast_in_dim3A_121 : f32 to vector<16xf32>
    %swap3A_123 = arith.constant 192 : index
    %swap3A_124 = tpu.vector_load %arg6[%swap3A_123] {strides = array<i32>} : memref<640xf32, #tpu.memory_space<vmem>>, vector<16xf32>,
    %swap3A_125 = vector.shape_cast %swap3A_124 : vector<16xf32> to vector<16xf32>
    %swap3A_126 = vector.shape_cast %broadcast_in_dim3A_122 : vector<16xf32> to vector<16xf32>
    tpu.vector_store %arg6[%swap3A_123], %swap3A_126 {strides = array<i32>} : memref<640xf32, #tpu.memory_space<vmem>>, vector<16xf32>,
    %broadcast_in_dim3A_127 = arith.constant 0.000000e+00 : f32
    %broadcast_in_dim3A_128 = vector.broadcast %broadcast_in_dim3A_127 : f32 to vector<16xf32>
    %swap3A_129 = arith.constant 208 : index
    %swap3A_130 = tpu.vector_load %arg6[%swap3A_129] {strides = array<i32>} : memref<640xf32, #tpu.memory_space<vmem>>, vector<16xf32>,
    %swap3A_131 = vector.shape_cast %swap3A_130 : vector<16xf32> to vector<16xf32>
    %swap3A_132 = vector.shape_cast %broadcast_in_dim3A_128 : vector<16xf32> to vector<16xf32>
    tpu.vector_store %arg6[%swap3A_129], %swap3A_132 {strides = array<i32>} : memref<640xf32, #tpu.memory_space<vmem>>, vector<16xf32>,
    %broadcast_in_dim3A_133 = arith.constant 0.000000e+00 : f32
    %broadcast_in_dim3A_134 = vector.broadcast %broadcast_in_dim3A_133 : f32 to vector<16xf32>
    %swap3A_135 = arith.constant 224 : index
    %swap3A_136 = tpu.vector_load %arg6[%swap3A_135] {strides = array<i32>} : memref<640xf32, #tpu.memory_space<vmem>>, vector<16xf32>,
    %swap3A_137 = vector.shape_cast %swap3A_136 : vector<16xf32> to vector<16xf32>
    %swap3A_138 = vector.shape_cast %broadcast_in_dim3A_134 : vector<16xf32> to vector<16xf32>
    tpu.vector_store %arg6[%swap3A_135], %swap3A_138 {strides = array<i32>} : memref<640xf32, #tpu.memory_space<vmem>>, vector<16xf32>,
    %broadcast_in_dim3A_139 = arith.constant 0.000000e+00 : f32
    %broadcast_in_dim3A_140 = vector.broadcast %broadcast_in_dim3A_139 : f32 to vector<16xf32>
    %swap3A_141 = arith.constant 240 : index
    %swap3A_142 = tpu.vector_load %arg6[%swap3A_141] {strides = array<i32>} : memref<640xf32, #tpu.memory_space<vmem>>, vector<16xf32>,
    %swap3A_143 = vector.shape_cast %swap3A_142 : vector<16xf32> to vector<16xf32>
    %swap3A_144 = vector.shape_cast %broadcast_in_dim3A_140 : vector<16xf32> to vector<16xf32>
    tpu.vector_store %arg6[%swap3A_141], %swap3A_144 {strides = array<i32>} : memref<640xf32, #tpu.memory_space<vmem>>, vector<16xf32>,
    %broadcast_in_dim3A_145 = arith.constant 0.000000e+00 : f32
    %broadcast_in_dim3A_146 = vector.broadcast %broadcast_in_dim3A_145 : f32 to vector<16xf32>
    %swap3A_147 = arith.constant 256 : index
    %swap3A_148 = tpu.vector_load %arg6[%swap3A_147] {strides = array<i32>} : memref<640xf32, #tpu.memory_space<vmem>>, vector<16xf32>,
    %swap3A_149 = vector.shape_cast %swap3A_148 : vector<16xf32> to vector<16xf32>
    %swap3A_150 = vector.shape_cast %broadcast_in_dim3A_146 : vector<16xf32> to vector<16xf32>
    tpu.vector_store %arg6[%swap3A_147], %swap3A_150 {strides = array<i32>} : memref<640xf32, #tpu.memory_space<vmem>>, vector<16xf32>,
    %broadcast_in_dim3A_151 = arith.constant 0.000000e+00 : f32
    %broadcast_in_dim3A_152 = vector.broadcast %broadcast_in_dim3A_151 : f32 to vector<16xf32>
    %swap3A_153 = arith.constant 272 : index
    %swap3A_154 = tpu.vector_load %arg6[%swap3A_153] {strides = array<i32>} : memref<640xf32, #tpu.memory_space<vmem>>, vector<16xf32>,
    %swap3A_155 = vector.shape_cast %swap3A_154 : vector<16xf32> to vector<16xf32>
    %swap3A_156 = vector.shape_cast %broadcast_in_dim3A_152 : vector<16xf32> to vector<16xf32>
    tpu.vector_store %arg6[%swap3A_153], %swap3A_156 {strides = array<i32>} : memref<640xf32, #tpu.memory_space<vmem>>, vector<16xf32>,
    %broadcast_in_dim3A_157 = arith.constant 0.000000e+00 : f32
    %broadcast_in_dim3A_158 = vector.broadcast %broadcast_in_dim3A_157 : f32 to vector<16xf32>
    %swap3A_159 = arith.constant 288 : index
    %swap3A_160 = tpu.vector_load %arg6[%swap3A_159] {strides = array<i32>} : memref<640xf32, #tpu.memory_space<vmem>>, vector<16xf32>,
    %swap3A_161 = vector.shape_cast %swap3A_160 : vector<16xf32> to vector<16xf32>
    %swap3A_162 = vector.shape_cast %broadcast_in_dim3A_158 : vector<16xf32> to vector<16xf32>
    tpu.vector_store %arg6[%swap3A_159], %swap3A_162 {strides = array<i32>} : memref<640xf32, #tpu.memory_space<vmem>>, vector<16xf32>,
    %broadcast_in_dim3A_163 = arith.constant 0.000000e+00 : f32
    %broadcast_in_dim3A_164 = vector.broadcast %broadcast_in_dim3A_163 : f32 to vector<16xf32>
    %swap3A_165 = arith.constant 304 : index
    %swap3A_166 = tpu.vector_load %arg6[%swap3A_165] {strides = array<i32>} : memref<640xf32, #tpu.memory_space<vmem>>, vector<16xf32>,
    %swap3A_167 = vector.shape_cast %swap3A_166 : vector<16xf32> to vector<16xf32>
    %swap3A_168 = vector.shape_cast %broadcast_in_dim3A_164 : vector<16xf32> to vector<16xf32>
    tpu.vector_store %arg6[%swap3A_165], %swap3A_168 {strides = array<i32>} : memref<640xf32, #tpu.memory_space<vmem>>, vector<16xf32>,
    %broadcast_in_dim3A_169 = arith.constant 0.000000e+00 : f32
    %broadcast_in_dim3A_170 = vector.broadcast %broadcast_in_dim3A_169 : f32 to vector<16xf32>
    %swap3A_171 = arith.constant 320 : index
    %swap3A_172 = tpu.vector_load %arg6[%swap3A_171] {strides = array<i32>} : memref<640xf32, #tpu.memory_space<vmem>>, vector<16xf32>,
    %swap3A_173 = vector.shape_cast %swap3A_172 : vector<16xf32> to vector<16xf32>
    %swap3A_174 = vector.shape_cast %broadcast_in_dim3A_170 : vector<16xf32> to vector<16xf32>
    tpu.vector_store %arg6[%swap3A_171], %swap3A_174 {strides = array<i32>} : memref<640xf32, #tpu.memory_space<vmem>>, vector<16xf32>,
    %broadcast_in_dim3A_175 = arith.constant 0.000000e+00 : f32
    %broadcast_in_dim3A_176 = vector.broadcast %broadcast_in_dim3A_175 : f32 to vector<16xf32>
    %swap3A_177 = arith.constant 336 : index
    %swap3A_178 = tpu.vector_load %arg6[%swap3A_177] {strides = array<i32>} : memref<640xf32, #tpu.memory_space<vmem>>, vector<16xf32>,
    %swap3A_179 = vector.shape_cast %swap3A_178 : vector<16xf32> to vector<16xf32>
    %swap3A_180 = vector.shape_cast %broadcast_in_dim3A_176 : vector<16xf32> to vector<16xf32>
    tpu.vector_store %arg6[%swap3A_177], %swap3A_180 {strides = array<i32>} : memref<640xf32, #tpu.memory_space<vmem>>, vector<16xf32>,
    %broadcast_in_dim3A_181 = arith.constant 0.000000e+00 : f32
    %broadcast_in_dim3A_182 = vector.broadcast %broadcast_in_dim3A_181 : f32 to vector<16xf32>
    %swap3A_183 = arith.constant 352 : index
    %swap3A_184 = tpu.vector_load %arg6[%swap3A_183] {strides = array<i32>} : memref<640xf32, #tpu.memory_space<vmem>>, vector<16xf32>,
    %swap3A_185 = vector.shape_cast %swap3A_184 : vector<16xf32> to vector<16xf32>
    %swap3A_186 = vector.shape_cast %broadcast_in_dim3A_182 : vector<16xf32> to vector<16xf32>
    tpu.vector_store %arg6[%swap3A_183], %swap3A_186 {strides = array<i32>} : memref<640xf32, #tpu.memory_space<vmem>>, vector<16xf32>,
    %broadcast_in_dim3A_187 = arith.constant 0.000000e+00 : f32
    %broadcast_in_dim3A_188 = vector.broadcast %broadcast_in_dim3A_187 : f32 to vector<16xf32>
    %swap3A_189 = arith.constant 368 : index
    %swap3A_190 = tpu.vector_load %arg6[%swap3A_189] {strides = array<i32>} : memref<640xf32, #tpu.memory_space<vmem>>, vector<16xf32>,
    %swap3A_191 = vector.shape_cast %swap3A_190 : vector<16xf32> to vector<16xf32>
    %swap3A_192 = vector.shape_cast %broadcast_in_dim3A_188 : vector<16xf32> to vector<16xf32>
    tpu.vector_store %arg6[%swap3A_189], %swap3A_192 {strides = array<i32>} : memref<640xf32, #tpu.memory_space<vmem>>, vector<16xf32>,
    %broadcast_in_dim3A_193 = arith.constant 0.000000e+00 : f32
    %broadcast_in_dim3A_194 = vector.broadcast %broadcast_in_dim3A_193 : f32 to vector<16xf32>
    %swap3A_195 = arith.constant 384 : index
    %swap3A_196 = tpu.vector_load %arg6[%swap3A_195] {strides = array<i32>} : memref<640xf32, #tpu.memory_space<vmem>>, vector<16xf32>,
    %swap3A_197 = vector.shape_cast %swap3A_196 : vector<16xf32> to vector<16xf32>
    %swap3A_198 = vector.shape_cast %broadcast_in_dim3A_194 : vector<16xf32> to vector<16xf32>
    tpu.vector_store %arg6[%swap3A_195], %swap3A_198 {strides = array<i32>} : memref<640xf32, #tpu.memory_space<vmem>>, vector<16xf32>,
    %broadcast_in_dim3A_199 = arith.constant 0.000000e+00 : f32
    %broadcast_in_dim3A_200 = vector.broadcast %broadcast_in_dim3A_199 : f32 to vector<16xf32>
    %swap3A_201 = arith.constant 400 : index
    %swap3A_202 = tpu.vector_load %arg6[%swap3A_201] {strides = array<i32>} : memref<640xf32, #tpu.memory_space<vmem>>, vector<16xf32>,
    %swap3A_203 = vector.shape_cast %swap3A_202 : vector<16xf32> to vector<16xf32>
    %swap3A_204 = vector.shape_cast %broadcast_in_dim3A_200 : vector<16xf32> to vector<16xf32>
    tpu.vector_store %arg6[%swap3A_201], %swap3A_204 {strides = array<i32>} : memref<640xf32, #tpu.memory_space<vmem>>, vector<16xf32>,
    %broadcast_in_dim3A_205 = arith.constant 0.000000e+00 : f32
    %broadcast_in_dim3A_206 = vector.broadcast %broadcast_in_dim3A_205 : f32 to vector<16xf32>
    %swap3A_207 = arith.constant 416 : index
    %swap3A_208 = tpu.vector_load %arg6[%swap3A_207] {strides = array<i32>} : memref<640xf32, #tpu.memory_space<vmem>>, vector<16xf32>,
    %swap3A_209 = vector.shape_cast %swap3A_208 : vector<16xf32> to vector<16xf32>
    %swap3A_210 = vector.shape_cast %broadcast_in_dim3A_206 : vector<16xf32> to vector<16xf32>
    tpu.vector_store %arg6[%swap3A_207], %swap3A_210 {strides = array<i32>} : memref<640xf32, #tpu.memory_space<vmem>>, vector<16xf32>,
    %broadcast_in_dim3A_211 = arith.constant 0.000000e+00 : f32
    %broadcast_in_dim3A_212 = vector.broadcast %broadcast_in_dim3A_211 : f32 to vector<16xf32>
    %swap3A_213 = arith.constant 432 : index
    %swap3A_214 = tpu.vector_load %arg6[%swap3A_213] {strides = array<i32>} : memref<640xf32, #tpu.memory_space<vmem>>, vector<16xf32>,
    %swap3A_215 = vector.shape_cast %swap3A_214 : vector<16xf32> to vector<16xf32>
    %swap3A_216 = vector.shape_cast %broadcast_in_dim3A_212 : vector<16xf32> to vector<16xf32>
    tpu.vector_store %arg6[%swap3A_213], %swap3A_216 {strides = array<i32>} : memref<640xf32, #tpu.memory_space<vmem>>, vector<16xf32>,
    %broadcast_in_dim3A_217 = arith.constant 0.000000e+00 : f32
    %broadcast_in_dim3A_218 = vector.broadcast %broadcast_in_dim3A_217 : f32 to vector<16xf32>
    %swap3A_219 = arith.constant 448 : index
    %swap3A_220 = tpu.vector_load %arg6[%swap3A_219] {strides = array<i32>} : memref<640xf32, #tpu.memory_space<vmem>>, vector<16xf32>,
    %swap3A_221 = vector.shape_cast %swap3A_220 : vector<16xf32> to vector<16xf32>
    %swap3A_222 = vector.shape_cast %broadcast_in_dim3A_218 : vector<16xf32> to vector<16xf32>
    tpu.vector_store %arg6[%swap3A_219], %swap3A_222 {strides = array<i32>} : memref<640xf32, #tpu.memory_space<vmem>>, vector<16xf32>,
    %broadcast_in_dim3A_223 = arith.constant 0.000000e+00 : f32
    %broadcast_in_dim3A_224 = vector.broadcast %broadcast_in_dim3A_223 : f32 to vector<16xf32>
    %swap3A_225 = arith.constant 464 : index
    %swap3A_226 = tpu.vector_load %arg6[%swap3A_225] {strides = array<i32>} : memref<640xf32, #tpu.memory_space<vmem>>, vector<16xf32>,
    %swap3A_227 = vector.shape_cast %swap3A_226 : vector<16xf32> to vector<16xf32>
    %swap3A_228 = vector.shape_cast %broadcast_in_dim3A_224 : vector<16xf32> to vector<16xf32>
    tpu.vector_store %arg6[%swap3A_225], %swap3A_228 {strides = array<i32>} : memref<640xf32, #tpu.memory_space<vmem>>, vector<16xf32>,
    %broadcast_in_dim3A_229 = arith.constant 0.000000e+00 : f32
    %broadcast_in_dim3A_230 = vector.broadcast %broadcast_in_dim3A_229 : f32 to vector<16xf32>
    %swap3A_231 = arith.constant 480 : index
    %swap3A_232 = tpu.vector_load %arg6[%swap3A_231] {strides = array<i32>} : memref<640xf32, #tpu.memory_space<vmem>>, vector<16xf32>,
    %swap3A_233 = vector.shape_cast %swap3A_232 : vector<16xf32> to vector<16xf32>
    %swap3A_234 = vector.shape_cast %broadcast_in_dim3A_230 : vector<16xf32> to vector<16xf32>
    tpu.vector_store %arg6[%swap3A_231], %swap3A_234 {strides = array<i32>} : memref<640xf32, #tpu.memory_space<vmem>>, vector<16xf32>,
    %broadcast_in_dim3A_235 = arith.constant 0.000000e+00 : f32
    %broadcast_in_dim3A_236 = vector.broadcast %broadcast_in_dim3A_235 : f32 to vector<16xf32>
    %swap3A_237 = arith.constant 496 : index
    %swap3A_238 = tpu.vector_load %arg6[%swap3A_237] {strides = array<i32>} : memref<640xf32, #tpu.memory_space<vmem>>, vector<16xf32>,
    %swap3A_239 = vector.shape_cast %swap3A_238 : vector<16xf32> to vector<16xf32>
    %swap3A_240 = vector.shape_cast %broadcast_in_dim3A_236 : vector<16xf32> to vector<16xf32>
    tpu.vector_store %arg6[%swap3A_237], %swap3A_240 {strides = array<i32>} : memref<640xf32, #tpu.memory_space<vmem>>, vector<16xf32>,
    %broadcast_in_dim3A_241 = arith.constant 0.000000e+00 : f32
    %broadcast_in_dim3A_242 = vector.broadcast %broadcast_in_dim3A_241 : f32 to vector<16xf32>
    %swap3A_243 = arith.constant 512 : index
    %swap3A_244 = tpu.vector_load %arg6[%swap3A_243] {strides = array<i32>} : memref<640xf32, #tpu.memory_space<vmem>>, vector<16xf32>,
    %swap3A_245 = vector.shape_cast %swap3A_244 : vector<16xf32> to vector<16xf32>
    %swap3A_246 = vector.shape_cast %broadcast_in_dim3A_242 : vector<16xf32> to vector<16xf32>
    tpu.vector_store %arg6[%swap3A_243], %swap3A_246 {strides = array<i32>} : memref<640xf32, #tpu.memory_space<vmem>>, vector<16xf32>,
    %broadcast_in_dim3A_247 = arith.constant 0.000000e+00 : f32
    %broadcast_in_dim3A_248 = vector.broadcast %broadcast_in_dim3A_247 : f32 to vector<16xf32>
    %swap3A_249 = arith.constant 528 : index
    %swap3A_250 = tpu.vector_load %arg6[%swap3A_249] {strides = array<i32>} : memref<640xf32, #tpu.memory_space<vmem>>, vector<16xf32>,
    %swap3A_251 = vector.shape_cast %swap3A_250 : vector<16xf32> to vector<16xf32>
    %swap3A_252 = vector.shape_cast %broadcast_in_dim3A_248 : vector<16xf32> to vector<16xf32>
    tpu.vector_store %arg6[%swap3A_249], %swap3A_252 {strides = array<i32>} : memref<640xf32, #tpu.memory_space<vmem>>, vector<16xf32>,
    %broadcast_in_dim3A_253 = arith.constant 0.000000e+00 : f32
    %broadcast_in_dim3A_254 = vector.broadcast %broadcast_in_dim3A_253 : f32 to vector<16xf32>
    %swap3A_255 = arith.constant 544 : index
    %swap3A_256 = tpu.vector_load %arg6[%swap3A_255] {strides = array<i32>} : memref<640xf32, #tpu.memory_space<vmem>>, vector<16xf32>,
    %swap3A_257 = vector.shape_cast %swap3A_256 : vector<16xf32> to vector<16xf32>
    %swap3A_258 = vector.shape_cast %broadcast_in_dim3A_254 : vector<16xf32> to vector<16xf32>
    tpu.vector_store %arg6[%swap3A_255], %swap3A_258 {strides = array<i32>} : memref<640xf32, #tpu.memory_space<vmem>>, vector<16xf32>,
    %broadcast_in_dim3A_259 = arith.constant 0.000000e+00 : f32
    %broadcast_in_dim3A_260 = vector.broadcast %broadcast_in_dim3A_259 : f32 to vector<16xf32>
    %swap3A_261 = arith.constant 560 : index
    %swap3A_262 = tpu.vector_load %arg6[%swap3A_261] {strides = array<i32>} : memref<640xf32, #tpu.memory_space<vmem>>, vector<16xf32>,
    %swap3A_263 = vector.shape_cast %swap3A_262 : vector<16xf32> to vector<16xf32>
    %swap3A_264 = vector.shape_cast %broadcast_in_dim3A_260 : vector<16xf32> to vector<16xf32>
    tpu.vector_store %arg6[%swap3A_261], %swap3A_264 {strides = array<i32>} : memref<640xf32, #tpu.memory_space<vmem>>, vector<16xf32>,
    %broadcast_in_dim3A_265 = arith.constant 0.000000e+00 : f32
    %broadcast_in_dim3A_266 = vector.broadcast %broadcast_in_dim3A_265 : f32 to vector<16xf32>
    %swap3A_267 = arith.constant 576 : index
    %swap3A_268 = tpu.vector_load %arg6[%swap3A_267] {strides = array<i32>} : memref<640xf32, #tpu.memory_space<vmem>>, vector<16xf32>,
    %swap3A_269 = vector.shape_cast %swap3A_268 : vector<16xf32> to vector<16xf32>
    %swap3A_270 = vector.shape_cast %broadcast_in_dim3A_266 : vector<16xf32> to vector<16xf32>
    tpu.vector_store %arg6[%swap3A_267], %swap3A_270 {strides = array<i32>} : memref<640xf32, #tpu.memory_space<vmem>>, vector<16xf32>,
    %broadcast_in_dim3A_271 = arith.constant 0.000000e+00 : f32
    %broadcast_in_dim3A_272 = vector.broadcast %broadcast_in_dim3A_271 : f32 to vector<16xf32>
    %swap3A_273 = arith.constant 592 : index
    %swap3A_274 = tpu.vector_load %arg6[%swap3A_273] {strides = array<i32>} : memref<640xf32, #tpu.memory_space<vmem>>, vector<16xf32>,
    %swap3A_275 = vector.shape_cast %swap3A_274 : vector<16xf32> to vector<16xf32>
    %swap3A_276 = vector.shape_cast %broadcast_in_dim3A_272 : vector<16xf32> to vector<16xf32>
    tpu.vector_store %arg6[%swap3A_273], %swap3A_276 {strides = array<i32>} : memref<640xf32, #tpu.memory_space<vmem>>, vector<16xf32>,
    %broadcast_in_dim3A_277 = arith.constant 0.000000e+00 : f32
    %broadcast_in_dim3A_278 = vector.broadcast %broadcast_in_dim3A_277 : f32 to vector<16xf32>
    %swap3A_279 = arith.constant 608 : index
    %swap3A_280 = tpu.vector_load %arg6[%swap3A_279] {strides = array<i32>} : memref<640xf32, #tpu.memory_space<vmem>>, vector<16xf32>,
    %swap3A_281 = vector.shape_cast %swap3A_280 : vector<16xf32> to vector<16xf32>
    %swap3A_282 = vector.shape_cast %broadcast_in_dim3A_278 : vector<16xf32> to vector<16xf32>
    tpu.vector_store %arg6[%swap3A_279], %swap3A_282 {strides = array<i32>} : memref<640xf32, #tpu.memory_space<vmem>>, vector<16xf32>,
    %broadcast_in_dim3A_283 = arith.constant 0.000000e+00 : f32
    %broadcast_in_dim3A_284 = vector.broadcast %broadcast_in_dim3A_283 : f32 to vector<16xf32>
    %swap3A_285 = arith.constant 624 : index
    %swap3A_286 = tpu.vector_load %arg6[%swap3A_285] {strides = array<i32>} : memref<640xf32, #tpu.memory_space<vmem>>, vector<16xf32>,
    %swap3A_287 = vector.shape_cast %swap3A_286 : vector<16xf32> to vector<16xf32>
    %swap3A_288 = vector.shape_cast %broadcast_in_dim3A_284 : vector<16xf32> to vector<16xf32>
    tpu.vector_store %arg6[%swap3A_285], %swap3A_288 {strides = array<i32>} : memref<640xf32, #tpu.memory_space<vmem>>, vector<16xf32>,
    %mul3A_289 = arith.constant 640 : i32
    %mul3A_290 = arith.muli %arg1, %mul3A_289 : i32
    "tpu.region"() ({
      %run_scoped3A = tpu.sem_alloc : memref<!tpu.dma_semaphore, #tpu.memory_space<semaphore_mem>>
      %dma_start3A = tpu.memref_slice %arg7[%mul3A_290] : memref<10240xf32, #tpu.memory_space<vmem_shared>> -> memref<640xf32, #tpu.memory_space<vmem_shared>>
      %dma_start3A_301 = tpu.memref_slice %arg7[%mul3A_290] : memref<10240xf32, #tpu.memory_space<vmem_shared>> -> memref<640xf32, #tpu.memory_space<vmem_shared>>
      tpu.enqueue_dma source(%arg6 : memref<640xf32, #tpu.memory_space<vmem>>) target(%dma_start3A_301 : memref<640xf32, #tpu.memory_space<vmem_shared>>) target_semaphore(%run_scoped3A : memref<!tpu.dma_semaphore, #tpu.memory_space<semaphore_mem>>)
      %dma_wait3A = tpu.memref_slice %arg7[%mul3A_290] : memref<10240xf32, #tpu.memory_space<vmem_shared>> -> memref<640xf32, #tpu.memory_space<vmem_shared>>
      %dma_wait3A_302 = tpu.memref_slice %arg7[%mul3A_290] : memref<10240xf32, #tpu.memory_space<vmem_shared>> -> memref<640xf32, #tpu.memory_space<vmem_shared>>
      tpu.wait_dma2 semaphore(%run_scoped3A : memref<!tpu.dma_semaphore, #tpu.memory_space<semaphore_mem>>) src(%arg6 : memref<640xf32, #tpu.memory_space<vmem>>) dst(%dma_wait3A_302 : memref<640xf32, #tpu.memory_space<vmem_shared>>)
      tpu.yield
    }) : () -> ()
    %barrier3A = arith.constant 0 : index
    tpu.barrier barrier_id(%barrier3A)
    %scan3A = arith.constant 0 : i32
    %scan3A_291 = arith.constant 0 : i32
    %scan3A_292 = arith.constant 80 : i32
    %scan3A_293 = arith.addi %scan3A_291, %scan3A_292 : i32
    %scan3A_294 = arith.constant 1 : i32
    scf.for %scan3A_301 = %scan3A_291 to %scan3A_293 step %scan3A_294  : i32 {
      "tpu.region"() ({
        %run_scoped3A = tpu.sem_alloc : memref<!tpu.dma_semaphore, #tpu.memory_space<semaphore_mem>>
        %dma_start3A = arith.constant 0 : i32
        %dma_start3A_302 = tpu.memref_slice %arg4[%scan3A_301, %dma_start3A] : memref<80x128xi32, #tpu.memory_space<vmem>> -> memref<1x128xi32, #tpu.memory_space<vmem>>
        %dma_start3A_303 = tpu.memref_squeeze %dma_start3A_302 : memref<1x128xi32, #tpu.memory_space<vmem>> -> memref<128xi32, #tpu.memory_space<vmem>>
        %dma_start3A_304 = arith.constant 0 : i32
        %dma_start3A_305 = tpu.memref_slice %arg7[%dma_start3A_304] : memref<10240xf32, #tpu.memory_space<vmem_shared>> -> memref<10240xf32, #tpu.memory_space<vmem_shared>>
        tpu.enqueue_indirect_dma source(%arg5 : memref<128xf32, #tpu.memory_space<vmem>>) target(%dma_start3A_305 : memref<10240xf32, #tpu.memory_space<vmem_shared>>) offsets(%dma_start3A_303 : memref<128xi32, #tpu.memory_space<vmem>>) semaphore(%run_scoped3A : memref<!tpu.dma_semaphore, #tpu.memory_space<semaphore_mem>>) {add = true}
        %dma_wait3A = arith.constant 0 : i32
        %dma_wait3A_306 = tpu.memref_slice %arg4[%scan3A_301, %dma_wait3A] : memref<80x128xi32, #tpu.memory_space<vmem>> -> memref<1x128xi32, #tpu.memory_space<vmem>>
        %dma_wait3A_307 = tpu.memref_squeeze %dma_wait3A_306 : memref<1x128xi32, #tpu.memory_space<vmem>> -> memref<128xi32, #tpu.memory_space<vmem>>
        %dma_wait3A_308 = arith.constant 0 : i32
        %dma_wait3A_309 = tpu.memref_slice %arg7[%dma_wait3A_308] : memref<10240xf32, #tpu.memory_space<vmem_shared>> -> memref<10240xf32, #tpu.memory_space<vmem_shared>>
        tpu.wait_indirect_dma semaphore(%run_scoped3A : memref<!tpu.dma_semaphore, #tpu.memory_space<semaphore_mem>>) src(%arg5 : memref<128xf32, #tpu.memory_space<vmem>>) dst(%dma_wait3A_309 : memref<10240xf32, #tpu.memory_space<vmem_shared>>)
        tpu.yield
      }) : () -> ()
    }
    %scan3A_295 = arith.constant 80 : i32
    %barrier3A_296 = arith.constant 0 : index
    tpu.barrier barrier_id(%barrier3A_296)
    %mul3A_297 = arith.constant 640 : i32
    %mul3A_298 = arith.muli %arg1, %mul3A_297 : i32
    %mul3A_299 = arith.constant 640 : i32
    %mul3A_300 = arith.muli %arg1, %mul3A_299 : i32
    "tpu.region"() ({
      %run_scoped3A = tpu.sem_alloc : memref<!tpu.dma_semaphore, #tpu.memory_space<semaphore_mem>>
      %dma_start3A = tpu.memref_slice %arg3[%arg0, %mul3A_300] : memref<2x10240xf32, #tpu.memory_space<hbm>> -> memref<1x640xf32, #tpu.memory_space<hbm>>
      %dma_start3A_301 = tpu.memref_squeeze %dma_start3A : memref<1x640xf32, #tpu.memory_space<hbm>> -> memref<640xf32, #tpu.memory_space<hbm>>
      %dma_start3A_302 = tpu.memref_slice %arg7[%mul3A_298] : memref<10240xf32, #tpu.memory_space<vmem_shared>> -> memref<640xf32, #tpu.memory_space<vmem_shared>>
      tpu.enqueue_dma source(%dma_start3A_302 : memref<640xf32, #tpu.memory_space<vmem_shared>>) target(%dma_start3A_301 : memref<640xf32, #tpu.memory_space<hbm>>) target_semaphore(%run_scoped3A : memref<!tpu.dma_semaphore, #tpu.memory_space<semaphore_mem>>)
      %dma_wait3A = tpu.memref_slice %arg3[%arg0, %mul3A_300] : memref<2x10240xf32, #tpu.memory_space<hbm>> -> memref<1x640xf32, #tpu.memory_space<hbm>>
      %dma_wait3A_303 = tpu.memref_squeeze %dma_wait3A : memref<1x640xf32, #tpu.memory_space<hbm>> -> memref<640xf32, #tpu.memory_space<hbm>>
      %dma_wait3A_304 = tpu.memref_slice %arg7[%mul3A_298] : memref<10240xf32, #tpu.memory_space<vmem_shared>> -> memref<640xf32, #tpu.memory_space<vmem_shared>>
      tpu.wait_dma2 semaphore(%run_scoped3A : memref<!tpu.dma_semaphore, #tpu.memory_space<semaphore_mem>>) src(%dma_wait3A_304 : memref<640xf32, #tpu.memory_space<vmem_shared>>) dst(%dma_wait3A_303 : memref<640xf32, #tpu.memory_space<hbm>>)
      tpu.yield
    }) : () -> ()
    return
  }
}

#map = affine_map<(d0, d1) -> (0, 0)>
#map1 = affine_map<(d0, d1) -> (0, 0, 0)>
module attributes {stable_mosaic.version = 14 : i64} {
  func.func @body(%arg0: i32, %arg1: i32, %arg2: memref<5120x64xi32, #tpu.memory_space<hbm>>, %arg3: memref<5120x64xi32, #tpu.memory_space<hbm>>, %arg4: memref<10240x128xf32, #tpu.memory_space<hbm>>, %arg5: memref<10240x128xf32, #tpu.memory_space<hbm>>, %arg6: memref<2x10240x128xf32, #tpu.memory_space<hbm>>, %arg7: memref<32x64xi32, #tpu.memory_space<vmem>>, %arg8: memref<32x64xi32, #tpu.memory_space<vmem>>, %arg9: memref<4x64x128xf32, #tpu.memory_space<vmem>>, %arg10: memref<!tpu.dma_semaphore, #tpu.memory_space<semaphore_mem>>, %arg11: memref<!tpu.dma_semaphore, #tpu.memory_space<semaphore_mem>>, %arg12: memref<!tpu.dma_semaphore, #tpu.memory_space<semaphore_mem>>, %arg13: memref<!tpu.dma_semaphore, #tpu.memory_space<semaphore_mem>>, %arg14: memref<!tpu.dma_semaphore, #tpu.memory_space<semaphore_mem>>, %arg15: memref<!tpu.dma_semaphore, #tpu.memory_space<semaphore_mem>>, %arg16: memref<10240x128xf32, #tpu.memory_space<vmem_shared>>) attributes {dimension_semantics = [#tpu.dimension_semantics<core_parallel>, #tpu.dimension_semantics<subcore_parallel>], iteration_bounds = array<i64: 2, 16>, scalar_prefetch = 0 : i64, scratch_operands = 10 : i64, tpu.core_type = #tpu.core_type<sc_vector_subcore>, window_params = [{transform_indices = #map}, {transform_indices = #map}, {transform_indices = #map}, {transform_indices = #map}, {transform_indices = #map1}]} {
    %mul3A = arith.constant 640 : i32
    %mul3A_0 = arith.muli %arg1, %mul3A : i32
    %mul3A_1 = arith.constant 640 : i32
    %mul3A_2 = arith.muli %arg1, %mul3A_1 : i32
    "tpu.region"() ({
      %run_scoped3A = tpu.sem_alloc : memref<!tpu.dma_semaphore, #tpu.memory_space<semaphore_mem>>
      %dma_start3A = arith.constant 0 : i32
      %dma_start3A_58 = tpu.memref_slice %arg16[%mul3A_2, %dma_start3A] : memref<10240x128xf32, #tpu.memory_space<vmem_shared>> -> memref<640x128xf32, #tpu.memory_space<vmem_shared>>
      %dma_start3A_59 = arith.constant 0 : i32
      %dma_start3A_60 = tpu.memref_slice %arg5[%mul3A_0, %dma_start3A_59] : memref<10240x128xf32, #tpu.memory_space<hbm>> -> memref<640x128xf32, #tpu.memory_space<hbm>>
      tpu.enqueue_dma source(%dma_start3A_60 : memref<640x128xf32, #tpu.memory_space<hbm>>) target(%dma_start3A_58 : memref<640x128xf32, #tpu.memory_space<vmem_shared>>) target_semaphore(%run_scoped3A : memref<!tpu.dma_semaphore, #tpu.memory_space<semaphore_mem>>)
      %dma_wait3A = arith.constant 0 : i32
      %dma_wait3A_61 = tpu.memref_slice %arg16[%mul3A_2, %dma_wait3A] : memref<10240x128xf32, #tpu.memory_space<vmem_shared>> -> memref<640x128xf32, #tpu.memory_space<vmem_shared>>
      %dma_wait3A_62 = arith.constant 0 : i32
      %dma_wait3A_63 = tpu.memref_slice %arg5[%mul3A_0, %dma_wait3A_62] : memref<10240x128xf32, #tpu.memory_space<hbm>> -> memref<640x128xf32, #tpu.memory_space<hbm>>
      tpu.wait_dma2 semaphore(%run_scoped3A : memref<!tpu.dma_semaphore, #tpu.memory_space<semaphore_mem>>) src(%dma_wait3A_63 : memref<640x128xf32, #tpu.memory_space<hbm>>) dst(%dma_wait3A_61 : memref<640x128xf32, #tpu.memory_space<vmem_shared>>)
      tpu.yield
    }) : () -> ()
    %barrier3A = arith.constant 0 : index
    tpu.barrier barrier_id(%barrier3A)
    %eq3A = arith.constant 0 : i32
    %eq3A_3 = arith.cmpi eq, %arg0, %eq3A : i32
    %jit3A = arith.constant 9 : i32
    %jit3A_4 = arith.constant 1 : i32
    %select_n3A = arith.select %eq3A_3, %jit3A, %jit3A_4 : i32
    %mul3A_5 = arith.constant 9 : i32
    %mul3A_6 = arith.muli %arg1, %mul3A_5 : i32
    %mul3A_7 = arith.constant 1 : i32
    %mul3A_8 = arith.muli %arg1, %mul3A_7 : i32
    %add3A = arith.constant 144 : i32
    %add3A_9 = arith.addi %add3A, %mul3A_8 : i32
    %select_n3A_10 = arith.select %eq3A_3, %mul3A_6, %add3A_9 : i32
    %gt3A = arith.constant 0 : i32
    %gt3A_11 = arith.cmpi sgt, %select_n3A, %gt3A : i32
    %convert_element_type3A = arith.extui %gt3A_11 : i1 to i32
    %cond3A = arith.constant 0 : i32
    %cond3A_12 = arith.cmpi ne, %convert_element_type3A, %cond3A : i32
    scf.if %cond3A_12 {
      %add3A_58 = arith.constant 0 : i32
      %add3A_59 = arith.addi %select_n3A_10, %add3A_58 : i32
      %mul3A_60 = arith.constant 32 : i32
      %mul3A_61 = arith.muli %add3A_59, %mul3A_60 : i32
      %dma_start3A = arith.constant 0 : i32
      %dma_start3A_62 = tpu.memref_slice %arg2[%mul3A_61, %dma_start3A] : memref<5120x64xi32, #tpu.memory_space<hbm>> -> memref<32x64xi32, #tpu.memory_space<hbm>>
      %dma_start3A_63 = arith.constant 0 : i32
      %dma_start3A_64 = tpu.memref_slice %arg2[%mul3A_61, %dma_start3A_63] : memref<5120x64xi32, #tpu.memory_space<hbm>> -> memref<32x64xi32, #tpu.memory_space<hbm>>
      tpu.enqueue_dma source(%dma_start3A_64 : memref<32x64xi32, #tpu.memory_space<hbm>>) target(%arg7 : memref<32x64xi32, #tpu.memory_space<vmem>>) target_semaphore(%arg14 : memref<!tpu.dma_semaphore, #tpu.memory_space<semaphore_mem>>)
      %dma_start3A_65 = arith.constant 0 : i32
      %dma_start3A_66 = tpu.memref_slice %arg3[%mul3A_61, %dma_start3A_65] : memref<5120x64xi32, #tpu.memory_space<hbm>> -> memref<32x64xi32, #tpu.memory_space<hbm>>
      %dma_start3A_67 = arith.constant 0 : i32
      %dma_start3A_68 = tpu.memref_slice %arg3[%mul3A_61, %dma_start3A_67] : memref<5120x64xi32, #tpu.memory_space<hbm>> -> memref<32x64xi32, #tpu.memory_space<hbm>>
      tpu.enqueue_dma source(%dma_start3A_68 : memref<32x64xi32, #tpu.memory_space<hbm>>) target(%arg8 : memref<32x64xi32, #tpu.memory_space<vmem>>) target_semaphore(%arg15 : memref<!tpu.dma_semaphore, #tpu.memory_space<semaphore_mem>>)
      %dma_wait3A = arith.constant 0 : i32
      %dma_wait3A_69 = tpu.memref_slice %arg2[%mul3A_61, %dma_wait3A] : memref<5120x64xi32, #tpu.memory_space<hbm>> -> memref<32x64xi32, #tpu.memory_space<hbm>>
      %dma_wait3A_70 = arith.constant 0 : i32
      %dma_wait3A_71 = tpu.memref_slice %arg2[%mul3A_61, %dma_wait3A_70] : memref<5120x64xi32, #tpu.memory_space<hbm>> -> memref<32x64xi32, #tpu.memory_space<hbm>>
      tpu.wait_dma2 semaphore(%arg14 : memref<!tpu.dma_semaphore, #tpu.memory_space<semaphore_mem>>) src(%dma_wait3A_71 : memref<32x64xi32, #tpu.memory_space<hbm>>) dst(%arg7 : memref<32x64xi32, #tpu.memory_space<vmem>>)
      %dma_wait3A_72 = arith.constant 0 : i32
      %dma_wait3A_73 = tpu.memref_slice %arg3[%mul3A_61, %dma_wait3A_72] : memref<5120x64xi32, #tpu.memory_space<hbm>> -> memref<32x64xi32, #tpu.memory_space<hbm>>
      %dma_wait3A_74 = arith.constant 0 : i32
      %dma_wait3A_75 = tpu.memref_slice %arg3[%mul3A_61, %dma_wait3A_74] : memref<5120x64xi32, #tpu.memory_space<hbm>> -> memref<32x64xi32, #tpu.memory_space<hbm>>
      tpu.wait_dma2 semaphore(%arg15 : memref<!tpu.dma_semaphore, #tpu.memory_space<semaphore_mem>>) src(%dma_wait3A_75 : memref<32x64xi32, #tpu.memory_space<hbm>>) dst(%arg8 : memref<32x64xi32, #tpu.memory_space<vmem>>)
      %scan3A = arith.constant 0 : i32
      %scan3A_76 = arith.constant 0 : i32
      %scan3A_77 = arith.constant 8 : i32
      %scan3A_78 = arith.addi %scan3A_76, %scan3A_77 : i32
      %scan3A_79 = arith.constant 1 : i32
      scf.for %scan3A_81 = %scan3A_76 to %scan3A_78 step %scan3A_79  : i32 {
        %mul3A_82 = arith.constant 4 : i32
        %mul3A_83 = arith.muli %scan3A_81, %mul3A_82 : i32
        %add3A_84 = arith.constant 0 : i32
        %add3A_85 = arith.addi %mul3A_83, %add3A_84 : i32
        %dma_start3A_86 = arith.constant 0 : i32
        %dma_start3A_87 = arith.constant 0 : i32
        %dma_start3A_88 = arith.constant 0 : i32
        %dma_start3A_89 = tpu.memref_slice %arg9[%dma_start3A_86, %dma_start3A_87, %dma_start3A_88] : memref<4x64x128xf32, #tpu.memory_space<vmem>> -> memref<1x64x128xf32, #tpu.memory_space<vmem>>
        %dma_start3A_90 = tpu.memref_squeeze %dma_start3A_89 : memref<1x64x128xf32, #tpu.memory_space<vmem>> -> memref<64x128xf32, #tpu.memory_space<vmem>>
        %dma_start3A_91 = arith.constant 0 : i32
        %dma_start3A_92 = tpu.memref_slice %arg7[%add3A_85, %dma_start3A_91] : memref<32x64xi32, #tpu.memory_space<vmem>> -> memref<1x64xi32, #tpu.memory_space<vmem>>
        %dma_start3A_93 = tpu.memref_squeeze %dma_start3A_92 : memref<1x64xi32, #tpu.memory_space<vmem>> -> memref<64xi32, #tpu.memory_space<vmem>>
        %dma_start3A_94 = arith.constant 0 : i32
        %dma_start3A_95 = arith.constant 0 : i32
        %dma_start3A_96 = tpu.memref_slice %arg4[%dma_start3A_94, %dma_start3A_95] : memref<10240x128xf32, #tpu.memory_space<hbm>> -> memref<10240x128xf32, #tpu.memory_space<hbm>>
        tpu.enqueue_indirect_dma source(%dma_start3A_96 : memref<10240x128xf32, #tpu.memory_space<hbm>>) target(%dma_start3A_90 : memref<64x128xf32, #tpu.memory_space<vmem>>) offsets(%dma_start3A_93 : memref<64xi32, #tpu.memory_space<vmem>>) semaphore(%arg10 : memref<!tpu.dma_semaphore, #tpu.memory_space<semaphore_mem>>)
        %add3A_97 = arith.constant 1 : i32
        %add3A_98 = arith.addi %mul3A_83, %add3A_97 : i32
        %dma_start3A_99 = arith.constant 1 : i32
        %dma_start3A_100 = arith.constant 0 : i32
        %dma_start3A_101 = arith.constant 0 : i32
        %dma_start3A_102 = tpu.memref_slice %arg9[%dma_start3A_99, %dma_start3A_100, %dma_start3A_101] : memref<4x64x128xf32, #tpu.memory_space<vmem>> -> memref<1x64x128xf32, #tpu.memory_space<vmem>>
        %dma_start3A_103 = tpu.memref_squeeze %dma_start3A_102 : memref<1x64x128xf32, #tpu.memory_space<vmem>> -> memref<64x128xf32, #tpu.memory_space<vmem>>
        %dma_start3A_104 = arith.constant 0 : i32
        %dma_start3A_105 = tpu.memref_slice %arg7[%add3A_98, %dma_start3A_104] : memref<32x64xi32, #tpu.memory_space<vmem>> -> memref<1x64xi32, #tpu.memory_space<vmem>>
        %dma_start3A_106 = tpu.memref_squeeze %dma_start3A_105 : memref<1x64xi32, #tpu.memory_space<vmem>> -> memref<64xi32, #tpu.memory_space<vmem>>
        %dma_start3A_107 = arith.constant 0 : i32
        %dma_start3A_108 = arith.constant 0 : i32
        %dma_start3A_109 = tpu.memref_slice %arg4[%dma_start3A_107, %dma_start3A_108] : memref<10240x128xf32, #tpu.memory_space<hbm>> -> memref<10240x128xf32, #tpu.memory_space<hbm>>
        tpu.enqueue_indirect_dma source(%dma_start3A_109 : memref<10240x128xf32, #tpu.memory_space<hbm>>) target(%dma_start3A_103 : memref<64x128xf32, #tpu.memory_space<vmem>>) offsets(%dma_start3A_106 : memref<64xi32, #tpu.memory_space<vmem>>) semaphore(%arg11 : memref<!tpu.dma_semaphore, #tpu.memory_space<semaphore_mem>>)
        %add3A_110 = arith.constant 2 : i32
        %add3A_111 = arith.addi %mul3A_83, %add3A_110 : i32
        %dma_start3A_112 = arith.constant 2 : i32
        %dma_start3A_113 = arith.constant 0 : i32
        %dma_start3A_114 = arith.constant 0 : i32
        %dma_start3A_115 = tpu.memref_slice %arg9[%dma_start3A_112, %dma_start3A_113, %dma_start3A_114] : memref<4x64x128xf32, #tpu.memory_space<vmem>> -> memref<1x64x128xf32, #tpu.memory_space<vmem>>
        %dma_start3A_116 = tpu.memref_squeeze %dma_start3A_115 : memref<1x64x128xf32, #tpu.memory_space<vmem>> -> memref<64x128xf32, #tpu.memory_space<vmem>>
        %dma_start3A_117 = arith.constant 0 : i32
        %dma_start3A_118 = tpu.memref_slice %arg7[%add3A_111, %dma_start3A_117] : memref<32x64xi32, #tpu.memory_space<vmem>> -> memref<1x64xi32, #tpu.memory_space<vmem>>
        %dma_start3A_119 = tpu.memref_squeeze %dma_start3A_118 : memref<1x64xi32, #tpu.memory_space<vmem>> -> memref<64xi32, #tpu.memory_space<vmem>>
        %dma_start3A_120 = arith.constant 0 : i32
        %dma_start3A_121 = arith.constant 0 : i32
        %dma_start3A_122 = tpu.memref_slice %arg4[%dma_start3A_120, %dma_start3A_121] : memref<10240x128xf32, #tpu.memory_space<hbm>> -> memref<10240x128xf32, #tpu.memory_space<hbm>>
        tpu.enqueue_indirect_dma source(%dma_start3A_122 : memref<10240x128xf32, #tpu.memory_space<hbm>>) target(%dma_start3A_116 : memref<64x128xf32, #tpu.memory_space<vmem>>) offsets(%dma_start3A_119 : memref<64xi32, #tpu.memory_space<vmem>>) semaphore(%arg12 : memref<!tpu.dma_semaphore, #tpu.memory_space<semaphore_mem>>)
        %add3A_123 = arith.constant 3 : i32
        %add3A_124 = arith.addi %mul3A_83, %add3A_123 : i32
        %dma_start3A_125 = arith.constant 3 : i32
        %dma_start3A_126 = arith.constant 0 : i32
        %dma_start3A_127 = arith.constant 0 : i32
        %dma_start3A_128 = tpu.memref_slice %arg9[%dma_start3A_125, %dma_start3A_126, %dma_start3A_127] : memref<4x64x128xf32, #tpu.memory_space<vmem>> -> memref<1x64x128xf32, #tpu.memory_space<vmem>>
        %dma_start3A_129 = tpu.memref_squeeze %dma_start3A_128 : memref<1x64x128xf32, #tpu.memory_space<vmem>> -> memref<64x128xf32, #tpu.memory_space<vmem>>
        %dma_start3A_130 = arith.constant 0 : i32
        %dma_start3A_131 = tpu.memref_slice %arg7[%add3A_124, %dma_start3A_130] : memref<32x64xi32, #tpu.memory_space<vmem>> -> memref<1x64xi32, #tpu.memory_space<vmem>>
        %dma_start3A_132 = tpu.memref_squeeze %dma_start3A_131 : memref<1x64xi32, #tpu.memory_space<vmem>> -> memref<64xi32, #tpu.memory_space<vmem>>
        %dma_start3A_133 = arith.constant 0 : i32
        %dma_start3A_134 = arith.constant 0 : i32
        %dma_start3A_135 = tpu.memref_slice %arg4[%dma_start3A_133, %dma_start3A_134] : memref<10240x128xf32, #tpu.memory_space<hbm>> -> memref<10240x128xf32, #tpu.memory_space<hbm>>
        tpu.enqueue_indirect_dma source(%dma_start3A_135 : memref<10240x128xf32, #tpu.memory_space<hbm>>) target(%dma_start3A_129 : memref<64x128xf32, #tpu.memory_space<vmem>>) offsets(%dma_start3A_132 : memref<64xi32, #tpu.memory_space<vmem>>) semaphore(%arg13 : memref<!tpu.dma_semaphore, #tpu.memory_space<semaphore_mem>>)
        %dma_wait3A_136 = arith.constant 0 : i32
        %dma_wait3A_137 = arith.constant 0 : i32
        %dma_wait3A_138 = arith.constant 0 : i32
        %dma_wait3A_139 = tpu.memref_slice %arg9[%dma_wait3A_136, %dma_wait3A_137, %dma_wait3A_138] : memref<4x64x128xf32, #tpu.memory_space<vmem>> -> memref<1x64x128xf32, #tpu.memory_space<vmem>>
        %dma_wait3A_140 = tpu.memref_squeeze %dma_wait3A_139 : memref<1x64x128xf32, #tpu.memory_space<vmem>> -> memref<64x128xf32, #tpu.memory_space<vmem>>
        %dma_wait3A_141 = arith.constant 0 : i32
        %dma_wait3A_142 = tpu.memref_slice %arg7[%add3A_85, %dma_wait3A_141] : memref<32x64xi32, #tpu.memory_space<vmem>> -> memref<1x64xi32, #tpu.memory_space<vmem>>
        %dma_wait3A_143 = tpu.memref_squeeze %dma_wait3A_142 : memref<1x64xi32, #tpu.memory_space<vmem>> -> memref<64xi32, #tpu.memory_space<vmem>>
        %dma_wait3A_144 = arith.constant 0 : i32
        %dma_wait3A_145 = arith.constant 0 : i32
        %dma_wait3A_146 = tpu.memref_slice %arg4[%dma_wait3A_144, %dma_wait3A_145] : memref<10240x128xf32, #tpu.memory_space<hbm>> -> memref<10240x128xf32, #tpu.memory_space<hbm>>
        tpu.wait_indirect_dma semaphore(%arg10 : memref<!tpu.dma_semaphore, #tpu.memory_space<semaphore_mem>>) src(%dma_wait3A_146 : memref<10240x128xf32, #tpu.memory_space<hbm>>) dst(%dma_wait3A_140 : memref<64x128xf32, #tpu.memory_space<vmem>>)
        %add3A_147 = arith.constant 0 : i32
        %add3A_148 = arith.addi %mul3A_83, %add3A_147 : i32
        %run_scoped3A = arith.constant 0 : i32
        "tpu.region"() ({
          %run_scoped3A_191 = tpu.sem_alloc : memref<!tpu.dma_semaphore, #tpu.memory_space<semaphore_mem>>
          %dma_start3A_192 = arith.constant 0 : i32
          %dma_start3A_193 = arith.constant 0 : i32
          %dma_start3A_194 = tpu.memref_slice %arg9[%run_scoped3A, %dma_start3A_192, %dma_start3A_193] : memref<4x64x128xf32, #tpu.memory_space<vmem>> -> memref<1x64x128xf32, #tpu.memory_space<vmem>>
          %dma_start3A_195 = tpu.memref_squeeze %dma_start3A_194 : memref<1x64x128xf32, #tpu.memory_space<vmem>> -> memref<64x128xf32, #tpu.memory_space<vmem>>
          %dma_start3A_196 = arith.constant 0 : i32
          %dma_start3A_197 = tpu.memref_slice %arg8[%add3A_148, %dma_start3A_196] : memref<32x64xi32, #tpu.memory_space<vmem>> -> memref<1x64xi32, #tpu.memory_space<vmem>>
          %dma_start3A_198 = tpu.memref_squeeze %dma_start3A_197 : memref<1x64xi32, #tpu.memory_space<vmem>> -> memref<64xi32, #tpu.memory_space<vmem>>
          %dma_start3A_199 = arith.constant 0 : i32
          %dma_start3A_200 = arith.constant 0 : i32
          %dma_start3A_201 = tpu.memref_slice %arg16[%dma_start3A_199, %dma_start3A_200] : memref<10240x128xf32, #tpu.memory_space<vmem_shared>> -> memref<10240x128xf32, #tpu.memory_space<vmem_shared>>
          tpu.enqueue_indirect_dma source(%dma_start3A_195 : memref<64x128xf32, #tpu.memory_space<vmem>>) target(%dma_start3A_201 : memref<10240x128xf32, #tpu.memory_space<vmem_shared>>) offsets(%dma_start3A_198 : memref<64xi32, #tpu.memory_space<vmem>>) semaphore(%run_scoped3A_191 : memref<!tpu.dma_semaphore, #tpu.memory_space<semaphore_mem>>) {add = true}
          %dma_wait3A_202 = arith.constant 0 : i32
          %dma_wait3A_203 = arith.constant 0 : i32
          %dma_wait3A_204 = tpu.memref_slice %arg9[%run_scoped3A, %dma_wait3A_202, %dma_wait3A_203] : memref<4x64x128xf32, #tpu.memory_space<vmem>> -> memref<1x64x128xf32, #tpu.memory_space<vmem>>
          %dma_wait3A_205 = tpu.memref_squeeze %dma_wait3A_204 : memref<1x64x128xf32, #tpu.memory_space<vmem>> -> memref<64x128xf32, #tpu.memory_space<vmem>>
          %dma_wait3A_206 = arith.constant 0 : i32
          %dma_wait3A_207 = tpu.memref_slice %arg8[%add3A_148, %dma_wait3A_206] : memref<32x64xi32, #tpu.memory_space<vmem>> -> memref<1x64xi32, #tpu.memory_space<vmem>>
          %dma_wait3A_208 = tpu.memref_squeeze %dma_wait3A_207 : memref<1x64xi32, #tpu.memory_space<vmem>> -> memref<64xi32, #tpu.memory_space<vmem>>
          %dma_wait3A_209 = arith.constant 0 : i32
          %dma_wait3A_210 = arith.constant 0 : i32
          %dma_wait3A_211 = tpu.memref_slice %arg16[%dma_wait3A_209, %dma_wait3A_210] : memref<10240x128xf32, #tpu.memory_space<vmem_shared>> -> memref<10240x128xf32, #tpu.memory_space<vmem_shared>>
          tpu.wait_indirect_dma semaphore(%run_scoped3A_191 : memref<!tpu.dma_semaphore, #tpu.memory_space<semaphore_mem>>) src(%dma_wait3A_205 : memref<64x128xf32, #tpu.memory_space<vmem>>) dst(%dma_wait3A_211 : memref<10240x128xf32, #tpu.memory_space<vmem_shared>>)
          tpu.yield
        }) : () -> ()
        %dma_wait3A_149 = arith.constant 1 : i32
        %dma_wait3A_150 = arith.constant 0 : i32
        %dma_wait3A_151 = arith.constant 0 : i32
        %dma_wait3A_152 = tpu.memref_slice %arg9[%dma_wait3A_149, %dma_wait3A_150, %dma_wait3A_151] : memref<4x64x128xf32, #tpu.memory_space<vmem>> -> memref<1x64x128xf32, #tpu.memory_space<vmem>>
        %dma_wait3A_153 = tpu.memref_squeeze %dma_wait3A_152 : memref<1x64x128xf32, #tpu.memory_space<vmem>> -> memref<64x128xf32, #tpu.memory_space<vmem>>
        %dma_wait3A_154 = arith.constant 0 : i32
        %dma_wait3A_155 = tpu.memref_slice %arg7[%add3A_98, %dma_wait3A_154] : memref<32x64xi32, #tpu.memory_space<vmem>> -> memref<1x64xi32, #tpu.memory_space<vmem>>
        %dma_wait3A_156 = tpu.memref_squeeze %dma_wait3A_155 : memref<1x64xi32, #tpu.memory_space<vmem>> -> memref<64xi32, #tpu.memory_space<vmem>>
        %dma_wait3A_157 = arith.constant 0 : i32
        %dma_wait3A_158 = arith.constant 0 : i32
        %dma_wait3A_159 = tpu.memref_slice %arg4[%dma_wait3A_157, %dma_wait3A_158] : memref<10240x128xf32, #tpu.memory_space<hbm>> -> memref<10240x128xf32, #tpu.memory_space<hbm>>
        tpu.wait_indirect_dma semaphore(%arg11 : memref<!tpu.dma_semaphore, #tpu.memory_space<semaphore_mem>>) src(%dma_wait3A_159 : memref<10240x128xf32, #tpu.memory_space<hbm>>) dst(%dma_wait3A_153 : memref<64x128xf32, #tpu.memory_space<vmem>>)
        %add3A_160 = arith.constant 1 : i32
        %add3A_161 = arith.addi %mul3A_83, %add3A_160 : i32
        %run_scoped3A_162 = arith.constant 1 : i32
        "tpu.region"() ({
          %run_scoped3A_191 = tpu.sem_alloc : memref<!tpu.dma_semaphore, #tpu.memory_space<semaphore_mem>>
          %dma_start3A_192 = arith.constant 0 : i32
          %dma_start3A_193 = arith.constant 0 : i32
          %dma_start3A_194 = tpu.memref_slice %arg9[%run_scoped3A_162, %dma_start3A_192, %dma_start3A_193] : memref<4x64x128xf32, #tpu.memory_space<vmem>> -> memref<1x64x128xf32, #tpu.memory_space<vmem>>
          %dma_start3A_195 = tpu.memref_squeeze %dma_start3A_194 : memref<1x64x128xf32, #tpu.memory_space<vmem>> -> memref<64x128xf32, #tpu.memory_space<vmem>>
          %dma_start3A_196 = arith.constant 0 : i32
          %dma_start3A_197 = tpu.memref_slice %arg8[%add3A_161, %dma_start3A_196] : memref<32x64xi32, #tpu.memory_space<vmem>> -> memref<1x64xi32, #tpu.memory_space<vmem>>
          %dma_start3A_198 = tpu.memref_squeeze %dma_start3A_197 : memref<1x64xi32, #tpu.memory_space<vmem>> -> memref<64xi32, #tpu.memory_space<vmem>>
          %dma_start3A_199 = arith.constant 0 : i32
          %dma_start3A_200 = arith.constant 0 : i32
          %dma_start3A_201 = tpu.memref_slice %arg16[%dma_start3A_199, %dma_start3A_200] : memref<10240x128xf32, #tpu.memory_space<vmem_shared>> -> memref<10240x128xf32, #tpu.memory_space<vmem_shared>>
          tpu.enqueue_indirect_dma source(%dma_start3A_195 : memref<64x128xf32, #tpu.memory_space<vmem>>) target(%dma_start3A_201 : memref<10240x128xf32, #tpu.memory_space<vmem_shared>>) offsets(%dma_start3A_198 : memref<64xi32, #tpu.memory_space<vmem>>) semaphore(%run_scoped3A_191 : memref<!tpu.dma_semaphore, #tpu.memory_space<semaphore_mem>>) {add = true}
          %dma_wait3A_202 = arith.constant 0 : i32
          %dma_wait3A_203 = arith.constant 0 : i32
          %dma_wait3A_204 = tpu.memref_slice %arg9[%run_scoped3A_162, %dma_wait3A_202, %dma_wait3A_203] : memref<4x64x128xf32, #tpu.memory_space<vmem>> -> memref<1x64x128xf32, #tpu.memory_space<vmem>>
          %dma_wait3A_205 = tpu.memref_squeeze %dma_wait3A_204 : memref<1x64x128xf32, #tpu.memory_space<vmem>> -> memref<64x128xf32, #tpu.memory_space<vmem>>
          %dma_wait3A_206 = arith.constant 0 : i32
          %dma_wait3A_207 = tpu.memref_slice %arg8[%add3A_161, %dma_wait3A_206] : memref<32x64xi32, #tpu.memory_space<vmem>> -> memref<1x64xi32, #tpu.memory_space<vmem>>
          %dma_wait3A_208 = tpu.memref_squeeze %dma_wait3A_207 : memref<1x64xi32, #tpu.memory_space<vmem>> -> memref<64xi32, #tpu.memory_space<vmem>>
          %dma_wait3A_209 = arith.constant 0 : i32
          %dma_wait3A_210 = arith.constant 0 : i32
          %dma_wait3A_211 = tpu.memref_slice %arg16[%dma_wait3A_209, %dma_wait3A_210] : memref<10240x128xf32, #tpu.memory_space<vmem_shared>> -> memref<10240x128xf32, #tpu.memory_space<vmem_shared>>
          tpu.wait_indirect_dma semaphore(%run_scoped3A_191 : memref<!tpu.dma_semaphore, #tpu.memory_space<semaphore_mem>>) src(%dma_wait3A_205 : memref<64x128xf32, #tpu.memory_space<vmem>>) dst(%dma_wait3A_211 : memref<10240x128xf32, #tpu.memory_space<vmem_shared>>)
          tpu.yield
        }) : () -> ()
        %dma_wait3A_163 = arith.constant 2 : i32
        %dma_wait3A_164 = arith.constant 0 : i32
        %dma_wait3A_165 = arith.constant 0 : i32
        %dma_wait3A_166 = tpu.memref_slice %arg9[%dma_wait3A_163, %dma_wait3A_164, %dma_wait3A_165] : memref<4x64x128xf32, #tpu.memory_space<vmem>> -> memref<1x64x128xf32, #tpu.memory_space<vmem>>
        %dma_wait3A_167 = tpu.memref_squeeze %dma_wait3A_166 : memref<1x64x128xf32, #tpu.memory_space<vmem>> -> memref<64x128xf32, #tpu.memory_space<vmem>>
        %dma_wait3A_168 = arith.constant 0 : i32
        %dma_wait3A_169 = tpu.memref_slice %arg7[%add3A_111, %dma_wait3A_168] : memref<32x64xi32, #tpu.memory_space<vmem>> -> memref<1x64xi32, #tpu.memory_space<vmem>>
        %dma_wait3A_170 = tpu.memref_squeeze %dma_wait3A_169 : memref<1x64xi32, #tpu.memory_space<vmem>> -> memref<64xi32, #tpu.memory_space<vmem>>
        %dma_wait3A_171 = arith.constant 0 : i32
        %dma_wait3A_172 = arith.constant 0 : i32
        %dma_wait3A_173 = tpu.memref_slice %arg4[%dma_wait3A_171, %dma_wait3A_172] : memref<10240x128xf32, #tpu.memory_space<hbm>> -> memref<10240x128xf32, #tpu.memory_space<hbm>>
        tpu.wait_indirect_dma semaphore(%arg12 : memref<!tpu.dma_semaphore, #tpu.memory_space<semaphore_mem>>) src(%dma_wait3A_173 : memref<10240x128xf32, #tpu.memory_space<hbm>>) dst(%dma_wait3A_167 : memref<64x128xf32, #tpu.memory_space<vmem>>)
        %add3A_174 = arith.constant 2 : i32
        %add3A_175 = arith.addi %mul3A_83, %add3A_174 : i32
        %run_scoped3A_176 = arith.constant 2 : i32
        "tpu.region"() ({
          %run_scoped3A_191 = tpu.sem_alloc : memref<!tpu.dma_semaphore, #tpu.memory_space<semaphore_mem>>
          %dma_start3A_192 = arith.constant 0 : i32
          %dma_start3A_193 = arith.constant 0 : i32
          %dma_start3A_194 = tpu.memref_slice %arg9[%run_scoped3A_176, %dma_start3A_192, %dma_start3A_193] : memref<4x64x128xf32, #tpu.memory_space<vmem>> -> memref<1x64x128xf32, #tpu.memory_space<vmem>>
          %dma_start3A_195 = tpu.memref_squeeze %dma_start3A_194 : memref<1x64x128xf32, #tpu.memory_space<vmem>> -> memref<64x128xf32, #tpu.memory_space<vmem>>
          %dma_start3A_196 = arith.constant 0 : i32
          %dma_start3A_197 = tpu.memref_slice %arg8[%add3A_175, %dma_start3A_196] : memref<32x64xi32, #tpu.memory_space<vmem>> -> memref<1x64xi32, #tpu.memory_space<vmem>>
          %dma_start3A_198 = tpu.memref_squeeze %dma_start3A_197 : memref<1x64xi32, #tpu.memory_space<vmem>> -> memref<64xi32, #tpu.memory_space<vmem>>
          %dma_start3A_199 = arith.constant 0 : i32
          %dma_start3A_200 = arith.constant 0 : i32
          %dma_start3A_201 = tpu.memref_slice %arg16[%dma_start3A_199, %dma_start3A_200] : memref<10240x128xf32, #tpu.memory_space<vmem_shared>> -> memref<10240x128xf32, #tpu.memory_space<vmem_shared>>
          tpu.enqueue_indirect_dma source(%dma_start3A_195 : memref<64x128xf32, #tpu.memory_space<vmem>>) target(%dma_start3A_201 : memref<10240x128xf32, #tpu.memory_space<vmem_shared>>) offsets(%dma_start3A_198 : memref<64xi32, #tpu.memory_space<vmem>>) semaphore(%run_scoped3A_191 : memref<!tpu.dma_semaphore, #tpu.memory_space<semaphore_mem>>) {add = true}
          %dma_wait3A_202 = arith.constant 0 : i32
          %dma_wait3A_203 = arith.constant 0 : i32
          %dma_wait3A_204 = tpu.memref_slice %arg9[%run_scoped3A_176, %dma_wait3A_202, %dma_wait3A_203] : memref<4x64x128xf32, #tpu.memory_space<vmem>> -> memref<1x64x128xf32, #tpu.memory_space<vmem>>
          %dma_wait3A_205 = tpu.memref_squeeze %dma_wait3A_204 : memref<1x64x128xf32, #tpu.memory_space<vmem>> -> memref<64x128xf32, #tpu.memory_space<vmem>>
          %dma_wait3A_206 = arith.constant 0 : i32
          %dma_wait3A_207 = tpu.memref_slice %arg8[%add3A_175, %dma_wait3A_206] : memref<32x64xi32, #tpu.memory_space<vmem>> -> memref<1x64xi32, #tpu.memory_space<vmem>>
          %dma_wait3A_208 = tpu.memref_squeeze %dma_wait3A_207 : memref<1x64xi32, #tpu.memory_space<vmem>> -> memref<64xi32, #tpu.memory_space<vmem>>
          %dma_wait3A_209 = arith.constant 0 : i32
          %dma_wait3A_210 = arith.constant 0 : i32
          %dma_wait3A_211 = tpu.memref_slice %arg16[%dma_wait3A_209, %dma_wait3A_210] : memref<10240x128xf32, #tpu.memory_space<vmem_shared>> -> memref<10240x128xf32, #tpu.memory_space<vmem_shared>>
          tpu.wait_indirect_dma semaphore(%run_scoped3A_191 : memref<!tpu.dma_semaphore, #tpu.memory_space<semaphore_mem>>) src(%dma_wait3A_205 : memref<64x128xf32, #tpu.memory_space<vmem>>) dst(%dma_wait3A_211 : memref<10240x128xf32, #tpu.memory_space<vmem_shared>>)
          tpu.yield
        }) : () -> ()
        %dma_wait3A_177 = arith.constant 3 : i32
        %dma_wait3A_178 = arith.constant 0 : i32
        %dma_wait3A_179 = arith.constant 0 : i32
        %dma_wait3A_180 = tpu.memref_slice %arg9[%dma_wait3A_177, %dma_wait3A_178, %dma_wait3A_179] : memref<4x64x128xf32, #tpu.memory_space<vmem>> -> memref<1x64x128xf32, #tpu.memory_space<vmem>>
        %dma_wait3A_181 = tpu.memref_squeeze %dma_wait3A_180 : memref<1x64x128xf32, #tpu.memory_space<vmem>> -> memref<64x128xf32, #tpu.memory_space<vmem>>
        %dma_wait3A_182 = arith.constant 0 : i32
        %dma_wait3A_183 = tpu.memref_slice %arg7[%add3A_124, %dma_wait3A_182] : memref<32x64xi32, #tpu.memory_space<vmem>> -> memref<1x64xi32, #tpu.memory_space<vmem>>
        %dma_wait3A_184 = tpu.memref_squeeze %dma_wait3A_183 : memref<1x64xi32, #tpu.memory_space<vmem>> -> memref<64xi32, #tpu.memory_space<vmem>>
        %dma_wait3A_185 = arith.constant 0 : i32
        %dma_wait3A_186 = arith.constant 0 : i32
        %dma_wait3A_187 = tpu.memref_slice %arg4[%dma_wait3A_185, %dma_wait3A_186] : memref<10240x128xf32, #tpu.memory_space<hbm>> -> memref<10240x128xf32, #tpu.memory_space<hbm>>
        tpu.wait_indirect_dma semaphore(%arg13 : memref<!tpu.dma_semaphore, #tpu.memory_space<semaphore_mem>>) src(%dma_wait3A_187 : memref<10240x128xf32, #tpu.memory_space<hbm>>) dst(%dma_wait3A_181 : memref<64x128xf32, #tpu.memory_space<vmem>>)
        %add3A_188 = arith.constant 3 : i32
        %add3A_189 = arith.addi %mul3A_83, %add3A_188 : i32
        %run_scoped3A_190 = arith.constant 3 : i32
        "tpu.region"() ({
          %run_scoped3A_191 = tpu.sem_alloc : memref<!tpu.dma_semaphore, #tpu.memory_space<semaphore_mem>>
          %dma_start3A_192 = arith.constant 0 : i32
          %dma_start3A_193 = arith.constant 0 : i32
          %dma_start3A_194 = tpu.memref_slice %arg9[%run_scoped3A_190, %dma_start3A_192, %dma_start3A_193] : memref<4x64x128xf32, #tpu.memory_space<vmem>> -> memref<1x64x128xf32, #tpu.memory_space<vmem>>
          %dma_start3A_195 = tpu.memref_squeeze %dma_start3A_194 : memref<1x64x128xf32, #tpu.memory_space<vmem>> -> memref<64x128xf32, #tpu.memory_space<vmem>>
          %dma_start3A_196 = arith.constant 0 : i32
          %dma_start3A_197 = tpu.memref_slice %arg8[%add3A_189, %dma_start3A_196] : memref<32x64xi32, #tpu.memory_space<vmem>> -> memref<1x64xi32, #tpu.memory_space<vmem>>
          %dma_start3A_198 = tpu.memref_squeeze %dma_start3A_197 : memref<1x64xi32, #tpu.memory_space<vmem>> -> memref<64xi32, #tpu.memory_space<vmem>>
          %dma_start3A_199 = arith.constant 0 : i32
          %dma_start3A_200 = arith.constant 0 : i32
          %dma_start3A_201 = tpu.memref_slice %arg16[%dma_start3A_199, %dma_start3A_200] : memref<10240x128xf32, #tpu.memory_space<vmem_shared>> -> memref<10240x128xf32, #tpu.memory_space<vmem_shared>>
          tpu.enqueue_indirect_dma source(%dma_start3A_195 : memref<64x128xf32, #tpu.memory_space<vmem>>) target(%dma_start3A_201 : memref<10240x128xf32, #tpu.memory_space<vmem_shared>>) offsets(%dma_start3A_198 : memref<64xi32, #tpu.memory_space<vmem>>) semaphore(%run_scoped3A_191 : memref<!tpu.dma_semaphore, #tpu.memory_space<semaphore_mem>>) {add = true}
          %dma_wait3A_202 = arith.constant 0 : i32
          %dma_wait3A_203 = arith.constant 0 : i32
          %dma_wait3A_204 = tpu.memref_slice %arg9[%run_scoped3A_190, %dma_wait3A_202, %dma_wait3A_203] : memref<4x64x128xf32, #tpu.memory_space<vmem>> -> memref<1x64x128xf32, #tpu.memory_space<vmem>>
          %dma_wait3A_205 = tpu.memref_squeeze %dma_wait3A_204 : memref<1x64x128xf32, #tpu.memory_space<vmem>> -> memref<64x128xf32, #tpu.memory_space<vmem>>
          %dma_wait3A_206 = arith.constant 0 : i32
          %dma_wait3A_207 = tpu.memref_slice %arg8[%add3A_189, %dma_wait3A_206] : memref<32x64xi32, #tpu.memory_space<vmem>> -> memref<1x64xi32, #tpu.memory_space<vmem>>
          %dma_wait3A_208 = tpu.memref_squeeze %dma_wait3A_207 : memref<1x64xi32, #tpu.memory_space<vmem>> -> memref<64xi32, #tpu.memory_space<vmem>>
          %dma_wait3A_209 = arith.constant 0 : i32
          %dma_wait3A_210 = arith.constant 0 : i32
          %dma_wait3A_211 = tpu.memref_slice %arg16[%dma_wait3A_209, %dma_wait3A_210] : memref<10240x128xf32, #tpu.memory_space<vmem_shared>> -> memref<10240x128xf32, #tpu.memory_space<vmem_shared>>
          tpu.wait_indirect_dma semaphore(%run_scoped3A_191 : memref<!tpu.dma_semaphore, #tpu.memory_space<semaphore_mem>>) src(%dma_wait3A_205 : memref<64x128xf32, #tpu.memory_space<vmem>>) dst(%dma_wait3A_211 : memref<10240x128xf32, #tpu.memory_space<vmem_shared>>)
          tpu.yield
        }) : () -> ()
      }
      %scan3A_80 = arith.constant 8 : i32
    } else {
    }
    %gt3A_13 = arith.constant 1 : i32
    %gt3A_14 = arith.cmpi sgt, %select_n3A, %gt3A_13 : i32
    %convert_element_type3A_15 = arith.extui %gt3A_14 : i1 to i32
    %cond3A_16 = arith.constant 0 : i32
    %cond3A_17 = arith.cmpi ne, %convert_element_type3A_15, %cond3A_16 : i32
    scf.if %cond3A_17 {
      %add3A_58 = arith.constant 1 : i32
      %add3A_59 = arith.addi %select_n3A_10, %add3A_58 : i32
      %mul3A_60 = arith.constant 32 : i32
      %mul3A_61 = arith.muli %add3A_59, %mul3A_60 : i32
      %dma_start3A = arith.constant 0 : i32
      %dma_start3A_62 = tpu.memref_slice %arg2[%mul3A_61, %dma_start3A] : memref<5120x64xi32, #tpu.memory_space<hbm>> -> memref<32x64xi32, #tpu.memory_space<hbm>>
      %dma_start3A_63 = arith.constant 0 : i32
      %dma_start3A_64 = tpu.memref_slice %arg2[%mul3A_61, %dma_start3A_63] : memref<5120x64xi32, #tpu.memory_space<hbm>> -> memref<32x64xi32, #tpu.memory_space<hbm>>
      tpu.enqueue_dma source(%dma_start3A_64 : memref<32x64xi32, #tpu.memory_space<hbm>>) target(%arg7 : memref<32x64xi32, #tpu.memory_space<vmem>>) target_semaphore(%arg14 : memref<!tpu.dma_semaphore, #tpu.memory_space<semaphore_mem>>)
      %dma_start3A_65 = arith.constant 0 : i32
      %dma_start3A_66 = tpu.memref_slice %arg3[%mul3A_61, %dma_start3A_65] : memref<5120x64xi32, #tpu.memory_space<hbm>> -> memref<32x64xi32, #tpu.memory_space<hbm>>
      %dma_start3A_67 = arith.constant 0 : i32
      %dma_start3A_68 = tpu.memref_slice %arg3[%mul3A_61, %dma_start3A_67] : memref<5120x64xi32, #tpu.memory_space<hbm>> -> memref<32x64xi32, #tpu.memory_space<hbm>>
      tpu.enqueue_dma source(%dma_start3A_68 : memref<32x64xi32, #tpu.memory_space<hbm>>) target(%arg8 : memref<32x64xi32, #tpu.memory_space<vmem>>) target_semaphore(%arg15 : memref<!tpu.dma_semaphore, #tpu.memory_space<semaphore_mem>>)
      %dma_wait3A = arith.constant 0 : i32
      %dma_wait3A_69 = tpu.memref_slice %arg2[%mul3A_61, %dma_wait3A] : memref<5120x64xi32, #tpu.memory_space<hbm>> -> memref<32x64xi32, #tpu.memory_space<hbm>>
      %dma_wait3A_70 = arith.constant 0 : i32
      %dma_wait3A_71 = tpu.memref_slice %arg2[%mul3A_61, %dma_wait3A_70] : memref<5120x64xi32, #tpu.memory_space<hbm>> -> memref<32x64xi32, #tpu.memory_space<hbm>>
      tpu.wait_dma2 semaphore(%arg14 : memref<!tpu.dma_semaphore, #tpu.memory_space<semaphore_mem>>) src(%dma_wait3A_71 : memref<32x64xi32, #tpu.memory_space<hbm>>) dst(%arg7 : memref<32x64xi32, #tpu.memory_space<vmem>>)
      %dma_wait3A_72 = arith.constant 0 : i32
      %dma_wait3A_73 = tpu.memref_slice %arg3[%mul3A_61, %dma_wait3A_72] : memref<5120x64xi32, #tpu.memory_space<hbm>> -> memref<32x64xi32, #tpu.memory_space<hbm>>
      %dma_wait3A_74 = arith.constant 0 : i32
      %dma_wait3A_75 = tpu.memref_slice %arg3[%mul3A_61, %dma_wait3A_74] : memref<5120x64xi32, #tpu.memory_space<hbm>> -> memref<32x64xi32, #tpu.memory_space<hbm>>
      tpu.wait_dma2 semaphore(%arg15 : memref<!tpu.dma_semaphore, #tpu.memory_space<semaphore_mem>>) src(%dma_wait3A_75 : memref<32x64xi32, #tpu.memory_space<hbm>>) dst(%arg8 : memref<32x64xi32, #tpu.memory_space<vmem>>)
      %scan3A = arith.constant 0 : i32
      %scan3A_76 = arith.constant 0 : i32
      %scan3A_77 = arith.constant 8 : i32
      %scan3A_78 = arith.addi %scan3A_76, %scan3A_77 : i32
      %scan3A_79 = arith.constant 1 : i32
      scf.for %scan3A_81 = %scan3A_76 to %scan3A_78 step %scan3A_79  : i32 {
        %mul3A_82 = arith.constant 4 : i32
        %mul3A_83 = arith.muli %scan3A_81, %mul3A_82 : i32
        %add3A_84 = arith.constant 0 : i32
        %add3A_85 = arith.addi %mul3A_83, %add3A_84 : i32
        %dma_start3A_86 = arith.constant 0 : i32
        %dma_start3A_87 = arith.constant 0 : i32
        %dma_start3A_88 = arith.constant 0 : i32
        %dma_start3A_89 = tpu.memref_slice %arg9[%dma_start3A_86, %dma_start3A_87, %dma_start3A_88] : memref<4x64x128xf32, #tpu.memory_space<vmem>> -> memref<1x64x128xf32, #tpu.memory_space<vmem>>
        %dma_start3A_90 = tpu.memref_squeeze %dma_start3A_89 : memref<1x64x128xf32, #tpu.memory_space<vmem>> -> memref<64x128xf32, #tpu.memory_space<vmem>>
        %dma_start3A_91 = arith.constant 0 : i32
        %dma_start3A_92 = tpu.memref_slice %arg7[%add3A_85, %dma_start3A_91] : memref<32x64xi32, #tpu.memory_space<vmem>> -> memref<1x64xi32, #tpu.memory_space<vmem>>
        %dma_start3A_93 = tpu.memref_squeeze %dma_start3A_92 : memref<1x64xi32, #tpu.memory_space<vmem>> -> memref<64xi32, #tpu.memory_space<vmem>>
        %dma_start3A_94 = arith.constant 0 : i32
        %dma_start3A_95 = arith.constant 0 : i32
        %dma_start3A_96 = tpu.memref_slice %arg4[%dma_start3A_94, %dma_start3A_95] : memref<10240x128xf32, #tpu.memory_space<hbm>> -> memref<10240x128xf32, #tpu.memory_space<hbm>>
        tpu.enqueue_indirect_dma source(%dma_start3A_96 : memref<10240x128xf32, #tpu.memory_space<hbm>>) target(%dma_start3A_90 : memref<64x128xf32, #tpu.memory_space<vmem>>) offsets(%dma_start3A_93 : memref<64xi32, #tpu.memory_space<vmem>>) semaphore(%arg10 : memref<!tpu.dma_semaphore, #tpu.memory_space<semaphore_mem>>)
        %add3A_97 = arith.constant 1 : i32
        %add3A_98 = arith.addi %mul3A_83, %add3A_97 : i32
        %dma_start3A_99 = arith.constant 1 : i32
        %dma_start3A_100 = arith.constant 0 : i32
        %dma_start3A_101 = arith.constant 0 : i32
        %dma_start3A_102 = tpu.memref_slice %arg9[%dma_start3A_99, %dma_start3A_100, %dma_start3A_101] : memref<4x64x128xf32, #tpu.memory_space<vmem>> -> memref<1x64x128xf32, #tpu.memory_space<vmem>>
        %dma_start3A_103 = tpu.memref_squeeze %dma_start3A_102 : memref<1x64x128xf32, #tpu.memory_space<vmem>> -> memref<64x128xf32, #tpu.memory_space<vmem>>
        %dma_start3A_104 = arith.constant 0 : i32
        %dma_start3A_105 = tpu.memref_slice %arg7[%add3A_98, %dma_start3A_104] : memref<32x64xi32, #tpu.memory_space<vmem>> -> memref<1x64xi32, #tpu.memory_space<vmem>>
        %dma_start3A_106 = tpu.memref_squeeze %dma_start3A_105 : memref<1x64xi32, #tpu.memory_space<vmem>> -> memref<64xi32, #tpu.memory_space<vmem>>
        %dma_start3A_107 = arith.constant 0 : i32
        %dma_start3A_108 = arith.constant 0 : i32
        %dma_start3A_109 = tpu.memref_slice %arg4[%dma_start3A_107, %dma_start3A_108] : memref<10240x128xf32, #tpu.memory_space<hbm>> -> memref<10240x128xf32, #tpu.memory_space<hbm>>
        tpu.enqueue_indirect_dma source(%dma_start3A_109 : memref<10240x128xf32, #tpu.memory_space<hbm>>) target(%dma_start3A_103 : memref<64x128xf32, #tpu.memory_space<vmem>>) offsets(%dma_start3A_106 : memref<64xi32, #tpu.memory_space<vmem>>) semaphore(%arg11 : memref<!tpu.dma_semaphore, #tpu.memory_space<semaphore_mem>>)
        %add3A_110 = arith.constant 2 : i32
        %add3A_111 = arith.addi %mul3A_83, %add3A_110 : i32
        %dma_start3A_112 = arith.constant 2 : i32
        %dma_start3A_113 = arith.constant 0 : i32
        %dma_start3A_114 = arith.constant 0 : i32
        %dma_start3A_115 = tpu.memref_slice %arg9[%dma_start3A_112, %dma_start3A_113, %dma_start3A_114] : memref<4x64x128xf32, #tpu.memory_space<vmem>> -> memref<1x64x128xf32, #tpu.memory_space<vmem>>
        %dma_start3A_116 = tpu.memref_squeeze %dma_start3A_115 : memref<1x64x128xf32, #tpu.memory_space<vmem>> -> memref<64x128xf32, #tpu.memory_space<vmem>>
        %dma_start3A_117 = arith.constant 0 : i32
        %dma_start3A_118 = tpu.memref_slice %arg7[%add3A_111, %dma_start3A_117] : memref<32x64xi32, #tpu.memory_space<vmem>> -> memref<1x64xi32, #tpu.memory_space<vmem>>
        %dma_start3A_119 = tpu.memref_squeeze %dma_start3A_118 : memref<1x64xi32, #tpu.memory_space<vmem>> -> memref<64xi32, #tpu.memory_space<vmem>>
        %dma_start3A_120 = arith.constant 0 : i32
        %dma_start3A_121 = arith.constant 0 : i32
        %dma_start3A_122 = tpu.memref_slice %arg4[%dma_start3A_120, %dma_start3A_121] : memref<10240x128xf32, #tpu.memory_space<hbm>> -> memref<10240x128xf32, #tpu.memory_space<hbm>>
        tpu.enqueue_indirect_dma source(%dma_start3A_122 : memref<10240x128xf32, #tpu.memory_space<hbm>>) target(%dma_start3A_116 : memref<64x128xf32, #tpu.memory_space<vmem>>) offsets(%dma_start3A_119 : memref<64xi32, #tpu.memory_space<vmem>>) semaphore(%arg12 : memref<!tpu.dma_semaphore, #tpu.memory_space<semaphore_mem>>)
        %add3A_123 = arith.constant 3 : i32
        %add3A_124 = arith.addi %mul3A_83, %add3A_123 : i32
        %dma_start3A_125 = arith.constant 3 : i32
        %dma_start3A_126 = arith.constant 0 : i32
        %dma_start3A_127 = arith.constant 0 : i32
        %dma_start3A_128 = tpu.memref_slice %arg9[%dma_start3A_125, %dma_start3A_126, %dma_start3A_127] : memref<4x64x128xf32, #tpu.memory_space<vmem>> -> memref<1x64x128xf32, #tpu.memory_space<vmem>>
        %dma_start3A_129 = tpu.memref_squeeze %dma_start3A_128 : memref<1x64x128xf32, #tpu.memory_space<vmem>> -> memref<64x128xf32, #tpu.memory_space<vmem>>
        %dma_start3A_130 = arith.constant 0 : i32
        %dma_start3A_131 = tpu.memref_slice %arg7[%add3A_124, %dma_start3A_130] : memref<32x64xi32, #tpu.memory_space<vmem>> -> memref<1x64xi32, #tpu.memory_space<vmem>>
        %dma_start3A_132 = tpu.memref_squeeze %dma_start3A_131 : memref<1x64xi32, #tpu.memory_space<vmem>> -> memref<64xi32, #tpu.memory_space<vmem>>
        %dma_start3A_133 = arith.constant 0 : i32
        %dma_start3A_134 = arith.constant 0 : i32
        %dma_start3A_135 = tpu.memref_slice %arg4[%dma_start3A_133, %dma_start3A_134] : memref<10240x128xf32, #tpu.memory_space<hbm>> -> memref<10240x128xf32, #tpu.memory_space<hbm>>
        tpu.enqueue_indirect_dma source(%dma_start3A_135 : memref<10240x128xf32, #tpu.memory_space<hbm>>) target(%dma_start3A_129 : memref<64x128xf32, #tpu.memory_space<vmem>>) offsets(%dma_start3A_132 : memref<64xi32, #tpu.memory_space<vmem>>) semaphore(%arg13 : memref<!tpu.dma_semaphore, #tpu.memory_space<semaphore_mem>>)
        %dma_wait3A_136 = arith.constant 0 : i32
        %dma_wait3A_137 = arith.constant 0 : i32
        %dma_wait3A_138 = arith.constant 0 : i32
        %dma_wait3A_139 = tpu.memref_slice %arg9[%dma_wait3A_136, %dma_wait3A_137, %dma_wait3A_138] : memref<4x64x128xf32, #tpu.memory_space<vmem>> -> memref<1x64x128xf32, #tpu.memory_space<vmem>>
        %dma_wait3A_140 = tpu.memref_squeeze %dma_wait3A_139 : memref<1x64x128xf32, #tpu.memory_space<vmem>> -> memref<64x128xf32, #tpu.memory_space<vmem>>
        %dma_wait3A_141 = arith.constant 0 : i32
        %dma_wait3A_142 = tpu.memref_slice %arg7[%add3A_85, %dma_wait3A_141] : memref<32x64xi32, #tpu.memory_space<vmem>> -> memref<1x64xi32, #tpu.memory_space<vmem>>
        %dma_wait3A_143 = tpu.memref_squeeze %dma_wait3A_142 : memref<1x64xi32, #tpu.memory_space<vmem>> -> memref<64xi32, #tpu.memory_space<vmem>>
        %dma_wait3A_144 = arith.constant 0 : i32
        %dma_wait3A_145 = arith.constant 0 : i32
        %dma_wait3A_146 = tpu.memref_slice %arg4[%dma_wait3A_144, %dma_wait3A_145] : memref<10240x128xf32, #tpu.memory_space<hbm>> -> memref<10240x128xf32, #tpu.memory_space<hbm>>
        tpu.wait_indirect_dma semaphore(%arg10 : memref<!tpu.dma_semaphore, #tpu.memory_space<semaphore_mem>>) src(%dma_wait3A_146 : memref<10240x128xf32, #tpu.memory_space<hbm>>) dst(%dma_wait3A_140 : memref<64x128xf32, #tpu.memory_space<vmem>>)
        %add3A_147 = arith.constant 0 : i32
        %add3A_148 = arith.addi %mul3A_83, %add3A_147 : i32
        %run_scoped3A = arith.constant 0 : i32
        "tpu.region"() ({
          %run_scoped3A_191 = tpu.sem_alloc : memref<!tpu.dma_semaphore, #tpu.memory_space<semaphore_mem>>
          %dma_start3A_192 = arith.constant 0 : i32
          %dma_start3A_193 = arith.constant 0 : i32
          %dma_start3A_194 = tpu.memref_slice %arg9[%run_scoped3A, %dma_start3A_192, %dma_start3A_193] : memref<4x64x128xf32, #tpu.memory_space<vmem>> -> memref<1x64x128xf32, #tpu.memory_space<vmem>>
          %dma_start3A_195 = tpu.memref_squeeze %dma_start3A_194 : memref<1x64x128xf32, #tpu.memory_space<vmem>> -> memref<64x128xf32, #tpu.memory_space<vmem>>
          %dma_start3A_196 = arith.constant 0 : i32
          %dma_start3A_197 = tpu.memref_slice %arg8[%add3A_148, %dma_start3A_196] : memref<32x64xi32, #tpu.memory_space<vmem>> -> memref<1x64xi32, #tpu.memory_space<vmem>>
          %dma_start3A_198 = tpu.memref_squeeze %dma_start3A_197 : memref<1x64xi32, #tpu.memory_space<vmem>> -> memref<64xi32, #tpu.memory_space<vmem>>
          %dma_start3A_199 = arith.constant 0 : i32
          %dma_start3A_200 = arith.constant 0 : i32
          %dma_start3A_201 = tpu.memref_slice %arg16[%dma_start3A_199, %dma_start3A_200] : memref<10240x128xf32, #tpu.memory_space<vmem_shared>> -> memref<10240x128xf32, #tpu.memory_space<vmem_shared>>
          tpu.enqueue_indirect_dma source(%dma_start3A_195 : memref<64x128xf32, #tpu.memory_space<vmem>>) target(%dma_start3A_201 : memref<10240x128xf32, #tpu.memory_space<vmem_shared>>) offsets(%dma_start3A_198 : memref<64xi32, #tpu.memory_space<vmem>>) semaphore(%run_scoped3A_191 : memref<!tpu.dma_semaphore, #tpu.memory_space<semaphore_mem>>) {add = true}
          %dma_wait3A_202 = arith.constant 0 : i32
          %dma_wait3A_203 = arith.constant 0 : i32
          %dma_wait3A_204 = tpu.memref_slice %arg9[%run_scoped3A, %dma_wait3A_202, %dma_wait3A_203] : memref<4x64x128xf32, #tpu.memory_space<vmem>> -> memref<1x64x128xf32, #tpu.memory_space<vmem>>
          %dma_wait3A_205 = tpu.memref_squeeze %dma_wait3A_204 : memref<1x64x128xf32, #tpu.memory_space<vmem>> -> memref<64x128xf32, #tpu.memory_space<vmem>>
          %dma_wait3A_206 = arith.constant 0 : i32
          %dma_wait3A_207 = tpu.memref_slice %arg8[%add3A_148, %dma_wait3A_206] : memref<32x64xi32, #tpu.memory_space<vmem>> -> memref<1x64xi32, #tpu.memory_space<vmem>>
          %dma_wait3A_208 = tpu.memref_squeeze %dma_wait3A_207 : memref<1x64xi32, #tpu.memory_space<vmem>> -> memref<64xi32, #tpu.memory_space<vmem>>
          %dma_wait3A_209 = arith.constant 0 : i32
          %dma_wait3A_210 = arith.constant 0 : i32
          %dma_wait3A_211 = tpu.memref_slice %arg16[%dma_wait3A_209, %dma_wait3A_210] : memref<10240x128xf32, #tpu.memory_space<vmem_shared>> -> memref<10240x128xf32, #tpu.memory_space<vmem_shared>>
          tpu.wait_indirect_dma semaphore(%run_scoped3A_191 : memref<!tpu.dma_semaphore, #tpu.memory_space<semaphore_mem>>) src(%dma_wait3A_205 : memref<64x128xf32, #tpu.memory_space<vmem>>) dst(%dma_wait3A_211 : memref<10240x128xf32, #tpu.memory_space<vmem_shared>>)
          tpu.yield
        }) : () -> ()
        %dma_wait3A_149 = arith.constant 1 : i32
        %dma_wait3A_150 = arith.constant 0 : i32
        %dma_wait3A_151 = arith.constant 0 : i32
        %dma_wait3A_152 = tpu.memref_slice %arg9[%dma_wait3A_149, %dma_wait3A_150, %dma_wait3A_151] : memref<4x64x128xf32, #tpu.memory_space<vmem>> -> memref<1x64x128xf32, #tpu.memory_space<vmem>>
        %dma_wait3A_153 = tpu.memref_squeeze %dma_wait3A_152 : memref<1x64x128xf32, #tpu.memory_space<vmem>> -> memref<64x128xf32, #tpu.memory_space<vmem>>
        %dma_wait3A_154 = arith.constant 0 : i32
        %dma_wait3A_155 = tpu.memref_slice %arg7[%add3A_98, %dma_wait3A_154] : memref<32x64xi32, #tpu.memory_space<vmem>> -> memref<1x64xi32, #tpu.memory_space<vmem>>
        %dma_wait3A_156 = tpu.memref_squeeze %dma_wait3A_155 : memref<1x64xi32, #tpu.memory_space<vmem>> -> memref<64xi32, #tpu.memory_space<vmem>>
        %dma_wait3A_157 = arith.constant 0 : i32
        %dma_wait3A_158 = arith.constant 0 : i32
        %dma_wait3A_159 = tpu.memref_slice %arg4[%dma_wait3A_157, %dma_wait3A_158] : memref<10240x128xf32, #tpu.memory_space<hbm>> -> memref<10240x128xf32, #tpu.memory_space<hbm>>
        tpu.wait_indirect_dma semaphore(%arg11 : memref<!tpu.dma_semaphore, #tpu.memory_space<semaphore_mem>>) src(%dma_wait3A_159 : memref<10240x128xf32, #tpu.memory_space<hbm>>) dst(%dma_wait3A_153 : memref<64x128xf32, #tpu.memory_space<vmem>>)
        %add3A_160 = arith.constant 1 : i32
        %add3A_161 = arith.addi %mul3A_83, %add3A_160 : i32
        %run_scoped3A_162 = arith.constant 1 : i32
        "tpu.region"() ({
          %run_scoped3A_191 = tpu.sem_alloc : memref<!tpu.dma_semaphore, #tpu.memory_space<semaphore_mem>>
          %dma_start3A_192 = arith.constant 0 : i32
          %dma_start3A_193 = arith.constant 0 : i32
          %dma_start3A_194 = tpu.memref_slice %arg9[%run_scoped3A_162, %dma_start3A_192, %dma_start3A_193] : memref<4x64x128xf32, #tpu.memory_space<vmem>> -> memref<1x64x128xf32, #tpu.memory_space<vmem>>
          %dma_start3A_195 = tpu.memref_squeeze %dma_start3A_194 : memref<1x64x128xf32, #tpu.memory_space<vmem>> -> memref<64x128xf32, #tpu.memory_space<vmem>>
          %dma_start3A_196 = arith.constant 0 : i32
          %dma_start3A_197 = tpu.memref_slice %arg8[%add3A_161, %dma_start3A_196] : memref<32x64xi32, #tpu.memory_space<vmem>> -> memref<1x64xi32, #tpu.memory_space<vmem>>
          %dma_start3A_198 = tpu.memref_squeeze %dma_start3A_197 : memref<1x64xi32, #tpu.memory_space<vmem>> -> memref<64xi32, #tpu.memory_space<vmem>>
          %dma_start3A_199 = arith.constant 0 : i32
          %dma_start3A_200 = arith.constant 0 : i32
          %dma_start3A_201 = tpu.memref_slice %arg16[%dma_start3A_199, %dma_start3A_200] : memref<10240x128xf32, #tpu.memory_space<vmem_shared>> -> memref<10240x128xf32, #tpu.memory_space<vmem_shared>>
          tpu.enqueue_indirect_dma source(%dma_start3A_195 : memref<64x128xf32, #tpu.memory_space<vmem>>) target(%dma_start3A_201 : memref<10240x128xf32, #tpu.memory_space<vmem_shared>>) offsets(%dma_start3A_198 : memref<64xi32, #tpu.memory_space<vmem>>) semaphore(%run_scoped3A_191 : memref<!tpu.dma_semaphore, #tpu.memory_space<semaphore_mem>>) {add = true}
          %dma_wait3A_202 = arith.constant 0 : i32
          %dma_wait3A_203 = arith.constant 0 : i32
          %dma_wait3A_204 = tpu.memref_slice %arg9[%run_scoped3A_162, %dma_wait3A_202, %dma_wait3A_203] : memref<4x64x128xf32, #tpu.memory_space<vmem>> -> memref<1x64x128xf32, #tpu.memory_space<vmem>>
          %dma_wait3A_205 = tpu.memref_squeeze %dma_wait3A_204 : memref<1x64x128xf32, #tpu.memory_space<vmem>> -> memref<64x128xf32, #tpu.memory_space<vmem>>
          %dma_wait3A_206 = arith.constant 0 : i32
          %dma_wait3A_207 = tpu.memref_slice %arg8[%add3A_161, %dma_wait3A_206] : memref<32x64xi32, #tpu.memory_space<vmem>> -> memref<1x64xi32, #tpu.memory_space<vmem>>
          %dma_wait3A_208 = tpu.memref_squeeze %dma_wait3A_207 : memref<1x64xi32, #tpu.memory_space<vmem>> -> memref<64xi32, #tpu.memory_space<vmem>>
          %dma_wait3A_209 = arith.constant 0 : i32
          %dma_wait3A_210 = arith.constant 0 : i32
          %dma_wait3A_211 = tpu.memref_slice %arg16[%dma_wait3A_209, %dma_wait3A_210] : memref<10240x128xf32, #tpu.memory_space<vmem_shared>> -> memref<10240x128xf32, #tpu.memory_space<vmem_shared>>
          tpu.wait_indirect_dma semaphore(%run_scoped3A_191 : memref<!tpu.dma_semaphore, #tpu.memory_space<semaphore_mem>>) src(%dma_wait3A_205 : memref<64x128xf32, #tpu.memory_space<vmem>>) dst(%dma_wait3A_211 : memref<10240x128xf32, #tpu.memory_space<vmem_shared>>)
          tpu.yield
        }) : () -> ()
        %dma_wait3A_163 = arith.constant 2 : i32
        %dma_wait3A_164 = arith.constant 0 : i32
        %dma_wait3A_165 = arith.constant 0 : i32
        %dma_wait3A_166 = tpu.memref_slice %arg9[%dma_wait3A_163, %dma_wait3A_164, %dma_wait3A_165] : memref<4x64x128xf32, #tpu.memory_space<vmem>> -> memref<1x64x128xf32, #tpu.memory_space<vmem>>
        %dma_wait3A_167 = tpu.memref_squeeze %dma_wait3A_166 : memref<1x64x128xf32, #tpu.memory_space<vmem>> -> memref<64x128xf32, #tpu.memory_space<vmem>>
        %dma_wait3A_168 = arith.constant 0 : i32
        %dma_wait3A_169 = tpu.memref_slice %arg7[%add3A_111, %dma_wait3A_168] : memref<32x64xi32, #tpu.memory_space<vmem>> -> memref<1x64xi32, #tpu.memory_space<vmem>>
        %dma_wait3A_170 = tpu.memref_squeeze %dma_wait3A_169 : memref<1x64xi32, #tpu.memory_space<vmem>> -> memref<64xi32, #tpu.memory_space<vmem>>
        %dma_wait3A_171 = arith.constant 0 : i32
        %dma_wait3A_172 = arith.constant 0 : i32
        %dma_wait3A_173 = tpu.memref_slice %arg4[%dma_wait3A_171, %dma_wait3A_172] : memref<10240x128xf32, #tpu.memory_space<hbm>> -> memref<10240x128xf32, #tpu.memory_space<hbm>>
        tpu.wait_indirect_dma semaphore(%arg12 : memref<!tpu.dma_semaphore, #tpu.memory_space<semaphore_mem>>) src(%dma_wait3A_173 : memref<10240x128xf32, #tpu.memory_space<hbm>>) dst(%dma_wait3A_167 : memref<64x128xf32, #tpu.memory_space<vmem>>)
        %add3A_174 = arith.constant 2 : i32
        %add3A_175 = arith.addi %mul3A_83, %add3A_174 : i32
        %run_scoped3A_176 = arith.constant 2 : i32
        "tpu.region"() ({
          %run_scoped3A_191 = tpu.sem_alloc : memref<!tpu.dma_semaphore, #tpu.memory_space<semaphore_mem>>
          %dma_start3A_192 = arith.constant 0 : i32
          %dma_start3A_193 = arith.constant 0 : i32
          %dma_start3A_194 = tpu.memref_slice %arg9[%run_scoped3A_176, %dma_start3A_192, %dma_start3A_193] : memref<4x64x128xf32, #tpu.memory_space<vmem>> -> memref<1x64x128xf32, #tpu.memory_space<vmem>>
          %dma_start3A_195 = tpu.memref_squeeze %dma_start3A_194 : memref<1x64x128xf32, #tpu.memory_space<vmem>> -> memref<64x128xf32, #tpu.memory_space<vmem>>
          %dma_start3A_196 = arith.constant 0 : i32
          %dma_start3A_197 = tpu.memref_slice %arg8[%add3A_175, %dma_start3A_196] : memref<32x64xi32, #tpu.memory_space<vmem>> -> memref<1x64xi32, #tpu.memory_space<vmem>>
          %dma_start3A_198 = tpu.memref_squeeze %dma_start3A_197 : memref<1x64xi32, #tpu.memory_space<vmem>> -> memref<64xi32, #tpu.memory_space<vmem>>
          %dma_start3A_199 = arith.constant 0 : i32
          %dma_start3A_200 = arith.constant 0 : i32
          %dma_start3A_201 = tpu.memref_slice %arg16[%dma_start3A_199, %dma_start3A_200] : memref<10240x128xf32, #tpu.memory_space<vmem_shared>> -> memref<10240x128xf32, #tpu.memory_space<vmem_shared>>
          tpu.enqueue_indirect_dma source(%dma_start3A_195 : memref<64x128xf32, #tpu.memory_space<vmem>>) target(%dma_start3A_201 : memref<10240x128xf32, #tpu.memory_space<vmem_shared>>) offsets(%dma_start3A_198 : memref<64xi32, #tpu.memory_space<vmem>>) semaphore(%run_scoped3A_191 : memref<!tpu.dma_semaphore, #tpu.memory_space<semaphore_mem>>) {add = true}
          %dma_wait3A_202 = arith.constant 0 : i32
          %dma_wait3A_203 = arith.constant 0 : i32
          %dma_wait3A_204 = tpu.memref_slice %arg9[%run_scoped3A_176, %dma_wait3A_202, %dma_wait3A_203] : memref<4x64x128xf32, #tpu.memory_space<vmem>> -> memref<1x64x128xf32, #tpu.memory_space<vmem>>
          %dma_wait3A_205 = tpu.memref_squeeze %dma_wait3A_204 : memref<1x64x128xf32, #tpu.memory_space<vmem>> -> memref<64x128xf32, #tpu.memory_space<vmem>>
          %dma_wait3A_206 = arith.constant 0 : i32
          %dma_wait3A_207 = tpu.memref_slice %arg8[%add3A_175, %dma_wait3A_206] : memref<32x64xi32, #tpu.memory_space<vmem>> -> memref<1x64xi32, #tpu.memory_space<vmem>>
          %dma_wait3A_208 = tpu.memref_squeeze %dma_wait3A_207 : memref<1x64xi32, #tpu.memory_space<vmem>> -> memref<64xi32, #tpu.memory_space<vmem>>
          %dma_wait3A_209 = arith.constant 0 : i32
          %dma_wait3A_210 = arith.constant 0 : i32
          %dma_wait3A_211 = tpu.memref_slice %arg16[%dma_wait3A_209, %dma_wait3A_210] : memref<10240x128xf32, #tpu.memory_space<vmem_shared>> -> memref<10240x128xf32, #tpu.memory_space<vmem_shared>>
          tpu.wait_indirect_dma semaphore(%run_scoped3A_191 : memref<!tpu.dma_semaphore, #tpu.memory_space<semaphore_mem>>) src(%dma_wait3A_205 : memref<64x128xf32, #tpu.memory_space<vmem>>) dst(%dma_wait3A_211 : memref<10240x128xf32, #tpu.memory_space<vmem_shared>>)
          tpu.yield
        }) : () -> ()
        %dma_wait3A_177 = arith.constant 3 : i32
        %dma_wait3A_178 = arith.constant 0 : i32
        %dma_wait3A_179 = arith.constant 0 : i32
        %dma_wait3A_180 = tpu.memref_slice %arg9[%dma_wait3A_177, %dma_wait3A_178, %dma_wait3A_179] : memref<4x64x128xf32, #tpu.memory_space<vmem>> -> memref<1x64x128xf32, #tpu.memory_space<vmem>>
        %dma_wait3A_181 = tpu.memref_squeeze %dma_wait3A_180 : memref<1x64x128xf32, #tpu.memory_space<vmem>> -> memref<64x128xf32, #tpu.memory_space<vmem>>
        %dma_wait3A_182 = arith.constant 0 : i32
        %dma_wait3A_183 = tpu.memref_slice %arg7[%add3A_124, %dma_wait3A_182] : memref<32x64xi32, #tpu.memory_space<vmem>> -> memref<1x64xi32, #tpu.memory_space<vmem>>
        %dma_wait3A_184 = tpu.memref_squeeze %dma_wait3A_183 : memref<1x64xi32, #tpu.memory_space<vmem>> -> memref<64xi32, #tpu.memory_space<vmem>>
        %dma_wait3A_185 = arith.constant 0 : i32
        %dma_wait3A_186 = arith.constant 0 : i32
        %dma_wait3A_187 = tpu.memref_slice %arg4[%dma_wait3A_185, %dma_wait3A_186] : memref<10240x128xf32, #tpu.memory_space<hbm>> -> memref<10240x128xf32, #tpu.memory_space<hbm>>
        tpu.wait_indirect_dma semaphore(%arg13 : memref<!tpu.dma_semaphore, #tpu.memory_space<semaphore_mem>>) src(%dma_wait3A_187 : memref<10240x128xf32, #tpu.memory_space<hbm>>) dst(%dma_wait3A_181 : memref<64x128xf32, #tpu.memory_space<vmem>>)
        %add3A_188 = arith.constant 3 : i32
        %add3A_189 = arith.addi %mul3A_83, %add3A_188 : i32
        %run_scoped3A_190 = arith.constant 3 : i32
        "tpu.region"() ({
          %run_scoped3A_191 = tpu.sem_alloc : memref<!tpu.dma_semaphore, #tpu.memory_space<semaphore_mem>>
          %dma_start3A_192 = arith.constant 0 : i32
          %dma_start3A_193 = arith.constant 0 : i32
          %dma_start3A_194 = tpu.memref_slice %arg9[%run_scoped3A_190, %dma_start3A_192, %dma_start3A_193] : memref<4x64x128xf32, #tpu.memory_space<vmem>> -> memref<1x64x128xf32, #tpu.memory_space<vmem>>
          %dma_start3A_195 = tpu.memref_squeeze %dma_start3A_194 : memref<1x64x128xf32, #tpu.memory_space<vmem>> -> memref<64x128xf32, #tpu.memory_space<vmem>>
          %dma_start3A_196 = arith.constant 0 : i32
          %dma_start3A_197 = tpu.memref_slice %arg8[%add3A_189, %dma_start3A_196] : memref<32x64xi32, #tpu.memory_space<vmem>> -> memref<1x64xi32, #tpu.memory_space<vmem>>
          %dma_start3A_198 = tpu.memref_squeeze %dma_start3A_197 : memref<1x64xi32, #tpu.memory_space<vmem>> -> memref<64xi32, #tpu.memory_space<vmem>>
          %dma_start3A_199 = arith.constant 0 : i32
          %dma_start3A_200 = arith.constant 0 : i32
          %dma_start3A_201 = tpu.memref_slice %arg16[%dma_start3A_199, %dma_start3A_200] : memref<10240x128xf32, #tpu.memory_space<vmem_shared>> -> memref<10240x128xf32, #tpu.memory_space<vmem_shared>>
          tpu.enqueue_indirect_dma source(%dma_start3A_195 : memref<64x128xf32, #tpu.memory_space<vmem>>) target(%dma_start3A_201 : memref<10240x128xf32, #tpu.memory_space<vmem_shared>>) offsets(%dma_start3A_198 : memref<64xi32, #tpu.memory_space<vmem>>) semaphore(%run_scoped3A_191 : memref<!tpu.dma_semaphore, #tpu.memory_space<semaphore_mem>>) {add = true}
          %dma_wait3A_202 = arith.constant 0 : i32
          %dma_wait3A_203 = arith.constant 0 : i32
          %dma_wait3A_204 = tpu.memref_slice %arg9[%run_scoped3A_190, %dma_wait3A_202, %dma_wait3A_203] : memref<4x64x128xf32, #tpu.memory_space<vmem>> -> memref<1x64x128xf32, #tpu.memory_space<vmem>>
          %dma_wait3A_205 = tpu.memref_squeeze %dma_wait3A_204 : memref<1x64x128xf32, #tpu.memory_space<vmem>> -> memref<64x128xf32, #tpu.memory_space<vmem>>
          %dma_wait3A_206 = arith.constant 0 : i32
          %dma_wait3A_207 = tpu.memref_slice %arg8[%add3A_189, %dma_wait3A_206] : memref<32x64xi32, #tpu.memory_space<vmem>> -> memref<1x64xi32, #tpu.memory_space<vmem>>
          %dma_wait3A_208 = tpu.memref_squeeze %dma_wait3A_207 : memref<1x64xi32, #tpu.memory_space<vmem>> -> memref<64xi32, #tpu.memory_space<vmem>>
          %dma_wait3A_209 = arith.constant 0 : i32
          %dma_wait3A_210 = arith.constant 0 : i32
          %dma_wait3A_211 = tpu.memref_slice %arg16[%dma_wait3A_209, %dma_wait3A_210] : memref<10240x128xf32, #tpu.memory_space<vmem_shared>> -> memref<10240x128xf32, #tpu.memory_space<vmem_shared>>
          tpu.wait_indirect_dma semaphore(%run_scoped3A_191 : memref<!tpu.dma_semaphore, #tpu.memory_space<semaphore_mem>>) src(%dma_wait3A_205 : memref<64x128xf32, #tpu.memory_space<vmem>>) dst(%dma_wait3A_211 : memref<10240x128xf32, #tpu.memory_space<vmem_shared>>)
          tpu.yield
        }) : () -> ()
      }
      %scan3A_80 = arith.constant 8 : i32
    } else {
    }
    %gt3A_18 = arith.constant 2 : i32
    %gt3A_19 = arith.cmpi sgt, %select_n3A, %gt3A_18 : i32
    %convert_element_type3A_20 = arith.extui %gt3A_19 : i1 to i32
    %cond3A_21 = arith.constant 0 : i32
    %cond3A_22 = arith.cmpi ne, %convert_element_type3A_20, %cond3A_21 : i32
    scf.if %cond3A_22 {
      %add3A_58 = arith.constant 2 : i32
      %add3A_59 = arith.addi %select_n3A_10, %add3A_58 : i32
      %mul3A_60 = arith.constant 32 : i32
      %mul3A_61 = arith.muli %add3A_59, %mul3A_60 : i32
      %dma_start3A = arith.constant 0 : i32
      %dma_start3A_62 = tpu.memref_slice %arg2[%mul3A_61, %dma_start3A] : memref<5120x64xi32, #tpu.memory_space<hbm>> -> memref<32x64xi32, #tpu.memory_space<hbm>>
      %dma_start3A_63 = arith.constant 0 : i32
      %dma_start3A_64 = tpu.memref_slice %arg2[%mul3A_61, %dma_start3A_63] : memref<5120x64xi32, #tpu.memory_space<hbm>> -> memref<32x64xi32, #tpu.memory_space<hbm>>
      tpu.enqueue_dma source(%dma_start3A_64 : memref<32x64xi32, #tpu.memory_space<hbm>>) target(%arg7 : memref<32x64xi32, #tpu.memory_space<vmem>>) target_semaphore(%arg14 : memref<!tpu.dma_semaphore, #tpu.memory_space<semaphore_mem>>)
      %dma_start3A_65 = arith.constant 0 : i32
      %dma_start3A_66 = tpu.memref_slice %arg3[%mul3A_61, %dma_start3A_65] : memref<5120x64xi32, #tpu.memory_space<hbm>> -> memref<32x64xi32, #tpu.memory_space<hbm>>
      %dma_start3A_67 = arith.constant 0 : i32
      %dma_start3A_68 = tpu.memref_slice %arg3[%mul3A_61, %dma_start3A_67] : memref<5120x64xi32, #tpu.memory_space<hbm>> -> memref<32x64xi32, #tpu.memory_space<hbm>>
      tpu.enqueue_dma source(%dma_start3A_68 : memref<32x64xi32, #tpu.memory_space<hbm>>) target(%arg8 : memref<32x64xi32, #tpu.memory_space<vmem>>) target_semaphore(%arg15 : memref<!tpu.dma_semaphore, #tpu.memory_space<semaphore_mem>>)
      %dma_wait3A = arith.constant 0 : i32
      %dma_wait3A_69 = tpu.memref_slice %arg2[%mul3A_61, %dma_wait3A] : memref<5120x64xi32, #tpu.memory_space<hbm>> -> memref<32x64xi32, #tpu.memory_space<hbm>>
      %dma_wait3A_70 = arith.constant 0 : i32
      %dma_wait3A_71 = tpu.memref_slice %arg2[%mul3A_61, %dma_wait3A_70] : memref<5120x64xi32, #tpu.memory_space<hbm>> -> memref<32x64xi32, #tpu.memory_space<hbm>>
      tpu.wait_dma2 semaphore(%arg14 : memref<!tpu.dma_semaphore, #tpu.memory_space<semaphore_mem>>) src(%dma_wait3A_71 : memref<32x64xi32, #tpu.memory_space<hbm>>) dst(%arg7 : memref<32x64xi32, #tpu.memory_space<vmem>>)
      %dma_wait3A_72 = arith.constant 0 : i32
      %dma_wait3A_73 = tpu.memref_slice %arg3[%mul3A_61, %dma_wait3A_72] : memref<5120x64xi32, #tpu.memory_space<hbm>> -> memref<32x64xi32, #tpu.memory_space<hbm>>
      %dma_wait3A_74 = arith.constant 0 : i32
      %dma_wait3A_75 = tpu.memref_slice %arg3[%mul3A_61, %dma_wait3A_74] : memref<5120x64xi32, #tpu.memory_space<hbm>> -> memref<32x64xi32, #tpu.memory_space<hbm>>
      tpu.wait_dma2 semaphore(%arg15 : memref<!tpu.dma_semaphore, #tpu.memory_space<semaphore_mem>>) src(%dma_wait3A_75 : memref<32x64xi32, #tpu.memory_space<hbm>>) dst(%arg8 : memref<32x64xi32, #tpu.memory_space<vmem>>)
      %scan3A = arith.constant 0 : i32
      %scan3A_76 = arith.constant 0 : i32
      %scan3A_77 = arith.constant 8 : i32
      %scan3A_78 = arith.addi %scan3A_76, %scan3A_77 : i32
      %scan3A_79 = arith.constant 1 : i32
      scf.for %scan3A_81 = %scan3A_76 to %scan3A_78 step %scan3A_79  : i32 {
        %mul3A_82 = arith.constant 4 : i32
        %mul3A_83 = arith.muli %scan3A_81, %mul3A_82 : i32
        %add3A_84 = arith.constant 0 : i32
        %add3A_85 = arith.addi %mul3A_83, %add3A_84 : i32
        %dma_start3A_86 = arith.constant 0 : i32
        %dma_start3A_87 = arith.constant 0 : i32
        %dma_start3A_88 = arith.constant 0 : i32
        %dma_start3A_89 = tpu.memref_slice %arg9[%dma_start3A_86, %dma_start3A_87, %dma_start3A_88] : memref<4x64x128xf32, #tpu.memory_space<vmem>> -> memref<1x64x128xf32, #tpu.memory_space<vmem>>
        %dma_start3A_90 = tpu.memref_squeeze %dma_start3A_89 : memref<1x64x128xf32, #tpu.memory_space<vmem>> -> memref<64x128xf32, #tpu.memory_space<vmem>>
        %dma_start3A_91 = arith.constant 0 : i32
        %dma_start3A_92 = tpu.memref_slice %arg7[%add3A_85, %dma_start3A_91] : memref<32x64xi32, #tpu.memory_space<vmem>> -> memref<1x64xi32, #tpu.memory_space<vmem>>
        %dma_start3A_93 = tpu.memref_squeeze %dma_start3A_92 : memref<1x64xi32, #tpu.memory_space<vmem>> -> memref<64xi32, #tpu.memory_space<vmem>>
        %dma_start3A_94 = arith.constant 0 : i32
        %dma_start3A_95 = arith.constant 0 : i32
        %dma_start3A_96 = tpu.memref_slice %arg4[%dma_start3A_94, %dma_start3A_95] : memref<10240x128xf32, #tpu.memory_space<hbm>> -> memref<10240x128xf32, #tpu.memory_space<hbm>>
        tpu.enqueue_indirect_dma source(%dma_start3A_96 : memref<10240x128xf32, #tpu.memory_space<hbm>>) target(%dma_start3A_90 : memref<64x128xf32, #tpu.memory_space<vmem>>) offsets(%dma_start3A_93 : memref<64xi32, #tpu.memory_space<vmem>>) semaphore(%arg10 : memref<!tpu.dma_semaphore, #tpu.memory_space<semaphore_mem>>)
        %add3A_97 = arith.constant 1 : i32
        %add3A_98 = arith.addi %mul3A_83, %add3A_97 : i32
        %dma_start3A_99 = arith.constant 1 : i32
        %dma_start3A_100 = arith.constant 0 : i32
        %dma_start3A_101 = arith.constant 0 : i32
        %dma_start3A_102 = tpu.memref_slice %arg9[%dma_start3A_99, %dma_start3A_100, %dma_start3A_101] : memref<4x64x128xf32, #tpu.memory_space<vmem>> -> memref<1x64x128xf32, #tpu.memory_space<vmem>>
        %dma_start3A_103 = tpu.memref_squeeze %dma_start3A_102 : memref<1x64x128xf32, #tpu.memory_space<vmem>> -> memref<64x128xf32, #tpu.memory_space<vmem>>
        %dma_start3A_104 = arith.constant 0 : i32
        %dma_start3A_105 = tpu.memref_slice %arg7[%add3A_98, %dma_start3A_104] : memref<32x64xi32, #tpu.memory_space<vmem>> -> memref<1x64xi32, #tpu.memory_space<vmem>>
        %dma_start3A_106 = tpu.memref_squeeze %dma_start3A_105 : memref<1x64xi32, #tpu.memory_space<vmem>> -> memref<64xi32, #tpu.memory_space<vmem>>
        %dma_start3A_107 = arith.constant 0 : i32
        %dma_start3A_108 = arith.constant 0 : i32
        %dma_start3A_109 = tpu.memref_slice %arg4[%dma_start3A_107, %dma_start3A_108] : memref<10240x128xf32, #tpu.memory_space<hbm>> -> memref<10240x128xf32, #tpu.memory_space<hbm>>
        tpu.enqueue_indirect_dma source(%dma_start3A_109 : memref<10240x128xf32, #tpu.memory_space<hbm>>) target(%dma_start3A_103 : memref<64x128xf32, #tpu.memory_space<vmem>>) offsets(%dma_start3A_106 : memref<64xi32, #tpu.memory_space<vmem>>) semaphore(%arg11 : memref<!tpu.dma_semaphore, #tpu.memory_space<semaphore_mem>>)
        %add3A_110 = arith.constant 2 : i32
        %add3A_111 = arith.addi %mul3A_83, %add3A_110 : i32
        %dma_start3A_112 = arith.constant 2 : i32
        %dma_start3A_113 = arith.constant 0 : i32
        %dma_start3A_114 = arith.constant 0 : i32
        %dma_start3A_115 = tpu.memref_slice %arg9[%dma_start3A_112, %dma_start3A_113, %dma_start3A_114] : memref<4x64x128xf32, #tpu.memory_space<vmem>> -> memref<1x64x128xf32, #tpu.memory_space<vmem>>
        %dma_start3A_116 = tpu.memref_squeeze %dma_start3A_115 : memref<1x64x128xf32, #tpu.memory_space<vmem>> -> memref<64x128xf32, #tpu.memory_space<vmem>>
        %dma_start3A_117 = arith.constant 0 : i32
        %dma_start3A_118 = tpu.memref_slice %arg7[%add3A_111, %dma_start3A_117] : memref<32x64xi32, #tpu.memory_space<vmem>> -> memref<1x64xi32, #tpu.memory_space<vmem>>
        %dma_start3A_119 = tpu.memref_squeeze %dma_start3A_118 : memref<1x64xi32, #tpu.memory_space<vmem>> -> memref<64xi32, #tpu.memory_space<vmem>>
        %dma_start3A_120 = arith.constant 0 : i32
        %dma_start3A_121 = arith.constant 0 : i32
        %dma_start3A_122 = tpu.memref_slice %arg4[%dma_start3A_120, %dma_start3A_121] : memref<10240x128xf32, #tpu.memory_space<hbm>> -> memref<10240x128xf32, #tpu.memory_space<hbm>>
        tpu.enqueue_indirect_dma source(%dma_start3A_122 : memref<10240x128xf32, #tpu.memory_space<hbm>>) target(%dma_start3A_116 : memref<64x128xf32, #tpu.memory_space<vmem>>) offsets(%dma_start3A_119 : memref<64xi32, #tpu.memory_space<vmem>>) semaphore(%arg12 : memref<!tpu.dma_semaphore, #tpu.memory_space<semaphore_mem>>)
        %add3A_123 = arith.constant 3 : i32
        %add3A_124 = arith.addi %mul3A_83, %add3A_123 : i32
        %dma_start3A_125 = arith.constant 3 : i32
        %dma_start3A_126 = arith.constant 0 : i32
        %dma_start3A_127 = arith.constant 0 : i32
        %dma_start3A_128 = tpu.memref_slice %arg9[%dma_start3A_125, %dma_start3A_126, %dma_start3A_127] : memref<4x64x128xf32, #tpu.memory_space<vmem>> -> memref<1x64x128xf32, #tpu.memory_space<vmem>>
        %dma_start3A_129 = tpu.memref_squeeze %dma_start3A_128 : memref<1x64x128xf32, #tpu.memory_space<vmem>> -> memref<64x128xf32, #tpu.memory_space<vmem>>
        %dma_start3A_130 = arith.constant 0 : i32
        %dma_start3A_131 = tpu.memref_slice %arg7[%add3A_124, %dma_start3A_130] : memref<32x64xi32, #tpu.memory_space<vmem>> -> memref<1x64xi32, #tpu.memory_space<vmem>>
        %dma_start3A_132 = tpu.memref_squeeze %dma_start3A_131 : memref<1x64xi32, #tpu.memory_space<vmem>> -> memref<64xi32, #tpu.memory_space<vmem>>
        %dma_start3A_133 = arith.constant 0 : i32
        %dma_start3A_134 = arith.constant 0 : i32
        %dma_start3A_135 = tpu.memref_slice %arg4[%dma_start3A_133, %dma_start3A_134] : memref<10240x128xf32, #tpu.memory_space<hbm>> -> memref<10240x128xf32, #tpu.memory_space<hbm>>
        tpu.enqueue_indirect_dma source(%dma_start3A_135 : memref<10240x128xf32, #tpu.memory_space<hbm>>) target(%dma_start3A_129 : memref<64x128xf32, #tpu.memory_space<vmem>>) offsets(%dma_start3A_132 : memref<64xi32, #tpu.memory_space<vmem>>) semaphore(%arg13 : memref<!tpu.dma_semaphore, #tpu.memory_space<semaphore_mem>>)
        %dma_wait3A_136 = arith.constant 0 : i32
        %dma_wait3A_137 = arith.constant 0 : i32
        %dma_wait3A_138 = arith.constant 0 : i32
        %dma_wait3A_139 = tpu.memref_slice %arg9[%dma_wait3A_136, %dma_wait3A_137, %dma_wait3A_138] : memref<4x64x128xf32, #tpu.memory_space<vmem>> -> memref<1x64x128xf32, #tpu.memory_space<vmem>>
        %dma_wait3A_140 = tpu.memref_squeeze %dma_wait3A_139 : memref<1x64x128xf32, #tpu.memory_space<vmem>> -> memref<64x128xf32, #tpu.memory_space<vmem>>
        %dma_wait3A_141 = arith.constant 0 : i32
        %dma_wait3A_142 = tpu.memref_slice %arg7[%add3A_85, %dma_wait3A_141] : memref<32x64xi32, #tpu.memory_space<vmem>> -> memref<1x64xi32, #tpu.memory_space<vmem>>
        %dma_wait3A_143 = tpu.memref_squeeze %dma_wait3A_142 : memref<1x64xi32, #tpu.memory_space<vmem>> -> memref<64xi32, #tpu.memory_space<vmem>>
        %dma_wait3A_144 = arith.constant 0 : i32
        %dma_wait3A_145 = arith.constant 0 : i32
        %dma_wait3A_146 = tpu.memref_slice %arg4[%dma_wait3A_144, %dma_wait3A_145] : memref<10240x128xf32, #tpu.memory_space<hbm>> -> memref<10240x128xf32, #tpu.memory_space<hbm>>
        tpu.wait_indirect_dma semaphore(%arg10 : memref<!tpu.dma_semaphore, #tpu.memory_space<semaphore_mem>>) src(%dma_wait3A_146 : memref<10240x128xf32, #tpu.memory_space<hbm>>) dst(%dma_wait3A_140 : memref<64x128xf32, #tpu.memory_space<vmem>>)
        %add3A_147 = arith.constant 0 : i32
        %add3A_148 = arith.addi %mul3A_83, %add3A_147 : i32
        %run_scoped3A = arith.constant 0 : i32
        "tpu.region"() ({
          %run_scoped3A_191 = tpu.sem_alloc : memref<!tpu.dma_semaphore, #tpu.memory_space<semaphore_mem>>
          %dma_start3A_192 = arith.constant 0 : i32
          %dma_start3A_193 = arith.constant 0 : i32
          %dma_start3A_194 = tpu.memref_slice %arg9[%run_scoped3A, %dma_start3A_192, %dma_start3A_193] : memref<4x64x128xf32, #tpu.memory_space<vmem>> -> memref<1x64x128xf32, #tpu.memory_space<vmem>>
          %dma_start3A_195 = tpu.memref_squeeze %dma_start3A_194 : memref<1x64x128xf32, #tpu.memory_space<vmem>> -> memref<64x128xf32, #tpu.memory_space<vmem>>
          %dma_start3A_196 = arith.constant 0 : i32
          %dma_start3A_197 = tpu.memref_slice %arg8[%add3A_148, %dma_start3A_196] : memref<32x64xi32, #tpu.memory_space<vmem>> -> memref<1x64xi32, #tpu.memory_space<vmem>>
          %dma_start3A_198 = tpu.memref_squeeze %dma_start3A_197 : memref<1x64xi32, #tpu.memory_space<vmem>> -> memref<64xi32, #tpu.memory_space<vmem>>
          %dma_start3A_199 = arith.constant 0 : i32
          %dma_start3A_200 = arith.constant 0 : i32
          %dma_start3A_201 = tpu.memref_slice %arg16[%dma_start3A_199, %dma_start3A_200] : memref<10240x128xf32, #tpu.memory_space<vmem_shared>> -> memref<10240x128xf32, #tpu.memory_space<vmem_shared>>
          tpu.enqueue_indirect_dma source(%dma_start3A_195 : memref<64x128xf32, #tpu.memory_space<vmem>>) target(%dma_start3A_201 : memref<10240x128xf32, #tpu.memory_space<vmem_shared>>) offsets(%dma_start3A_198 : memref<64xi32, #tpu.memory_space<vmem>>) semaphore(%run_scoped3A_191 : memref<!tpu.dma_semaphore, #tpu.memory_space<semaphore_mem>>) {add = true}
          %dma_wait3A_202 = arith.constant 0 : i32
          %dma_wait3A_203 = arith.constant 0 : i32
          %dma_wait3A_204 = tpu.memref_slice %arg9[%run_scoped3A, %dma_wait3A_202, %dma_wait3A_203] : memref<4x64x128xf32, #tpu.memory_space<vmem>> -> memref<1x64x128xf32, #tpu.memory_space<vmem>>
          %dma_wait3A_205 = tpu.memref_squeeze %dma_wait3A_204 : memref<1x64x128xf32, #tpu.memory_space<vmem>> -> memref<64x128xf32, #tpu.memory_space<vmem>>
          %dma_wait3A_206 = arith.constant 0 : i32
          %dma_wait3A_207 = tpu.memref_slice %arg8[%add3A_148, %dma_wait3A_206] : memref<32x64xi32, #tpu.memory_space<vmem>> -> memref<1x64xi32, #tpu.memory_space<vmem>>
          %dma_wait3A_208 = tpu.memref_squeeze %dma_wait3A_207 : memref<1x64xi32, #tpu.memory_space<vmem>> -> memref<64xi32, #tpu.memory_space<vmem>>
          %dma_wait3A_209 = arith.constant 0 : i32
          %dma_wait3A_210 = arith.constant 0 : i32
          %dma_wait3A_211 = tpu.memref_slice %arg16[%dma_wait3A_209, %dma_wait3A_210] : memref<10240x128xf32, #tpu.memory_space<vmem_shared>> -> memref<10240x128xf32, #tpu.memory_space<vmem_shared>>
          tpu.wait_indirect_dma semaphore(%run_scoped3A_191 : memref<!tpu.dma_semaphore, #tpu.memory_space<semaphore_mem>>) src(%dma_wait3A_205 : memref<64x128xf32, #tpu.memory_space<vmem>>) dst(%dma_wait3A_211 : memref<10240x128xf32, #tpu.memory_space<vmem_shared>>)
          tpu.yield
        }) : () -> ()
        %dma_wait3A_149 = arith.constant 1 : i32
        %dma_wait3A_150 = arith.constant 0 : i32
        %dma_wait3A_151 = arith.constant 0 : i32
        %dma_wait3A_152 = tpu.memref_slice %arg9[%dma_wait3A_149, %dma_wait3A_150, %dma_wait3A_151] : memref<4x64x128xf32, #tpu.memory_space<vmem>> -> memref<1x64x128xf32, #tpu.memory_space<vmem>>
        %dma_wait3A_153 = tpu.memref_squeeze %dma_wait3A_152 : memref<1x64x128xf32, #tpu.memory_space<vmem>> -> memref<64x128xf32, #tpu.memory_space<vmem>>
        %dma_wait3A_154 = arith.constant 0 : i32
        %dma_wait3A_155 = tpu.memref_slice %arg7[%add3A_98, %dma_wait3A_154] : memref<32x64xi32, #tpu.memory_space<vmem>> -> memref<1x64xi32, #tpu.memory_space<vmem>>
        %dma_wait3A_156 = tpu.memref_squeeze %dma_wait3A_155 : memref<1x64xi32, #tpu.memory_space<vmem>> -> memref<64xi32, #tpu.memory_space<vmem>>
        %dma_wait3A_157 = arith.constant 0 : i32
        %dma_wait3A_158 = arith.constant 0 : i32
        %dma_wait3A_159 = tpu.memref_slice %arg4[%dma_wait3A_157, %dma_wait3A_158] : memref<10240x128xf32, #tpu.memory_space<hbm>> -> memref<10240x128xf32, #tpu.memory_space<hbm>>
        tpu.wait_indirect_dma semaphore(%arg11 : memref<!tpu.dma_semaphore, #tpu.memory_space<semaphore_mem>>) src(%dma_wait3A_159 : memref<10240x128xf32, #tpu.memory_space<hbm>>) dst(%dma_wait3A_153 : memref<64x128xf32, #tpu.memory_space<vmem>>)
        %add3A_160 = arith.constant 1 : i32
        %add3A_161 = arith.addi %mul3A_83, %add3A_160 : i32
        %run_scoped3A_162 = arith.constant 1 : i32
        "tpu.region"() ({
          %run_scoped3A_191 = tpu.sem_alloc : memref<!tpu.dma_semaphore, #tpu.memory_space<semaphore_mem>>
          %dma_start3A_192 = arith.constant 0 : i32
          %dma_start3A_193 = arith.constant 0 : i32
          %dma_start3A_194 = tpu.memref_slice %arg9[%run_scoped3A_162, %dma_start3A_192, %dma_start3A_193] : memref<4x64x128xf32, #tpu.memory_space<vmem>> -> memref<1x64x128xf32, #tpu.memory_space<vmem>>
          %dma_start3A_195 = tpu.memref_squeeze %dma_start3A_194 : memref<1x64x128xf32, #tpu.memory_space<vmem>> -> memref<64x128xf32, #tpu.memory_space<vmem>>
          %dma_start3A_196 = arith.constant 0 : i32
          %dma_start3A_197 = tpu.memref_slice %arg8[%add3A_161, %dma_start3A_196] : memref<32x64xi32, #tpu.memory_space<vmem>> -> memref<1x64xi32, #tpu.memory_space<vmem>>
          %dma_start3A_198 = tpu.memref_squeeze %dma_start3A_197 : memref<1x64xi32, #tpu.memory_space<vmem>> -> memref<64xi32, #tpu.memory_space<vmem>>
          %dma_start3A_199 = arith.constant 0 : i32
          %dma_start3A_200 = arith.constant 0 : i32
          %dma_start3A_201 = tpu.memref_slice %arg16[%dma_start3A_199, %dma_start3A_200] : memref<10240x128xf32, #tpu.memory_space<vmem_shared>> -> memref<10240x128xf32, #tpu.memory_space<vmem_shared>>
          tpu.enqueue_indirect_dma source(%dma_start3A_195 : memref<64x128xf32, #tpu.memory_space<vmem>>) target(%dma_start3A_201 : memref<10240x128xf32, #tpu.memory_space<vmem_shared>>) offsets(%dma_start3A_198 : memref<64xi32, #tpu.memory_space<vmem>>) semaphore(%run_scoped3A_191 : memref<!tpu.dma_semaphore, #tpu.memory_space<semaphore_mem>>) {add = true}
          %dma_wait3A_202 = arith.constant 0 : i32
          %dma_wait3A_203 = arith.constant 0 : i32
          %dma_wait3A_204 = tpu.memref_slice %arg9[%run_scoped3A_162, %dma_wait3A_202, %dma_wait3A_203] : memref<4x64x128xf32, #tpu.memory_space<vmem>> -> memref<1x64x128xf32, #tpu.memory_space<vmem>>
          %dma_wait3A_205 = tpu.memref_squeeze %dma_wait3A_204 : memref<1x64x128xf32, #tpu.memory_space<vmem>> -> memref<64x128xf32, #tpu.memory_space<vmem>>
          %dma_wait3A_206 = arith.constant 0 : i32
          %dma_wait3A_207 = tpu.memref_slice %arg8[%add3A_161, %dma_wait3A_206] : memref<32x64xi32, #tpu.memory_space<vmem>> -> memref<1x64xi32, #tpu.memory_space<vmem>>
          %dma_wait3A_208 = tpu.memref_squeeze %dma_wait3A_207 : memref<1x64xi32, #tpu.memory_space<vmem>> -> memref<64xi32, #tpu.memory_space<vmem>>
          %dma_wait3A_209 = arith.constant 0 : i32
          %dma_wait3A_210 = arith.constant 0 : i32
          %dma_wait3A_211 = tpu.memref_slice %arg16[%dma_wait3A_209, %dma_wait3A_210] : memref<10240x128xf32, #tpu.memory_space<vmem_shared>> -> memref<10240x128xf32, #tpu.memory_space<vmem_shared>>
          tpu.wait_indirect_dma semaphore(%run_scoped3A_191 : memref<!tpu.dma_semaphore, #tpu.memory_space<semaphore_mem>>) src(%dma_wait3A_205 : memref<64x128xf32, #tpu.memory_space<vmem>>) dst(%dma_wait3A_211 : memref<10240x128xf32, #tpu.memory_space<vmem_shared>>)
          tpu.yield
        }) : () -> ()
        %dma_wait3A_163 = arith.constant 2 : i32
        %dma_wait3A_164 = arith.constant 0 : i32
        %dma_wait3A_165 = arith.constant 0 : i32
        %dma_wait3A_166 = tpu.memref_slice %arg9[%dma_wait3A_163, %dma_wait3A_164, %dma_wait3A_165] : memref<4x64x128xf32, #tpu.memory_space<vmem>> -> memref<1x64x128xf32, #tpu.memory_space<vmem>>
        %dma_wait3A_167 = tpu.memref_squeeze %dma_wait3A_166 : memref<1x64x128xf32, #tpu.memory_space<vmem>> -> memref<64x128xf32, #tpu.memory_space<vmem>>
        %dma_wait3A_168 = arith.constant 0 : i32
        %dma_wait3A_169 = tpu.memref_slice %arg7[%add3A_111, %dma_wait3A_168] : memref<32x64xi32, #tpu.memory_space<vmem>> -> memref<1x64xi32, #tpu.memory_space<vmem>>
        %dma_wait3A_170 = tpu.memref_squeeze %dma_wait3A_169 : memref<1x64xi32, #tpu.memory_space<vmem>> -> memref<64xi32, #tpu.memory_space<vmem>>
        %dma_wait3A_171 = arith.constant 0 : i32
        %dma_wait3A_172 = arith.constant 0 : i32
        %dma_wait3A_173 = tpu.memref_slice %arg4[%dma_wait3A_171, %dma_wait3A_172] : memref<10240x128xf32, #tpu.memory_space<hbm>> -> memref<10240x128xf32, #tpu.memory_space<hbm>>
        tpu.wait_indirect_dma semaphore(%arg12 : memref<!tpu.dma_semaphore, #tpu.memory_space<semaphore_mem>>) src(%dma_wait3A_173 : memref<10240x128xf32, #tpu.memory_space<hbm>>) dst(%dma_wait3A_167 : memref<64x128xf32, #tpu.memory_space<vmem>>)
        %add3A_174 = arith.constant 2 : i32
        %add3A_175 = arith.addi %mul3A_83, %add3A_174 : i32
        %run_scoped3A_176 = arith.constant 2 : i32
        "tpu.region"() ({
          %run_scoped3A_191 = tpu.sem_alloc : memref<!tpu.dma_semaphore, #tpu.memory_space<semaphore_mem>>
          %dma_start3A_192 = arith.constant 0 : i32
          %dma_start3A_193 = arith.constant 0 : i32
          %dma_start3A_194 = tpu.memref_slice %arg9[%run_scoped3A_176, %dma_start3A_192, %dma_start3A_193] : memref<4x64x128xf32, #tpu.memory_space<vmem>> -> memref<1x64x128xf32, #tpu.memory_space<vmem>>
          %dma_start3A_195 = tpu.memref_squeeze %dma_start3A_194 : memref<1x64x128xf32, #tpu.memory_space<vmem>> -> memref<64x128xf32, #tpu.memory_space<vmem>>
          %dma_start3A_196 = arith.constant 0 : i32
          %dma_start3A_197 = tpu.memref_slice %arg8[%add3A_175, %dma_start3A_196] : memref<32x64xi32, #tpu.memory_space<vmem>> -> memref<1x64xi32, #tpu.memory_space<vmem>>
          %dma_start3A_198 = tpu.memref_squeeze %dma_start3A_197 : memref<1x64xi32, #tpu.memory_space<vmem>> -> memref<64xi32, #tpu.memory_space<vmem>>
          %dma_start3A_199 = arith.constant 0 : i32
          %dma_start3A_200 = arith.constant 0 : i32
          %dma_start3A_201 = tpu.memref_slice %arg16[%dma_start3A_199, %dma_start3A_200] : memref<10240x128xf32, #tpu.memory_space<vmem_shared>> -> memref<10240x128xf32, #tpu.memory_space<vmem_shared>>
          tpu.enqueue_indirect_dma source(%dma_start3A_195 : memref<64x128xf32, #tpu.memory_space<vmem>>) target(%dma_start3A_201 : memref<10240x128xf32, #tpu.memory_space<vmem_shared>>) offsets(%dma_start3A_198 : memref<64xi32, #tpu.memory_space<vmem>>) semaphore(%run_scoped3A_191 : memref<!tpu.dma_semaphore, #tpu.memory_space<semaphore_mem>>) {add = true}
          %dma_wait3A_202 = arith.constant 0 : i32
          %dma_wait3A_203 = arith.constant 0 : i32
          %dma_wait3A_204 = tpu.memref_slice %arg9[%run_scoped3A_176, %dma_wait3A_202, %dma_wait3A_203] : memref<4x64x128xf32, #tpu.memory_space<vmem>> -> memref<1x64x128xf32, #tpu.memory_space<vmem>>
          %dma_wait3A_205 = tpu.memref_squeeze %dma_wait3A_204 : memref<1x64x128xf32, #tpu.memory_space<vmem>> -> memref<64x128xf32, #tpu.memory_space<vmem>>
          %dma_wait3A_206 = arith.constant 0 : i32
          %dma_wait3A_207 = tpu.memref_slice %arg8[%add3A_175, %dma_wait3A_206] : memref<32x64xi32, #tpu.memory_space<vmem>> -> memref<1x64xi32, #tpu.memory_space<vmem>>
          %dma_wait3A_208 = tpu.memref_squeeze %dma_wait3A_207 : memref<1x64xi32, #tpu.memory_space<vmem>> -> memref<64xi32, #tpu.memory_space<vmem>>
          %dma_wait3A_209 = arith.constant 0 : i32
          %dma_wait3A_210 = arith.constant 0 : i32
          %dma_wait3A_211 = tpu.memref_slice %arg16[%dma_wait3A_209, %dma_wait3A_210] : memref<10240x128xf32, #tpu.memory_space<vmem_shared>> -> memref<10240x128xf32, #tpu.memory_space<vmem_shared>>
          tpu.wait_indirect_dma semaphore(%run_scoped3A_191 : memref<!tpu.dma_semaphore, #tpu.memory_space<semaphore_mem>>) src(%dma_wait3A_205 : memref<64x128xf32, #tpu.memory_space<vmem>>) dst(%dma_wait3A_211 : memref<10240x128xf32, #tpu.memory_space<vmem_shared>>)
          tpu.yield
        }) : () -> ()
        %dma_wait3A_177 = arith.constant 3 : i32
        %dma_wait3A_178 = arith.constant 0 : i32
        %dma_wait3A_179 = arith.constant 0 : i32
        %dma_wait3A_180 = tpu.memref_slice %arg9[%dma_wait3A_177, %dma_wait3A_178, %dma_wait3A_179] : memref<4x64x128xf32, #tpu.memory_space<vmem>> -> memref<1x64x128xf32, #tpu.memory_space<vmem>>
        %dma_wait3A_181 = tpu.memref_squeeze %dma_wait3A_180 : memref<1x64x128xf32, #tpu.memory_space<vmem>> -> memref<64x128xf32, #tpu.memory_space<vmem>>
        %dma_wait3A_182 = arith.constant 0 : i32
        %dma_wait3A_183 = tpu.memref_slice %arg7[%add3A_124, %dma_wait3A_182] : memref<32x64xi32, #tpu.memory_space<vmem>> -> memref<1x64xi32, #tpu.memory_space<vmem>>
        %dma_wait3A_184 = tpu.memref_squeeze %dma_wait3A_183 : memref<1x64xi32, #tpu.memory_space<vmem>> -> memref<64xi32, #tpu.memory_space<vmem>>
        %dma_wait3A_185 = arith.constant 0 : i32
        %dma_wait3A_186 = arith.constant 0 : i32
        %dma_wait3A_187 = tpu.memref_slice %arg4[%dma_wait3A_185, %dma_wait3A_186] : memref<10240x128xf32, #tpu.memory_space<hbm>> -> memref<10240x128xf32, #tpu.memory_space<hbm>>
        tpu.wait_indirect_dma semaphore(%arg13 : memref<!tpu.dma_semaphore, #tpu.memory_space<semaphore_mem>>) src(%dma_wait3A_187 : memref<10240x128xf32, #tpu.memory_space<hbm>>) dst(%dma_wait3A_181 : memref<64x128xf32, #tpu.memory_space<vmem>>)
        %add3A_188 = arith.constant 3 : i32
        %add3A_189 = arith.addi %mul3A_83, %add3A_188 : i32
        %run_scoped3A_190 = arith.constant 3 : i32
        "tpu.region"() ({
          %run_scoped3A_191 = tpu.sem_alloc : memref<!tpu.dma_semaphore, #tpu.memory_space<semaphore_mem>>
          %dma_start3A_192 = arith.constant 0 : i32
          %dma_start3A_193 = arith.constant 0 : i32
          %dma_start3A_194 = tpu.memref_slice %arg9[%run_scoped3A_190, %dma_start3A_192, %dma_start3A_193] : memref<4x64x128xf32, #tpu.memory_space<vmem>> -> memref<1x64x128xf32, #tpu.memory_space<vmem>>
          %dma_start3A_195 = tpu.memref_squeeze %dma_start3A_194 : memref<1x64x128xf32, #tpu.memory_space<vmem>> -> memref<64x128xf32, #tpu.memory_space<vmem>>
          %dma_start3A_196 = arith.constant 0 : i32
          %dma_start3A_197 = tpu.memref_slice %arg8[%add3A_189, %dma_start3A_196] : memref<32x64xi32, #tpu.memory_space<vmem>> -> memref<1x64xi32, #tpu.memory_space<vmem>>
          %dma_start3A_198 = tpu.memref_squeeze %dma_start3A_197 : memref<1x64xi32, #tpu.memory_space<vmem>> -> memref<64xi32, #tpu.memory_space<vmem>>
          %dma_start3A_199 = arith.constant 0 : i32
          %dma_start3A_200 = arith.constant 0 : i32
          %dma_start3A_201 = tpu.memref_slice %arg16[%dma_start3A_199, %dma_start3A_200] : memref<10240x128xf32, #tpu.memory_space<vmem_shared>> -> memref<10240x128xf32, #tpu.memory_space<vmem_shared>>
          tpu.enqueue_indirect_dma source(%dma_start3A_195 : memref<64x128xf32, #tpu.memory_space<vmem>>) target(%dma_start3A_201 : memref<10240x128xf32, #tpu.memory_space<vmem_shared>>) offsets(%dma_start3A_198 : memref<64xi32, #tpu.memory_space<vmem>>) semaphore(%run_scoped3A_191 : memref<!tpu.dma_semaphore, #tpu.memory_space<semaphore_mem>>) {add = true}
          %dma_wait3A_202 = arith.constant 0 : i32
          %dma_wait3A_203 = arith.constant 0 : i32
          %dma_wait3A_204 = tpu.memref_slice %arg9[%run_scoped3A_190, %dma_wait3A_202, %dma_wait3A_203] : memref<4x64x128xf32, #tpu.memory_space<vmem>> -> memref<1x64x128xf32, #tpu.memory_space<vmem>>
          %dma_wait3A_205 = tpu.memref_squeeze %dma_wait3A_204 : memref<1x64x128xf32, #tpu.memory_space<vmem>> -> memref<64x128xf32, #tpu.memory_space<vmem>>
          %dma_wait3A_206 = arith.constant 0 : i32
          %dma_wait3A_207 = tpu.memref_slice %arg8[%add3A_189, %dma_wait3A_206] : memref<32x64xi32, #tpu.memory_space<vmem>> -> memref<1x64xi32, #tpu.memory_space<vmem>>
          %dma_wait3A_208 = tpu.memref_squeeze %dma_wait3A_207 : memref<1x64xi32, #tpu.memory_space<vmem>> -> memref<64xi32, #tpu.memory_space<vmem>>
          %dma_wait3A_209 = arith.constant 0 : i32
          %dma_wait3A_210 = arith.constant 0 : i32
          %dma_wait3A_211 = tpu.memref_slice %arg16[%dma_wait3A_209, %dma_wait3A_210] : memref<10240x128xf32, #tpu.memory_space<vmem_shared>> -> memref<10240x128xf32, #tpu.memory_space<vmem_shared>>
          tpu.wait_indirect_dma semaphore(%run_scoped3A_191 : memref<!tpu.dma_semaphore, #tpu.memory_space<semaphore_mem>>) src(%dma_wait3A_205 : memref<64x128xf32, #tpu.memory_space<vmem>>) dst(%dma_wait3A_211 : memref<10240x128xf32, #tpu.memory_space<vmem_shared>>)
          tpu.yield
        }) : () -> ()
      }
      %scan3A_80 = arith.constant 8 : i32
    } else {
    }
    %gt3A_23 = arith.constant 3 : i32
    %gt3A_24 = arith.cmpi sgt, %select_n3A, %gt3A_23 : i32
    %convert_element_type3A_25 = arith.extui %gt3A_24 : i1 to i32
    %cond3A_26 = arith.constant 0 : i32
    %cond3A_27 = arith.cmpi ne, %convert_element_type3A_25, %cond3A_26 : i32
    scf.if %cond3A_27 {
      %add3A_58 = arith.constant 3 : i32
      %add3A_59 = arith.addi %select_n3A_10, %add3A_58 : i32
      %mul3A_60 = arith.constant 32 : i32
      %mul3A_61 = arith.muli %add3A_59, %mul3A_60 : i32
      %dma_start3A = arith.constant 0 : i32
      %dma_start3A_62 = tpu.memref_slice %arg2[%mul3A_61, %dma_start3A] : memref<5120x64xi32, #tpu.memory_space<hbm>> -> memref<32x64xi32, #tpu.memory_space<hbm>>
      %dma_start3A_63 = arith.constant 0 : i32
      %dma_start3A_64 = tpu.memref_slice %arg2[%mul3A_61, %dma_start3A_63] : memref<5120x64xi32, #tpu.memory_space<hbm>> -> memref<32x64xi32, #tpu.memory_space<hbm>>
      tpu.enqueue_dma source(%dma_start3A_64 : memref<32x64xi32, #tpu.memory_space<hbm>>) target(%arg7 : memref<32x64xi32, #tpu.memory_space<vmem>>) target_semaphore(%arg14 : memref<!tpu.dma_semaphore, #tpu.memory_space<semaphore_mem>>)
      %dma_start3A_65 = arith.constant 0 : i32
      %dma_start3A_66 = tpu.memref_slice %arg3[%mul3A_61, %dma_start3A_65] : memref<5120x64xi32, #tpu.memory_space<hbm>> -> memref<32x64xi32, #tpu.memory_space<hbm>>
      %dma_start3A_67 = arith.constant 0 : i32
      %dma_start3A_68 = tpu.memref_slice %arg3[%mul3A_61, %dma_start3A_67] : memref<5120x64xi32, #tpu.memory_space<hbm>> -> memref<32x64xi32, #tpu.memory_space<hbm>>
      tpu.enqueue_dma source(%dma_start3A_68 : memref<32x64xi32, #tpu.memory_space<hbm>>) target(%arg8 : memref<32x64xi32, #tpu.memory_space<vmem>>) target_semaphore(%arg15 : memref<!tpu.dma_semaphore, #tpu.memory_space<semaphore_mem>>)
      %dma_wait3A = arith.constant 0 : i32
      %dma_wait3A_69 = tpu.memref_slice %arg2[%mul3A_61, %dma_wait3A] : memref<5120x64xi32, #tpu.memory_space<hbm>> -> memref<32x64xi32, #tpu.memory_space<hbm>>
      %dma_wait3A_70 = arith.constant 0 : i32
      %dma_wait3A_71 = tpu.memref_slice %arg2[%mul3A_61, %dma_wait3A_70] : memref<5120x64xi32, #tpu.memory_space<hbm>> -> memref<32x64xi32, #tpu.memory_space<hbm>>
      tpu.wait_dma2 semaphore(%arg14 : memref<!tpu.dma_semaphore, #tpu.memory_space<semaphore_mem>>) src(%dma_wait3A_71 : memref<32x64xi32, #tpu.memory_space<hbm>>) dst(%arg7 : memref<32x64xi32, #tpu.memory_space<vmem>>)
      %dma_wait3A_72 = arith.constant 0 : i32
      %dma_wait3A_73 = tpu.memref_slice %arg3[%mul3A_61, %dma_wait3A_72] : memref<5120x64xi32, #tpu.memory_space<hbm>> -> memref<32x64xi32, #tpu.memory_space<hbm>>
      %dma_wait3A_74 = arith.constant 0 : i32
      %dma_wait3A_75 = tpu.memref_slice %arg3[%mul3A_61, %dma_wait3A_74] : memref<5120x64xi32, #tpu.memory_space<hbm>> -> memref<32x64xi32, #tpu.memory_space<hbm>>
      tpu.wait_dma2 semaphore(%arg15 : memref<!tpu.dma_semaphore, #tpu.memory_space<semaphore_mem>>) src(%dma_wait3A_75 : memref<32x64xi32, #tpu.memory_space<hbm>>) dst(%arg8 : memref<32x64xi32, #tpu.memory_space<vmem>>)
      %scan3A = arith.constant 0 : i32
      %scan3A_76 = arith.constant 0 : i32
      %scan3A_77 = arith.constant 8 : i32
      %scan3A_78 = arith.addi %scan3A_76, %scan3A_77 : i32
      %scan3A_79 = arith.constant 1 : i32
      scf.for %scan3A_81 = %scan3A_76 to %scan3A_78 step %scan3A_79  : i32 {
        %mul3A_82 = arith.constant 4 : i32
        %mul3A_83 = arith.muli %scan3A_81, %mul3A_82 : i32
        %add3A_84 = arith.constant 0 : i32
        %add3A_85 = arith.addi %mul3A_83, %add3A_84 : i32
        %dma_start3A_86 = arith.constant 0 : i32
        %dma_start3A_87 = arith.constant 0 : i32
        %dma_start3A_88 = arith.constant 0 : i32
        %dma_start3A_89 = tpu.memref_slice %arg9[%dma_start3A_86, %dma_start3A_87, %dma_start3A_88] : memref<4x64x128xf32, #tpu.memory_space<vmem>> -> memref<1x64x128xf32, #tpu.memory_space<vmem>>
        %dma_start3A_90 = tpu.memref_squeeze %dma_start3A_89 : memref<1x64x128xf32, #tpu.memory_space<vmem>> -> memref<64x128xf32, #tpu.memory_space<vmem>>
        %dma_start3A_91 = arith.constant 0 : i32
        %dma_start3A_92 = tpu.memref_slice %arg7[%add3A_85, %dma_start3A_91] : memref<32x64xi32, #tpu.memory_space<vmem>> -> memref<1x64xi32, #tpu.memory_space<vmem>>
        %dma_start3A_93 = tpu.memref_squeeze %dma_start3A_92 : memref<1x64xi32, #tpu.memory_space<vmem>> -> memref<64xi32, #tpu.memory_space<vmem>>
        %dma_start3A_94 = arith.constant 0 : i32
        %dma_start3A_95 = arith.constant 0 : i32
        %dma_start3A_96 = tpu.memref_slice %arg4[%dma_start3A_94, %dma_start3A_95] : memref<10240x128xf32, #tpu.memory_space<hbm>> -> memref<10240x128xf32, #tpu.memory_space<hbm>>
        tpu.enqueue_indirect_dma source(%dma_start3A_96 : memref<10240x128xf32, #tpu.memory_space<hbm>>) target(%dma_start3A_90 : memref<64x128xf32, #tpu.memory_space<vmem>>) offsets(%dma_start3A_93 : memref<64xi32, #tpu.memory_space<vmem>>) semaphore(%arg10 : memref<!tpu.dma_semaphore, #tpu.memory_space<semaphore_mem>>)
        %add3A_97 = arith.constant 1 : i32
        %add3A_98 = arith.addi %mul3A_83, %add3A_97 : i32
        %dma_start3A_99 = arith.constant 1 : i32
        %dma_start3A_100 = arith.constant 0 : i32
        %dma_start3A_101 = arith.constant 0 : i32
        %dma_start3A_102 = tpu.memref_slice %arg9[%dma_start3A_99, %dma_start3A_100, %dma_start3A_101] : memref<4x64x128xf32, #tpu.memory_space<vmem>> -> memref<1x64x128xf32, #tpu.memory_space<vmem>>
        %dma_start3A_103 = tpu.memref_squeeze %dma_start3A_102 : memref<1x64x128xf32, #tpu.memory_space<vmem>> -> memref<64x128xf32, #tpu.memory_space<vmem>>
        %dma_start3A_104 = arith.constant 0 : i32
        %dma_start3A_105 = tpu.memref_slice %arg7[%add3A_98, %dma_start3A_104] : memref<32x64xi32, #tpu.memory_space<vmem>> -> memref<1x64xi32, #tpu.memory_space<vmem>>
        %dma_start3A_106 = tpu.memref_squeeze %dma_start3A_105 : memref<1x64xi32, #tpu.memory_space<vmem>> -> memref<64xi32, #tpu.memory_space<vmem>>
        %dma_start3A_107 = arith.constant 0 : i32
        %dma_start3A_108 = arith.constant 0 : i32
        %dma_start3A_109 = tpu.memref_slice %arg4[%dma_start3A_107, %dma_start3A_108] : memref<10240x128xf32, #tpu.memory_space<hbm>> -> memref<10240x128xf32, #tpu.memory_space<hbm>>
        tpu.enqueue_indirect_dma source(%dma_start3A_109 : memref<10240x128xf32, #tpu.memory_space<hbm>>) target(%dma_start3A_103 : memref<64x128xf32, #tpu.memory_space<vmem>>) offsets(%dma_start3A_106 : memref<64xi32, #tpu.memory_space<vmem>>) semaphore(%arg11 : memref<!tpu.dma_semaphore, #tpu.memory_space<semaphore_mem>>)
        %add3A_110 = arith.constant 2 : i32
        %add3A_111 = arith.addi %mul3A_83, %add3A_110 : i32
        %dma_start3A_112 = arith.constant 2 : i32
        %dma_start3A_113 = arith.constant 0 : i32
        %dma_start3A_114 = arith.constant 0 : i32
        %dma_start3A_115 = tpu.memref_slice %arg9[%dma_start3A_112, %dma_start3A_113, %dma_start3A_114] : memref<4x64x128xf32, #tpu.memory_space<vmem>> -> memref<1x64x128xf32, #tpu.memory_space<vmem>>
        %dma_start3A_116 = tpu.memref_squeeze %dma_start3A_115 : memref<1x64x128xf32, #tpu.memory_space<vmem>> -> memref<64x128xf32, #tpu.memory_space<vmem>>
        %dma_start3A_117 = arith.constant 0 : i32
        %dma_start3A_118 = tpu.memref_slice %arg7[%add3A_111, %dma_start3A_117] : memref<32x64xi32, #tpu.memory_space<vmem>> -> memref<1x64xi32, #tpu.memory_space<vmem>>
        %dma_start3A_119 = tpu.memref_squeeze %dma_start3A_118 : memref<1x64xi32, #tpu.memory_space<vmem>> -> memref<64xi32, #tpu.memory_space<vmem>>
        %dma_start3A_120 = arith.constant 0 : i32
        %dma_start3A_121 = arith.constant 0 : i32
        %dma_start3A_122 = tpu.memref_slice %arg4[%dma_start3A_120, %dma_start3A_121] : memref<10240x128xf32, #tpu.memory_space<hbm>> -> memref<10240x128xf32, #tpu.memory_space<hbm>>
        tpu.enqueue_indirect_dma source(%dma_start3A_122 : memref<10240x128xf32, #tpu.memory_space<hbm>>) target(%dma_start3A_116 : memref<64x128xf32, #tpu.memory_space<vmem>>) offsets(%dma_start3A_119 : memref<64xi32, #tpu.memory_space<vmem>>) semaphore(%arg12 : memref<!tpu.dma_semaphore, #tpu.memory_space<semaphore_mem>>)
        %add3A_123 = arith.constant 3 : i32
        %add3A_124 = arith.addi %mul3A_83, %add3A_123 : i32
        %dma_start3A_125 = arith.constant 3 : i32
        %dma_start3A_126 = arith.constant 0 : i32
        %dma_start3A_127 = arith.constant 0 : i32
        %dma_start3A_128 = tpu.memref_slice %arg9[%dma_start3A_125, %dma_start3A_126, %dma_start3A_127] : memref<4x64x128xf32, #tpu.memory_space<vmem>> -> memref<1x64x128xf32, #tpu.memory_space<vmem>>
        %dma_start3A_129 = tpu.memref_squeeze %dma_start3A_128 : memref<1x64x128xf32, #tpu.memory_space<vmem>> -> memref<64x128xf32, #tpu.memory_space<vmem>>
        %dma_start3A_130 = arith.constant 0 : i32
        %dma_start3A_131 = tpu.memref_slice %arg7[%add3A_124, %dma_start3A_130] : memref<32x64xi32, #tpu.memory_space<vmem>> -> memref<1x64xi32, #tpu.memory_space<vmem>>
        %dma_start3A_132 = tpu.memref_squeeze %dma_start3A_131 : memref<1x64xi32, #tpu.memory_space<vmem>> -> memref<64xi32, #tpu.memory_space<vmem>>
        %dma_start3A_133 = arith.constant 0 : i32
        %dma_start3A_134 = arith.constant 0 : i32
        %dma_start3A_135 = tpu.memref_slice %arg4[%dma_start3A_133, %dma_start3A_134] : memref<10240x128xf32, #tpu.memory_space<hbm>> -> memref<10240x128xf32, #tpu.memory_space<hbm>>
        tpu.enqueue_indirect_dma source(%dma_start3A_135 : memref<10240x128xf32, #tpu.memory_space<hbm>>) target(%dma_start3A_129 : memref<64x128xf32, #tpu.memory_space<vmem>>) offsets(%dma_start3A_132 : memref<64xi32, #tpu.memory_space<vmem>>) semaphore(%arg13 : memref<!tpu.dma_semaphore, #tpu.memory_space<semaphore_mem>>)
        %dma_wait3A_136 = arith.constant 0 : i32
        %dma_wait3A_137 = arith.constant 0 : i32
        %dma_wait3A_138 = arith.constant 0 : i32
        %dma_wait3A_139 = tpu.memref_slice %arg9[%dma_wait3A_136, %dma_wait3A_137, %dma_wait3A_138] : memref<4x64x128xf32, #tpu.memory_space<vmem>> -> memref<1x64x128xf32, #tpu.memory_space<vmem>>
        %dma_wait3A_140 = tpu.memref_squeeze %dma_wait3A_139 : memref<1x64x128xf32, #tpu.memory_space<vmem>> -> memref<64x128xf32, #tpu.memory_space<vmem>>
        %dma_wait3A_141 = arith.constant 0 : i32
        %dma_wait3A_142 = tpu.memref_slice %arg7[%add3A_85, %dma_wait3A_141] : memref<32x64xi32, #tpu.memory_space<vmem>> -> memref<1x64xi32, #tpu.memory_space<vmem>>
        %dma_wait3A_143 = tpu.memref_squeeze %dma_wait3A_142 : memref<1x64xi32, #tpu.memory_space<vmem>> -> memref<64xi32, #tpu.memory_space<vmem>>
        %dma_wait3A_144 = arith.constant 0 : i32
        %dma_wait3A_145 = arith.constant 0 : i32
        %dma_wait3A_146 = tpu.memref_slice %arg4[%dma_wait3A_144, %dma_wait3A_145] : memref<10240x128xf32, #tpu.memory_space<hbm>> -> memref<10240x128xf32, #tpu.memory_space<hbm>>
        tpu.wait_indirect_dma semaphore(%arg10 : memref<!tpu.dma_semaphore, #tpu.memory_space<semaphore_mem>>) src(%dma_wait3A_146 : memref<10240x128xf32, #tpu.memory_space<hbm>>) dst(%dma_wait3A_140 : memref<64x128xf32, #tpu.memory_space<vmem>>)
        %add3A_147 = arith.constant 0 : i32
        %add3A_148 = arith.addi %mul3A_83, %add3A_147 : i32
        %run_scoped3A = arith.constant 0 : i32
        "tpu.region"() ({
          %run_scoped3A_191 = tpu.sem_alloc : memref<!tpu.dma_semaphore, #tpu.memory_space<semaphore_mem>>
          %dma_start3A_192 = arith.constant 0 : i32
          %dma_start3A_193 = arith.constant 0 : i32
          %dma_start3A_194 = tpu.memref_slice %arg9[%run_scoped3A, %dma_start3A_192, %dma_start3A_193] : memref<4x64x128xf32, #tpu.memory_space<vmem>> -> memref<1x64x128xf32, #tpu.memory_space<vmem>>
          %dma_start3A_195 = tpu.memref_squeeze %dma_start3A_194 : memref<1x64x128xf32, #tpu.memory_space<vmem>> -> memref<64x128xf32, #tpu.memory_space<vmem>>
          %dma_start3A_196 = arith.constant 0 : i32
          %dma_start3A_197 = tpu.memref_slice %arg8[%add3A_148, %dma_start3A_196] : memref<32x64xi32, #tpu.memory_space<vmem>> -> memref<1x64xi32, #tpu.memory_space<vmem>>
          %dma_start3A_198 = tpu.memref_squeeze %dma_start3A_197 : memref<1x64xi32, #tpu.memory_space<vmem>> -> memref<64xi32, #tpu.memory_space<vmem>>
          %dma_start3A_199 = arith.constant 0 : i32
          %dma_start3A_200 = arith.constant 0 : i32
          %dma_start3A_201 = tpu.memref_slice %arg16[%dma_start3A_199, %dma_start3A_200] : memref<10240x128xf32, #tpu.memory_space<vmem_shared>> -> memref<10240x128xf32, #tpu.memory_space<vmem_shared>>
          tpu.enqueue_indirect_dma source(%dma_start3A_195 : memref<64x128xf32, #tpu.memory_space<vmem>>) target(%dma_start3A_201 : memref<10240x128xf32, #tpu.memory_space<vmem_shared>>) offsets(%dma_start3A_198 : memref<64xi32, #tpu.memory_space<vmem>>) semaphore(%run_scoped3A_191 : memref<!tpu.dma_semaphore, #tpu.memory_space<semaphore_mem>>) {add = true}
          %dma_wait3A_202 = arith.constant 0 : i32
          %dma_wait3A_203 = arith.constant 0 : i32
          %dma_wait3A_204 = tpu.memref_slice %arg9[%run_scoped3A, %dma_wait3A_202, %dma_wait3A_203] : memref<4x64x128xf32, #tpu.memory_space<vmem>> -> memref<1x64x128xf32, #tpu.memory_space<vmem>>
          %dma_wait3A_205 = tpu.memref_squeeze %dma_wait3A_204 : memref<1x64x128xf32, #tpu.memory_space<vmem>> -> memref<64x128xf32, #tpu.memory_space<vmem>>
          %dma_wait3A_206 = arith.constant 0 : i32
          %dma_wait3A_207 = tpu.memref_slice %arg8[%add3A_148, %dma_wait3A_206] : memref<32x64xi32, #tpu.memory_space<vmem>> -> memref<1x64xi32, #tpu.memory_space<vmem>>
          %dma_wait3A_208 = tpu.memref_squeeze %dma_wait3A_207 : memref<1x64xi32, #tpu.memory_space<vmem>> -> memref<64xi32, #tpu.memory_space<vmem>>
          %dma_wait3A_209 = arith.constant 0 : i32
          %dma_wait3A_210 = arith.constant 0 : i32
          %dma_wait3A_211 = tpu.memref_slice %arg16[%dma_wait3A_209, %dma_wait3A_210] : memref<10240x128xf32, #tpu.memory_space<vmem_shared>> -> memref<10240x128xf32, #tpu.memory_space<vmem_shared>>
          tpu.wait_indirect_dma semaphore(%run_scoped3A_191 : memref<!tpu.dma_semaphore, #tpu.memory_space<semaphore_mem>>) src(%dma_wait3A_205 : memref<64x128xf32, #tpu.memory_space<vmem>>) dst(%dma_wait3A_211 : memref<10240x128xf32, #tpu.memory_space<vmem_shared>>)
          tpu.yield
        }) : () -> ()
        %dma_wait3A_149 = arith.constant 1 : i32
        %dma_wait3A_150 = arith.constant 0 : i32
        %dma_wait3A_151 = arith.constant 0 : i32
        %dma_wait3A_152 = tpu.memref_slice %arg9[%dma_wait3A_149, %dma_wait3A_150, %dma_wait3A_151] : memref<4x64x128xf32, #tpu.memory_space<vmem>> -> memref<1x64x128xf32, #tpu.memory_space<vmem>>
        %dma_wait3A_153 = tpu.memref_squeeze %dma_wait3A_152 : memref<1x64x128xf32, #tpu.memory_space<vmem>> -> memref<64x128xf32, #tpu.memory_space<vmem>>
        %dma_wait3A_154 = arith.constant 0 : i32
        %dma_wait3A_155 = tpu.memref_slice %arg7[%add3A_98, %dma_wait3A_154] : memref<32x64xi32, #tpu.memory_space<vmem>> -> memref<1x64xi32, #tpu.memory_space<vmem>>
        %dma_wait3A_156 = tpu.memref_squeeze %dma_wait3A_155 : memref<1x64xi32, #tpu.memory_space<vmem>> -> memref<64xi32, #tpu.memory_space<vmem>>
        %dma_wait3A_157 = arith.constant 0 : i32
        %dma_wait3A_158 = arith.constant 0 : i32
        %dma_wait3A_159 = tpu.memref_slice %arg4[%dma_wait3A_157, %dma_wait3A_158] : memref<10240x128xf32, #tpu.memory_space<hbm>> -> memref<10240x128xf32, #tpu.memory_space<hbm>>
        tpu.wait_indirect_dma semaphore(%arg11 : memref<!tpu.dma_semaphore, #tpu.memory_space<semaphore_mem>>) src(%dma_wait3A_159 : memref<10240x128xf32, #tpu.memory_space<hbm>>) dst(%dma_wait3A_153 : memref<64x128xf32, #tpu.memory_space<vmem>>)
        %add3A_160 = arith.constant 1 : i32
        %add3A_161 = arith.addi %mul3A_83, %add3A_160 : i32
        %run_scoped3A_162 = arith.constant 1 : i32
        "tpu.region"() ({
          %run_scoped3A_191 = tpu.sem_alloc : memref<!tpu.dma_semaphore, #tpu.memory_space<semaphore_mem>>
          %dma_start3A_192 = arith.constant 0 : i32
          %dma_start3A_193 = arith.constant 0 : i32
          %dma_start3A_194 = tpu.memref_slice %arg9[%run_scoped3A_162, %dma_start3A_192, %dma_start3A_193] : memref<4x64x128xf32, #tpu.memory_space<vmem>> -> memref<1x64x128xf32, #tpu.memory_space<vmem>>
          %dma_start3A_195 = tpu.memref_squeeze %dma_start3A_194 : memref<1x64x128xf32, #tpu.memory_space<vmem>> -> memref<64x128xf32, #tpu.memory_space<vmem>>
          %dma_start3A_196 = arith.constant 0 : i32
          %dma_start3A_197 = tpu.memref_slice %arg8[%add3A_161, %dma_start3A_196] : memref<32x64xi32, #tpu.memory_space<vmem>> -> memref<1x64xi32, #tpu.memory_space<vmem>>
          %dma_start3A_198 = tpu.memref_squeeze %dma_start3A_197 : memref<1x64xi32, #tpu.memory_space<vmem>> -> memref<64xi32, #tpu.memory_space<vmem>>
          %dma_start3A_199 = arith.constant 0 : i32
          %dma_start3A_200 = arith.constant 0 : i32
          %dma_start3A_201 = tpu.memref_slice %arg16[%dma_start3A_199, %dma_start3A_200] : memref<10240x128xf32, #tpu.memory_space<vmem_shared>> -> memref<10240x128xf32, #tpu.memory_space<vmem_shared>>
          tpu.enqueue_indirect_dma source(%dma_start3A_195 : memref<64x128xf32, #tpu.memory_space<vmem>>) target(%dma_start3A_201 : memref<10240x128xf32, #tpu.memory_space<vmem_shared>>) offsets(%dma_start3A_198 : memref<64xi32, #tpu.memory_space<vmem>>) semaphore(%run_scoped3A_191 : memref<!tpu.dma_semaphore, #tpu.memory_space<semaphore_mem>>) {add = true}
          %dma_wait3A_202 = arith.constant 0 : i32
          %dma_wait3A_203 = arith.constant 0 : i32
          %dma_wait3A_204 = tpu.memref_slice %arg9[%run_scoped3A_162, %dma_wait3A_202, %dma_wait3A_203] : memref<4x64x128xf32, #tpu.memory_space<vmem>> -> memref<1x64x128xf32, #tpu.memory_space<vmem>>
          %dma_wait3A_205 = tpu.memref_squeeze %dma_wait3A_204 : memref<1x64x128xf32, #tpu.memory_space<vmem>> -> memref<64x128xf32, #tpu.memory_space<vmem>>
          %dma_wait3A_206 = arith.constant 0 : i32
          %dma_wait3A_207 = tpu.memref_slice %arg8[%add3A_161, %dma_wait3A_206] : memref<32x64xi32, #tpu.memory_space<vmem>> -> memref<1x64xi32, #tpu.memory_space<vmem>>
          %dma_wait3A_208 = tpu.memref_squeeze %dma_wait3A_207 : memref<1x64xi32, #tpu.memory_space<vmem>> -> memref<64xi32, #tpu.memory_space<vmem>>
          %dma_wait3A_209 = arith.constant 0 : i32
          %dma_wait3A_210 = arith.constant 0 : i32
          %dma_wait3A_211 = tpu.memref_slice %arg16[%dma_wait3A_209, %dma_wait3A_210] : memref<10240x128xf32, #tpu.memory_space<vmem_shared>> -> memref<10240x128xf32, #tpu.memory_space<vmem_shared>>
          tpu.wait_indirect_dma semaphore(%run_scoped3A_191 : memref<!tpu.dma_semaphore, #tpu.memory_space<semaphore_mem>>) src(%dma_wait3A_205 : memref<64x128xf32, #tpu.memory_space<vmem>>) dst(%dma_wait3A_211 : memref<10240x128xf32, #tpu.memory_space<vmem_shared>>)
          tpu.yield
        }) : () -> ()
        %dma_wait3A_163 = arith.constant 2 : i32
        %dma_wait3A_164 = arith.constant 0 : i32
        %dma_wait3A_165 = arith.constant 0 : i32
        %dma_wait3A_166 = tpu.memref_slice %arg9[%dma_wait3A_163, %dma_wait3A_164, %dma_wait3A_165] : memref<4x64x128xf32, #tpu.memory_space<vmem>> -> memref<1x64x128xf32, #tpu.memory_space<vmem>>
        %dma_wait3A_167 = tpu.memref_squeeze %dma_wait3A_166 : memref<1x64x128xf32, #tpu.memory_space<vmem>> -> memref<64x128xf32, #tpu.memory_space<vmem>>
        %dma_wait3A_168 = arith.constant 0 : i32
        %dma_wait3A_169 = tpu.memref_slice %arg7[%add3A_111, %dma_wait3A_168] : memref<32x64xi32, #tpu.memory_space<vmem>> -> memref<1x64xi32, #tpu.memory_space<vmem>>
        %dma_wait3A_170 = tpu.memref_squeeze %dma_wait3A_169 : memref<1x64xi32, #tpu.memory_space<vmem>> -> memref<64xi32, #tpu.memory_space<vmem>>
        %dma_wait3A_171 = arith.constant 0 : i32
        %dma_wait3A_172 = arith.constant 0 : i32
        %dma_wait3A_173 = tpu.memref_slice %arg4[%dma_wait3A_171, %dma_wait3A_172] : memref<10240x128xf32, #tpu.memory_space<hbm>> -> memref<10240x128xf32, #tpu.memory_space<hbm>>
        tpu.wait_indirect_dma semaphore(%arg12 : memref<!tpu.dma_semaphore, #tpu.memory_space<semaphore_mem>>) src(%dma_wait3A_173 : memref<10240x128xf32, #tpu.memory_space<hbm>>) dst(%dma_wait3A_167 : memref<64x128xf32, #tpu.memory_space<vmem>>)
        %add3A_174 = arith.constant 2 : i32
        %add3A_175 = arith.addi %mul3A_83, %add3A_174 : i32
        %run_scoped3A_176 = arith.constant 2 : i32
        "tpu.region"() ({
          %run_scoped3A_191 = tpu.sem_alloc : memref<!tpu.dma_semaphore, #tpu.memory_space<semaphore_mem>>
          %dma_start3A_192 = arith.constant 0 : i32
          %dma_start3A_193 = arith.constant 0 : i32
          %dma_start3A_194 = tpu.memref_slice %arg9[%run_scoped3A_176, %dma_start3A_192, %dma_start3A_193] : memref<4x64x128xf32, #tpu.memory_space<vmem>> -> memref<1x64x128xf32, #tpu.memory_space<vmem>>
          %dma_start3A_195 = tpu.memref_squeeze %dma_start3A_194 : memref<1x64x128xf32, #tpu.memory_space<vmem>> -> memref<64x128xf32, #tpu.memory_space<vmem>>
          %dma_start3A_196 = arith.constant 0 : i32
          %dma_start3A_197 = tpu.memref_slice %arg8[%add3A_175, %dma_start3A_196] : memref<32x64xi32, #tpu.memory_space<vmem>> -> memref<1x64xi32, #tpu.memory_space<vmem>>
          %dma_start3A_198 = tpu.memref_squeeze %dma_start3A_197 : memref<1x64xi32, #tpu.memory_space<vmem>> -> memref<64xi32, #tpu.memory_space<vmem>>
          %dma_start3A_199 = arith.constant 0 : i32
          %dma_start3A_200 = arith.constant 0 : i32
          %dma_start3A_201 = tpu.memref_slice %arg16[%dma_start3A_199, %dma_start3A_200] : memref<10240x128xf32, #tpu.memory_space<vmem_shared>> -> memref<10240x128xf32, #tpu.memory_space<vmem_shared>>
          tpu.enqueue_indirect_dma source(%dma_start3A_195 : memref<64x128xf32, #tpu.memory_space<vmem>>) target(%dma_start3A_201 : memref<10240x128xf32, #tpu.memory_space<vmem_shared>>) offsets(%dma_start3A_198 : memref<64xi32, #tpu.memory_space<vmem>>) semaphore(%run_scoped3A_191 : memref<!tpu.dma_semaphore, #tpu.memory_space<semaphore_mem>>) {add = true}
          %dma_wait3A_202 = arith.constant 0 : i32
          %dma_wait3A_203 = arith.constant 0 : i32
          %dma_wait3A_204 = tpu.memref_slice %arg9[%run_scoped3A_176, %dma_wait3A_202, %dma_wait3A_203] : memref<4x64x128xf32, #tpu.memory_space<vmem>> -> memref<1x64x128xf32, #tpu.memory_space<vmem>>
          %dma_wait3A_205 = tpu.memref_squeeze %dma_wait3A_204 : memref<1x64x128xf32, #tpu.memory_space<vmem>> -> memref<64x128xf32, #tpu.memory_space<vmem>>
          %dma_wait3A_206 = arith.constant 0 : i32
          %dma_wait3A_207 = tpu.memref_slice %arg8[%add3A_175, %dma_wait3A_206] : memref<32x64xi32, #tpu.memory_space<vmem>> -> memref<1x64xi32, #tpu.memory_space<vmem>>
          %dma_wait3A_208 = tpu.memref_squeeze %dma_wait3A_207 : memref<1x64xi32, #tpu.memory_space<vmem>> -> memref<64xi32, #tpu.memory_space<vmem>>
          %dma_wait3A_209 = arith.constant 0 : i32
          %dma_wait3A_210 = arith.constant 0 : i32
          %dma_wait3A_211 = tpu.memref_slice %arg16[%dma_wait3A_209, %dma_wait3A_210] : memref<10240x128xf32, #tpu.memory_space<vmem_shared>> -> memref<10240x128xf32, #tpu.memory_space<vmem_shared>>
          tpu.wait_indirect_dma semaphore(%run_scoped3A_191 : memref<!tpu.dma_semaphore, #tpu.memory_space<semaphore_mem>>) src(%dma_wait3A_205 : memref<64x128xf32, #tpu.memory_space<vmem>>) dst(%dma_wait3A_211 : memref<10240x128xf32, #tpu.memory_space<vmem_shared>>)
          tpu.yield
        }) : () -> ()
        %dma_wait3A_177 = arith.constant 3 : i32
        %dma_wait3A_178 = arith.constant 0 : i32
        %dma_wait3A_179 = arith.constant 0 : i32
        %dma_wait3A_180 = tpu.memref_slice %arg9[%dma_wait3A_177, %dma_wait3A_178, %dma_wait3A_179] : memref<4x64x128xf32, #tpu.memory_space<vmem>> -> memref<1x64x128xf32, #tpu.memory_space<vmem>>
        %dma_wait3A_181 = tpu.memref_squeeze %dma_wait3A_180 : memref<1x64x128xf32, #tpu.memory_space<vmem>> -> memref<64x128xf32, #tpu.memory_space<vmem>>
        %dma_wait3A_182 = arith.constant 0 : i32
        %dma_wait3A_183 = tpu.memref_slice %arg7[%add3A_124, %dma_wait3A_182] : memref<32x64xi32, #tpu.memory_space<vmem>> -> memref<1x64xi32, #tpu.memory_space<vmem>>
        %dma_wait3A_184 = tpu.memref_squeeze %dma_wait3A_183 : memref<1x64xi32, #tpu.memory_space<vmem>> -> memref<64xi32, #tpu.memory_space<vmem>>
        %dma_wait3A_185 = arith.constant 0 : i32
        %dma_wait3A_186 = arith.constant 0 : i32
        %dma_wait3A_187 = tpu.memref_slice %arg4[%dma_wait3A_185, %dma_wait3A_186] : memref<10240x128xf32, #tpu.memory_space<hbm>> -> memref<10240x128xf32, #tpu.memory_space<hbm>>
        tpu.wait_indirect_dma semaphore(%arg13 : memref<!tpu.dma_semaphore, #tpu.memory_space<semaphore_mem>>) src(%dma_wait3A_187 : memref<10240x128xf32, #tpu.memory_space<hbm>>) dst(%dma_wait3A_181 : memref<64x128xf32, #tpu.memory_space<vmem>>)
        %add3A_188 = arith.constant 3 : i32
        %add3A_189 = arith.addi %mul3A_83, %add3A_188 : i32
        %run_scoped3A_190 = arith.constant 3 : i32
        "tpu.region"() ({
          %run_scoped3A_191 = tpu.sem_alloc : memref<!tpu.dma_semaphore, #tpu.memory_space<semaphore_mem>>
          %dma_start3A_192 = arith.constant 0 : i32
          %dma_start3A_193 = arith.constant 0 : i32
          %dma_start3A_194 = tpu.memref_slice %arg9[%run_scoped3A_190, %dma_start3A_192, %dma_start3A_193] : memref<4x64x128xf32, #tpu.memory_space<vmem>> -> memref<1x64x128xf32, #tpu.memory_space<vmem>>
          %dma_start3A_195 = tpu.memref_squeeze %dma_start3A_194 : memref<1x64x128xf32, #tpu.memory_space<vmem>> -> memref<64x128xf32, #tpu.memory_space<vmem>>
          %dma_start3A_196 = arith.constant 0 : i32
          %dma_start3A_197 = tpu.memref_slice %arg8[%add3A_189, %dma_start3A_196] : memref<32x64xi32, #tpu.memory_space<vmem>> -> memref<1x64xi32, #tpu.memory_space<vmem>>
          %dma_start3A_198 = tpu.memref_squeeze %dma_start3A_197 : memref<1x64xi32, #tpu.memory_space<vmem>> -> memref<64xi32, #tpu.memory_space<vmem>>
          %dma_start3A_199 = arith.constant 0 : i32
          %dma_start3A_200 = arith.constant 0 : i32
          %dma_start3A_201 = tpu.memref_slice %arg16[%dma_start3A_199, %dma_start3A_200] : memref<10240x128xf32, #tpu.memory_space<vmem_shared>> -> memref<10240x128xf32, #tpu.memory_space<vmem_shared>>
          tpu.enqueue_indirect_dma source(%dma_start3A_195 : memref<64x128xf32, #tpu.memory_space<vmem>>) target(%dma_start3A_201 : memref<10240x128xf32, #tpu.memory_space<vmem_shared>>) offsets(%dma_start3A_198 : memref<64xi32, #tpu.memory_space<vmem>>) semaphore(%run_scoped3A_191 : memref<!tpu.dma_semaphore, #tpu.memory_space<semaphore_mem>>) {add = true}
          %dma_wait3A_202 = arith.constant 0 : i32
          %dma_wait3A_203 = arith.constant 0 : i32
          %dma_wait3A_204 = tpu.memref_slice %arg9[%run_scoped3A_190, %dma_wait3A_202, %dma_wait3A_203] : memref<4x64x128xf32, #tpu.memory_space<vmem>> -> memref<1x64x128xf32, #tpu.memory_space<vmem>>
          %dma_wait3A_205 = tpu.memref_squeeze %dma_wait3A_204 : memref<1x64x128xf32, #tpu.memory_space<vmem>> -> memref<64x128xf32, #tpu.memory_space<vmem>>
          %dma_wait3A_206 = arith.constant 0 : i32
          %dma_wait3A_207 = tpu.memref_slice %arg8[%add3A_189, %dma_wait3A_206] : memref<32x64xi32, #tpu.memory_space<vmem>> -> memref<1x64xi32, #tpu.memory_space<vmem>>
          %dma_wait3A_208 = tpu.memref_squeeze %dma_wait3A_207 : memref<1x64xi32, #tpu.memory_space<vmem>> -> memref<64xi32, #tpu.memory_space<vmem>>
          %dma_wait3A_209 = arith.constant 0 : i32
          %dma_wait3A_210 = arith.constant 0 : i32
          %dma_wait3A_211 = tpu.memref_slice %arg16[%dma_wait3A_209, %dma_wait3A_210] : memref<10240x128xf32, #tpu.memory_space<vmem_shared>> -> memref<10240x128xf32, #tpu.memory_space<vmem_shared>>
          tpu.wait_indirect_dma semaphore(%run_scoped3A_191 : memref<!tpu.dma_semaphore, #tpu.memory_space<semaphore_mem>>) src(%dma_wait3A_205 : memref<64x128xf32, #tpu.memory_space<vmem>>) dst(%dma_wait3A_211 : memref<10240x128xf32, #tpu.memory_space<vmem_shared>>)
          tpu.yield
        }) : () -> ()
      }
      %scan3A_80 = arith.constant 8 : i32
    } else {
    }
    %gt3A_28 = arith.constant 4 : i32
    %gt3A_29 = arith.cmpi sgt, %select_n3A, %gt3A_28 : i32
    %convert_element_type3A_30 = arith.extui %gt3A_29 : i1 to i32
    %cond3A_31 = arith.constant 0 : i32
    %cond3A_32 = arith.cmpi ne, %convert_element_type3A_30, %cond3A_31 : i32
    scf.if %cond3A_32 {
      %add3A_58 = arith.constant 4 : i32
      %add3A_59 = arith.addi %select_n3A_10, %add3A_58 : i32
      %mul3A_60 = arith.constant 32 : i32
      %mul3A_61 = arith.muli %add3A_59, %mul3A_60 : i32
      %dma_start3A = arith.constant 0 : i32
      %dma_start3A_62 = tpu.memref_slice %arg2[%mul3A_61, %dma_start3A] : memref<5120x64xi32, #tpu.memory_space<hbm>> -> memref<32x64xi32, #tpu.memory_space<hbm>>
      %dma_start3A_63 = arith.constant 0 : i32
      %dma_start3A_64 = tpu.memref_slice %arg2[%mul3A_61, %dma_start3A_63] : memref<5120x64xi32, #tpu.memory_space<hbm>> -> memref<32x64xi32, #tpu.memory_space<hbm>>
      tpu.enqueue_dma source(%dma_start3A_64 : memref<32x64xi32, #tpu.memory_space<hbm>>) target(%arg7 : memref<32x64xi32, #tpu.memory_space<vmem>>) target_semaphore(%arg14 : memref<!tpu.dma_semaphore, #tpu.memory_space<semaphore_mem>>)
      %dma_start3A_65 = arith.constant 0 : i32
      %dma_start3A_66 = tpu.memref_slice %arg3[%mul3A_61, %dma_start3A_65] : memref<5120x64xi32, #tpu.memory_space<hbm>> -> memref<32x64xi32, #tpu.memory_space<hbm>>
      %dma_start3A_67 = arith.constant 0 : i32
      %dma_start3A_68 = tpu.memref_slice %arg3[%mul3A_61, %dma_start3A_67] : memref<5120x64xi32, #tpu.memory_space<hbm>> -> memref<32x64xi32, #tpu.memory_space<hbm>>
      tpu.enqueue_dma source(%dma_start3A_68 : memref<32x64xi32, #tpu.memory_space<hbm>>) target(%arg8 : memref<32x64xi32, #tpu.memory_space<vmem>>) target_semaphore(%arg15 : memref<!tpu.dma_semaphore, #tpu.memory_space<semaphore_mem>>)
      %dma_wait3A = arith.constant 0 : i32
      %dma_wait3A_69 = tpu.memref_slice %arg2[%mul3A_61, %dma_wait3A] : memref<5120x64xi32, #tpu.memory_space<hbm>> -> memref<32x64xi32, #tpu.memory_space<hbm>>
      %dma_wait3A_70 = arith.constant 0 : i32
      %dma_wait3A_71 = tpu.memref_slice %arg2[%mul3A_61, %dma_wait3A_70] : memref<5120x64xi32, #tpu.memory_space<hbm>> -> memref<32x64xi32, #tpu.memory_space<hbm>>
      tpu.wait_dma2 semaphore(%arg14 : memref<!tpu.dma_semaphore, #tpu.memory_space<semaphore_mem>>) src(%dma_wait3A_71 : memref<32x64xi32, #tpu.memory_space<hbm>>) dst(%arg7 : memref<32x64xi32, #tpu.memory_space<vmem>>)
      %dma_wait3A_72 = arith.constant 0 : i32
      %dma_wait3A_73 = tpu.memref_slice %arg3[%mul3A_61, %dma_wait3A_72] : memref<5120x64xi32, #tpu.memory_space<hbm>> -> memref<32x64xi32, #tpu.memory_space<hbm>>
      %dma_wait3A_74 = arith.constant 0 : i32
      %dma_wait3A_75 = tpu.memref_slice %arg3[%mul3A_61, %dma_wait3A_74] : memref<5120x64xi32, #tpu.memory_space<hbm>> -> memref<32x64xi32, #tpu.memory_space<hbm>>
      tpu.wait_dma2 semaphore(%arg15 : memref<!tpu.dma_semaphore, #tpu.memory_space<semaphore_mem>>) src(%dma_wait3A_75 : memref<32x64xi32, #tpu.memory_space<hbm>>) dst(%arg8 : memref<32x64xi32, #tpu.memory_space<vmem>>)
      %scan3A = arith.constant 0 : i32
      %scan3A_76 = arith.constant 0 : i32
      %scan3A_77 = arith.constant 8 : i32
      %scan3A_78 = arith.addi %scan3A_76, %scan3A_77 : i32
      %scan3A_79 = arith.constant 1 : i32
      scf.for %scan3A_81 = %scan3A_76 to %scan3A_78 step %scan3A_79  : i32 {
        %mul3A_82 = arith.constant 4 : i32
        %mul3A_83 = arith.muli %scan3A_81, %mul3A_82 : i32
        %add3A_84 = arith.constant 0 : i32
        %add3A_85 = arith.addi %mul3A_83, %add3A_84 : i32
        %dma_start3A_86 = arith.constant 0 : i32
        %dma_start3A_87 = arith.constant 0 : i32
        %dma_start3A_88 = arith.constant 0 : i32
        %dma_start3A_89 = tpu.memref_slice %arg9[%dma_start3A_86, %dma_start3A_87, %dma_start3A_88] : memref<4x64x128xf32, #tpu.memory_space<vmem>> -> memref<1x64x128xf32, #tpu.memory_space<vmem>>
        %dma_start3A_90 = tpu.memref_squeeze %dma_start3A_89 : memref<1x64x128xf32, #tpu.memory_space<vmem>> -> memref<64x128xf32, #tpu.memory_space<vmem>>
        %dma_start3A_91 = arith.constant 0 : i32
        %dma_start3A_92 = tpu.memref_slice %arg7[%add3A_85, %dma_start3A_91] : memref<32x64xi32, #tpu.memory_space<vmem>> -> memref<1x64xi32, #tpu.memory_space<vmem>>
        %dma_start3A_93 = tpu.memref_squeeze %dma_start3A_92 : memref<1x64xi32, #tpu.memory_space<vmem>> -> memref<64xi32, #tpu.memory_space<vmem>>
        %dma_start3A_94 = arith.constant 0 : i32
        %dma_start3A_95 = arith.constant 0 : i32
        %dma_start3A_96 = tpu.memref_slice %arg4[%dma_start3A_94, %dma_start3A_95] : memref<10240x128xf32, #tpu.memory_space<hbm>> -> memref<10240x128xf32, #tpu.memory_space<hbm>>
        tpu.enqueue_indirect_dma source(%dma_start3A_96 : memref<10240x128xf32, #tpu.memory_space<hbm>>) target(%dma_start3A_90 : memref<64x128xf32, #tpu.memory_space<vmem>>) offsets(%dma_start3A_93 : memref<64xi32, #tpu.memory_space<vmem>>) semaphore(%arg10 : memref<!tpu.dma_semaphore, #tpu.memory_space<semaphore_mem>>)
        %add3A_97 = arith.constant 1 : i32
        %add3A_98 = arith.addi %mul3A_83, %add3A_97 : i32
        %dma_start3A_99 = arith.constant 1 : i32
        %dma_start3A_100 = arith.constant 0 : i32
        %dma_start3A_101 = arith.constant 0 : i32
        %dma_start3A_102 = tpu.memref_slice %arg9[%dma_start3A_99, %dma_start3A_100, %dma_start3A_101] : memref<4x64x128xf32, #tpu.memory_space<vmem>> -> memref<1x64x128xf32, #tpu.memory_space<vmem>>
        %dma_start3A_103 = tpu.memref_squeeze %dma_start3A_102 : memref<1x64x128xf32, #tpu.memory_space<vmem>> -> memref<64x128xf32, #tpu.memory_space<vmem>>
        %dma_start3A_104 = arith.constant 0 : i32
        %dma_start3A_105 = tpu.memref_slice %arg7[%add3A_98, %dma_start3A_104] : memref<32x64xi32, #tpu.memory_space<vmem>> -> memref<1x64xi32, #tpu.memory_space<vmem>>
        %dma_start3A_106 = tpu.memref_squeeze %dma_start3A_105 : memref<1x64xi32, #tpu.memory_space<vmem>> -> memref<64xi32, #tpu.memory_space<vmem>>
        %dma_start3A_107 = arith.constant 0 : i32
        %dma_start3A_108 = arith.constant 0 : i32
        %dma_start3A_109 = tpu.memref_slice %arg4[%dma_start3A_107, %dma_start3A_108] : memref<10240x128xf32, #tpu.memory_space<hbm>> -> memref<10240x128xf32, #tpu.memory_space<hbm>>
        tpu.enqueue_indirect_dma source(%dma_start3A_109 : memref<10240x128xf32, #tpu.memory_space<hbm>>) target(%dma_start3A_103 : memref<64x128xf32, #tpu.memory_space<vmem>>) offsets(%dma_start3A_106 : memref<64xi32, #tpu.memory_space<vmem>>) semaphore(%arg11 : memref<!tpu.dma_semaphore, #tpu.memory_space<semaphore_mem>>)
        %add3A_110 = arith.constant 2 : i32
        %add3A_111 = arith.addi %mul3A_83, %add3A_110 : i32
        %dma_start3A_112 = arith.constant 2 : i32
        %dma_start3A_113 = arith.constant 0 : i32
        %dma_start3A_114 = arith.constant 0 : i32
        %dma_start3A_115 = tpu.memref_slice %arg9[%dma_start3A_112, %dma_start3A_113, %dma_start3A_114] : memref<4x64x128xf32, #tpu.memory_space<vmem>> -> memref<1x64x128xf32, #tpu.memory_space<vmem>>
        %dma_start3A_116 = tpu.memref_squeeze %dma_start3A_115 : memref<1x64x128xf32, #tpu.memory_space<vmem>> -> memref<64x128xf32, #tpu.memory_space<vmem>>
        %dma_start3A_117 = arith.constant 0 : i32
        %dma_start3A_118 = tpu.memref_slice %arg7[%add3A_111, %dma_start3A_117] : memref<32x64xi32, #tpu.memory_space<vmem>> -> memref<1x64xi32, #tpu.memory_space<vmem>>
        %dma_start3A_119 = tpu.memref_squeeze %dma_start3A_118 : memref<1x64xi32, #tpu.memory_space<vmem>> -> memref<64xi32, #tpu.memory_space<vmem>>
        %dma_start3A_120 = arith.constant 0 : i32
        %dma_start3A_121 = arith.constant 0 : i32
        %dma_start3A_122 = tpu.memref_slice %arg4[%dma_start3A_120, %dma_start3A_121] : memref<10240x128xf32, #tpu.memory_space<hbm>> -> memref<10240x128xf32, #tpu.memory_space<hbm>>
        tpu.enqueue_indirect_dma source(%dma_start3A_122 : memref<10240x128xf32, #tpu.memory_space<hbm>>) target(%dma_start3A_116 : memref<64x128xf32, #tpu.memory_space<vmem>>) offsets(%dma_start3A_119 : memref<64xi32, #tpu.memory_space<vmem>>) semaphore(%arg12 : memref<!tpu.dma_semaphore, #tpu.memory_space<semaphore_mem>>)
        %add3A_123 = arith.constant 3 : i32
        %add3A_124 = arith.addi %mul3A_83, %add3A_123 : i32
        %dma_start3A_125 = arith.constant 3 : i32
        %dma_start3A_126 = arith.constant 0 : i32
        %dma_start3A_127 = arith.constant 0 : i32
        %dma_start3A_128 = tpu.memref_slice %arg9[%dma_start3A_125, %dma_start3A_126, %dma_start3A_127] : memref<4x64x128xf32, #tpu.memory_space<vmem>> -> memref<1x64x128xf32, #tpu.memory_space<vmem>>
        %dma_start3A_129 = tpu.memref_squeeze %dma_start3A_128 : memref<1x64x128xf32, #tpu.memory_space<vmem>> -> memref<64x128xf32, #tpu.memory_space<vmem>>
        %dma_start3A_130 = arith.constant 0 : i32
        %dma_start3A_131 = tpu.memref_slice %arg7[%add3A_124, %dma_start3A_130] : memref<32x64xi32, #tpu.memory_space<vmem>> -> memref<1x64xi32, #tpu.memory_space<vmem>>
        %dma_start3A_132 = tpu.memref_squeeze %dma_start3A_131 : memref<1x64xi32, #tpu.memory_space<vmem>> -> memref<64xi32, #tpu.memory_space<vmem>>
        %dma_start3A_133 = arith.constant 0 : i32
        %dma_start3A_134 = arith.constant 0 : i32
        %dma_start3A_135 = tpu.memref_slice %arg4[%dma_start3A_133, %dma_start3A_134] : memref<10240x128xf32, #tpu.memory_space<hbm>> -> memref<10240x128xf32, #tpu.memory_space<hbm>>
        tpu.enqueue_indirect_dma source(%dma_start3A_135 : memref<10240x128xf32, #tpu.memory_space<hbm>>) target(%dma_start3A_129 : memref<64x128xf32, #tpu.memory_space<vmem>>) offsets(%dma_start3A_132 : memref<64xi32, #tpu.memory_space<vmem>>) semaphore(%arg13 : memref<!tpu.dma_semaphore, #tpu.memory_space<semaphore_mem>>)
        %dma_wait3A_136 = arith.constant 0 : i32
        %dma_wait3A_137 = arith.constant 0 : i32
        %dma_wait3A_138 = arith.constant 0 : i32
        %dma_wait3A_139 = tpu.memref_slice %arg9[%dma_wait3A_136, %dma_wait3A_137, %dma_wait3A_138] : memref<4x64x128xf32, #tpu.memory_space<vmem>> -> memref<1x64x128xf32, #tpu.memory_space<vmem>>
        %dma_wait3A_140 = tpu.memref_squeeze %dma_wait3A_139 : memref<1x64x128xf32, #tpu.memory_space<vmem>> -> memref<64x128xf32, #tpu.memory_space<vmem>>
        %dma_wait3A_141 = arith.constant 0 : i32
        %dma_wait3A_142 = tpu.memref_slice %arg7[%add3A_85, %dma_wait3A_141] : memref<32x64xi32, #tpu.memory_space<vmem>> -> memref<1x64xi32, #tpu.memory_space<vmem>>
        %dma_wait3A_143 = tpu.memref_squeeze %dma_wait3A_142 : memref<1x64xi32, #tpu.memory_space<vmem>> -> memref<64xi32, #tpu.memory_space<vmem>>
        %dma_wait3A_144 = arith.constant 0 : i32
        %dma_wait3A_145 = arith.constant 0 : i32
        %dma_wait3A_146 = tpu.memref_slice %arg4[%dma_wait3A_144, %dma_wait3A_145] : memref<10240x128xf32, #tpu.memory_space<hbm>> -> memref<10240x128xf32, #tpu.memory_space<hbm>>
        tpu.wait_indirect_dma semaphore(%arg10 : memref<!tpu.dma_semaphore, #tpu.memory_space<semaphore_mem>>) src(%dma_wait3A_146 : memref<10240x128xf32, #tpu.memory_space<hbm>>) dst(%dma_wait3A_140 : memref<64x128xf32, #tpu.memory_space<vmem>>)
        %add3A_147 = arith.constant 0 : i32
        %add3A_148 = arith.addi %mul3A_83, %add3A_147 : i32
        %run_scoped3A = arith.constant 0 : i32
        "tpu.region"() ({
          %run_scoped3A_191 = tpu.sem_alloc : memref<!tpu.dma_semaphore, #tpu.memory_space<semaphore_mem>>
          %dma_start3A_192 = arith.constant 0 : i32
          %dma_start3A_193 = arith.constant 0 : i32
          %dma_start3A_194 = tpu.memref_slice %arg9[%run_scoped3A, %dma_start3A_192, %dma_start3A_193] : memref<4x64x128xf32, #tpu.memory_space<vmem>> -> memref<1x64x128xf32, #tpu.memory_space<vmem>>
          %dma_start3A_195 = tpu.memref_squeeze %dma_start3A_194 : memref<1x64x128xf32, #tpu.memory_space<vmem>> -> memref<64x128xf32, #tpu.memory_space<vmem>>
          %dma_start3A_196 = arith.constant 0 : i32
          %dma_start3A_197 = tpu.memref_slice %arg8[%add3A_148, %dma_start3A_196] : memref<32x64xi32, #tpu.memory_space<vmem>> -> memref<1x64xi32, #tpu.memory_space<vmem>>
          %dma_start3A_198 = tpu.memref_squeeze %dma_start3A_197 : memref<1x64xi32, #tpu.memory_space<vmem>> -> memref<64xi32, #tpu.memory_space<vmem>>
          %dma_start3A_199 = arith.constant 0 : i32
          %dma_start3A_200 = arith.constant 0 : i32
          %dma_start3A_201 = tpu.memref_slice %arg16[%dma_start3A_199, %dma_start3A_200] : memref<10240x128xf32, #tpu.memory_space<vmem_shared>> -> memref<10240x128xf32, #tpu.memory_space<vmem_shared>>
          tpu.enqueue_indirect_dma source(%dma_start3A_195 : memref<64x128xf32, #tpu.memory_space<vmem>>) target(%dma_start3A_201 : memref<10240x128xf32, #tpu.memory_space<vmem_shared>>) offsets(%dma_start3A_198 : memref<64xi32, #tpu.memory_space<vmem>>) semaphore(%run_scoped3A_191 : memref<!tpu.dma_semaphore, #tpu.memory_space<semaphore_mem>>) {add = true}
          %dma_wait3A_202 = arith.constant 0 : i32
          %dma_wait3A_203 = arith.constant 0 : i32
          %dma_wait3A_204 = tpu.memref_slice %arg9[%run_scoped3A, %dma_wait3A_202, %dma_wait3A_203] : memref<4x64x128xf32, #tpu.memory_space<vmem>> -> memref<1x64x128xf32, #tpu.memory_space<vmem>>
          %dma_wait3A_205 = tpu.memref_squeeze %dma_wait3A_204 : memref<1x64x128xf32, #tpu.memory_space<vmem>> -> memref<64x128xf32, #tpu.memory_space<vmem>>
          %dma_wait3A_206 = arith.constant 0 : i32
          %dma_wait3A_207 = tpu.memref_slice %arg8[%add3A_148, %dma_wait3A_206] : memref<32x64xi32, #tpu.memory_space<vmem>> -> memref<1x64xi32, #tpu.memory_space<vmem>>
          %dma_wait3A_208 = tpu.memref_squeeze %dma_wait3A_207 : memref<1x64xi32, #tpu.memory_space<vmem>> -> memref<64xi32, #tpu.memory_space<vmem>>
          %dma_wait3A_209 = arith.constant 0 : i32
          %dma_wait3A_210 = arith.constant 0 : i32
          %dma_wait3A_211 = tpu.memref_slice %arg16[%dma_wait3A_209, %dma_wait3A_210] : memref<10240x128xf32, #tpu.memory_space<vmem_shared>> -> memref<10240x128xf32, #tpu.memory_space<vmem_shared>>
          tpu.wait_indirect_dma semaphore(%run_scoped3A_191 : memref<!tpu.dma_semaphore, #tpu.memory_space<semaphore_mem>>) src(%dma_wait3A_205 : memref<64x128xf32, #tpu.memory_space<vmem>>) dst(%dma_wait3A_211 : memref<10240x128xf32, #tpu.memory_space<vmem_shared>>)
          tpu.yield
        }) : () -> ()
        %dma_wait3A_149 = arith.constant 1 : i32
        %dma_wait3A_150 = arith.constant 0 : i32
        %dma_wait3A_151 = arith.constant 0 : i32
        %dma_wait3A_152 = tpu.memref_slice %arg9[%dma_wait3A_149, %dma_wait3A_150, %dma_wait3A_151] : memref<4x64x128xf32, #tpu.memory_space<vmem>> -> memref<1x64x128xf32, #tpu.memory_space<vmem>>
        %dma_wait3A_153 = tpu.memref_squeeze %dma_wait3A_152 : memref<1x64x128xf32, #tpu.memory_space<vmem>> -> memref<64x128xf32, #tpu.memory_space<vmem>>
        %dma_wait3A_154 = arith.constant 0 : i32
        %dma_wait3A_155 = tpu.memref_slice %arg7[%add3A_98, %dma_wait3A_154] : memref<32x64xi32, #tpu.memory_space<vmem>> -> memref<1x64xi32, #tpu.memory_space<vmem>>
        %dma_wait3A_156 = tpu.memref_squeeze %dma_wait3A_155 : memref<1x64xi32, #tpu.memory_space<vmem>> -> memref<64xi32, #tpu.memory_space<vmem>>
        %dma_wait3A_157 = arith.constant 0 : i32
        %dma_wait3A_158 = arith.constant 0 : i32
        %dma_wait3A_159 = tpu.memref_slice %arg4[%dma_wait3A_157, %dma_wait3A_158] : memref<10240x128xf32, #tpu.memory_space<hbm>> -> memref<10240x128xf32, #tpu.memory_space<hbm>>
        tpu.wait_indirect_dma semaphore(%arg11 : memref<!tpu.dma_semaphore, #tpu.memory_space<semaphore_mem>>) src(%dma_wait3A_159 : memref<10240x128xf32, #tpu.memory_space<hbm>>) dst(%dma_wait3A_153 : memref<64x128xf32, #tpu.memory_space<vmem>>)
        %add3A_160 = arith.constant 1 : i32
        %add3A_161 = arith.addi %mul3A_83, %add3A_160 : i32
        %run_scoped3A_162 = arith.constant 1 : i32
        "tpu.region"() ({
          %run_scoped3A_191 = tpu.sem_alloc : memref<!tpu.dma_semaphore, #tpu.memory_space<semaphore_mem>>
          %dma_start3A_192 = arith.constant 0 : i32
          %dma_start3A_193 = arith.constant 0 : i32
          %dma_start3A_194 = tpu.memref_slice %arg9[%run_scoped3A_162, %dma_start3A_192, %dma_start3A_193] : memref<4x64x128xf32, #tpu.memory_space<vmem>> -> memref<1x64x128xf32, #tpu.memory_space<vmem>>
          %dma_start3A_195 = tpu.memref_squeeze %dma_start3A_194 : memref<1x64x128xf32, #tpu.memory_space<vmem>> -> memref<64x128xf32, #tpu.memory_space<vmem>>
          %dma_start3A_196 = arith.constant 0 : i32
          %dma_start3A_197 = tpu.memref_slice %arg8[%add3A_161, %dma_start3A_196] : memref<32x64xi32, #tpu.memory_space<vmem>> -> memref<1x64xi32, #tpu.memory_space<vmem>>
          %dma_start3A_198 = tpu.memref_squeeze %dma_start3A_197 : memref<1x64xi32, #tpu.memory_space<vmem>> -> memref<64xi32, #tpu.memory_space<vmem>>
          %dma_start3A_199 = arith.constant 0 : i32
          %dma_start3A_200 = arith.constant 0 : i32
          %dma_start3A_201 = tpu.memref_slice %arg16[%dma_start3A_199, %dma_start3A_200] : memref<10240x128xf32, #tpu.memory_space<vmem_shared>> -> memref<10240x128xf32, #tpu.memory_space<vmem_shared>>
          tpu.enqueue_indirect_dma source(%dma_start3A_195 : memref<64x128xf32, #tpu.memory_space<vmem>>) target(%dma_start3A_201 : memref<10240x128xf32, #tpu.memory_space<vmem_shared>>) offsets(%dma_start3A_198 : memref<64xi32, #tpu.memory_space<vmem>>) semaphore(%run_scoped3A_191 : memref<!tpu.dma_semaphore, #tpu.memory_space<semaphore_mem>>) {add = true}
          %dma_wait3A_202 = arith.constant 0 : i32
          %dma_wait3A_203 = arith.constant 0 : i32
          %dma_wait3A_204 = tpu.memref_slice %arg9[%run_scoped3A_162, %dma_wait3A_202, %dma_wait3A_203] : memref<4x64x128xf32, #tpu.memory_space<vmem>> -> memref<1x64x128xf32, #tpu.memory_space<vmem>>
          %dma_wait3A_205 = tpu.memref_squeeze %dma_wait3A_204 : memref<1x64x128xf32, #tpu.memory_space<vmem>> -> memref<64x128xf32, #tpu.memory_space<vmem>>
          %dma_wait3A_206 = arith.constant 0 : i32
          %dma_wait3A_207 = tpu.memref_slice %arg8[%add3A_161, %dma_wait3A_206] : memref<32x64xi32, #tpu.memory_space<vmem>> -> memref<1x64xi32, #tpu.memory_space<vmem>>
          %dma_wait3A_208 = tpu.memref_squeeze %dma_wait3A_207 : memref<1x64xi32, #tpu.memory_space<vmem>> -> memref<64xi32, #tpu.memory_space<vmem>>
          %dma_wait3A_209 = arith.constant 0 : i32
          %dma_wait3A_210 = arith.constant 0 : i32
          %dma_wait3A_211 = tpu.memref_slice %arg16[%dma_wait3A_209, %dma_wait3A_210] : memref<10240x128xf32, #tpu.memory_space<vmem_shared>> -> memref<10240x128xf32, #tpu.memory_space<vmem_shared>>
          tpu.wait_indirect_dma semaphore(%run_scoped3A_191 : memref<!tpu.dma_semaphore, #tpu.memory_space<semaphore_mem>>) src(%dma_wait3A_205 : memref<64x128xf32, #tpu.memory_space<vmem>>) dst(%dma_wait3A_211 : memref<10240x128xf32, #tpu.memory_space<vmem_shared>>)
          tpu.yield
        }) : () -> ()
        %dma_wait3A_163 = arith.constant 2 : i32
        %dma_wait3A_164 = arith.constant 0 : i32
        %dma_wait3A_165 = arith.constant 0 : i32
        %dma_wait3A_166 = tpu.memref_slice %arg9[%dma_wait3A_163, %dma_wait3A_164, %dma_wait3A_165] : memref<4x64x128xf32, #tpu.memory_space<vmem>> -> memref<1x64x128xf32, #tpu.memory_space<vmem>>
        %dma_wait3A_167 = tpu.memref_squeeze %dma_wait3A_166 : memref<1x64x128xf32, #tpu.memory_space<vmem>> -> memref<64x128xf32, #tpu.memory_space<vmem>>
        %dma_wait3A_168 = arith.constant 0 : i32
        %dma_wait3A_169 = tpu.memref_slice %arg7[%add3A_111, %dma_wait3A_168] : memref<32x64xi32, #tpu.memory_space<vmem>> -> memref<1x64xi32, #tpu.memory_space<vmem>>
        %dma_wait3A_170 = tpu.memref_squeeze %dma_wait3A_169 : memref<1x64xi32, #tpu.memory_space<vmem>> -> memref<64xi32, #tpu.memory_space<vmem>>
        %dma_wait3A_171 = arith.constant 0 : i32
        %dma_wait3A_172 = arith.constant 0 : i32
        %dma_wait3A_173 = tpu.memref_slice %arg4[%dma_wait3A_171, %dma_wait3A_172] : memref<10240x128xf32, #tpu.memory_space<hbm>> -> memref<10240x128xf32, #tpu.memory_space<hbm>>
        tpu.wait_indirect_dma semaphore(%arg12 : memref<!tpu.dma_semaphore, #tpu.memory_space<semaphore_mem>>) src(%dma_wait3A_173 : memref<10240x128xf32, #tpu.memory_space<hbm>>) dst(%dma_wait3A_167 : memref<64x128xf32, #tpu.memory_space<vmem>>)
        %add3A_174 = arith.constant 2 : i32
        %add3A_175 = arith.addi %mul3A_83, %add3A_174 : i32
        %run_scoped3A_176 = arith.constant 2 : i32
        "tpu.region"() ({
          %run_scoped3A_191 = tpu.sem_alloc : memref<!tpu.dma_semaphore, #tpu.memory_space<semaphore_mem>>
          %dma_start3A_192 = arith.constant 0 : i32
          %dma_start3A_193 = arith.constant 0 : i32
          %dma_start3A_194 = tpu.memref_slice %arg9[%run_scoped3A_176, %dma_start3A_192, %dma_start3A_193] : memref<4x64x128xf32, #tpu.memory_space<vmem>> -> memref<1x64x128xf32, #tpu.memory_space<vmem>>
          %dma_start3A_195 = tpu.memref_squeeze %dma_start3A_194 : memref<1x64x128xf32, #tpu.memory_space<vmem>> -> memref<64x128xf32, #tpu.memory_space<vmem>>
          %dma_start3A_196 = arith.constant 0 : i32
          %dma_start3A_197 = tpu.memref_slice %arg8[%add3A_175, %dma_start3A_196] : memref<32x64xi32, #tpu.memory_space<vmem>> -> memref<1x64xi32, #tpu.memory_space<vmem>>
          %dma_start3A_198 = tpu.memref_squeeze %dma_start3A_197 : memref<1x64xi32, #tpu.memory_space<vmem>> -> memref<64xi32, #tpu.memory_space<vmem>>
          %dma_start3A_199 = arith.constant 0 : i32
          %dma_start3A_200 = arith.constant 0 : i32
          %dma_start3A_201 = tpu.memref_slice %arg16[%dma_start3A_199, %dma_start3A_200] : memref<10240x128xf32, #tpu.memory_space<vmem_shared>> -> memref<10240x128xf32, #tpu.memory_space<vmem_shared>>
          tpu.enqueue_indirect_dma source(%dma_start3A_195 : memref<64x128xf32, #tpu.memory_space<vmem>>) target(%dma_start3A_201 : memref<10240x128xf32, #tpu.memory_space<vmem_shared>>) offsets(%dma_start3A_198 : memref<64xi32, #tpu.memory_space<vmem>>) semaphore(%run_scoped3A_191 : memref<!tpu.dma_semaphore, #tpu.memory_space<semaphore_mem>>) {add = true}
          %dma_wait3A_202 = arith.constant 0 : i32
          %dma_wait3A_203 = arith.constant 0 : i32
          %dma_wait3A_204 = tpu.memref_slice %arg9[%run_scoped3A_176, %dma_wait3A_202, %dma_wait3A_203] : memref<4x64x128xf32, #tpu.memory_space<vmem>> -> memref<1x64x128xf32, #tpu.memory_space<vmem>>
          %dma_wait3A_205 = tpu.memref_squeeze %dma_wait3A_204 : memref<1x64x128xf32, #tpu.memory_space<vmem>> -> memref<64x128xf32, #tpu.memory_space<vmem>>
          %dma_wait3A_206 = arith.constant 0 : i32
          %dma_wait3A_207 = tpu.memref_slice %arg8[%add3A_175, %dma_wait3A_206] : memref<32x64xi32, #tpu.memory_space<vmem>> -> memref<1x64xi32, #tpu.memory_space<vmem>>
          %dma_wait3A_208 = tpu.memref_squeeze %dma_wait3A_207 : memref<1x64xi32, #tpu.memory_space<vmem>> -> memref<64xi32, #tpu.memory_space<vmem>>
          %dma_wait3A_209 = arith.constant 0 : i32
          %dma_wait3A_210 = arith.constant 0 : i32
          %dma_wait3A_211 = tpu.memref_slice %arg16[%dma_wait3A_209, %dma_wait3A_210] : memref<10240x128xf32, #tpu.memory_space<vmem_shared>> -> memref<10240x128xf32, #tpu.memory_space<vmem_shared>>
          tpu.wait_indirect_dma semaphore(%run_scoped3A_191 : memref<!tpu.dma_semaphore, #tpu.memory_space<semaphore_mem>>) src(%dma_wait3A_205 : memref<64x128xf32, #tpu.memory_space<vmem>>) dst(%dma_wait3A_211 : memref<10240x128xf32, #tpu.memory_space<vmem_shared>>)
          tpu.yield
        }) : () -> ()
        %dma_wait3A_177 = arith.constant 3 : i32
        %dma_wait3A_178 = arith.constant 0 : i32
        %dma_wait3A_179 = arith.constant 0 : i32
        %dma_wait3A_180 = tpu.memref_slice %arg9[%dma_wait3A_177, %dma_wait3A_178, %dma_wait3A_179] : memref<4x64x128xf32, #tpu.memory_space<vmem>> -> memref<1x64x128xf32, #tpu.memory_space<vmem>>
        %dma_wait3A_181 = tpu.memref_squeeze %dma_wait3A_180 : memref<1x64x128xf32, #tpu.memory_space<vmem>> -> memref<64x128xf32, #tpu.memory_space<vmem>>
        %dma_wait3A_182 = arith.constant 0 : i32
        %dma_wait3A_183 = tpu.memref_slice %arg7[%add3A_124, %dma_wait3A_182] : memref<32x64xi32, #tpu.memory_space<vmem>> -> memref<1x64xi32, #tpu.memory_space<vmem>>
        %dma_wait3A_184 = tpu.memref_squeeze %dma_wait3A_183 : memref<1x64xi32, #tpu.memory_space<vmem>> -> memref<64xi32, #tpu.memory_space<vmem>>
        %dma_wait3A_185 = arith.constant 0 : i32
        %dma_wait3A_186 = arith.constant 0 : i32
        %dma_wait3A_187 = tpu.memref_slice %arg4[%dma_wait3A_185, %dma_wait3A_186] : memref<10240x128xf32, #tpu.memory_space<hbm>> -> memref<10240x128xf32, #tpu.memory_space<hbm>>
        tpu.wait_indirect_dma semaphore(%arg13 : memref<!tpu.dma_semaphore, #tpu.memory_space<semaphore_mem>>) src(%dma_wait3A_187 : memref<10240x128xf32, #tpu.memory_space<hbm>>) dst(%dma_wait3A_181 : memref<64x128xf32, #tpu.memory_space<vmem>>)
        %add3A_188 = arith.constant 3 : i32
        %add3A_189 = arith.addi %mul3A_83, %add3A_188 : i32
        %run_scoped3A_190 = arith.constant 3 : i32
        "tpu.region"() ({
          %run_scoped3A_191 = tpu.sem_alloc : memref<!tpu.dma_semaphore, #tpu.memory_space<semaphore_mem>>
          %dma_start3A_192 = arith.constant 0 : i32
          %dma_start3A_193 = arith.constant 0 : i32
          %dma_start3A_194 = tpu.memref_slice %arg9[%run_scoped3A_190, %dma_start3A_192, %dma_start3A_193] : memref<4x64x128xf32, #tpu.memory_space<vmem>> -> memref<1x64x128xf32, #tpu.memory_space<vmem>>
          %dma_start3A_195 = tpu.memref_squeeze %dma_start3A_194 : memref<1x64x128xf32, #tpu.memory_space<vmem>> -> memref<64x128xf32, #tpu.memory_space<vmem>>
          %dma_start3A_196 = arith.constant 0 : i32
          %dma_start3A_197 = tpu.memref_slice %arg8[%add3A_189, %dma_start3A_196] : memref<32x64xi32, #tpu.memory_space<vmem>> -> memref<1x64xi32, #tpu.memory_space<vmem>>
          %dma_start3A_198 = tpu.memref_squeeze %dma_start3A_197 : memref<1x64xi32, #tpu.memory_space<vmem>> -> memref<64xi32, #tpu.memory_space<vmem>>
          %dma_start3A_199 = arith.constant 0 : i32
          %dma_start3A_200 = arith.constant 0 : i32
          %dma_start3A_201 = tpu.memref_slice %arg16[%dma_start3A_199, %dma_start3A_200] : memref<10240x128xf32, #tpu.memory_space<vmem_shared>> -> memref<10240x128xf32, #tpu.memory_space<vmem_shared>>
          tpu.enqueue_indirect_dma source(%dma_start3A_195 : memref<64x128xf32, #tpu.memory_space<vmem>>) target(%dma_start3A_201 : memref<10240x128xf32, #tpu.memory_space<vmem_shared>>) offsets(%dma_start3A_198 : memref<64xi32, #tpu.memory_space<vmem>>) semaphore(%run_scoped3A_191 : memref<!tpu.dma_semaphore, #tpu.memory_space<semaphore_mem>>) {add = true}
          %dma_wait3A_202 = arith.constant 0 : i32
          %dma_wait3A_203 = arith.constant 0 : i32
          %dma_wait3A_204 = tpu.memref_slice %arg9[%run_scoped3A_190, %dma_wait3A_202, %dma_wait3A_203] : memref<4x64x128xf32, #tpu.memory_space<vmem>> -> memref<1x64x128xf32, #tpu.memory_space<vmem>>
          %dma_wait3A_205 = tpu.memref_squeeze %dma_wait3A_204 : memref<1x64x128xf32, #tpu.memory_space<vmem>> -> memref<64x128xf32, #tpu.memory_space<vmem>>
          %dma_wait3A_206 = arith.constant 0 : i32
          %dma_wait3A_207 = tpu.memref_slice %arg8[%add3A_189, %dma_wait3A_206] : memref<32x64xi32, #tpu.memory_space<vmem>> -> memref<1x64xi32, #tpu.memory_space<vmem>>
          %dma_wait3A_208 = tpu.memref_squeeze %dma_wait3A_207 : memref<1x64xi32, #tpu.memory_space<vmem>> -> memref<64xi32, #tpu.memory_space<vmem>>
          %dma_wait3A_209 = arith.constant 0 : i32
          %dma_wait3A_210 = arith.constant 0 : i32
          %dma_wait3A_211 = tpu.memref_slice %arg16[%dma_wait3A_209, %dma_wait3A_210] : memref<10240x128xf32, #tpu.memory_space<vmem_shared>> -> memref<10240x128xf32, #tpu.memory_space<vmem_shared>>
          tpu.wait_indirect_dma semaphore(%run_scoped3A_191 : memref<!tpu.dma_semaphore, #tpu.memory_space<semaphore_mem>>) src(%dma_wait3A_205 : memref<64x128xf32, #tpu.memory_space<vmem>>) dst(%dma_wait3A_211 : memref<10240x128xf32, #tpu.memory_space<vmem_shared>>)
          tpu.yield
        }) : () -> ()
      }
      %scan3A_80 = arith.constant 8 : i32
    } else {
    }
    %gt3A_33 = arith.constant 5 : i32
    %gt3A_34 = arith.cmpi sgt, %select_n3A, %gt3A_33 : i32
    %convert_element_type3A_35 = arith.extui %gt3A_34 : i1 to i32
    %cond3A_36 = arith.constant 0 : i32
    %cond3A_37 = arith.cmpi ne, %convert_element_type3A_35, %cond3A_36 : i32
    scf.if %cond3A_37 {
      %add3A_58 = arith.constant 5 : i32
      %add3A_59 = arith.addi %select_n3A_10, %add3A_58 : i32
      %mul3A_60 = arith.constant 32 : i32
      %mul3A_61 = arith.muli %add3A_59, %mul3A_60 : i32
      %dma_start3A = arith.constant 0 : i32
      %dma_start3A_62 = tpu.memref_slice %arg2[%mul3A_61, %dma_start3A] : memref<5120x64xi32, #tpu.memory_space<hbm>> -> memref<32x64xi32, #tpu.memory_space<hbm>>
      %dma_start3A_63 = arith.constant 0 : i32
      %dma_start3A_64 = tpu.memref_slice %arg2[%mul3A_61, %dma_start3A_63] : memref<5120x64xi32, #tpu.memory_space<hbm>> -> memref<32x64xi32, #tpu.memory_space<hbm>>
      tpu.enqueue_dma source(%dma_start3A_64 : memref<32x64xi32, #tpu.memory_space<hbm>>) target(%arg7 : memref<32x64xi32, #tpu.memory_space<vmem>>) target_semaphore(%arg14 : memref<!tpu.dma_semaphore, #tpu.memory_space<semaphore_mem>>)
      %dma_start3A_65 = arith.constant 0 : i32
      %dma_start3A_66 = tpu.memref_slice %arg3[%mul3A_61, %dma_start3A_65] : memref<5120x64xi32, #tpu.memory_space<hbm>> -> memref<32x64xi32, #tpu.memory_space<hbm>>
      %dma_start3A_67 = arith.constant 0 : i32
      %dma_start3A_68 = tpu.memref_slice %arg3[%mul3A_61, %dma_start3A_67] : memref<5120x64xi32, #tpu.memory_space<hbm>> -> memref<32x64xi32, #tpu.memory_space<hbm>>
      tpu.enqueue_dma source(%dma_start3A_68 : memref<32x64xi32, #tpu.memory_space<hbm>>) target(%arg8 : memref<32x64xi32, #tpu.memory_space<vmem>>) target_semaphore(%arg15 : memref<!tpu.dma_semaphore, #tpu.memory_space<semaphore_mem>>)
      %dma_wait3A = arith.constant 0 : i32
      %dma_wait3A_69 = tpu.memref_slice %arg2[%mul3A_61, %dma_wait3A] : memref<5120x64xi32, #tpu.memory_space<hbm>> -> memref<32x64xi32, #tpu.memory_space<hbm>>
      %dma_wait3A_70 = arith.constant 0 : i32
      %dma_wait3A_71 = tpu.memref_slice %arg2[%mul3A_61, %dma_wait3A_70] : memref<5120x64xi32, #tpu.memory_space<hbm>> -> memref<32x64xi32, #tpu.memory_space<hbm>>
      tpu.wait_dma2 semaphore(%arg14 : memref<!tpu.dma_semaphore, #tpu.memory_space<semaphore_mem>>) src(%dma_wait3A_71 : memref<32x64xi32, #tpu.memory_space<hbm>>) dst(%arg7 : memref<32x64xi32, #tpu.memory_space<vmem>>)
      %dma_wait3A_72 = arith.constant 0 : i32
      %dma_wait3A_73 = tpu.memref_slice %arg3[%mul3A_61, %dma_wait3A_72] : memref<5120x64xi32, #tpu.memory_space<hbm>> -> memref<32x64xi32, #tpu.memory_space<hbm>>
      %dma_wait3A_74 = arith.constant 0 : i32
      %dma_wait3A_75 = tpu.memref_slice %arg3[%mul3A_61, %dma_wait3A_74] : memref<5120x64xi32, #tpu.memory_space<hbm>> -> memref<32x64xi32, #tpu.memory_space<hbm>>
      tpu.wait_dma2 semaphore(%arg15 : memref<!tpu.dma_semaphore, #tpu.memory_space<semaphore_mem>>) src(%dma_wait3A_75 : memref<32x64xi32, #tpu.memory_space<hbm>>) dst(%arg8 : memref<32x64xi32, #tpu.memory_space<vmem>>)
      %scan3A = arith.constant 0 : i32
      %scan3A_76 = arith.constant 0 : i32
      %scan3A_77 = arith.constant 8 : i32
      %scan3A_78 = arith.addi %scan3A_76, %scan3A_77 : i32
      %scan3A_79 = arith.constant 1 : i32
      scf.for %scan3A_81 = %scan3A_76 to %scan3A_78 step %scan3A_79  : i32 {
        %mul3A_82 = arith.constant 4 : i32
        %mul3A_83 = arith.muli %scan3A_81, %mul3A_82 : i32
        %add3A_84 = arith.constant 0 : i32
        %add3A_85 = arith.addi %mul3A_83, %add3A_84 : i32
        %dma_start3A_86 = arith.constant 0 : i32
        %dma_start3A_87 = arith.constant 0 : i32
        %dma_start3A_88 = arith.constant 0 : i32
        %dma_start3A_89 = tpu.memref_slice %arg9[%dma_start3A_86, %dma_start3A_87, %dma_start3A_88] : memref<4x64x128xf32, #tpu.memory_space<vmem>> -> memref<1x64x128xf32, #tpu.memory_space<vmem>>
        %dma_start3A_90 = tpu.memref_squeeze %dma_start3A_89 : memref<1x64x128xf32, #tpu.memory_space<vmem>> -> memref<64x128xf32, #tpu.memory_space<vmem>>
        %dma_start3A_91 = arith.constant 0 : i32
        %dma_start3A_92 = tpu.memref_slice %arg7[%add3A_85, %dma_start3A_91] : memref<32x64xi32, #tpu.memory_space<vmem>> -> memref<1x64xi32, #tpu.memory_space<vmem>>
        %dma_start3A_93 = tpu.memref_squeeze %dma_start3A_92 : memref<1x64xi32, #tpu.memory_space<vmem>> -> memref<64xi32, #tpu.memory_space<vmem>>
        %dma_start3A_94 = arith.constant 0 : i32
        %dma_start3A_95 = arith.constant 0 : i32
        %dma_start3A_96 = tpu.memref_slice %arg4[%dma_start3A_94, %dma_start3A_95] : memref<10240x128xf32, #tpu.memory_space<hbm>> -> memref<10240x128xf32, #tpu.memory_space<hbm>>
        tpu.enqueue_indirect_dma source(%dma_start3A_96 : memref<10240x128xf32, #tpu.memory_space<hbm>>) target(%dma_start3A_90 : memref<64x128xf32, #tpu.memory_space<vmem>>) offsets(%dma_start3A_93 : memref<64xi32, #tpu.memory_space<vmem>>) semaphore(%arg10 : memref<!tpu.dma_semaphore, #tpu.memory_space<semaphore_mem>>)
        %add3A_97 = arith.constant 1 : i32
        %add3A_98 = arith.addi %mul3A_83, %add3A_97 : i32
        %dma_start3A_99 = arith.constant 1 : i32
        %dma_start3A_100 = arith.constant 0 : i32
        %dma_start3A_101 = arith.constant 0 : i32
        %dma_start3A_102 = tpu.memref_slice %arg9[%dma_start3A_99, %dma_start3A_100, %dma_start3A_101] : memref<4x64x128xf32, #tpu.memory_space<vmem>> -> memref<1x64x128xf32, #tpu.memory_space<vmem>>
        %dma_start3A_103 = tpu.memref_squeeze %dma_start3A_102 : memref<1x64x128xf32, #tpu.memory_space<vmem>> -> memref<64x128xf32, #tpu.memory_space<vmem>>
        %dma_start3A_104 = arith.constant 0 : i32
        %dma_start3A_105 = tpu.memref_slice %arg7[%add3A_98, %dma_start3A_104] : memref<32x64xi32, #tpu.memory_space<vmem>> -> memref<1x64xi32, #tpu.memory_space<vmem>>
        %dma_start3A_106 = tpu.memref_squeeze %dma_start3A_105 : memref<1x64xi32, #tpu.memory_space<vmem>> -> memref<64xi32, #tpu.memory_space<vmem>>
        %dma_start3A_107 = arith.constant 0 : i32
        %dma_start3A_108 = arith.constant 0 : i32
        %dma_start3A_109 = tpu.memref_slice %arg4[%dma_start3A_107, %dma_start3A_108] : memref<10240x128xf32, #tpu.memory_space<hbm>> -> memref<10240x128xf32, #tpu.memory_space<hbm>>
        tpu.enqueue_indirect_dma source(%dma_start3A_109 : memref<10240x128xf32, #tpu.memory_space<hbm>>) target(%dma_start3A_103 : memref<64x128xf32, #tpu.memory_space<vmem>>) offsets(%dma_start3A_106 : memref<64xi32, #tpu.memory_space<vmem>>) semaphore(%arg11 : memref<!tpu.dma_semaphore, #tpu.memory_space<semaphore_mem>>)
        %add3A_110 = arith.constant 2 : i32
        %add3A_111 = arith.addi %mul3A_83, %add3A_110 : i32
        %dma_start3A_112 = arith.constant 2 : i32
        %dma_start3A_113 = arith.constant 0 : i32
        %dma_start3A_114 = arith.constant 0 : i32
        %dma_start3A_115 = tpu.memref_slice %arg9[%dma_start3A_112, %dma_start3A_113, %dma_start3A_114] : memref<4x64x128xf32, #tpu.memory_space<vmem>> -> memref<1x64x128xf32, #tpu.memory_space<vmem>>
        %dma_start3A_116 = tpu.memref_squeeze %dma_start3A_115 : memref<1x64x128xf32, #tpu.memory_space<vmem>> -> memref<64x128xf32, #tpu.memory_space<vmem>>
        %dma_start3A_117 = arith.constant 0 : i32
        %dma_start3A_118 = tpu.memref_slice %arg7[%add3A_111, %dma_start3A_117] : memref<32x64xi32, #tpu.memory_space<vmem>> -> memref<1x64xi32, #tpu.memory_space<vmem>>
        %dma_start3A_119 = tpu.memref_squeeze %dma_start3A_118 : memref<1x64xi32, #tpu.memory_space<vmem>> -> memref<64xi32, #tpu.memory_space<vmem>>
        %dma_start3A_120 = arith.constant 0 : i32
        %dma_start3A_121 = arith.constant 0 : i32
        %dma_start3A_122 = tpu.memref_slice %arg4[%dma_start3A_120, %dma_start3A_121] : memref<10240x128xf32, #tpu.memory_space<hbm>> -> memref<10240x128xf32, #tpu.memory_space<hbm>>
        tpu.enqueue_indirect_dma source(%dma_start3A_122 : memref<10240x128xf32, #tpu.memory_space<hbm>>) target(%dma_start3A_116 : memref<64x128xf32, #tpu.memory_space<vmem>>) offsets(%dma_start3A_119 : memref<64xi32, #tpu.memory_space<vmem>>) semaphore(%arg12 : memref<!tpu.dma_semaphore, #tpu.memory_space<semaphore_mem>>)
        %add3A_123 = arith.constant 3 : i32
        %add3A_124 = arith.addi %mul3A_83, %add3A_123 : i32
        %dma_start3A_125 = arith.constant 3 : i32
        %dma_start3A_126 = arith.constant 0 : i32
        %dma_start3A_127 = arith.constant 0 : i32
        %dma_start3A_128 = tpu.memref_slice %arg9[%dma_start3A_125, %dma_start3A_126, %dma_start3A_127] : memref<4x64x128xf32, #tpu.memory_space<vmem>> -> memref<1x64x128xf32, #tpu.memory_space<vmem>>
        %dma_start3A_129 = tpu.memref_squeeze %dma_start3A_128 : memref<1x64x128xf32, #tpu.memory_space<vmem>> -> memref<64x128xf32, #tpu.memory_space<vmem>>
        %dma_start3A_130 = arith.constant 0 : i32
        %dma_start3A_131 = tpu.memref_slice %arg7[%add3A_124, %dma_start3A_130] : memref<32x64xi32, #tpu.memory_space<vmem>> -> memref<1x64xi32, #tpu.memory_space<vmem>>
        %dma_start3A_132 = tpu.memref_squeeze %dma_start3A_131 : memref<1x64xi32, #tpu.memory_space<vmem>> -> memref<64xi32, #tpu.memory_space<vmem>>
        %dma_start3A_133 = arith.constant 0 : i32
        %dma_start3A_134 = arith.constant 0 : i32
        %dma_start3A_135 = tpu.memref_slice %arg4[%dma_start3A_133, %dma_start3A_134] : memref<10240x128xf32, #tpu.memory_space<hbm>> -> memref<10240x128xf32, #tpu.memory_space<hbm>>
        tpu.enqueue_indirect_dma source(%dma_start3A_135 : memref<10240x128xf32, #tpu.memory_space<hbm>>) target(%dma_start3A_129 : memref<64x128xf32, #tpu.memory_space<vmem>>) offsets(%dma_start3A_132 : memref<64xi32, #tpu.memory_space<vmem>>) semaphore(%arg13 : memref<!tpu.dma_semaphore, #tpu.memory_space<semaphore_mem>>)
        %dma_wait3A_136 = arith.constant 0 : i32
        %dma_wait3A_137 = arith.constant 0 : i32
        %dma_wait3A_138 = arith.constant 0 : i32
        %dma_wait3A_139 = tpu.memref_slice %arg9[%dma_wait3A_136, %dma_wait3A_137, %dma_wait3A_138] : memref<4x64x128xf32, #tpu.memory_space<vmem>> -> memref<1x64x128xf32, #tpu.memory_space<vmem>>
        %dma_wait3A_140 = tpu.memref_squeeze %dma_wait3A_139 : memref<1x64x128xf32, #tpu.memory_space<vmem>> -> memref<64x128xf32, #tpu.memory_space<vmem>>
        %dma_wait3A_141 = arith.constant 0 : i32
        %dma_wait3A_142 = tpu.memref_slice %arg7[%add3A_85, %dma_wait3A_141] : memref<32x64xi32, #tpu.memory_space<vmem>> -> memref<1x64xi32, #tpu.memory_space<vmem>>
        %dma_wait3A_143 = tpu.memref_squeeze %dma_wait3A_142 : memref<1x64xi32, #tpu.memory_space<vmem>> -> memref<64xi32, #tpu.memory_space<vmem>>
        %dma_wait3A_144 = arith.constant 0 : i32
        %dma_wait3A_145 = arith.constant 0 : i32
        %dma_wait3A_146 = tpu.memref_slice %arg4[%dma_wait3A_144, %dma_wait3A_145] : memref<10240x128xf32, #tpu.memory_space<hbm>> -> memref<10240x128xf32, #tpu.memory_space<hbm>>
        tpu.wait_indirect_dma semaphore(%arg10 : memref<!tpu.dma_semaphore, #tpu.memory_space<semaphore_mem>>) src(%dma_wait3A_146 : memref<10240x128xf32, #tpu.memory_space<hbm>>) dst(%dma_wait3A_140 : memref<64x128xf32, #tpu.memory_space<vmem>>)
        %add3A_147 = arith.constant 0 : i32
        %add3A_148 = arith.addi %mul3A_83, %add3A_147 : i32
        %run_scoped3A = arith.constant 0 : i32
        "tpu.region"() ({
          %run_scoped3A_191 = tpu.sem_alloc : memref<!tpu.dma_semaphore, #tpu.memory_space<semaphore_mem>>
          %dma_start3A_192 = arith.constant 0 : i32
          %dma_start3A_193 = arith.constant 0 : i32
          %dma_start3A_194 = tpu.memref_slice %arg9[%run_scoped3A, %dma_start3A_192, %dma_start3A_193] : memref<4x64x128xf32, #tpu.memory_space<vmem>> -> memref<1x64x128xf32, #tpu.memory_space<vmem>>
          %dma_start3A_195 = tpu.memref_squeeze %dma_start3A_194 : memref<1x64x128xf32, #tpu.memory_space<vmem>> -> memref<64x128xf32, #tpu.memory_space<vmem>>
          %dma_start3A_196 = arith.constant 0 : i32
          %dma_start3A_197 = tpu.memref_slice %arg8[%add3A_148, %dma_start3A_196] : memref<32x64xi32, #tpu.memory_space<vmem>> -> memref<1x64xi32, #tpu.memory_space<vmem>>
          %dma_start3A_198 = tpu.memref_squeeze %dma_start3A_197 : memref<1x64xi32, #tpu.memory_space<vmem>> -> memref<64xi32, #tpu.memory_space<vmem>>
          %dma_start3A_199 = arith.constant 0 : i32
          %dma_start3A_200 = arith.constant 0 : i32
          %dma_start3A_201 = tpu.memref_slice %arg16[%dma_start3A_199, %dma_start3A_200] : memref<10240x128xf32, #tpu.memory_space<vmem_shared>> -> memref<10240x128xf32, #tpu.memory_space<vmem_shared>>
          tpu.enqueue_indirect_dma source(%dma_start3A_195 : memref<64x128xf32, #tpu.memory_space<vmem>>) target(%dma_start3A_201 : memref<10240x128xf32, #tpu.memory_space<vmem_shared>>) offsets(%dma_start3A_198 : memref<64xi32, #tpu.memory_space<vmem>>) semaphore(%run_scoped3A_191 : memref<!tpu.dma_semaphore, #tpu.memory_space<semaphore_mem>>) {add = true}
          %dma_wait3A_202 = arith.constant 0 : i32
          %dma_wait3A_203 = arith.constant 0 : i32
          %dma_wait3A_204 = tpu.memref_slice %arg9[%run_scoped3A, %dma_wait3A_202, %dma_wait3A_203] : memref<4x64x128xf32, #tpu.memory_space<vmem>> -> memref<1x64x128xf32, #tpu.memory_space<vmem>>
          %dma_wait3A_205 = tpu.memref_squeeze %dma_wait3A_204 : memref<1x64x128xf32, #tpu.memory_space<vmem>> -> memref<64x128xf32, #tpu.memory_space<vmem>>
          %dma_wait3A_206 = arith.constant 0 : i32
          %dma_wait3A_207 = tpu.memref_slice %arg8[%add3A_148, %dma_wait3A_206] : memref<32x64xi32, #tpu.memory_space<vmem>> -> memref<1x64xi32, #tpu.memory_space<vmem>>
          %dma_wait3A_208 = tpu.memref_squeeze %dma_wait3A_207 : memref<1x64xi32, #tpu.memory_space<vmem>> -> memref<64xi32, #tpu.memory_space<vmem>>
          %dma_wait3A_209 = arith.constant 0 : i32
          %dma_wait3A_210 = arith.constant 0 : i32
          %dma_wait3A_211 = tpu.memref_slice %arg16[%dma_wait3A_209, %dma_wait3A_210] : memref<10240x128xf32, #tpu.memory_space<vmem_shared>> -> memref<10240x128xf32, #tpu.memory_space<vmem_shared>>
          tpu.wait_indirect_dma semaphore(%run_scoped3A_191 : memref<!tpu.dma_semaphore, #tpu.memory_space<semaphore_mem>>) src(%dma_wait3A_205 : memref<64x128xf32, #tpu.memory_space<vmem>>) dst(%dma_wait3A_211 : memref<10240x128xf32, #tpu.memory_space<vmem_shared>>)
          tpu.yield
        }) : () -> ()
        %dma_wait3A_149 = arith.constant 1 : i32
        %dma_wait3A_150 = arith.constant 0 : i32
        %dma_wait3A_151 = arith.constant 0 : i32
        %dma_wait3A_152 = tpu.memref_slice %arg9[%dma_wait3A_149, %dma_wait3A_150, %dma_wait3A_151] : memref<4x64x128xf32, #tpu.memory_space<vmem>> -> memref<1x64x128xf32, #tpu.memory_space<vmem>>
        %dma_wait3A_153 = tpu.memref_squeeze %dma_wait3A_152 : memref<1x64x128xf32, #tpu.memory_space<vmem>> -> memref<64x128xf32, #tpu.memory_space<vmem>>
        %dma_wait3A_154 = arith.constant 0 : i32
        %dma_wait3A_155 = tpu.memref_slice %arg7[%add3A_98, %dma_wait3A_154] : memref<32x64xi32, #tpu.memory_space<vmem>> -> memref<1x64xi32, #tpu.memory_space<vmem>>
        %dma_wait3A_156 = tpu.memref_squeeze %dma_wait3A_155 : memref<1x64xi32, #tpu.memory_space<vmem>> -> memref<64xi32, #tpu.memory_space<vmem>>
        %dma_wait3A_157 = arith.constant 0 : i32
        %dma_wait3A_158 = arith.constant 0 : i32
        %dma_wait3A_159 = tpu.memref_slice %arg4[%dma_wait3A_157, %dma_wait3A_158] : memref<10240x128xf32, #tpu.memory_space<hbm>> -> memref<10240x128xf32, #tpu.memory_space<hbm>>
        tpu.wait_indirect_dma semaphore(%arg11 : memref<!tpu.dma_semaphore, #tpu.memory_space<semaphore_mem>>) src(%dma_wait3A_159 : memref<10240x128xf32, #tpu.memory_space<hbm>>) dst(%dma_wait3A_153 : memref<64x128xf32, #tpu.memory_space<vmem>>)
        %add3A_160 = arith.constant 1 : i32
        %add3A_161 = arith.addi %mul3A_83, %add3A_160 : i32
        %run_scoped3A_162 = arith.constant 1 : i32
        "tpu.region"() ({
          %run_scoped3A_191 = tpu.sem_alloc : memref<!tpu.dma_semaphore, #tpu.memory_space<semaphore_mem>>
          %dma_start3A_192 = arith.constant 0 : i32
          %dma_start3A_193 = arith.constant 0 : i32
          %dma_start3A_194 = tpu.memref_slice %arg9[%run_scoped3A_162, %dma_start3A_192, %dma_start3A_193] : memref<4x64x128xf32, #tpu.memory_space<vmem>> -> memref<1x64x128xf32, #tpu.memory_space<vmem>>
          %dma_start3A_195 = tpu.memref_squeeze %dma_start3A_194 : memref<1x64x128xf32, #tpu.memory_space<vmem>> -> memref<64x128xf32, #tpu.memory_space<vmem>>
          %dma_start3A_196 = arith.constant 0 : i32
          %dma_start3A_197 = tpu.memref_slice %arg8[%add3A_161, %dma_start3A_196] : memref<32x64xi32, #tpu.memory_space<vmem>> -> memref<1x64xi32, #tpu.memory_space<vmem>>
          %dma_start3A_198 = tpu.memref_squeeze %dma_start3A_197 : memref<1x64xi32, #tpu.memory_space<vmem>> -> memref<64xi32, #tpu.memory_space<vmem>>
          %dma_start3A_199 = arith.constant 0 : i32
          %dma_start3A_200 = arith.constant 0 : i32
          %dma_start3A_201 = tpu.memref_slice %arg16[%dma_start3A_199, %dma_start3A_200] : memref<10240x128xf32, #tpu.memory_space<vmem_shared>> -> memref<10240x128xf32, #tpu.memory_space<vmem_shared>>
          tpu.enqueue_indirect_dma source(%dma_start3A_195 : memref<64x128xf32, #tpu.memory_space<vmem>>) target(%dma_start3A_201 : memref<10240x128xf32, #tpu.memory_space<vmem_shared>>) offsets(%dma_start3A_198 : memref<64xi32, #tpu.memory_space<vmem>>) semaphore(%run_scoped3A_191 : memref<!tpu.dma_semaphore, #tpu.memory_space<semaphore_mem>>) {add = true}
          %dma_wait3A_202 = arith.constant 0 : i32
          %dma_wait3A_203 = arith.constant 0 : i32
          %dma_wait3A_204 = tpu.memref_slice %arg9[%run_scoped3A_162, %dma_wait3A_202, %dma_wait3A_203] : memref<4x64x128xf32, #tpu.memory_space<vmem>> -> memref<1x64x128xf32, #tpu.memory_space<vmem>>
          %dma_wait3A_205 = tpu.memref_squeeze %dma_wait3A_204 : memref<1x64x128xf32, #tpu.memory_space<vmem>> -> memref<64x128xf32, #tpu.memory_space<vmem>>
          %dma_wait3A_206 = arith.constant 0 : i32
          %dma_wait3A_207 = tpu.memref_slice %arg8[%add3A_161, %dma_wait3A_206] : memref<32x64xi32, #tpu.memory_space<vmem>> -> memref<1x64xi32, #tpu.memory_space<vmem>>
          %dma_wait3A_208 = tpu.memref_squeeze %dma_wait3A_207 : memref<1x64xi32, #tpu.memory_space<vmem>> -> memref<64xi32, #tpu.memory_space<vmem>>
          %dma_wait3A_209 = arith.constant 0 : i32
          %dma_wait3A_210 = arith.constant 0 : i32
          %dma_wait3A_211 = tpu.memref_slice %arg16[%dma_wait3A_209, %dma_wait3A_210] : memref<10240x128xf32, #tpu.memory_space<vmem_shared>> -> memref<10240x128xf32, #tpu.memory_space<vmem_shared>>
          tpu.wait_indirect_dma semaphore(%run_scoped3A_191 : memref<!tpu.dma_semaphore, #tpu.memory_space<semaphore_mem>>) src(%dma_wait3A_205 : memref<64x128xf32, #tpu.memory_space<vmem>>) dst(%dma_wait3A_211 : memref<10240x128xf32, #tpu.memory_space<vmem_shared>>)
          tpu.yield
        }) : () -> ()
        %dma_wait3A_163 = arith.constant 2 : i32
        %dma_wait3A_164 = arith.constant 0 : i32
        %dma_wait3A_165 = arith.constant 0 : i32
        %dma_wait3A_166 = tpu.memref_slice %arg9[%dma_wait3A_163, %dma_wait3A_164, %dma_wait3A_165] : memref<4x64x128xf32, #tpu.memory_space<vmem>> -> memref<1x64x128xf32, #tpu.memory_space<vmem>>
        %dma_wait3A_167 = tpu.memref_squeeze %dma_wait3A_166 : memref<1x64x128xf32, #tpu.memory_space<vmem>> -> memref<64x128xf32, #tpu.memory_space<vmem>>
        %dma_wait3A_168 = arith.constant 0 : i32
        %dma_wait3A_169 = tpu.memref_slice %arg7[%add3A_111, %dma_wait3A_168] : memref<32x64xi32, #tpu.memory_space<vmem>> -> memref<1x64xi32, #tpu.memory_space<vmem>>
        %dma_wait3A_170 = tpu.memref_squeeze %dma_wait3A_169 : memref<1x64xi32, #tpu.memory_space<vmem>> -> memref<64xi32, #tpu.memory_space<vmem>>
        %dma_wait3A_171 = arith.constant 0 : i32
        %dma_wait3A_172 = arith.constant 0 : i32
        %dma_wait3A_173 = tpu.memref_slice %arg4[%dma_wait3A_171, %dma_wait3A_172] : memref<10240x128xf32, #tpu.memory_space<hbm>> -> memref<10240x128xf32, #tpu.memory_space<hbm>>
        tpu.wait_indirect_dma semaphore(%arg12 : memref<!tpu.dma_semaphore, #tpu.memory_space<semaphore_mem>>) src(%dma_wait3A_173 : memref<10240x128xf32, #tpu.memory_space<hbm>>) dst(%dma_wait3A_167 : memref<64x128xf32, #tpu.memory_space<vmem>>)
        %add3A_174 = arith.constant 2 : i32
        %add3A_175 = arith.addi %mul3A_83, %add3A_174 : i32
        %run_scoped3A_176 = arith.constant 2 : i32
        "tpu.region"() ({
          %run_scoped3A_191 = tpu.sem_alloc : memref<!tpu.dma_semaphore, #tpu.memory_space<semaphore_mem>>
          %dma_start3A_192 = arith.constant 0 : i32
          %dma_start3A_193 = arith.constant 0 : i32
          %dma_start3A_194 = tpu.memref_slice %arg9[%run_scoped3A_176, %dma_start3A_192, %dma_start3A_193] : memref<4x64x128xf32, #tpu.memory_space<vmem>> -> memref<1x64x128xf32, #tpu.memory_space<vmem>>
          %dma_start3A_195 = tpu.memref_squeeze %dma_start3A_194 : memref<1x64x128xf32, #tpu.memory_space<vmem>> -> memref<64x128xf32, #tpu.memory_space<vmem>>
          %dma_start3A_196 = arith.constant 0 : i32
          %dma_start3A_197 = tpu.memref_slice %arg8[%add3A_175, %dma_start3A_196] : memref<32x64xi32, #tpu.memory_space<vmem>> -> memref<1x64xi32, #tpu.memory_space<vmem>>
          %dma_start3A_198 = tpu.memref_squeeze %dma_start3A_197 : memref<1x64xi32, #tpu.memory_space<vmem>> -> memref<64xi32, #tpu.memory_space<vmem>>
          %dma_start3A_199 = arith.constant 0 : i32
          %dma_start3A_200 = arith.constant 0 : i32
          %dma_start3A_201 = tpu.memref_slice %arg16[%dma_start3A_199, %dma_start3A_200] : memref<10240x128xf32, #tpu.memory_space<vmem_shared>> -> memref<10240x128xf32, #tpu.memory_space<vmem_shared>>
          tpu.enqueue_indirect_dma source(%dma_start3A_195 : memref<64x128xf32, #tpu.memory_space<vmem>>) target(%dma_start3A_201 : memref<10240x128xf32, #tpu.memory_space<vmem_shared>>) offsets(%dma_start3A_198 : memref<64xi32, #tpu.memory_space<vmem>>) semaphore(%run_scoped3A_191 : memref<!tpu.dma_semaphore, #tpu.memory_space<semaphore_mem>>) {add = true}
          %dma_wait3A_202 = arith.constant 0 : i32
          %dma_wait3A_203 = arith.constant 0 : i32
          %dma_wait3A_204 = tpu.memref_slice %arg9[%run_scoped3A_176, %dma_wait3A_202, %dma_wait3A_203] : memref<4x64x128xf32, #tpu.memory_space<vmem>> -> memref<1x64x128xf32, #tpu.memory_space<vmem>>
          %dma_wait3A_205 = tpu.memref_squeeze %dma_wait3A_204 : memref<1x64x128xf32, #tpu.memory_space<vmem>> -> memref<64x128xf32, #tpu.memory_space<vmem>>
          %dma_wait3A_206 = arith.constant 0 : i32
          %dma_wait3A_207 = tpu.memref_slice %arg8[%add3A_175, %dma_wait3A_206] : memref<32x64xi32, #tpu.memory_space<vmem>> -> memref<1x64xi32, #tpu.memory_space<vmem>>
          %dma_wait3A_208 = tpu.memref_squeeze %dma_wait3A_207 : memref<1x64xi32, #tpu.memory_space<vmem>> -> memref<64xi32, #tpu.memory_space<vmem>>
          %dma_wait3A_209 = arith.constant 0 : i32
          %dma_wait3A_210 = arith.constant 0 : i32
          %dma_wait3A_211 = tpu.memref_slice %arg16[%dma_wait3A_209, %dma_wait3A_210] : memref<10240x128xf32, #tpu.memory_space<vmem_shared>> -> memref<10240x128xf32, #tpu.memory_space<vmem_shared>>
          tpu.wait_indirect_dma semaphore(%run_scoped3A_191 : memref<!tpu.dma_semaphore, #tpu.memory_space<semaphore_mem>>) src(%dma_wait3A_205 : memref<64x128xf32, #tpu.memory_space<vmem>>) dst(%dma_wait3A_211 : memref<10240x128xf32, #tpu.memory_space<vmem_shared>>)
          tpu.yield
        }) : () -> ()
        %dma_wait3A_177 = arith.constant 3 : i32
        %dma_wait3A_178 = arith.constant 0 : i32
        %dma_wait3A_179 = arith.constant 0 : i32
        %dma_wait3A_180 = tpu.memref_slice %arg9[%dma_wait3A_177, %dma_wait3A_178, %dma_wait3A_179] : memref<4x64x128xf32, #tpu.memory_space<vmem>> -> memref<1x64x128xf32, #tpu.memory_space<vmem>>
        %dma_wait3A_181 = tpu.memref_squeeze %dma_wait3A_180 : memref<1x64x128xf32, #tpu.memory_space<vmem>> -> memref<64x128xf32, #tpu.memory_space<vmem>>
        %dma_wait3A_182 = arith.constant 0 : i32
        %dma_wait3A_183 = tpu.memref_slice %arg7[%add3A_124, %dma_wait3A_182] : memref<32x64xi32, #tpu.memory_space<vmem>> -> memref<1x64xi32, #tpu.memory_space<vmem>>
        %dma_wait3A_184 = tpu.memref_squeeze %dma_wait3A_183 : memref<1x64xi32, #tpu.memory_space<vmem>> -> memref<64xi32, #tpu.memory_space<vmem>>
        %dma_wait3A_185 = arith.constant 0 : i32
        %dma_wait3A_186 = arith.constant 0 : i32
        %dma_wait3A_187 = tpu.memref_slice %arg4[%dma_wait3A_185, %dma_wait3A_186] : memref<10240x128xf32, #tpu.memory_space<hbm>> -> memref<10240x128xf32, #tpu.memory_space<hbm>>
        tpu.wait_indirect_dma semaphore(%arg13 : memref<!tpu.dma_semaphore, #tpu.memory_space<semaphore_mem>>) src(%dma_wait3A_187 : memref<10240x128xf32, #tpu.memory_space<hbm>>) dst(%dma_wait3A_181 : memref<64x128xf32, #tpu.memory_space<vmem>>)
        %add3A_188 = arith.constant 3 : i32
        %add3A_189 = arith.addi %mul3A_83, %add3A_188 : i32
        %run_scoped3A_190 = arith.constant 3 : i32
        "tpu.region"() ({
          %run_scoped3A_191 = tpu.sem_alloc : memref<!tpu.dma_semaphore, #tpu.memory_space<semaphore_mem>>
          %dma_start3A_192 = arith.constant 0 : i32
          %dma_start3A_193 = arith.constant 0 : i32
          %dma_start3A_194 = tpu.memref_slice %arg9[%run_scoped3A_190, %dma_start3A_192, %dma_start3A_193] : memref<4x64x128xf32, #tpu.memory_space<vmem>> -> memref<1x64x128xf32, #tpu.memory_space<vmem>>
          %dma_start3A_195 = tpu.memref_squeeze %dma_start3A_194 : memref<1x64x128xf32, #tpu.memory_space<vmem>> -> memref<64x128xf32, #tpu.memory_space<vmem>>
          %dma_start3A_196 = arith.constant 0 : i32
          %dma_start3A_197 = tpu.memref_slice %arg8[%add3A_189, %dma_start3A_196] : memref<32x64xi32, #tpu.memory_space<vmem>> -> memref<1x64xi32, #tpu.memory_space<vmem>>
          %dma_start3A_198 = tpu.memref_squeeze %dma_start3A_197 : memref<1x64xi32, #tpu.memory_space<vmem>> -> memref<64xi32, #tpu.memory_space<vmem>>
          %dma_start3A_199 = arith.constant 0 : i32
          %dma_start3A_200 = arith.constant 0 : i32
          %dma_start3A_201 = tpu.memref_slice %arg16[%dma_start3A_199, %dma_start3A_200] : memref<10240x128xf32, #tpu.memory_space<vmem_shared>> -> memref<10240x128xf32, #tpu.memory_space<vmem_shared>>
          tpu.enqueue_indirect_dma source(%dma_start3A_195 : memref<64x128xf32, #tpu.memory_space<vmem>>) target(%dma_start3A_201 : memref<10240x128xf32, #tpu.memory_space<vmem_shared>>) offsets(%dma_start3A_198 : memref<64xi32, #tpu.memory_space<vmem>>) semaphore(%run_scoped3A_191 : memref<!tpu.dma_semaphore, #tpu.memory_space<semaphore_mem>>) {add = true}
          %dma_wait3A_202 = arith.constant 0 : i32
          %dma_wait3A_203 = arith.constant 0 : i32
          %dma_wait3A_204 = tpu.memref_slice %arg9[%run_scoped3A_190, %dma_wait3A_202, %dma_wait3A_203] : memref<4x64x128xf32, #tpu.memory_space<vmem>> -> memref<1x64x128xf32, #tpu.memory_space<vmem>>
          %dma_wait3A_205 = tpu.memref_squeeze %dma_wait3A_204 : memref<1x64x128xf32, #tpu.memory_space<vmem>> -> memref<64x128xf32, #tpu.memory_space<vmem>>
          %dma_wait3A_206 = arith.constant 0 : i32
          %dma_wait3A_207 = tpu.memref_slice %arg8[%add3A_189, %dma_wait3A_206] : memref<32x64xi32, #tpu.memory_space<vmem>> -> memref<1x64xi32, #tpu.memory_space<vmem>>
          %dma_wait3A_208 = tpu.memref_squeeze %dma_wait3A_207 : memref<1x64xi32, #tpu.memory_space<vmem>> -> memref<64xi32, #tpu.memory_space<vmem>>
          %dma_wait3A_209 = arith.constant 0 : i32
          %dma_wait3A_210 = arith.constant 0 : i32
          %dma_wait3A_211 = tpu.memref_slice %arg16[%dma_wait3A_209, %dma_wait3A_210] : memref<10240x128xf32, #tpu.memory_space<vmem_shared>> -> memref<10240x128xf32, #tpu.memory_space<vmem_shared>>
          tpu.wait_indirect_dma semaphore(%run_scoped3A_191 : memref<!tpu.dma_semaphore, #tpu.memory_space<semaphore_mem>>) src(%dma_wait3A_205 : memref<64x128xf32, #tpu.memory_space<vmem>>) dst(%dma_wait3A_211 : memref<10240x128xf32, #tpu.memory_space<vmem_shared>>)
          tpu.yield
        }) : () -> ()
      }
      %scan3A_80 = arith.constant 8 : i32
    } else {
    }
    %gt3A_38 = arith.constant 6 : i32
    %gt3A_39 = arith.cmpi sgt, %select_n3A, %gt3A_38 : i32
    %convert_element_type3A_40 = arith.extui %gt3A_39 : i1 to i32
    %cond3A_41 = arith.constant 0 : i32
    %cond3A_42 = arith.cmpi ne, %convert_element_type3A_40, %cond3A_41 : i32
    scf.if %cond3A_42 {
      %add3A_58 = arith.constant 6 : i32
      %add3A_59 = arith.addi %select_n3A_10, %add3A_58 : i32
      %mul3A_60 = arith.constant 32 : i32
      %mul3A_61 = arith.muli %add3A_59, %mul3A_60 : i32
      %dma_start3A = arith.constant 0 : i32
      %dma_start3A_62 = tpu.memref_slice %arg2[%mul3A_61, %dma_start3A] : memref<5120x64xi32, #tpu.memory_space<hbm>> -> memref<32x64xi32, #tpu.memory_space<hbm>>
      %dma_start3A_63 = arith.constant 0 : i32
      %dma_start3A_64 = tpu.memref_slice %arg2[%mul3A_61, %dma_start3A_63] : memref<5120x64xi32, #tpu.memory_space<hbm>> -> memref<32x64xi32, #tpu.memory_space<hbm>>
      tpu.enqueue_dma source(%dma_start3A_64 : memref<32x64xi32, #tpu.memory_space<hbm>>) target(%arg7 : memref<32x64xi32, #tpu.memory_space<vmem>>) target_semaphore(%arg14 : memref<!tpu.dma_semaphore, #tpu.memory_space<semaphore_mem>>)
      %dma_start3A_65 = arith.constant 0 : i32
      %dma_start3A_66 = tpu.memref_slice %arg3[%mul3A_61, %dma_start3A_65] : memref<5120x64xi32, #tpu.memory_space<hbm>> -> memref<32x64xi32, #tpu.memory_space<hbm>>
      %dma_start3A_67 = arith.constant 0 : i32
      %dma_start3A_68 = tpu.memref_slice %arg3[%mul3A_61, %dma_start3A_67] : memref<5120x64xi32, #tpu.memory_space<hbm>> -> memref<32x64xi32, #tpu.memory_space<hbm>>
      tpu.enqueue_dma source(%dma_start3A_68 : memref<32x64xi32, #tpu.memory_space<hbm>>) target(%arg8 : memref<32x64xi32, #tpu.memory_space<vmem>>) target_semaphore(%arg15 : memref<!tpu.dma_semaphore, #tpu.memory_space<semaphore_mem>>)
      %dma_wait3A = arith.constant 0 : i32
      %dma_wait3A_69 = tpu.memref_slice %arg2[%mul3A_61, %dma_wait3A] : memref<5120x64xi32, #tpu.memory_space<hbm>> -> memref<32x64xi32, #tpu.memory_space<hbm>>
      %dma_wait3A_70 = arith.constant 0 : i32
      %dma_wait3A_71 = tpu.memref_slice %arg2[%mul3A_61, %dma_wait3A_70] : memref<5120x64xi32, #tpu.memory_space<hbm>> -> memref<32x64xi32, #tpu.memory_space<hbm>>
      tpu.wait_dma2 semaphore(%arg14 : memref<!tpu.dma_semaphore, #tpu.memory_space<semaphore_mem>>) src(%dma_wait3A_71 : memref<32x64xi32, #tpu.memory_space<hbm>>) dst(%arg7 : memref<32x64xi32, #tpu.memory_space<vmem>>)
      %dma_wait3A_72 = arith.constant 0 : i32
      %dma_wait3A_73 = tpu.memref_slice %arg3[%mul3A_61, %dma_wait3A_72] : memref<5120x64xi32, #tpu.memory_space<hbm>> -> memref<32x64xi32, #tpu.memory_space<hbm>>
      %dma_wait3A_74 = arith.constant 0 : i32
      %dma_wait3A_75 = tpu.memref_slice %arg3[%mul3A_61, %dma_wait3A_74] : memref<5120x64xi32, #tpu.memory_space<hbm>> -> memref<32x64xi32, #tpu.memory_space<hbm>>
      tpu.wait_dma2 semaphore(%arg15 : memref<!tpu.dma_semaphore, #tpu.memory_space<semaphore_mem>>) src(%dma_wait3A_75 : memref<32x64xi32, #tpu.memory_space<hbm>>) dst(%arg8 : memref<32x64xi32, #tpu.memory_space<vmem>>)
      %scan3A = arith.constant 0 : i32
      %scan3A_76 = arith.constant 0 : i32
      %scan3A_77 = arith.constant 8 : i32
      %scan3A_78 = arith.addi %scan3A_76, %scan3A_77 : i32
      %scan3A_79 = arith.constant 1 : i32
      scf.for %scan3A_81 = %scan3A_76 to %scan3A_78 step %scan3A_79  : i32 {
        %mul3A_82 = arith.constant 4 : i32
        %mul3A_83 = arith.muli %scan3A_81, %mul3A_82 : i32
        %add3A_84 = arith.constant 0 : i32
        %add3A_85 = arith.addi %mul3A_83, %add3A_84 : i32
        %dma_start3A_86 = arith.constant 0 : i32
        %dma_start3A_87 = arith.constant 0 : i32
        %dma_start3A_88 = arith.constant 0 : i32
        %dma_start3A_89 = tpu.memref_slice %arg9[%dma_start3A_86, %dma_start3A_87, %dma_start3A_88] : memref<4x64x128xf32, #tpu.memory_space<vmem>> -> memref<1x64x128xf32, #tpu.memory_space<vmem>>
        %dma_start3A_90 = tpu.memref_squeeze %dma_start3A_89 : memref<1x64x128xf32, #tpu.memory_space<vmem>> -> memref<64x128xf32, #tpu.memory_space<vmem>>
        %dma_start3A_91 = arith.constant 0 : i32
        %dma_start3A_92 = tpu.memref_slice %arg7[%add3A_85, %dma_start3A_91] : memref<32x64xi32, #tpu.memory_space<vmem>> -> memref<1x64xi32, #tpu.memory_space<vmem>>
        %dma_start3A_93 = tpu.memref_squeeze %dma_start3A_92 : memref<1x64xi32, #tpu.memory_space<vmem>> -> memref<64xi32, #tpu.memory_space<vmem>>
        %dma_start3A_94 = arith.constant 0 : i32
        %dma_start3A_95 = arith.constant 0 : i32
        %dma_start3A_96 = tpu.memref_slice %arg4[%dma_start3A_94, %dma_start3A_95] : memref<10240x128xf32, #tpu.memory_space<hbm>> -> memref<10240x128xf32, #tpu.memory_space<hbm>>
        tpu.enqueue_indirect_dma source(%dma_start3A_96 : memref<10240x128xf32, #tpu.memory_space<hbm>>) target(%dma_start3A_90 : memref<64x128xf32, #tpu.memory_space<vmem>>) offsets(%dma_start3A_93 : memref<64xi32, #tpu.memory_space<vmem>>) semaphore(%arg10 : memref<!tpu.dma_semaphore, #tpu.memory_space<semaphore_mem>>)
        %add3A_97 = arith.constant 1 : i32
        %add3A_98 = arith.addi %mul3A_83, %add3A_97 : i32
        %dma_start3A_99 = arith.constant 1 : i32
        %dma_start3A_100 = arith.constant 0 : i32
        %dma_start3A_101 = arith.constant 0 : i32
        %dma_start3A_102 = tpu.memref_slice %arg9[%dma_start3A_99, %dma_start3A_100, %dma_start3A_101] : memref<4x64x128xf32, #tpu.memory_space<vmem>> -> memref<1x64x128xf32, #tpu.memory_space<vmem>>
        %dma_start3A_103 = tpu.memref_squeeze %dma_start3A_102 : memref<1x64x128xf32, #tpu.memory_space<vmem>> -> memref<64x128xf32, #tpu.memory_space<vmem>>
        %dma_start3A_104 = arith.constant 0 : i32
        %dma_start3A_105 = tpu.memref_slice %arg7[%add3A_98, %dma_start3A_104] : memref<32x64xi32, #tpu.memory_space<vmem>> -> memref<1x64xi32, #tpu.memory_space<vmem>>
        %dma_start3A_106 = tpu.memref_squeeze %dma_start3A_105 : memref<1x64xi32, #tpu.memory_space<vmem>> -> memref<64xi32, #tpu.memory_space<vmem>>
        %dma_start3A_107 = arith.constant 0 : i32
        %dma_start3A_108 = arith.constant 0 : i32
        %dma_start3A_109 = tpu.memref_slice %arg4[%dma_start3A_107, %dma_start3A_108] : memref<10240x128xf32, #tpu.memory_space<hbm>> -> memref<10240x128xf32, #tpu.memory_space<hbm>>
        tpu.enqueue_indirect_dma source(%dma_start3A_109 : memref<10240x128xf32, #tpu.memory_space<hbm>>) target(%dma_start3A_103 : memref<64x128xf32, #tpu.memory_space<vmem>>) offsets(%dma_start3A_106 : memref<64xi32, #tpu.memory_space<vmem>>) semaphore(%arg11 : memref<!tpu.dma_semaphore, #tpu.memory_space<semaphore_mem>>)
        %add3A_110 = arith.constant 2 : i32
        %add3A_111 = arith.addi %mul3A_83, %add3A_110 : i32
        %dma_start3A_112 = arith.constant 2 : i32
        %dma_start3A_113 = arith.constant 0 : i32
        %dma_start3A_114 = arith.constant 0 : i32
        %dma_start3A_115 = tpu.memref_slice %arg9[%dma_start3A_112, %dma_start3A_113, %dma_start3A_114] : memref<4x64x128xf32, #tpu.memory_space<vmem>> -> memref<1x64x128xf32, #tpu.memory_space<vmem>>
        %dma_start3A_116 = tpu.memref_squeeze %dma_start3A_115 : memref<1x64x128xf32, #tpu.memory_space<vmem>> -> memref<64x128xf32, #tpu.memory_space<vmem>>
        %dma_start3A_117 = arith.constant 0 : i32
        %dma_start3A_118 = tpu.memref_slice %arg7[%add3A_111, %dma_start3A_117] : memref<32x64xi32, #tpu.memory_space<vmem>> -> memref<1x64xi32, #tpu.memory_space<vmem>>
        %dma_start3A_119 = tpu.memref_squeeze %dma_start3A_118 : memref<1x64xi32, #tpu.memory_space<vmem>> -> memref<64xi32, #tpu.memory_space<vmem>>
        %dma_start3A_120 = arith.constant 0 : i32
        %dma_start3A_121 = arith.constant 0 : i32
        %dma_start3A_122 = tpu.memref_slice %arg4[%dma_start3A_120, %dma_start3A_121] : memref<10240x128xf32, #tpu.memory_space<hbm>> -> memref<10240x128xf32, #tpu.memory_space<hbm>>
        tpu.enqueue_indirect_dma source(%dma_start3A_122 : memref<10240x128xf32, #tpu.memory_space<hbm>>) target(%dma_start3A_116 : memref<64x128xf32, #tpu.memory_space<vmem>>) offsets(%dma_start3A_119 : memref<64xi32, #tpu.memory_space<vmem>>) semaphore(%arg12 : memref<!tpu.dma_semaphore, #tpu.memory_space<semaphore_mem>>)
        %add3A_123 = arith.constant 3 : i32
        %add3A_124 = arith.addi %mul3A_83, %add3A_123 : i32
        %dma_start3A_125 = arith.constant 3 : i32
        %dma_start3A_126 = arith.constant 0 : i32
        %dma_start3A_127 = arith.constant 0 : i32
        %dma_start3A_128 = tpu.memref_slice %arg9[%dma_start3A_125, %dma_start3A_126, %dma_start3A_127] : memref<4x64x128xf32, #tpu.memory_space<vmem>> -> memref<1x64x128xf32, #tpu.memory_space<vmem>>
        %dma_start3A_129 = tpu.memref_squeeze %dma_start3A_128 : memref<1x64x128xf32, #tpu.memory_space<vmem>> -> memref<64x128xf32, #tpu.memory_space<vmem>>
        %dma_start3A_130 = arith.constant 0 : i32
        %dma_start3A_131 = tpu.memref_slice %arg7[%add3A_124, %dma_start3A_130] : memref<32x64xi32, #tpu.memory_space<vmem>> -> memref<1x64xi32, #tpu.memory_space<vmem>>
        %dma_start3A_132 = tpu.memref_squeeze %dma_start3A_131 : memref<1x64xi32, #tpu.memory_space<vmem>> -> memref<64xi32, #tpu.memory_space<vmem>>
        %dma_start3A_133 = arith.constant 0 : i32
        %dma_start3A_134 = arith.constant 0 : i32
        %dma_start3A_135 = tpu.memref_slice %arg4[%dma_start3A_133, %dma_start3A_134] : memref<10240x128xf32, #tpu.memory_space<hbm>> -> memref<10240x128xf32, #tpu.memory_space<hbm>>
        tpu.enqueue_indirect_dma source(%dma_start3A_135 : memref<10240x128xf32, #tpu.memory_space<hbm>>) target(%dma_start3A_129 : memref<64x128xf32, #tpu.memory_space<vmem>>) offsets(%dma_start3A_132 : memref<64xi32, #tpu.memory_space<vmem>>) semaphore(%arg13 : memref<!tpu.dma_semaphore, #tpu.memory_space<semaphore_mem>>)
        %dma_wait3A_136 = arith.constant 0 : i32
        %dma_wait3A_137 = arith.constant 0 : i32
        %dma_wait3A_138 = arith.constant 0 : i32
        %dma_wait3A_139 = tpu.memref_slice %arg9[%dma_wait3A_136, %dma_wait3A_137, %dma_wait3A_138] : memref<4x64x128xf32, #tpu.memory_space<vmem>> -> memref<1x64x128xf32, #tpu.memory_space<vmem>>
        %dma_wait3A_140 = tpu.memref_squeeze %dma_wait3A_139 : memref<1x64x128xf32, #tpu.memory_space<vmem>> -> memref<64x128xf32, #tpu.memory_space<vmem>>
        %dma_wait3A_141 = arith.constant 0 : i32
        %dma_wait3A_142 = tpu.memref_slice %arg7[%add3A_85, %dma_wait3A_141] : memref<32x64xi32, #tpu.memory_space<vmem>> -> memref<1x64xi32, #tpu.memory_space<vmem>>
        %dma_wait3A_143 = tpu.memref_squeeze %dma_wait3A_142 : memref<1x64xi32, #tpu.memory_space<vmem>> -> memref<64xi32, #tpu.memory_space<vmem>>
        %dma_wait3A_144 = arith.constant 0 : i32
        %dma_wait3A_145 = arith.constant 0 : i32
        %dma_wait3A_146 = tpu.memref_slice %arg4[%dma_wait3A_144, %dma_wait3A_145] : memref<10240x128xf32, #tpu.memory_space<hbm>> -> memref<10240x128xf32, #tpu.memory_space<hbm>>
        tpu.wait_indirect_dma semaphore(%arg10 : memref<!tpu.dma_semaphore, #tpu.memory_space<semaphore_mem>>) src(%dma_wait3A_146 : memref<10240x128xf32, #tpu.memory_space<hbm>>) dst(%dma_wait3A_140 : memref<64x128xf32, #tpu.memory_space<vmem>>)
        %add3A_147 = arith.constant 0 : i32
        %add3A_148 = arith.addi %mul3A_83, %add3A_147 : i32
        %run_scoped3A = arith.constant 0 : i32
        "tpu.region"() ({
          %run_scoped3A_191 = tpu.sem_alloc : memref<!tpu.dma_semaphore, #tpu.memory_space<semaphore_mem>>
          %dma_start3A_192 = arith.constant 0 : i32
          %dma_start3A_193 = arith.constant 0 : i32
          %dma_start3A_194 = tpu.memref_slice %arg9[%run_scoped3A, %dma_start3A_192, %dma_start3A_193] : memref<4x64x128xf32, #tpu.memory_space<vmem>> -> memref<1x64x128xf32, #tpu.memory_space<vmem>>
          %dma_start3A_195 = tpu.memref_squeeze %dma_start3A_194 : memref<1x64x128xf32, #tpu.memory_space<vmem>> -> memref<64x128xf32, #tpu.memory_space<vmem>>
          %dma_start3A_196 = arith.constant 0 : i32
          %dma_start3A_197 = tpu.memref_slice %arg8[%add3A_148, %dma_start3A_196] : memref<32x64xi32, #tpu.memory_space<vmem>> -> memref<1x64xi32, #tpu.memory_space<vmem>>
          %dma_start3A_198 = tpu.memref_squeeze %dma_start3A_197 : memref<1x64xi32, #tpu.memory_space<vmem>> -> memref<64xi32, #tpu.memory_space<vmem>>
          %dma_start3A_199 = arith.constant 0 : i32
          %dma_start3A_200 = arith.constant 0 : i32
          %dma_start3A_201 = tpu.memref_slice %arg16[%dma_start3A_199, %dma_start3A_200] : memref<10240x128xf32, #tpu.memory_space<vmem_shared>> -> memref<10240x128xf32, #tpu.memory_space<vmem_shared>>
          tpu.enqueue_indirect_dma source(%dma_start3A_195 : memref<64x128xf32, #tpu.memory_space<vmem>>) target(%dma_start3A_201 : memref<10240x128xf32, #tpu.memory_space<vmem_shared>>) offsets(%dma_start3A_198 : memref<64xi32, #tpu.memory_space<vmem>>) semaphore(%run_scoped3A_191 : memref<!tpu.dma_semaphore, #tpu.memory_space<semaphore_mem>>) {add = true}
          %dma_wait3A_202 = arith.constant 0 : i32
          %dma_wait3A_203 = arith.constant 0 : i32
          %dma_wait3A_204 = tpu.memref_slice %arg9[%run_scoped3A, %dma_wait3A_202, %dma_wait3A_203] : memref<4x64x128xf32, #tpu.memory_space<vmem>> -> memref<1x64x128xf32, #tpu.memory_space<vmem>>
          %dma_wait3A_205 = tpu.memref_squeeze %dma_wait3A_204 : memref<1x64x128xf32, #tpu.memory_space<vmem>> -> memref<64x128xf32, #tpu.memory_space<vmem>>
          %dma_wait3A_206 = arith.constant 0 : i32
          %dma_wait3A_207 = tpu.memref_slice %arg8[%add3A_148, %dma_wait3A_206] : memref<32x64xi32, #tpu.memory_space<vmem>> -> memref<1x64xi32, #tpu.memory_space<vmem>>
          %dma_wait3A_208 = tpu.memref_squeeze %dma_wait3A_207 : memref<1x64xi32, #tpu.memory_space<vmem>> -> memref<64xi32, #tpu.memory_space<vmem>>
          %dma_wait3A_209 = arith.constant 0 : i32
          %dma_wait3A_210 = arith.constant 0 : i32
          %dma_wait3A_211 = tpu.memref_slice %arg16[%dma_wait3A_209, %dma_wait3A_210] : memref<10240x128xf32, #tpu.memory_space<vmem_shared>> -> memref<10240x128xf32, #tpu.memory_space<vmem_shared>>
          tpu.wait_indirect_dma semaphore(%run_scoped3A_191 : memref<!tpu.dma_semaphore, #tpu.memory_space<semaphore_mem>>) src(%dma_wait3A_205 : memref<64x128xf32, #tpu.memory_space<vmem>>) dst(%dma_wait3A_211 : memref<10240x128xf32, #tpu.memory_space<vmem_shared>>)
          tpu.yield
        }) : () -> ()
        %dma_wait3A_149 = arith.constant 1 : i32
        %dma_wait3A_150 = arith.constant 0 : i32
        %dma_wait3A_151 = arith.constant 0 : i32
        %dma_wait3A_152 = tpu.memref_slice %arg9[%dma_wait3A_149, %dma_wait3A_150, %dma_wait3A_151] : memref<4x64x128xf32, #tpu.memory_space<vmem>> -> memref<1x64x128xf32, #tpu.memory_space<vmem>>
        %dma_wait3A_153 = tpu.memref_squeeze %dma_wait3A_152 : memref<1x64x128xf32, #tpu.memory_space<vmem>> -> memref<64x128xf32, #tpu.memory_space<vmem>>
        %dma_wait3A_154 = arith.constant 0 : i32
        %dma_wait3A_155 = tpu.memref_slice %arg7[%add3A_98, %dma_wait3A_154] : memref<32x64xi32, #tpu.memory_space<vmem>> -> memref<1x64xi32, #tpu.memory_space<vmem>>
        %dma_wait3A_156 = tpu.memref_squeeze %dma_wait3A_155 : memref<1x64xi32, #tpu.memory_space<vmem>> -> memref<64xi32, #tpu.memory_space<vmem>>
        %dma_wait3A_157 = arith.constant 0 : i32
        %dma_wait3A_158 = arith.constant 0 : i32
        %dma_wait3A_159 = tpu.memref_slice %arg4[%dma_wait3A_157, %dma_wait3A_158] : memref<10240x128xf32, #tpu.memory_space<hbm>> -> memref<10240x128xf32, #tpu.memory_space<hbm>>
        tpu.wait_indirect_dma semaphore(%arg11 : memref<!tpu.dma_semaphore, #tpu.memory_space<semaphore_mem>>) src(%dma_wait3A_159 : memref<10240x128xf32, #tpu.memory_space<hbm>>) dst(%dma_wait3A_153 : memref<64x128xf32, #tpu.memory_space<vmem>>)
        %add3A_160 = arith.constant 1 : i32
        %add3A_161 = arith.addi %mul3A_83, %add3A_160 : i32
        %run_scoped3A_162 = arith.constant 1 : i32
        "tpu.region"() ({
          %run_scoped3A_191 = tpu.sem_alloc : memref<!tpu.dma_semaphore, #tpu.memory_space<semaphore_mem>>
          %dma_start3A_192 = arith.constant 0 : i32
          %dma_start3A_193 = arith.constant 0 : i32
          %dma_start3A_194 = tpu.memref_slice %arg9[%run_scoped3A_162, %dma_start3A_192, %dma_start3A_193] : memref<4x64x128xf32, #tpu.memory_space<vmem>> -> memref<1x64x128xf32, #tpu.memory_space<vmem>>
          %dma_start3A_195 = tpu.memref_squeeze %dma_start3A_194 : memref<1x64x128xf32, #tpu.memory_space<vmem>> -> memref<64x128xf32, #tpu.memory_space<vmem>>
          %dma_start3A_196 = arith.constant 0 : i32
          %dma_start3A_197 = tpu.memref_slice %arg8[%add3A_161, %dma_start3A_196] : memref<32x64xi32, #tpu.memory_space<vmem>> -> memref<1x64xi32, #tpu.memory_space<vmem>>
          %dma_start3A_198 = tpu.memref_squeeze %dma_start3A_197 : memref<1x64xi32, #tpu.memory_space<vmem>> -> memref<64xi32, #tpu.memory_space<vmem>>
          %dma_start3A_199 = arith.constant 0 : i32
          %dma_start3A_200 = arith.constant 0 : i32
          %dma_start3A_201 = tpu.memref_slice %arg16[%dma_start3A_199, %dma_start3A_200] : memref<10240x128xf32, #tpu.memory_space<vmem_shared>> -> memref<10240x128xf32, #tpu.memory_space<vmem_shared>>
          tpu.enqueue_indirect_dma source(%dma_start3A_195 : memref<64x128xf32, #tpu.memory_space<vmem>>) target(%dma_start3A_201 : memref<10240x128xf32, #tpu.memory_space<vmem_shared>>) offsets(%dma_start3A_198 : memref<64xi32, #tpu.memory_space<vmem>>) semaphore(%run_scoped3A_191 : memref<!tpu.dma_semaphore, #tpu.memory_space<semaphore_mem>>) {add = true}
          %dma_wait3A_202 = arith.constant 0 : i32
          %dma_wait3A_203 = arith.constant 0 : i32
          %dma_wait3A_204 = tpu.memref_slice %arg9[%run_scoped3A_162, %dma_wait3A_202, %dma_wait3A_203] : memref<4x64x128xf32, #tpu.memory_space<vmem>> -> memref<1x64x128xf32, #tpu.memory_space<vmem>>
          %dma_wait3A_205 = tpu.memref_squeeze %dma_wait3A_204 : memref<1x64x128xf32, #tpu.memory_space<vmem>> -> memref<64x128xf32, #tpu.memory_space<vmem>>
          %dma_wait3A_206 = arith.constant 0 : i32
          %dma_wait3A_207 = tpu.memref_slice %arg8[%add3A_161, %dma_wait3A_206] : memref<32x64xi32, #tpu.memory_space<vmem>> -> memref<1x64xi32, #tpu.memory_space<vmem>>
          %dma_wait3A_208 = tpu.memref_squeeze %dma_wait3A_207 : memref<1x64xi32, #tpu.memory_space<vmem>> -> memref<64xi32, #tpu.memory_space<vmem>>
          %dma_wait3A_209 = arith.constant 0 : i32
          %dma_wait3A_210 = arith.constant 0 : i32
          %dma_wait3A_211 = tpu.memref_slice %arg16[%dma_wait3A_209, %dma_wait3A_210] : memref<10240x128xf32, #tpu.memory_space<vmem_shared>> -> memref<10240x128xf32, #tpu.memory_space<vmem_shared>>
          tpu.wait_indirect_dma semaphore(%run_scoped3A_191 : memref<!tpu.dma_semaphore, #tpu.memory_space<semaphore_mem>>) src(%dma_wait3A_205 : memref<64x128xf32, #tpu.memory_space<vmem>>) dst(%dma_wait3A_211 : memref<10240x128xf32, #tpu.memory_space<vmem_shared>>)
          tpu.yield
        }) : () -> ()
        %dma_wait3A_163 = arith.constant 2 : i32
        %dma_wait3A_164 = arith.constant 0 : i32
        %dma_wait3A_165 = arith.constant 0 : i32
        %dma_wait3A_166 = tpu.memref_slice %arg9[%dma_wait3A_163, %dma_wait3A_164, %dma_wait3A_165] : memref<4x64x128xf32, #tpu.memory_space<vmem>> -> memref<1x64x128xf32, #tpu.memory_space<vmem>>
        %dma_wait3A_167 = tpu.memref_squeeze %dma_wait3A_166 : memref<1x64x128xf32, #tpu.memory_space<vmem>> -> memref<64x128xf32, #tpu.memory_space<vmem>>
        %dma_wait3A_168 = arith.constant 0 : i32
        %dma_wait3A_169 = tpu.memref_slice %arg7[%add3A_111, %dma_wait3A_168] : memref<32x64xi32, #tpu.memory_space<vmem>> -> memref<1x64xi32, #tpu.memory_space<vmem>>
        %dma_wait3A_170 = tpu.memref_squeeze %dma_wait3A_169 : memref<1x64xi32, #tpu.memory_space<vmem>> -> memref<64xi32, #tpu.memory_space<vmem>>
        %dma_wait3A_171 = arith.constant 0 : i32
        %dma_wait3A_172 = arith.constant 0 : i32
        %dma_wait3A_173 = tpu.memref_slice %arg4[%dma_wait3A_171, %dma_wait3A_172] : memref<10240x128xf32, #tpu.memory_space<hbm>> -> memref<10240x128xf32, #tpu.memory_space<hbm>>
        tpu.wait_indirect_dma semaphore(%arg12 : memref<!tpu.dma_semaphore, #tpu.memory_space<semaphore_mem>>) src(%dma_wait3A_173 : memref<10240x128xf32, #tpu.memory_space<hbm>>) dst(%dma_wait3A_167 : memref<64x128xf32, #tpu.memory_space<vmem>>)
        %add3A_174 = arith.constant 2 : i32
        %add3A_175 = arith.addi %mul3A_83, %add3A_174 : i32
        %run_scoped3A_176 = arith.constant 2 : i32
        "tpu.region"() ({
          %run_scoped3A_191 = tpu.sem_alloc : memref<!tpu.dma_semaphore, #tpu.memory_space<semaphore_mem>>
          %dma_start3A_192 = arith.constant 0 : i32
          %dma_start3A_193 = arith.constant 0 : i32
          %dma_start3A_194 = tpu.memref_slice %arg9[%run_scoped3A_176, %dma_start3A_192, %dma_start3A_193] : memref<4x64x128xf32, #tpu.memory_space<vmem>> -> memref<1x64x128xf32, #tpu.memory_space<vmem>>
          %dma_start3A_195 = tpu.memref_squeeze %dma_start3A_194 : memref<1x64x128xf32, #tpu.memory_space<vmem>> -> memref<64x128xf32, #tpu.memory_space<vmem>>
          %dma_start3A_196 = arith.constant 0 : i32
          %dma_start3A_197 = tpu.memref_slice %arg8[%add3A_175, %dma_start3A_196] : memref<32x64xi32, #tpu.memory_space<vmem>> -> memref<1x64xi32, #tpu.memory_space<vmem>>
          %dma_start3A_198 = tpu.memref_squeeze %dma_start3A_197 : memref<1x64xi32, #tpu.memory_space<vmem>> -> memref<64xi32, #tpu.memory_space<vmem>>
          %dma_start3A_199 = arith.constant 0 : i32
          %dma_start3A_200 = arith.constant 0 : i32
          %dma_start3A_201 = tpu.memref_slice %arg16[%dma_start3A_199, %dma_start3A_200] : memref<10240x128xf32, #tpu.memory_space<vmem_shared>> -> memref<10240x128xf32, #tpu.memory_space<vmem_shared>>
          tpu.enqueue_indirect_dma source(%dma_start3A_195 : memref<64x128xf32, #tpu.memory_space<vmem>>) target(%dma_start3A_201 : memref<10240x128xf32, #tpu.memory_space<vmem_shared>>) offsets(%dma_start3A_198 : memref<64xi32, #tpu.memory_space<vmem>>) semaphore(%run_scoped3A_191 : memref<!tpu.dma_semaphore, #tpu.memory_space<semaphore_mem>>) {add = true}
          %dma_wait3A_202 = arith.constant 0 : i32
          %dma_wait3A_203 = arith.constant 0 : i32
          %dma_wait3A_204 = tpu.memref_slice %arg9[%run_scoped3A_176, %dma_wait3A_202, %dma_wait3A_203] : memref<4x64x128xf32, #tpu.memory_space<vmem>> -> memref<1x64x128xf32, #tpu.memory_space<vmem>>
          %dma_wait3A_205 = tpu.memref_squeeze %dma_wait3A_204 : memref<1x64x128xf32, #tpu.memory_space<vmem>> -> memref<64x128xf32, #tpu.memory_space<vmem>>
          %dma_wait3A_206 = arith.constant 0 : i32
          %dma_wait3A_207 = tpu.memref_slice %arg8[%add3A_175, %dma_wait3A_206] : memref<32x64xi32, #tpu.memory_space<vmem>> -> memref<1x64xi32, #tpu.memory_space<vmem>>
          %dma_wait3A_208 = tpu.memref_squeeze %dma_wait3A_207 : memref<1x64xi32, #tpu.memory_space<vmem>> -> memref<64xi32, #tpu.memory_space<vmem>>
          %dma_wait3A_209 = arith.constant 0 : i32
          %dma_wait3A_210 = arith.constant 0 : i32
          %dma_wait3A_211 = tpu.memref_slice %arg16[%dma_wait3A_209, %dma_wait3A_210] : memref<10240x128xf32, #tpu.memory_space<vmem_shared>> -> memref<10240x128xf32, #tpu.memory_space<vmem_shared>>
          tpu.wait_indirect_dma semaphore(%run_scoped3A_191 : memref<!tpu.dma_semaphore, #tpu.memory_space<semaphore_mem>>) src(%dma_wait3A_205 : memref<64x128xf32, #tpu.memory_space<vmem>>) dst(%dma_wait3A_211 : memref<10240x128xf32, #tpu.memory_space<vmem_shared>>)
          tpu.yield
        }) : () -> ()
        %dma_wait3A_177 = arith.constant 3 : i32
        %dma_wait3A_178 = arith.constant 0 : i32
        %dma_wait3A_179 = arith.constant 0 : i32
        %dma_wait3A_180 = tpu.memref_slice %arg9[%dma_wait3A_177, %dma_wait3A_178, %dma_wait3A_179] : memref<4x64x128xf32, #tpu.memory_space<vmem>> -> memref<1x64x128xf32, #tpu.memory_space<vmem>>
        %dma_wait3A_181 = tpu.memref_squeeze %dma_wait3A_180 : memref<1x64x128xf32, #tpu.memory_space<vmem>> -> memref<64x128xf32, #tpu.memory_space<vmem>>
        %dma_wait3A_182 = arith.constant 0 : i32
        %dma_wait3A_183 = tpu.memref_slice %arg7[%add3A_124, %dma_wait3A_182] : memref<32x64xi32, #tpu.memory_space<vmem>> -> memref<1x64xi32, #tpu.memory_space<vmem>>
        %dma_wait3A_184 = tpu.memref_squeeze %dma_wait3A_183 : memref<1x64xi32, #tpu.memory_space<vmem>> -> memref<64xi32, #tpu.memory_space<vmem>>
        %dma_wait3A_185 = arith.constant 0 : i32
        %dma_wait3A_186 = arith.constant 0 : i32
        %dma_wait3A_187 = tpu.memref_slice %arg4[%dma_wait3A_185, %dma_wait3A_186] : memref<10240x128xf32, #tpu.memory_space<hbm>> -> memref<10240x128xf32, #tpu.memory_space<hbm>>
        tpu.wait_indirect_dma semaphore(%arg13 : memref<!tpu.dma_semaphore, #tpu.memory_space<semaphore_mem>>) src(%dma_wait3A_187 : memref<10240x128xf32, #tpu.memory_space<hbm>>) dst(%dma_wait3A_181 : memref<64x128xf32, #tpu.memory_space<vmem>>)
        %add3A_188 = arith.constant 3 : i32
        %add3A_189 = arith.addi %mul3A_83, %add3A_188 : i32
        %run_scoped3A_190 = arith.constant 3 : i32
        "tpu.region"() ({
          %run_scoped3A_191 = tpu.sem_alloc : memref<!tpu.dma_semaphore, #tpu.memory_space<semaphore_mem>>
          %dma_start3A_192 = arith.constant 0 : i32
          %dma_start3A_193 = arith.constant 0 : i32
          %dma_start3A_194 = tpu.memref_slice %arg9[%run_scoped3A_190, %dma_start3A_192, %dma_start3A_193] : memref<4x64x128xf32, #tpu.memory_space<vmem>> -> memref<1x64x128xf32, #tpu.memory_space<vmem>>
          %dma_start3A_195 = tpu.memref_squeeze %dma_start3A_194 : memref<1x64x128xf32, #tpu.memory_space<vmem>> -> memref<64x128xf32, #tpu.memory_space<vmem>>
          %dma_start3A_196 = arith.constant 0 : i32
          %dma_start3A_197 = tpu.memref_slice %arg8[%add3A_189, %dma_start3A_196] : memref<32x64xi32, #tpu.memory_space<vmem>> -> memref<1x64xi32, #tpu.memory_space<vmem>>
          %dma_start3A_198 = tpu.memref_squeeze %dma_start3A_197 : memref<1x64xi32, #tpu.memory_space<vmem>> -> memref<64xi32, #tpu.memory_space<vmem>>
          %dma_start3A_199 = arith.constant 0 : i32
          %dma_start3A_200 = arith.constant 0 : i32
          %dma_start3A_201 = tpu.memref_slice %arg16[%dma_start3A_199, %dma_start3A_200] : memref<10240x128xf32, #tpu.memory_space<vmem_shared>> -> memref<10240x128xf32, #tpu.memory_space<vmem_shared>>
          tpu.enqueue_indirect_dma source(%dma_start3A_195 : memref<64x128xf32, #tpu.memory_space<vmem>>) target(%dma_start3A_201 : memref<10240x128xf32, #tpu.memory_space<vmem_shared>>) offsets(%dma_start3A_198 : memref<64xi32, #tpu.memory_space<vmem>>) semaphore(%run_scoped3A_191 : memref<!tpu.dma_semaphore, #tpu.memory_space<semaphore_mem>>) {add = true}
          %dma_wait3A_202 = arith.constant 0 : i32
          %dma_wait3A_203 = arith.constant 0 : i32
          %dma_wait3A_204 = tpu.memref_slice %arg9[%run_scoped3A_190, %dma_wait3A_202, %dma_wait3A_203] : memref<4x64x128xf32, #tpu.memory_space<vmem>> -> memref<1x64x128xf32, #tpu.memory_space<vmem>>
          %dma_wait3A_205 = tpu.memref_squeeze %dma_wait3A_204 : memref<1x64x128xf32, #tpu.memory_space<vmem>> -> memref<64x128xf32, #tpu.memory_space<vmem>>
          %dma_wait3A_206 = arith.constant 0 : i32
          %dma_wait3A_207 = tpu.memref_slice %arg8[%add3A_189, %dma_wait3A_206] : memref<32x64xi32, #tpu.memory_space<vmem>> -> memref<1x64xi32, #tpu.memory_space<vmem>>
          %dma_wait3A_208 = tpu.memref_squeeze %dma_wait3A_207 : memref<1x64xi32, #tpu.memory_space<vmem>> -> memref<64xi32, #tpu.memory_space<vmem>>
          %dma_wait3A_209 = arith.constant 0 : i32
          %dma_wait3A_210 = arith.constant 0 : i32
          %dma_wait3A_211 = tpu.memref_slice %arg16[%dma_wait3A_209, %dma_wait3A_210] : memref<10240x128xf32, #tpu.memory_space<vmem_shared>> -> memref<10240x128xf32, #tpu.memory_space<vmem_shared>>
          tpu.wait_indirect_dma semaphore(%run_scoped3A_191 : memref<!tpu.dma_semaphore, #tpu.memory_space<semaphore_mem>>) src(%dma_wait3A_205 : memref<64x128xf32, #tpu.memory_space<vmem>>) dst(%dma_wait3A_211 : memref<10240x128xf32, #tpu.memory_space<vmem_shared>>)
          tpu.yield
        }) : () -> ()
      }
      %scan3A_80 = arith.constant 8 : i32
    } else {
    }
    %gt3A_43 = arith.constant 7 : i32
    %gt3A_44 = arith.cmpi sgt, %select_n3A, %gt3A_43 : i32
    %convert_element_type3A_45 = arith.extui %gt3A_44 : i1 to i32
    %cond3A_46 = arith.constant 0 : i32
    %cond3A_47 = arith.cmpi ne, %convert_element_type3A_45, %cond3A_46 : i32
    scf.if %cond3A_47 {
      %add3A_58 = arith.constant 7 : i32
      %add3A_59 = arith.addi %select_n3A_10, %add3A_58 : i32
      %mul3A_60 = arith.constant 32 : i32
      %mul3A_61 = arith.muli %add3A_59, %mul3A_60 : i32
      %dma_start3A = arith.constant 0 : i32
      %dma_start3A_62 = tpu.memref_slice %arg2[%mul3A_61, %dma_start3A] : memref<5120x64xi32, #tpu.memory_space<hbm>> -> memref<32x64xi32, #tpu.memory_space<hbm>>
      %dma_start3A_63 = arith.constant 0 : i32
      %dma_start3A_64 = tpu.memref_slice %arg2[%mul3A_61, %dma_start3A_63] : memref<5120x64xi32, #tpu.memory_space<hbm>> -> memref<32x64xi32, #tpu.memory_space<hbm>>
      tpu.enqueue_dma source(%dma_start3A_64 : memref<32x64xi32, #tpu.memory_space<hbm>>) target(%arg7 : memref<32x64xi32, #tpu.memory_space<vmem>>) target_semaphore(%arg14 : memref<!tpu.dma_semaphore, #tpu.memory_space<semaphore_mem>>)
      %dma_start3A_65 = arith.constant 0 : i32
      %dma_start3A_66 = tpu.memref_slice %arg3[%mul3A_61, %dma_start3A_65] : memref<5120x64xi32, #tpu.memory_space<hbm>> -> memref<32x64xi32, #tpu.memory_space<hbm>>
      %dma_start3A_67 = arith.constant 0 : i32
      %dma_start3A_68 = tpu.memref_slice %arg3[%mul3A_61, %dma_start3A_67] : memref<5120x64xi32, #tpu.memory_space<hbm>> -> memref<32x64xi32, #tpu.memory_space<hbm>>
      tpu.enqueue_dma source(%dma_start3A_68 : memref<32x64xi32, #tpu.memory_space<hbm>>) target(%arg8 : memref<32x64xi32, #tpu.memory_space<vmem>>) target_semaphore(%arg15 : memref<!tpu.dma_semaphore, #tpu.memory_space<semaphore_mem>>)
      %dma_wait3A = arith.constant 0 : i32
      %dma_wait3A_69 = tpu.memref_slice %arg2[%mul3A_61, %dma_wait3A] : memref<5120x64xi32, #tpu.memory_space<hbm>> -> memref<32x64xi32, #tpu.memory_space<hbm>>
      %dma_wait3A_70 = arith.constant 0 : i32
      %dma_wait3A_71 = tpu.memref_slice %arg2[%mul3A_61, %dma_wait3A_70] : memref<5120x64xi32, #tpu.memory_space<hbm>> -> memref<32x64xi32, #tpu.memory_space<hbm>>
      tpu.wait_dma2 semaphore(%arg14 : memref<!tpu.dma_semaphore, #tpu.memory_space<semaphore_mem>>) src(%dma_wait3A_71 : memref<32x64xi32, #tpu.memory_space<hbm>>) dst(%arg7 : memref<32x64xi32, #tpu.memory_space<vmem>>)
      %dma_wait3A_72 = arith.constant 0 : i32
      %dma_wait3A_73 = tpu.memref_slice %arg3[%mul3A_61, %dma_wait3A_72] : memref<5120x64xi32, #tpu.memory_space<hbm>> -> memref<32x64xi32, #tpu.memory_space<hbm>>
      %dma_wait3A_74 = arith.constant 0 : i32
      %dma_wait3A_75 = tpu.memref_slice %arg3[%mul3A_61, %dma_wait3A_74] : memref<5120x64xi32, #tpu.memory_space<hbm>> -> memref<32x64xi32, #tpu.memory_space<hbm>>
      tpu.wait_dma2 semaphore(%arg15 : memref<!tpu.dma_semaphore, #tpu.memory_space<semaphore_mem>>) src(%dma_wait3A_75 : memref<32x64xi32, #tpu.memory_space<hbm>>) dst(%arg8 : memref<32x64xi32, #tpu.memory_space<vmem>>)
      %scan3A = arith.constant 0 : i32
      %scan3A_76 = arith.constant 0 : i32
      %scan3A_77 = arith.constant 8 : i32
      %scan3A_78 = arith.addi %scan3A_76, %scan3A_77 : i32
      %scan3A_79 = arith.constant 1 : i32
      scf.for %scan3A_81 = %scan3A_76 to %scan3A_78 step %scan3A_79  : i32 {
        %mul3A_82 = arith.constant 4 : i32
        %mul3A_83 = arith.muli %scan3A_81, %mul3A_82 : i32
        %add3A_84 = arith.constant 0 : i32
        %add3A_85 = arith.addi %mul3A_83, %add3A_84 : i32
        %dma_start3A_86 = arith.constant 0 : i32
        %dma_start3A_87 = arith.constant 0 : i32
        %dma_start3A_88 = arith.constant 0 : i32
        %dma_start3A_89 = tpu.memref_slice %arg9[%dma_start3A_86, %dma_start3A_87, %dma_start3A_88] : memref<4x64x128xf32, #tpu.memory_space<vmem>> -> memref<1x64x128xf32, #tpu.memory_space<vmem>>
        %dma_start3A_90 = tpu.memref_squeeze %dma_start3A_89 : memref<1x64x128xf32, #tpu.memory_space<vmem>> -> memref<64x128xf32, #tpu.memory_space<vmem>>
        %dma_start3A_91 = arith.constant 0 : i32
        %dma_start3A_92 = tpu.memref_slice %arg7[%add3A_85, %dma_start3A_91] : memref<32x64xi32, #tpu.memory_space<vmem>> -> memref<1x64xi32, #tpu.memory_space<vmem>>
        %dma_start3A_93 = tpu.memref_squeeze %dma_start3A_92 : memref<1x64xi32, #tpu.memory_space<vmem>> -> memref<64xi32, #tpu.memory_space<vmem>>
        %dma_start3A_94 = arith.constant 0 : i32
        %dma_start3A_95 = arith.constant 0 : i32
        %dma_start3A_96 = tpu.memref_slice %arg4[%dma_start3A_94, %dma_start3A_95] : memref<10240x128xf32, #tpu.memory_space<hbm>> -> memref<10240x128xf32, #tpu.memory_space<hbm>>
        tpu.enqueue_indirect_dma source(%dma_start3A_96 : memref<10240x128xf32, #tpu.memory_space<hbm>>) target(%dma_start3A_90 : memref<64x128xf32, #tpu.memory_space<vmem>>) offsets(%dma_start3A_93 : memref<64xi32, #tpu.memory_space<vmem>>) semaphore(%arg10 : memref<!tpu.dma_semaphore, #tpu.memory_space<semaphore_mem>>)
        %add3A_97 = arith.constant 1 : i32
        %add3A_98 = arith.addi %mul3A_83, %add3A_97 : i32
        %dma_start3A_99 = arith.constant 1 : i32
        %dma_start3A_100 = arith.constant 0 : i32
        %dma_start3A_101 = arith.constant 0 : i32
        %dma_start3A_102 = tpu.memref_slice %arg9[%dma_start3A_99, %dma_start3A_100, %dma_start3A_101] : memref<4x64x128xf32, #tpu.memory_space<vmem>> -> memref<1x64x128xf32, #tpu.memory_space<vmem>>
        %dma_start3A_103 = tpu.memref_squeeze %dma_start3A_102 : memref<1x64x128xf32, #tpu.memory_space<vmem>> -> memref<64x128xf32, #tpu.memory_space<vmem>>
        %dma_start3A_104 = arith.constant 0 : i32
        %dma_start3A_105 = tpu.memref_slice %arg7[%add3A_98, %dma_start3A_104] : memref<32x64xi32, #tpu.memory_space<vmem>> -> memref<1x64xi32, #tpu.memory_space<vmem>>
        %dma_start3A_106 = tpu.memref_squeeze %dma_start3A_105 : memref<1x64xi32, #tpu.memory_space<vmem>> -> memref<64xi32, #tpu.memory_space<vmem>>
        %dma_start3A_107 = arith.constant 0 : i32
        %dma_start3A_108 = arith.constant 0 : i32
        %dma_start3A_109 = tpu.memref_slice %arg4[%dma_start3A_107, %dma_start3A_108] : memref<10240x128xf32, #tpu.memory_space<hbm>> -> memref<10240x128xf32, #tpu.memory_space<hbm>>
        tpu.enqueue_indirect_dma source(%dma_start3A_109 : memref<10240x128xf32, #tpu.memory_space<hbm>>) target(%dma_start3A_103 : memref<64x128xf32, #tpu.memory_space<vmem>>) offsets(%dma_start3A_106 : memref<64xi32, #tpu.memory_space<vmem>>) semaphore(%arg11 : memref<!tpu.dma_semaphore, #tpu.memory_space<semaphore_mem>>)
        %add3A_110 = arith.constant 2 : i32
        %add3A_111 = arith.addi %mul3A_83, %add3A_110 : i32
        %dma_start3A_112 = arith.constant 2 : i32
        %dma_start3A_113 = arith.constant 0 : i32
        %dma_start3A_114 = arith.constant 0 : i32
        %dma_start3A_115 = tpu.memref_slice %arg9[%dma_start3A_112, %dma_start3A_113, %dma_start3A_114] : memref<4x64x128xf32, #tpu.memory_space<vmem>> -> memref<1x64x128xf32, #tpu.memory_space<vmem>>
        %dma_start3A_116 = tpu.memref_squeeze %dma_start3A_115 : memref<1x64x128xf32, #tpu.memory_space<vmem>> -> memref<64x128xf32, #tpu.memory_space<vmem>>
        %dma_start3A_117 = arith.constant 0 : i32
        %dma_start3A_118 = tpu.memref_slice %arg7[%add3A_111, %dma_start3A_117] : memref<32x64xi32, #tpu.memory_space<vmem>> -> memref<1x64xi32, #tpu.memory_space<vmem>>
        %dma_start3A_119 = tpu.memref_squeeze %dma_start3A_118 : memref<1x64xi32, #tpu.memory_space<vmem>> -> memref<64xi32, #tpu.memory_space<vmem>>
        %dma_start3A_120 = arith.constant 0 : i32
        %dma_start3A_121 = arith.constant 0 : i32
        %dma_start3A_122 = tpu.memref_slice %arg4[%dma_start3A_120, %dma_start3A_121] : memref<10240x128xf32, #tpu.memory_space<hbm>> -> memref<10240x128xf32, #tpu.memory_space<hbm>>
        tpu.enqueue_indirect_dma source(%dma_start3A_122 : memref<10240x128xf32, #tpu.memory_space<hbm>>) target(%dma_start3A_116 : memref<64x128xf32, #tpu.memory_space<vmem>>) offsets(%dma_start3A_119 : memref<64xi32, #tpu.memory_space<vmem>>) semaphore(%arg12 : memref<!tpu.dma_semaphore, #tpu.memory_space<semaphore_mem>>)
        %add3A_123 = arith.constant 3 : i32
        %add3A_124 = arith.addi %mul3A_83, %add3A_123 : i32
        %dma_start3A_125 = arith.constant 3 : i32
        %dma_start3A_126 = arith.constant 0 : i32
        %dma_start3A_127 = arith.constant 0 : i32
        %dma_start3A_128 = tpu.memref_slice %arg9[%dma_start3A_125, %dma_start3A_126, %dma_start3A_127] : memref<4x64x128xf32, #tpu.memory_space<vmem>> -> memref<1x64x128xf32, #tpu.memory_space<vmem>>
        %dma_start3A_129 = tpu.memref_squeeze %dma_start3A_128 : memref<1x64x128xf32, #tpu.memory_space<vmem>> -> memref<64x128xf32, #tpu.memory_space<vmem>>
        %dma_start3A_130 = arith.constant 0 : i32
        %dma_start3A_131 = tpu.memref_slice %arg7[%add3A_124, %dma_start3A_130] : memref<32x64xi32, #tpu.memory_space<vmem>> -> memref<1x64xi32, #tpu.memory_space<vmem>>
        %dma_start3A_132 = tpu.memref_squeeze %dma_start3A_131 : memref<1x64xi32, #tpu.memory_space<vmem>> -> memref<64xi32, #tpu.memory_space<vmem>>
        %dma_start3A_133 = arith.constant 0 : i32
        %dma_start3A_134 = arith.constant 0 : i32
        %dma_start3A_135 = tpu.memref_slice %arg4[%dma_start3A_133, %dma_start3A_134] : memref<10240x128xf32, #tpu.memory_space<hbm>> -> memref<10240x128xf32, #tpu.memory_space<hbm>>
        tpu.enqueue_indirect_dma source(%dma_start3A_135 : memref<10240x128xf32, #tpu.memory_space<hbm>>) target(%dma_start3A_129 : memref<64x128xf32, #tpu.memory_space<vmem>>) offsets(%dma_start3A_132 : memref<64xi32, #tpu.memory_space<vmem>>) semaphore(%arg13 : memref<!tpu.dma_semaphore, #tpu.memory_space<semaphore_mem>>)
        %dma_wait3A_136 = arith.constant 0 : i32
        %dma_wait3A_137 = arith.constant 0 : i32
        %dma_wait3A_138 = arith.constant 0 : i32
        %dma_wait3A_139 = tpu.memref_slice %arg9[%dma_wait3A_136, %dma_wait3A_137, %dma_wait3A_138] : memref<4x64x128xf32, #tpu.memory_space<vmem>> -> memref<1x64x128xf32, #tpu.memory_space<vmem>>
        %dma_wait3A_140 = tpu.memref_squeeze %dma_wait3A_139 : memref<1x64x128xf32, #tpu.memory_space<vmem>> -> memref<64x128xf32, #tpu.memory_space<vmem>>
        %dma_wait3A_141 = arith.constant 0 : i32
        %dma_wait3A_142 = tpu.memref_slice %arg7[%add3A_85, %dma_wait3A_141] : memref<32x64xi32, #tpu.memory_space<vmem>> -> memref<1x64xi32, #tpu.memory_space<vmem>>
        %dma_wait3A_143 = tpu.memref_squeeze %dma_wait3A_142 : memref<1x64xi32, #tpu.memory_space<vmem>> -> memref<64xi32, #tpu.memory_space<vmem>>
        %dma_wait3A_144 = arith.constant 0 : i32
        %dma_wait3A_145 = arith.constant 0 : i32
        %dma_wait3A_146 = tpu.memref_slice %arg4[%dma_wait3A_144, %dma_wait3A_145] : memref<10240x128xf32, #tpu.memory_space<hbm>> -> memref<10240x128xf32, #tpu.memory_space<hbm>>
        tpu.wait_indirect_dma semaphore(%arg10 : memref<!tpu.dma_semaphore, #tpu.memory_space<semaphore_mem>>) src(%dma_wait3A_146 : memref<10240x128xf32, #tpu.memory_space<hbm>>) dst(%dma_wait3A_140 : memref<64x128xf32, #tpu.memory_space<vmem>>)
        %add3A_147 = arith.constant 0 : i32
        %add3A_148 = arith.addi %mul3A_83, %add3A_147 : i32
        %run_scoped3A = arith.constant 0 : i32
        "tpu.region"() ({
          %run_scoped3A_191 = tpu.sem_alloc : memref<!tpu.dma_semaphore, #tpu.memory_space<semaphore_mem>>
          %dma_start3A_192 = arith.constant 0 : i32
          %dma_start3A_193 = arith.constant 0 : i32
          %dma_start3A_194 = tpu.memref_slice %arg9[%run_scoped3A, %dma_start3A_192, %dma_start3A_193] : memref<4x64x128xf32, #tpu.memory_space<vmem>> -> memref<1x64x128xf32, #tpu.memory_space<vmem>>
          %dma_start3A_195 = tpu.memref_squeeze %dma_start3A_194 : memref<1x64x128xf32, #tpu.memory_space<vmem>> -> memref<64x128xf32, #tpu.memory_space<vmem>>
          %dma_start3A_196 = arith.constant 0 : i32
          %dma_start3A_197 = tpu.memref_slice %arg8[%add3A_148, %dma_start3A_196] : memref<32x64xi32, #tpu.memory_space<vmem>> -> memref<1x64xi32, #tpu.memory_space<vmem>>
          %dma_start3A_198 = tpu.memref_squeeze %dma_start3A_197 : memref<1x64xi32, #tpu.memory_space<vmem>> -> memref<64xi32, #tpu.memory_space<vmem>>
          %dma_start3A_199 = arith.constant 0 : i32
          %dma_start3A_200 = arith.constant 0 : i32
          %dma_start3A_201 = tpu.memref_slice %arg16[%dma_start3A_199, %dma_start3A_200] : memref<10240x128xf32, #tpu.memory_space<vmem_shared>> -> memref<10240x128xf32, #tpu.memory_space<vmem_shared>>
          tpu.enqueue_indirect_dma source(%dma_start3A_195 : memref<64x128xf32, #tpu.memory_space<vmem>>) target(%dma_start3A_201 : memref<10240x128xf32, #tpu.memory_space<vmem_shared>>) offsets(%dma_start3A_198 : memref<64xi32, #tpu.memory_space<vmem>>) semaphore(%run_scoped3A_191 : memref<!tpu.dma_semaphore, #tpu.memory_space<semaphore_mem>>) {add = true}
          %dma_wait3A_202 = arith.constant 0 : i32
          %dma_wait3A_203 = arith.constant 0 : i32
          %dma_wait3A_204 = tpu.memref_slice %arg9[%run_scoped3A, %dma_wait3A_202, %dma_wait3A_203] : memref<4x64x128xf32, #tpu.memory_space<vmem>> -> memref<1x64x128xf32, #tpu.memory_space<vmem>>
          %dma_wait3A_205 = tpu.memref_squeeze %dma_wait3A_204 : memref<1x64x128xf32, #tpu.memory_space<vmem>> -> memref<64x128xf32, #tpu.memory_space<vmem>>
          %dma_wait3A_206 = arith.constant 0 : i32
          %dma_wait3A_207 = tpu.memref_slice %arg8[%add3A_148, %dma_wait3A_206] : memref<32x64xi32, #tpu.memory_space<vmem>> -> memref<1x64xi32, #tpu.memory_space<vmem>>
          %dma_wait3A_208 = tpu.memref_squeeze %dma_wait3A_207 : memref<1x64xi32, #tpu.memory_space<vmem>> -> memref<64xi32, #tpu.memory_space<vmem>>
          %dma_wait3A_209 = arith.constant 0 : i32
          %dma_wait3A_210 = arith.constant 0 : i32
          %dma_wait3A_211 = tpu.memref_slice %arg16[%dma_wait3A_209, %dma_wait3A_210] : memref<10240x128xf32, #tpu.memory_space<vmem_shared>> -> memref<10240x128xf32, #tpu.memory_space<vmem_shared>>
          tpu.wait_indirect_dma semaphore(%run_scoped3A_191 : memref<!tpu.dma_semaphore, #tpu.memory_space<semaphore_mem>>) src(%dma_wait3A_205 : memref<64x128xf32, #tpu.memory_space<vmem>>) dst(%dma_wait3A_211 : memref<10240x128xf32, #tpu.memory_space<vmem_shared>>)
          tpu.yield
        }) : () -> ()
        %dma_wait3A_149 = arith.constant 1 : i32
        %dma_wait3A_150 = arith.constant 0 : i32
        %dma_wait3A_151 = arith.constant 0 : i32
        %dma_wait3A_152 = tpu.memref_slice %arg9[%dma_wait3A_149, %dma_wait3A_150, %dma_wait3A_151] : memref<4x64x128xf32, #tpu.memory_space<vmem>> -> memref<1x64x128xf32, #tpu.memory_space<vmem>>
        %dma_wait3A_153 = tpu.memref_squeeze %dma_wait3A_152 : memref<1x64x128xf32, #tpu.memory_space<vmem>> -> memref<64x128xf32, #tpu.memory_space<vmem>>
        %dma_wait3A_154 = arith.constant 0 : i32
        %dma_wait3A_155 = tpu.memref_slice %arg7[%add3A_98, %dma_wait3A_154] : memref<32x64xi32, #tpu.memory_space<vmem>> -> memref<1x64xi32, #tpu.memory_space<vmem>>
        %dma_wait3A_156 = tpu.memref_squeeze %dma_wait3A_155 : memref<1x64xi32, #tpu.memory_space<vmem>> -> memref<64xi32, #tpu.memory_space<vmem>>
        %dma_wait3A_157 = arith.constant 0 : i32
        %dma_wait3A_158 = arith.constant 0 : i32
        %dma_wait3A_159 = tpu.memref_slice %arg4[%dma_wait3A_157, %dma_wait3A_158] : memref<10240x128xf32, #tpu.memory_space<hbm>> -> memref<10240x128xf32, #tpu.memory_space<hbm>>
        tpu.wait_indirect_dma semaphore(%arg11 : memref<!tpu.dma_semaphore, #tpu.memory_space<semaphore_mem>>) src(%dma_wait3A_159 : memref<10240x128xf32, #tpu.memory_space<hbm>>) dst(%dma_wait3A_153 : memref<64x128xf32, #tpu.memory_space<vmem>>)
        %add3A_160 = arith.constant 1 : i32
        %add3A_161 = arith.addi %mul3A_83, %add3A_160 : i32
        %run_scoped3A_162 = arith.constant 1 : i32
        "tpu.region"() ({
          %run_scoped3A_191 = tpu.sem_alloc : memref<!tpu.dma_semaphore, #tpu.memory_space<semaphore_mem>>
          %dma_start3A_192 = arith.constant 0 : i32
          %dma_start3A_193 = arith.constant 0 : i32
          %dma_start3A_194 = tpu.memref_slice %arg9[%run_scoped3A_162, %dma_start3A_192, %dma_start3A_193] : memref<4x64x128xf32, #tpu.memory_space<vmem>> -> memref<1x64x128xf32, #tpu.memory_space<vmem>>
          %dma_start3A_195 = tpu.memref_squeeze %dma_start3A_194 : memref<1x64x128xf32, #tpu.memory_space<vmem>> -> memref<64x128xf32, #tpu.memory_space<vmem>>
          %dma_start3A_196 = arith.constant 0 : i32
          %dma_start3A_197 = tpu.memref_slice %arg8[%add3A_161, %dma_start3A_196] : memref<32x64xi32, #tpu.memory_space<vmem>> -> memref<1x64xi32, #tpu.memory_space<vmem>>
          %dma_start3A_198 = tpu.memref_squeeze %dma_start3A_197 : memref<1x64xi32, #tpu.memory_space<vmem>> -> memref<64xi32, #tpu.memory_space<vmem>>
          %dma_start3A_199 = arith.constant 0 : i32
          %dma_start3A_200 = arith.constant 0 : i32
          %dma_start3A_201 = tpu.memref_slice %arg16[%dma_start3A_199, %dma_start3A_200] : memref<10240x128xf32, #tpu.memory_space<vmem_shared>> -> memref<10240x128xf32, #tpu.memory_space<vmem_shared>>
          tpu.enqueue_indirect_dma source(%dma_start3A_195 : memref<64x128xf32, #tpu.memory_space<vmem>>) target(%dma_start3A_201 : memref<10240x128xf32, #tpu.memory_space<vmem_shared>>) offsets(%dma_start3A_198 : memref<64xi32, #tpu.memory_space<vmem>>) semaphore(%run_scoped3A_191 : memref<!tpu.dma_semaphore, #tpu.memory_space<semaphore_mem>>) {add = true}
          %dma_wait3A_202 = arith.constant 0 : i32
          %dma_wait3A_203 = arith.constant 0 : i32
          %dma_wait3A_204 = tpu.memref_slice %arg9[%run_scoped3A_162, %dma_wait3A_202, %dma_wait3A_203] : memref<4x64x128xf32, #tpu.memory_space<vmem>> -> memref<1x64x128xf32, #tpu.memory_space<vmem>>
          %dma_wait3A_205 = tpu.memref_squeeze %dma_wait3A_204 : memref<1x64x128xf32, #tpu.memory_space<vmem>> -> memref<64x128xf32, #tpu.memory_space<vmem>>
          %dma_wait3A_206 = arith.constant 0 : i32
          %dma_wait3A_207 = tpu.memref_slice %arg8[%add3A_161, %dma_wait3A_206] : memref<32x64xi32, #tpu.memory_space<vmem>> -> memref<1x64xi32, #tpu.memory_space<vmem>>
          %dma_wait3A_208 = tpu.memref_squeeze %dma_wait3A_207 : memref<1x64xi32, #tpu.memory_space<vmem>> -> memref<64xi32, #tpu.memory_space<vmem>>
          %dma_wait3A_209 = arith.constant 0 : i32
          %dma_wait3A_210 = arith.constant 0 : i32
          %dma_wait3A_211 = tpu.memref_slice %arg16[%dma_wait3A_209, %dma_wait3A_210] : memref<10240x128xf32, #tpu.memory_space<vmem_shared>> -> memref<10240x128xf32, #tpu.memory_space<vmem_shared>>
          tpu.wait_indirect_dma semaphore(%run_scoped3A_191 : memref<!tpu.dma_semaphore, #tpu.memory_space<semaphore_mem>>) src(%dma_wait3A_205 : memref<64x128xf32, #tpu.memory_space<vmem>>) dst(%dma_wait3A_211 : memref<10240x128xf32, #tpu.memory_space<vmem_shared>>)
          tpu.yield
        }) : () -> ()
        %dma_wait3A_163 = arith.constant 2 : i32
        %dma_wait3A_164 = arith.constant 0 : i32
        %dma_wait3A_165 = arith.constant 0 : i32
        %dma_wait3A_166 = tpu.memref_slice %arg9[%dma_wait3A_163, %dma_wait3A_164, %dma_wait3A_165] : memref<4x64x128xf32, #tpu.memory_space<vmem>> -> memref<1x64x128xf32, #tpu.memory_space<vmem>>
        %dma_wait3A_167 = tpu.memref_squeeze %dma_wait3A_166 : memref<1x64x128xf32, #tpu.memory_space<vmem>> -> memref<64x128xf32, #tpu.memory_space<vmem>>
        %dma_wait3A_168 = arith.constant 0 : i32
        %dma_wait3A_169 = tpu.memref_slice %arg7[%add3A_111, %dma_wait3A_168] : memref<32x64xi32, #tpu.memory_space<vmem>> -> memref<1x64xi32, #tpu.memory_space<vmem>>
        %dma_wait3A_170 = tpu.memref_squeeze %dma_wait3A_169 : memref<1x64xi32, #tpu.memory_space<vmem>> -> memref<64xi32, #tpu.memory_space<vmem>>
        %dma_wait3A_171 = arith.constant 0 : i32
        %dma_wait3A_172 = arith.constant 0 : i32
        %dma_wait3A_173 = tpu.memref_slice %arg4[%dma_wait3A_171, %dma_wait3A_172] : memref<10240x128xf32, #tpu.memory_space<hbm>> -> memref<10240x128xf32, #tpu.memory_space<hbm>>
        tpu.wait_indirect_dma semaphore(%arg12 : memref<!tpu.dma_semaphore, #tpu.memory_space<semaphore_mem>>) src(%dma_wait3A_173 : memref<10240x128xf32, #tpu.memory_space<hbm>>) dst(%dma_wait3A_167 : memref<64x128xf32, #tpu.memory_space<vmem>>)
        %add3A_174 = arith.constant 2 : i32
        %add3A_175 = arith.addi %mul3A_83, %add3A_174 : i32
        %run_scoped3A_176 = arith.constant 2 : i32
        "tpu.region"() ({
          %run_scoped3A_191 = tpu.sem_alloc : memref<!tpu.dma_semaphore, #tpu.memory_space<semaphore_mem>>
          %dma_start3A_192 = arith.constant 0 : i32
          %dma_start3A_193 = arith.constant 0 : i32
          %dma_start3A_194 = tpu.memref_slice %arg9[%run_scoped3A_176, %dma_start3A_192, %dma_start3A_193] : memref<4x64x128xf32, #tpu.memory_space<vmem>> -> memref<1x64x128xf32, #tpu.memory_space<vmem>>
          %dma_start3A_195 = tpu.memref_squeeze %dma_start3A_194 : memref<1x64x128xf32, #tpu.memory_space<vmem>> -> memref<64x128xf32, #tpu.memory_space<vmem>>
          %dma_start3A_196 = arith.constant 0 : i32
          %dma_start3A_197 = tpu.memref_slice %arg8[%add3A_175, %dma_start3A_196] : memref<32x64xi32, #tpu.memory_space<vmem>> -> memref<1x64xi32, #tpu.memory_space<vmem>>
          %dma_start3A_198 = tpu.memref_squeeze %dma_start3A_197 : memref<1x64xi32, #tpu.memory_space<vmem>> -> memref<64xi32, #tpu.memory_space<vmem>>
          %dma_start3A_199 = arith.constant 0 : i32
          %dma_start3A_200 = arith.constant 0 : i32
          %dma_start3A_201 = tpu.memref_slice %arg16[%dma_start3A_199, %dma_start3A_200] : memref<10240x128xf32, #tpu.memory_space<vmem_shared>> -> memref<10240x128xf32, #tpu.memory_space<vmem_shared>>
          tpu.enqueue_indirect_dma source(%dma_start3A_195 : memref<64x128xf32, #tpu.memory_space<vmem>>) target(%dma_start3A_201 : memref<10240x128xf32, #tpu.memory_space<vmem_shared>>) offsets(%dma_start3A_198 : memref<64xi32, #tpu.memory_space<vmem>>) semaphore(%run_scoped3A_191 : memref<!tpu.dma_semaphore, #tpu.memory_space<semaphore_mem>>) {add = true}
          %dma_wait3A_202 = arith.constant 0 : i32
          %dma_wait3A_203 = arith.constant 0 : i32
          %dma_wait3A_204 = tpu.memref_slice %arg9[%run_scoped3A_176, %dma_wait3A_202, %dma_wait3A_203] : memref<4x64x128xf32, #tpu.memory_space<vmem>> -> memref<1x64x128xf32, #tpu.memory_space<vmem>>
          %dma_wait3A_205 = tpu.memref_squeeze %dma_wait3A_204 : memref<1x64x128xf32, #tpu.memory_space<vmem>> -> memref<64x128xf32, #tpu.memory_space<vmem>>
          %dma_wait3A_206 = arith.constant 0 : i32
          %dma_wait3A_207 = tpu.memref_slice %arg8[%add3A_175, %dma_wait3A_206] : memref<32x64xi32, #tpu.memory_space<vmem>> -> memref<1x64xi32, #tpu.memory_space<vmem>>
          %dma_wait3A_208 = tpu.memref_squeeze %dma_wait3A_207 : memref<1x64xi32, #tpu.memory_space<vmem>> -> memref<64xi32, #tpu.memory_space<vmem>>
          %dma_wait3A_209 = arith.constant 0 : i32
          %dma_wait3A_210 = arith.constant 0 : i32
          %dma_wait3A_211 = tpu.memref_slice %arg16[%dma_wait3A_209, %dma_wait3A_210] : memref<10240x128xf32, #tpu.memory_space<vmem_shared>> -> memref<10240x128xf32, #tpu.memory_space<vmem_shared>>
          tpu.wait_indirect_dma semaphore(%run_scoped3A_191 : memref<!tpu.dma_semaphore, #tpu.memory_space<semaphore_mem>>) src(%dma_wait3A_205 : memref<64x128xf32, #tpu.memory_space<vmem>>) dst(%dma_wait3A_211 : memref<10240x128xf32, #tpu.memory_space<vmem_shared>>)
          tpu.yield
        }) : () -> ()
        %dma_wait3A_177 = arith.constant 3 : i32
        %dma_wait3A_178 = arith.constant 0 : i32
        %dma_wait3A_179 = arith.constant 0 : i32
        %dma_wait3A_180 = tpu.memref_slice %arg9[%dma_wait3A_177, %dma_wait3A_178, %dma_wait3A_179] : memref<4x64x128xf32, #tpu.memory_space<vmem>> -> memref<1x64x128xf32, #tpu.memory_space<vmem>>
        %dma_wait3A_181 = tpu.memref_squeeze %dma_wait3A_180 : memref<1x64x128xf32, #tpu.memory_space<vmem>> -> memref<64x128xf32, #tpu.memory_space<vmem>>
        %dma_wait3A_182 = arith.constant 0 : i32
        %dma_wait3A_183 = tpu.memref_slice %arg7[%add3A_124, %dma_wait3A_182] : memref<32x64xi32, #tpu.memory_space<vmem>> -> memref<1x64xi32, #tpu.memory_space<vmem>>
        %dma_wait3A_184 = tpu.memref_squeeze %dma_wait3A_183 : memref<1x64xi32, #tpu.memory_space<vmem>> -> memref<64xi32, #tpu.memory_space<vmem>>
        %dma_wait3A_185 = arith.constant 0 : i32
        %dma_wait3A_186 = arith.constant 0 : i32
        %dma_wait3A_187 = tpu.memref_slice %arg4[%dma_wait3A_185, %dma_wait3A_186] : memref<10240x128xf32, #tpu.memory_space<hbm>> -> memref<10240x128xf32, #tpu.memory_space<hbm>>
        tpu.wait_indirect_dma semaphore(%arg13 : memref<!tpu.dma_semaphore, #tpu.memory_space<semaphore_mem>>) src(%dma_wait3A_187 : memref<10240x128xf32, #tpu.memory_space<hbm>>) dst(%dma_wait3A_181 : memref<64x128xf32, #tpu.memory_space<vmem>>)
        %add3A_188 = arith.constant 3 : i32
        %add3A_189 = arith.addi %mul3A_83, %add3A_188 : i32
        %run_scoped3A_190 = arith.constant 3 : i32
        "tpu.region"() ({
          %run_scoped3A_191 = tpu.sem_alloc : memref<!tpu.dma_semaphore, #tpu.memory_space<semaphore_mem>>
          %dma_start3A_192 = arith.constant 0 : i32
          %dma_start3A_193 = arith.constant 0 : i32
          %dma_start3A_194 = tpu.memref_slice %arg9[%run_scoped3A_190, %dma_start3A_192, %dma_start3A_193] : memref<4x64x128xf32, #tpu.memory_space<vmem>> -> memref<1x64x128xf32, #tpu.memory_space<vmem>>
          %dma_start3A_195 = tpu.memref_squeeze %dma_start3A_194 : memref<1x64x128xf32, #tpu.memory_space<vmem>> -> memref<64x128xf32, #tpu.memory_space<vmem>>
          %dma_start3A_196 = arith.constant 0 : i32
          %dma_start3A_197 = tpu.memref_slice %arg8[%add3A_189, %dma_start3A_196] : memref<32x64xi32, #tpu.memory_space<vmem>> -> memref<1x64xi32, #tpu.memory_space<vmem>>
          %dma_start3A_198 = tpu.memref_squeeze %dma_start3A_197 : memref<1x64xi32, #tpu.memory_space<vmem>> -> memref<64xi32, #tpu.memory_space<vmem>>
          %dma_start3A_199 = arith.constant 0 : i32
          %dma_start3A_200 = arith.constant 0 : i32
          %dma_start3A_201 = tpu.memref_slice %arg16[%dma_start3A_199, %dma_start3A_200] : memref<10240x128xf32, #tpu.memory_space<vmem_shared>> -> memref<10240x128xf32, #tpu.memory_space<vmem_shared>>
          tpu.enqueue_indirect_dma source(%dma_start3A_195 : memref<64x128xf32, #tpu.memory_space<vmem>>) target(%dma_start3A_201 : memref<10240x128xf32, #tpu.memory_space<vmem_shared>>) offsets(%dma_start3A_198 : memref<64xi32, #tpu.memory_space<vmem>>) semaphore(%run_scoped3A_191 : memref<!tpu.dma_semaphore, #tpu.memory_space<semaphore_mem>>) {add = true}
          %dma_wait3A_202 = arith.constant 0 : i32
          %dma_wait3A_203 = arith.constant 0 : i32
          %dma_wait3A_204 = tpu.memref_slice %arg9[%run_scoped3A_190, %dma_wait3A_202, %dma_wait3A_203] : memref<4x64x128xf32, #tpu.memory_space<vmem>> -> memref<1x64x128xf32, #tpu.memory_space<vmem>>
          %dma_wait3A_205 = tpu.memref_squeeze %dma_wait3A_204 : memref<1x64x128xf32, #tpu.memory_space<vmem>> -> memref<64x128xf32, #tpu.memory_space<vmem>>
          %dma_wait3A_206 = arith.constant 0 : i32
          %dma_wait3A_207 = tpu.memref_slice %arg8[%add3A_189, %dma_wait3A_206] : memref<32x64xi32, #tpu.memory_space<vmem>> -> memref<1x64xi32, #tpu.memory_space<vmem>>
          %dma_wait3A_208 = tpu.memref_squeeze %dma_wait3A_207 : memref<1x64xi32, #tpu.memory_space<vmem>> -> memref<64xi32, #tpu.memory_space<vmem>>
          %dma_wait3A_209 = arith.constant 0 : i32
          %dma_wait3A_210 = arith.constant 0 : i32
          %dma_wait3A_211 = tpu.memref_slice %arg16[%dma_wait3A_209, %dma_wait3A_210] : memref<10240x128xf32, #tpu.memory_space<vmem_shared>> -> memref<10240x128xf32, #tpu.memory_space<vmem_shared>>
          tpu.wait_indirect_dma semaphore(%run_scoped3A_191 : memref<!tpu.dma_semaphore, #tpu.memory_space<semaphore_mem>>) src(%dma_wait3A_205 : memref<64x128xf32, #tpu.memory_space<vmem>>) dst(%dma_wait3A_211 : memref<10240x128xf32, #tpu.memory_space<vmem_shared>>)
          tpu.yield
        }) : () -> ()
      }
      %scan3A_80 = arith.constant 8 : i32
    } else {
    }
    %gt3A_48 = arith.constant 8 : i32
    %gt3A_49 = arith.cmpi sgt, %select_n3A, %gt3A_48 : i32
    %convert_element_type3A_50 = arith.extui %gt3A_49 : i1 to i32
    %cond3A_51 = arith.constant 0 : i32
    %cond3A_52 = arith.cmpi ne, %convert_element_type3A_50, %cond3A_51 : i32
    scf.if %cond3A_52 {
      %add3A_58 = arith.constant 8 : i32
      %add3A_59 = arith.addi %select_n3A_10, %add3A_58 : i32
      %mul3A_60 = arith.constant 32 : i32
      %mul3A_61 = arith.muli %add3A_59, %mul3A_60 : i32
      %dma_start3A = arith.constant 0 : i32
      %dma_start3A_62 = tpu.memref_slice %arg2[%mul3A_61, %dma_start3A] : memref<5120x64xi32, #tpu.memory_space<hbm>> -> memref<32x64xi32, #tpu.memory_space<hbm>>
      %dma_start3A_63 = arith.constant 0 : i32
      %dma_start3A_64 = tpu.memref_slice %arg2[%mul3A_61, %dma_start3A_63] : memref<5120x64xi32, #tpu.memory_space<hbm>> -> memref<32x64xi32, #tpu.memory_space<hbm>>
      tpu.enqueue_dma source(%dma_start3A_64 : memref<32x64xi32, #tpu.memory_space<hbm>>) target(%arg7 : memref<32x64xi32, #tpu.memory_space<vmem>>) target_semaphore(%arg14 : memref<!tpu.dma_semaphore, #tpu.memory_space<semaphore_mem>>)
      %dma_start3A_65 = arith.constant 0 : i32
      %dma_start3A_66 = tpu.memref_slice %arg3[%mul3A_61, %dma_start3A_65] : memref<5120x64xi32, #tpu.memory_space<hbm>> -> memref<32x64xi32, #tpu.memory_space<hbm>>
      %dma_start3A_67 = arith.constant 0 : i32
      %dma_start3A_68 = tpu.memref_slice %arg3[%mul3A_61, %dma_start3A_67] : memref<5120x64xi32, #tpu.memory_space<hbm>> -> memref<32x64xi32, #tpu.memory_space<hbm>>
      tpu.enqueue_dma source(%dma_start3A_68 : memref<32x64xi32, #tpu.memory_space<hbm>>) target(%arg8 : memref<32x64xi32, #tpu.memory_space<vmem>>) target_semaphore(%arg15 : memref<!tpu.dma_semaphore, #tpu.memory_space<semaphore_mem>>)
      %dma_wait3A = arith.constant 0 : i32
      %dma_wait3A_69 = tpu.memref_slice %arg2[%mul3A_61, %dma_wait3A] : memref<5120x64xi32, #tpu.memory_space<hbm>> -> memref<32x64xi32, #tpu.memory_space<hbm>>
      %dma_wait3A_70 = arith.constant 0 : i32
      %dma_wait3A_71 = tpu.memref_slice %arg2[%mul3A_61, %dma_wait3A_70] : memref<5120x64xi32, #tpu.memory_space<hbm>> -> memref<32x64xi32, #tpu.memory_space<hbm>>
      tpu.wait_dma2 semaphore(%arg14 : memref<!tpu.dma_semaphore, #tpu.memory_space<semaphore_mem>>) src(%dma_wait3A_71 : memref<32x64xi32, #tpu.memory_space<hbm>>) dst(%arg7 : memref<32x64xi32, #tpu.memory_space<vmem>>)
      %dma_wait3A_72 = arith.constant 0 : i32
      %dma_wait3A_73 = tpu.memref_slice %arg3[%mul3A_61, %dma_wait3A_72] : memref<5120x64xi32, #tpu.memory_space<hbm>> -> memref<32x64xi32, #tpu.memory_space<hbm>>
      %dma_wait3A_74 = arith.constant 0 : i32
      %dma_wait3A_75 = tpu.memref_slice %arg3[%mul3A_61, %dma_wait3A_74] : memref<5120x64xi32, #tpu.memory_space<hbm>> -> memref<32x64xi32, #tpu.memory_space<hbm>>
      tpu.wait_dma2 semaphore(%arg15 : memref<!tpu.dma_semaphore, #tpu.memory_space<semaphore_mem>>) src(%dma_wait3A_75 : memref<32x64xi32, #tpu.memory_space<hbm>>) dst(%arg8 : memref<32x64xi32, #tpu.memory_space<vmem>>)
      %scan3A = arith.constant 0 : i32
      %scan3A_76 = arith.constant 0 : i32
      %scan3A_77 = arith.constant 8 : i32
      %scan3A_78 = arith.addi %scan3A_76, %scan3A_77 : i32
      %scan3A_79 = arith.constant 1 : i32
      scf.for %scan3A_81 = %scan3A_76 to %scan3A_78 step %scan3A_79  : i32 {
        %mul3A_82 = arith.constant 4 : i32
        %mul3A_83 = arith.muli %scan3A_81, %mul3A_82 : i32
        %add3A_84 = arith.constant 0 : i32
        %add3A_85 = arith.addi %mul3A_83, %add3A_84 : i32
        %dma_start3A_86 = arith.constant 0 : i32
        %dma_start3A_87 = arith.constant 0 : i32
        %dma_start3A_88 = arith.constant 0 : i32
        %dma_start3A_89 = tpu.memref_slice %arg9[%dma_start3A_86, %dma_start3A_87, %dma_start3A_88] : memref<4x64x128xf32, #tpu.memory_space<vmem>> -> memref<1x64x128xf32, #tpu.memory_space<vmem>>
        %dma_start3A_90 = tpu.memref_squeeze %dma_start3A_89 : memref<1x64x128xf32, #tpu.memory_space<vmem>> -> memref<64x128xf32, #tpu.memory_space<vmem>>
        %dma_start3A_91 = arith.constant 0 : i32
        %dma_start3A_92 = tpu.memref_slice %arg7[%add3A_85, %dma_start3A_91] : memref<32x64xi32, #tpu.memory_space<vmem>> -> memref<1x64xi32, #tpu.memory_space<vmem>>
        %dma_start3A_93 = tpu.memref_squeeze %dma_start3A_92 : memref<1x64xi32, #tpu.memory_space<vmem>> -> memref<64xi32, #tpu.memory_space<vmem>>
        %dma_start3A_94 = arith.constant 0 : i32
        %dma_start3A_95 = arith.constant 0 : i32
        %dma_start3A_96 = tpu.memref_slice %arg4[%dma_start3A_94, %dma_start3A_95] : memref<10240x128xf32, #tpu.memory_space<hbm>> -> memref<10240x128xf32, #tpu.memory_space<hbm>>
        tpu.enqueue_indirect_dma source(%dma_start3A_96 : memref<10240x128xf32, #tpu.memory_space<hbm>>) target(%dma_start3A_90 : memref<64x128xf32, #tpu.memory_space<vmem>>) offsets(%dma_start3A_93 : memref<64xi32, #tpu.memory_space<vmem>>) semaphore(%arg10 : memref<!tpu.dma_semaphore, #tpu.memory_space<semaphore_mem>>)
        %add3A_97 = arith.constant 1 : i32
        %add3A_98 = arith.addi %mul3A_83, %add3A_97 : i32
        %dma_start3A_99 = arith.constant 1 : i32
        %dma_start3A_100 = arith.constant 0 : i32
        %dma_start3A_101 = arith.constant 0 : i32
        %dma_start3A_102 = tpu.memref_slice %arg9[%dma_start3A_99, %dma_start3A_100, %dma_start3A_101] : memref<4x64x128xf32, #tpu.memory_space<vmem>> -> memref<1x64x128xf32, #tpu.memory_space<vmem>>
        %dma_start3A_103 = tpu.memref_squeeze %dma_start3A_102 : memref<1x64x128xf32, #tpu.memory_space<vmem>> -> memref<64x128xf32, #tpu.memory_space<vmem>>
        %dma_start3A_104 = arith.constant 0 : i32
        %dma_start3A_105 = tpu.memref_slice %arg7[%add3A_98, %dma_start3A_104] : memref<32x64xi32, #tpu.memory_space<vmem>> -> memref<1x64xi32, #tpu.memory_space<vmem>>
        %dma_start3A_106 = tpu.memref_squeeze %dma_start3A_105 : memref<1x64xi32, #tpu.memory_space<vmem>> -> memref<64xi32, #tpu.memory_space<vmem>>
        %dma_start3A_107 = arith.constant 0 : i32
        %dma_start3A_108 = arith.constant 0 : i32
        %dma_start3A_109 = tpu.memref_slice %arg4[%dma_start3A_107, %dma_start3A_108] : memref<10240x128xf32, #tpu.memory_space<hbm>> -> memref<10240x128xf32, #tpu.memory_space<hbm>>
        tpu.enqueue_indirect_dma source(%dma_start3A_109 : memref<10240x128xf32, #tpu.memory_space<hbm>>) target(%dma_start3A_103 : memref<64x128xf32, #tpu.memory_space<vmem>>) offsets(%dma_start3A_106 : memref<64xi32, #tpu.memory_space<vmem>>) semaphore(%arg11 : memref<!tpu.dma_semaphore, #tpu.memory_space<semaphore_mem>>)
        %add3A_110 = arith.constant 2 : i32
        %add3A_111 = arith.addi %mul3A_83, %add3A_110 : i32
        %dma_start3A_112 = arith.constant 2 : i32
        %dma_start3A_113 = arith.constant 0 : i32
        %dma_start3A_114 = arith.constant 0 : i32
        %dma_start3A_115 = tpu.memref_slice %arg9[%dma_start3A_112, %dma_start3A_113, %dma_start3A_114] : memref<4x64x128xf32, #tpu.memory_space<vmem>> -> memref<1x64x128xf32, #tpu.memory_space<vmem>>
        %dma_start3A_116 = tpu.memref_squeeze %dma_start3A_115 : memref<1x64x128xf32, #tpu.memory_space<vmem>> -> memref<64x128xf32, #tpu.memory_space<vmem>>
        %dma_start3A_117 = arith.constant 0 : i32
        %dma_start3A_118 = tpu.memref_slice %arg7[%add3A_111, %dma_start3A_117] : memref<32x64xi32, #tpu.memory_space<vmem>> -> memref<1x64xi32, #tpu.memory_space<vmem>>
        %dma_start3A_119 = tpu.memref_squeeze %dma_start3A_118 : memref<1x64xi32, #tpu.memory_space<vmem>> -> memref<64xi32, #tpu.memory_space<vmem>>
        %dma_start3A_120 = arith.constant 0 : i32
        %dma_start3A_121 = arith.constant 0 : i32
        %dma_start3A_122 = tpu.memref_slice %arg4[%dma_start3A_120, %dma_start3A_121] : memref<10240x128xf32, #tpu.memory_space<hbm>> -> memref<10240x128xf32, #tpu.memory_space<hbm>>
        tpu.enqueue_indirect_dma source(%dma_start3A_122 : memref<10240x128xf32, #tpu.memory_space<hbm>>) target(%dma_start3A_116 : memref<64x128xf32, #tpu.memory_space<vmem>>) offsets(%dma_start3A_119 : memref<64xi32, #tpu.memory_space<vmem>>) semaphore(%arg12 : memref<!tpu.dma_semaphore, #tpu.memory_space<semaphore_mem>>)
        %add3A_123 = arith.constant 3 : i32
        %add3A_124 = arith.addi %mul3A_83, %add3A_123 : i32
        %dma_start3A_125 = arith.constant 3 : i32
        %dma_start3A_126 = arith.constant 0 : i32
        %dma_start3A_127 = arith.constant 0 : i32
        %dma_start3A_128 = tpu.memref_slice %arg9[%dma_start3A_125, %dma_start3A_126, %dma_start3A_127] : memref<4x64x128xf32, #tpu.memory_space<vmem>> -> memref<1x64x128xf32, #tpu.memory_space<vmem>>
        %dma_start3A_129 = tpu.memref_squeeze %dma_start3A_128 : memref<1x64x128xf32, #tpu.memory_space<vmem>> -> memref<64x128xf32, #tpu.memory_space<vmem>>
        %dma_start3A_130 = arith.constant 0 : i32
        %dma_start3A_131 = tpu.memref_slice %arg7[%add3A_124, %dma_start3A_130] : memref<32x64xi32, #tpu.memory_space<vmem>> -> memref<1x64xi32, #tpu.memory_space<vmem>>
        %dma_start3A_132 = tpu.memref_squeeze %dma_start3A_131 : memref<1x64xi32, #tpu.memory_space<vmem>> -> memref<64xi32, #tpu.memory_space<vmem>>
        %dma_start3A_133 = arith.constant 0 : i32
        %dma_start3A_134 = arith.constant 0 : i32
        %dma_start3A_135 = tpu.memref_slice %arg4[%dma_start3A_133, %dma_start3A_134] : memref<10240x128xf32, #tpu.memory_space<hbm>> -> memref<10240x128xf32, #tpu.memory_space<hbm>>
        tpu.enqueue_indirect_dma source(%dma_start3A_135 : memref<10240x128xf32, #tpu.memory_space<hbm>>) target(%dma_start3A_129 : memref<64x128xf32, #tpu.memory_space<vmem>>) offsets(%dma_start3A_132 : memref<64xi32, #tpu.memory_space<vmem>>) semaphore(%arg13 : memref<!tpu.dma_semaphore, #tpu.memory_space<semaphore_mem>>)
        %dma_wait3A_136 = arith.constant 0 : i32
        %dma_wait3A_137 = arith.constant 0 : i32
        %dma_wait3A_138 = arith.constant 0 : i32
        %dma_wait3A_139 = tpu.memref_slice %arg9[%dma_wait3A_136, %dma_wait3A_137, %dma_wait3A_138] : memref<4x64x128xf32, #tpu.memory_space<vmem>> -> memref<1x64x128xf32, #tpu.memory_space<vmem>>
        %dma_wait3A_140 = tpu.memref_squeeze %dma_wait3A_139 : memref<1x64x128xf32, #tpu.memory_space<vmem>> -> memref<64x128xf32, #tpu.memory_space<vmem>>
        %dma_wait3A_141 = arith.constant 0 : i32
        %dma_wait3A_142 = tpu.memref_slice %arg7[%add3A_85, %dma_wait3A_141] : memref<32x64xi32, #tpu.memory_space<vmem>> -> memref<1x64xi32, #tpu.memory_space<vmem>>
        %dma_wait3A_143 = tpu.memref_squeeze %dma_wait3A_142 : memref<1x64xi32, #tpu.memory_space<vmem>> -> memref<64xi32, #tpu.memory_space<vmem>>
        %dma_wait3A_144 = arith.constant 0 : i32
        %dma_wait3A_145 = arith.constant 0 : i32
        %dma_wait3A_146 = tpu.memref_slice %arg4[%dma_wait3A_144, %dma_wait3A_145] : memref<10240x128xf32, #tpu.memory_space<hbm>> -> memref<10240x128xf32, #tpu.memory_space<hbm>>
        tpu.wait_indirect_dma semaphore(%arg10 : memref<!tpu.dma_semaphore, #tpu.memory_space<semaphore_mem>>) src(%dma_wait3A_146 : memref<10240x128xf32, #tpu.memory_space<hbm>>) dst(%dma_wait3A_140 : memref<64x128xf32, #tpu.memory_space<vmem>>)
        %add3A_147 = arith.constant 0 : i32
        %add3A_148 = arith.addi %mul3A_83, %add3A_147 : i32
        %run_scoped3A = arith.constant 0 : i32
        "tpu.region"() ({
          %run_scoped3A_191 = tpu.sem_alloc : memref<!tpu.dma_semaphore, #tpu.memory_space<semaphore_mem>>
          %dma_start3A_192 = arith.constant 0 : i32
          %dma_start3A_193 = arith.constant 0 : i32
          %dma_start3A_194 = tpu.memref_slice %arg9[%run_scoped3A, %dma_start3A_192, %dma_start3A_193] : memref<4x64x128xf32, #tpu.memory_space<vmem>> -> memref<1x64x128xf32, #tpu.memory_space<vmem>>
          %dma_start3A_195 = tpu.memref_squeeze %dma_start3A_194 : memref<1x64x128xf32, #tpu.memory_space<vmem>> -> memref<64x128xf32, #tpu.memory_space<vmem>>
          %dma_start3A_196 = arith.constant 0 : i32
          %dma_start3A_197 = tpu.memref_slice %arg8[%add3A_148, %dma_start3A_196] : memref<32x64xi32, #tpu.memory_space<vmem>> -> memref<1x64xi32, #tpu.memory_space<vmem>>
          %dma_start3A_198 = tpu.memref_squeeze %dma_start3A_197 : memref<1x64xi32, #tpu.memory_space<vmem>> -> memref<64xi32, #tpu.memory_space<vmem>>
          %dma_start3A_199 = arith.constant 0 : i32
          %dma_start3A_200 = arith.constant 0 : i32
          %dma_start3A_201 = tpu.memref_slice %arg16[%dma_start3A_199, %dma_start3A_200] : memref<10240x128xf32, #tpu.memory_space<vmem_shared>> -> memref<10240x128xf32, #tpu.memory_space<vmem_shared>>
          tpu.enqueue_indirect_dma source(%dma_start3A_195 : memref<64x128xf32, #tpu.memory_space<vmem>>) target(%dma_start3A_201 : memref<10240x128xf32, #tpu.memory_space<vmem_shared>>) offsets(%dma_start3A_198 : memref<64xi32, #tpu.memory_space<vmem>>) semaphore(%run_scoped3A_191 : memref<!tpu.dma_semaphore, #tpu.memory_space<semaphore_mem>>) {add = true}
          %dma_wait3A_202 = arith.constant 0 : i32
          %dma_wait3A_203 = arith.constant 0 : i32
          %dma_wait3A_204 = tpu.memref_slice %arg9[%run_scoped3A, %dma_wait3A_202, %dma_wait3A_203] : memref<4x64x128xf32, #tpu.memory_space<vmem>> -> memref<1x64x128xf32, #tpu.memory_space<vmem>>
          %dma_wait3A_205 = tpu.memref_squeeze %dma_wait3A_204 : memref<1x64x128xf32, #tpu.memory_space<vmem>> -> memref<64x128xf32, #tpu.memory_space<vmem>>
          %dma_wait3A_206 = arith.constant 0 : i32
          %dma_wait3A_207 = tpu.memref_slice %arg8[%add3A_148, %dma_wait3A_206] : memref<32x64xi32, #tpu.memory_space<vmem>> -> memref<1x64xi32, #tpu.memory_space<vmem>>
          %dma_wait3A_208 = tpu.memref_squeeze %dma_wait3A_207 : memref<1x64xi32, #tpu.memory_space<vmem>> -> memref<64xi32, #tpu.memory_space<vmem>>
          %dma_wait3A_209 = arith.constant 0 : i32
          %dma_wait3A_210 = arith.constant 0 : i32
          %dma_wait3A_211 = tpu.memref_slice %arg16[%dma_wait3A_209, %dma_wait3A_210] : memref<10240x128xf32, #tpu.memory_space<vmem_shared>> -> memref<10240x128xf32, #tpu.memory_space<vmem_shared>>
          tpu.wait_indirect_dma semaphore(%run_scoped3A_191 : memref<!tpu.dma_semaphore, #tpu.memory_space<semaphore_mem>>) src(%dma_wait3A_205 : memref<64x128xf32, #tpu.memory_space<vmem>>) dst(%dma_wait3A_211 : memref<10240x128xf32, #tpu.memory_space<vmem_shared>>)
          tpu.yield
        }) : () -> ()
        %dma_wait3A_149 = arith.constant 1 : i32
        %dma_wait3A_150 = arith.constant 0 : i32
        %dma_wait3A_151 = arith.constant 0 : i32
        %dma_wait3A_152 = tpu.memref_slice %arg9[%dma_wait3A_149, %dma_wait3A_150, %dma_wait3A_151] : memref<4x64x128xf32, #tpu.memory_space<vmem>> -> memref<1x64x128xf32, #tpu.memory_space<vmem>>
        %dma_wait3A_153 = tpu.memref_squeeze %dma_wait3A_152 : memref<1x64x128xf32, #tpu.memory_space<vmem>> -> memref<64x128xf32, #tpu.memory_space<vmem>>
        %dma_wait3A_154 = arith.constant 0 : i32
        %dma_wait3A_155 = tpu.memref_slice %arg7[%add3A_98, %dma_wait3A_154] : memref<32x64xi32, #tpu.memory_space<vmem>> -> memref<1x64xi32, #tpu.memory_space<vmem>>
        %dma_wait3A_156 = tpu.memref_squeeze %dma_wait3A_155 : memref<1x64xi32, #tpu.memory_space<vmem>> -> memref<64xi32, #tpu.memory_space<vmem>>
        %dma_wait3A_157 = arith.constant 0 : i32
        %dma_wait3A_158 = arith.constant 0 : i32
        %dma_wait3A_159 = tpu.memref_slice %arg4[%dma_wait3A_157, %dma_wait3A_158] : memref<10240x128xf32, #tpu.memory_space<hbm>> -> memref<10240x128xf32, #tpu.memory_space<hbm>>
        tpu.wait_indirect_dma semaphore(%arg11 : memref<!tpu.dma_semaphore, #tpu.memory_space<semaphore_mem>>) src(%dma_wait3A_159 : memref<10240x128xf32, #tpu.memory_space<hbm>>) dst(%dma_wait3A_153 : memref<64x128xf32, #tpu.memory_space<vmem>>)
        %add3A_160 = arith.constant 1 : i32
        %add3A_161 = arith.addi %mul3A_83, %add3A_160 : i32
        %run_scoped3A_162 = arith.constant 1 : i32
        "tpu.region"() ({
          %run_scoped3A_191 = tpu.sem_alloc : memref<!tpu.dma_semaphore, #tpu.memory_space<semaphore_mem>>
          %dma_start3A_192 = arith.constant 0 : i32
          %dma_start3A_193 = arith.constant 0 : i32
          %dma_start3A_194 = tpu.memref_slice %arg9[%run_scoped3A_162, %dma_start3A_192, %dma_start3A_193] : memref<4x64x128xf32, #tpu.memory_space<vmem>> -> memref<1x64x128xf32, #tpu.memory_space<vmem>>
          %dma_start3A_195 = tpu.memref_squeeze %dma_start3A_194 : memref<1x64x128xf32, #tpu.memory_space<vmem>> -> memref<64x128xf32, #tpu.memory_space<vmem>>
          %dma_start3A_196 = arith.constant 0 : i32
          %dma_start3A_197 = tpu.memref_slice %arg8[%add3A_161, %dma_start3A_196] : memref<32x64xi32, #tpu.memory_space<vmem>> -> memref<1x64xi32, #tpu.memory_space<vmem>>
          %dma_start3A_198 = tpu.memref_squeeze %dma_start3A_197 : memref<1x64xi32, #tpu.memory_space<vmem>> -> memref<64xi32, #tpu.memory_space<vmem>>
          %dma_start3A_199 = arith.constant 0 : i32
          %dma_start3A_200 = arith.constant 0 : i32
          %dma_start3A_201 = tpu.memref_slice %arg16[%dma_start3A_199, %dma_start3A_200] : memref<10240x128xf32, #tpu.memory_space<vmem_shared>> -> memref<10240x128xf32, #tpu.memory_space<vmem_shared>>
          tpu.enqueue_indirect_dma source(%dma_start3A_195 : memref<64x128xf32, #tpu.memory_space<vmem>>) target(%dma_start3A_201 : memref<10240x128xf32, #tpu.memory_space<vmem_shared>>) offsets(%dma_start3A_198 : memref<64xi32, #tpu.memory_space<vmem>>) semaphore(%run_scoped3A_191 : memref<!tpu.dma_semaphore, #tpu.memory_space<semaphore_mem>>) {add = true}
          %dma_wait3A_202 = arith.constant 0 : i32
          %dma_wait3A_203 = arith.constant 0 : i32
          %dma_wait3A_204 = tpu.memref_slice %arg9[%run_scoped3A_162, %dma_wait3A_202, %dma_wait3A_203] : memref<4x64x128xf32, #tpu.memory_space<vmem>> -> memref<1x64x128xf32, #tpu.memory_space<vmem>>
          %dma_wait3A_205 = tpu.memref_squeeze %dma_wait3A_204 : memref<1x64x128xf32, #tpu.memory_space<vmem>> -> memref<64x128xf32, #tpu.memory_space<vmem>>
          %dma_wait3A_206 = arith.constant 0 : i32
          %dma_wait3A_207 = tpu.memref_slice %arg8[%add3A_161, %dma_wait3A_206] : memref<32x64xi32, #tpu.memory_space<vmem>> -> memref<1x64xi32, #tpu.memory_space<vmem>>
          %dma_wait3A_208 = tpu.memref_squeeze %dma_wait3A_207 : memref<1x64xi32, #tpu.memory_space<vmem>> -> memref<64xi32, #tpu.memory_space<vmem>>
          %dma_wait3A_209 = arith.constant 0 : i32
          %dma_wait3A_210 = arith.constant 0 : i32
          %dma_wait3A_211 = tpu.memref_slice %arg16[%dma_wait3A_209, %dma_wait3A_210] : memref<10240x128xf32, #tpu.memory_space<vmem_shared>> -> memref<10240x128xf32, #tpu.memory_space<vmem_shared>>
          tpu.wait_indirect_dma semaphore(%run_scoped3A_191 : memref<!tpu.dma_semaphore, #tpu.memory_space<semaphore_mem>>) src(%dma_wait3A_205 : memref<64x128xf32, #tpu.memory_space<vmem>>) dst(%dma_wait3A_211 : memref<10240x128xf32, #tpu.memory_space<vmem_shared>>)
          tpu.yield
        }) : () -> ()
        %dma_wait3A_163 = arith.constant 2 : i32
        %dma_wait3A_164 = arith.constant 0 : i32
        %dma_wait3A_165 = arith.constant 0 : i32
        %dma_wait3A_166 = tpu.memref_slice %arg9[%dma_wait3A_163, %dma_wait3A_164, %dma_wait3A_165] : memref<4x64x128xf32, #tpu.memory_space<vmem>> -> memref<1x64x128xf32, #tpu.memory_space<vmem>>
        %dma_wait3A_167 = tpu.memref_squeeze %dma_wait3A_166 : memref<1x64x128xf32, #tpu.memory_space<vmem>> -> memref<64x128xf32, #tpu.memory_space<vmem>>
        %dma_wait3A_168 = arith.constant 0 : i32
        %dma_wait3A_169 = tpu.memref_slice %arg7[%add3A_111, %dma_wait3A_168] : memref<32x64xi32, #tpu.memory_space<vmem>> -> memref<1x64xi32, #tpu.memory_space<vmem>>
        %dma_wait3A_170 = tpu.memref_squeeze %dma_wait3A_169 : memref<1x64xi32, #tpu.memory_space<vmem>> -> memref<64xi32, #tpu.memory_space<vmem>>
        %dma_wait3A_171 = arith.constant 0 : i32
        %dma_wait3A_172 = arith.constant 0 : i32
        %dma_wait3A_173 = tpu.memref_slice %arg4[%dma_wait3A_171, %dma_wait3A_172] : memref<10240x128xf32, #tpu.memory_space<hbm>> -> memref<10240x128xf32, #tpu.memory_space<hbm>>
        tpu.wait_indirect_dma semaphore(%arg12 : memref<!tpu.dma_semaphore, #tpu.memory_space<semaphore_mem>>) src(%dma_wait3A_173 : memref<10240x128xf32, #tpu.memory_space<hbm>>) dst(%dma_wait3A_167 : memref<64x128xf32, #tpu.memory_space<vmem>>)
        %add3A_174 = arith.constant 2 : i32
        %add3A_175 = arith.addi %mul3A_83, %add3A_174 : i32
        %run_scoped3A_176 = arith.constant 2 : i32
        "tpu.region"() ({
          %run_scoped3A_191 = tpu.sem_alloc : memref<!tpu.dma_semaphore, #tpu.memory_space<semaphore_mem>>
          %dma_start3A_192 = arith.constant 0 : i32
          %dma_start3A_193 = arith.constant 0 : i32
          %dma_start3A_194 = tpu.memref_slice %arg9[%run_scoped3A_176, %dma_start3A_192, %dma_start3A_193] : memref<4x64x128xf32, #tpu.memory_space<vmem>> -> memref<1x64x128xf32, #tpu.memory_space<vmem>>
          %dma_start3A_195 = tpu.memref_squeeze %dma_start3A_194 : memref<1x64x128xf32, #tpu.memory_space<vmem>> -> memref<64x128xf32, #tpu.memory_space<vmem>>
          %dma_start3A_196 = arith.constant 0 : i32
          %dma_start3A_197 = tpu.memref_slice %arg8[%add3A_175, %dma_start3A_196] : memref<32x64xi32, #tpu.memory_space<vmem>> -> memref<1x64xi32, #tpu.memory_space<vmem>>
          %dma_start3A_198 = tpu.memref_squeeze %dma_start3A_197 : memref<1x64xi32, #tpu.memory_space<vmem>> -> memref<64xi32, #tpu.memory_space<vmem>>
          %dma_start3A_199 = arith.constant 0 : i32
          %dma_start3A_200 = arith.constant 0 : i32
          %dma_start3A_201 = tpu.memref_slice %arg16[%dma_start3A_199, %dma_start3A_200] : memref<10240x128xf32, #tpu.memory_space<vmem_shared>> -> memref<10240x128xf32, #tpu.memory_space<vmem_shared>>
          tpu.enqueue_indirect_dma source(%dma_start3A_195 : memref<64x128xf32, #tpu.memory_space<vmem>>) target(%dma_start3A_201 : memref<10240x128xf32, #tpu.memory_space<vmem_shared>>) offsets(%dma_start3A_198 : memref<64xi32, #tpu.memory_space<vmem>>) semaphore(%run_scoped3A_191 : memref<!tpu.dma_semaphore, #tpu.memory_space<semaphore_mem>>) {add = true}
          %dma_wait3A_202 = arith.constant 0 : i32
          %dma_wait3A_203 = arith.constant 0 : i32
          %dma_wait3A_204 = tpu.memref_slice %arg9[%run_scoped3A_176, %dma_wait3A_202, %dma_wait3A_203] : memref<4x64x128xf32, #tpu.memory_space<vmem>> -> memref<1x64x128xf32, #tpu.memory_space<vmem>>
          %dma_wait3A_205 = tpu.memref_squeeze %dma_wait3A_204 : memref<1x64x128xf32, #tpu.memory_space<vmem>> -> memref<64x128xf32, #tpu.memory_space<vmem>>
          %dma_wait3A_206 = arith.constant 0 : i32
          %dma_wait3A_207 = tpu.memref_slice %arg8[%add3A_175, %dma_wait3A_206] : memref<32x64xi32, #tpu.memory_space<vmem>> -> memref<1x64xi32, #tpu.memory_space<vmem>>
          %dma_wait3A_208 = tpu.memref_squeeze %dma_wait3A_207 : memref<1x64xi32, #tpu.memory_space<vmem>> -> memref<64xi32, #tpu.memory_space<vmem>>
          %dma_wait3A_209 = arith.constant 0 : i32
          %dma_wait3A_210 = arith.constant 0 : i32
          %dma_wait3A_211 = tpu.memref_slice %arg16[%dma_wait3A_209, %dma_wait3A_210] : memref<10240x128xf32, #tpu.memory_space<vmem_shared>> -> memref<10240x128xf32, #tpu.memory_space<vmem_shared>>
          tpu.wait_indirect_dma semaphore(%run_scoped3A_191 : memref<!tpu.dma_semaphore, #tpu.memory_space<semaphore_mem>>) src(%dma_wait3A_205 : memref<64x128xf32, #tpu.memory_space<vmem>>) dst(%dma_wait3A_211 : memref<10240x128xf32, #tpu.memory_space<vmem_shared>>)
          tpu.yield
        }) : () -> ()
        %dma_wait3A_177 = arith.constant 3 : i32
        %dma_wait3A_178 = arith.constant 0 : i32
        %dma_wait3A_179 = arith.constant 0 : i32
        %dma_wait3A_180 = tpu.memref_slice %arg9[%dma_wait3A_177, %dma_wait3A_178, %dma_wait3A_179] : memref<4x64x128xf32, #tpu.memory_space<vmem>> -> memref<1x64x128xf32, #tpu.memory_space<vmem>>
        %dma_wait3A_181 = tpu.memref_squeeze %dma_wait3A_180 : memref<1x64x128xf32, #tpu.memory_space<vmem>> -> memref<64x128xf32, #tpu.memory_space<vmem>>
        %dma_wait3A_182 = arith.constant 0 : i32
        %dma_wait3A_183 = tpu.memref_slice %arg7[%add3A_124, %dma_wait3A_182] : memref<32x64xi32, #tpu.memory_space<vmem>> -> memref<1x64xi32, #tpu.memory_space<vmem>>
        %dma_wait3A_184 = tpu.memref_squeeze %dma_wait3A_183 : memref<1x64xi32, #tpu.memory_space<vmem>> -> memref<64xi32, #tpu.memory_space<vmem>>
        %dma_wait3A_185 = arith.constant 0 : i32
        %dma_wait3A_186 = arith.constant 0 : i32
        %dma_wait3A_187 = tpu.memref_slice %arg4[%dma_wait3A_185, %dma_wait3A_186] : memref<10240x128xf32, #tpu.memory_space<hbm>> -> memref<10240x128xf32, #tpu.memory_space<hbm>>
        tpu.wait_indirect_dma semaphore(%arg13 : memref<!tpu.dma_semaphore, #tpu.memory_space<semaphore_mem>>) src(%dma_wait3A_187 : memref<10240x128xf32, #tpu.memory_space<hbm>>) dst(%dma_wait3A_181 : memref<64x128xf32, #tpu.memory_space<vmem>>)
        %add3A_188 = arith.constant 3 : i32
        %add3A_189 = arith.addi %mul3A_83, %add3A_188 : i32
        %run_scoped3A_190 = arith.constant 3 : i32
        "tpu.region"() ({
          %run_scoped3A_191 = tpu.sem_alloc : memref<!tpu.dma_semaphore, #tpu.memory_space<semaphore_mem>>
          %dma_start3A_192 = arith.constant 0 : i32
          %dma_start3A_193 = arith.constant 0 : i32
          %dma_start3A_194 = tpu.memref_slice %arg9[%run_scoped3A_190, %dma_start3A_192, %dma_start3A_193] : memref<4x64x128xf32, #tpu.memory_space<vmem>> -> memref<1x64x128xf32, #tpu.memory_space<vmem>>
          %dma_start3A_195 = tpu.memref_squeeze %dma_start3A_194 : memref<1x64x128xf32, #tpu.memory_space<vmem>> -> memref<64x128xf32, #tpu.memory_space<vmem>>
          %dma_start3A_196 = arith.constant 0 : i32
          %dma_start3A_197 = tpu.memref_slice %arg8[%add3A_189, %dma_start3A_196] : memref<32x64xi32, #tpu.memory_space<vmem>> -> memref<1x64xi32, #tpu.memory_space<vmem>>
          %dma_start3A_198 = tpu.memref_squeeze %dma_start3A_197 : memref<1x64xi32, #tpu.memory_space<vmem>> -> memref<64xi32, #tpu.memory_space<vmem>>
          %dma_start3A_199 = arith.constant 0 : i32
          %dma_start3A_200 = arith.constant 0 : i32
          %dma_start3A_201 = tpu.memref_slice %arg16[%dma_start3A_199, %dma_start3A_200] : memref<10240x128xf32, #tpu.memory_space<vmem_shared>> -> memref<10240x128xf32, #tpu.memory_space<vmem_shared>>
          tpu.enqueue_indirect_dma source(%dma_start3A_195 : memref<64x128xf32, #tpu.memory_space<vmem>>) target(%dma_start3A_201 : memref<10240x128xf32, #tpu.memory_space<vmem_shared>>) offsets(%dma_start3A_198 : memref<64xi32, #tpu.memory_space<vmem>>) semaphore(%run_scoped3A_191 : memref<!tpu.dma_semaphore, #tpu.memory_space<semaphore_mem>>) {add = true}
          %dma_wait3A_202 = arith.constant 0 : i32
          %dma_wait3A_203 = arith.constant 0 : i32
          %dma_wait3A_204 = tpu.memref_slice %arg9[%run_scoped3A_190, %dma_wait3A_202, %dma_wait3A_203] : memref<4x64x128xf32, #tpu.memory_space<vmem>> -> memref<1x64x128xf32, #tpu.memory_space<vmem>>
          %dma_wait3A_205 = tpu.memref_squeeze %dma_wait3A_204 : memref<1x64x128xf32, #tpu.memory_space<vmem>> -> memref<64x128xf32, #tpu.memory_space<vmem>>
          %dma_wait3A_206 = arith.constant 0 : i32
          %dma_wait3A_207 = tpu.memref_slice %arg8[%add3A_189, %dma_wait3A_206] : memref<32x64xi32, #tpu.memory_space<vmem>> -> memref<1x64xi32, #tpu.memory_space<vmem>>
          %dma_wait3A_208 = tpu.memref_squeeze %dma_wait3A_207 : memref<1x64xi32, #tpu.memory_space<vmem>> -> memref<64xi32, #tpu.memory_space<vmem>>
          %dma_wait3A_209 = arith.constant 0 : i32
          %dma_wait3A_210 = arith.constant 0 : i32
          %dma_wait3A_211 = tpu.memref_slice %arg16[%dma_wait3A_209, %dma_wait3A_210] : memref<10240x128xf32, #tpu.memory_space<vmem_shared>> -> memref<10240x128xf32, #tpu.memory_space<vmem_shared>>
          tpu.wait_indirect_dma semaphore(%run_scoped3A_191 : memref<!tpu.dma_semaphore, #tpu.memory_space<semaphore_mem>>) src(%dma_wait3A_205 : memref<64x128xf32, #tpu.memory_space<vmem>>) dst(%dma_wait3A_211 : memref<10240x128xf32, #tpu.memory_space<vmem_shared>>)
          tpu.yield
        }) : () -> ()
      }
      %scan3A_80 = arith.constant 8 : i32
    } else {
    }
    %barrier3A_53 = arith.constant 0 : index
    tpu.barrier barrier_id(%barrier3A_53)
    %mul3A_54 = arith.constant 640 : i32
    %mul3A_55 = arith.muli %arg1, %mul3A_54 : i32
    %mul3A_56 = arith.constant 640 : i32
    %mul3A_57 = arith.muli %arg1, %mul3A_56 : i32
    "tpu.region"() ({
      %run_scoped3A = tpu.sem_alloc : memref<!tpu.dma_semaphore, #tpu.memory_space<semaphore_mem>>
      %dma_start3A = arith.constant 0 : i32
      %dma_start3A_58 = tpu.memref_slice %arg6[%arg0, %mul3A_57, %dma_start3A] : memref<2x10240x128xf32, #tpu.memory_space<hbm>> -> memref<1x640x128xf32, #tpu.memory_space<hbm>>
      %dma_start3A_59 = tpu.memref_squeeze %dma_start3A_58 : memref<1x640x128xf32, #tpu.memory_space<hbm>> -> memref<640x128xf32, #tpu.memory_space<hbm>>
      %dma_start3A_60 = arith.constant 0 : i32
      %dma_start3A_61 = tpu.memref_slice %arg16[%mul3A_55, %dma_start3A_60] : memref<10240x128xf32, #tpu.memory_space<vmem_shared>> -> memref<640x128xf32, #tpu.memory_space<vmem_shared>>
      tpu.enqueue_dma source(%dma_start3A_61 : memref<640x128xf32, #tpu.memory_space<vmem_shared>>) target(%dma_start3A_59 : memref<640x128xf32, #tpu.memory_space<hbm>>) target_semaphore(%run_scoped3A : memref<!tpu.dma_semaphore, #tpu.memory_space<semaphore_mem>>)
      %dma_wait3A = arith.constant 0 : i32
      %dma_wait3A_62 = tpu.memref_slice %arg6[%arg0, %mul3A_57, %dma_wait3A] : memref<2x10240x128xf32, #tpu.memory_space<hbm>> -> memref<1x640x128xf32, #tpu.memory_space<hbm>>
      %dma_wait3A_63 = tpu.memref_squeeze %dma_wait3A_62 : memref<1x640x128xf32, #tpu.memory_space<hbm>> -> memref<640x128xf32, #tpu.memory_space<hbm>>
      %dma_wait3A_64 = arith.constant 0 : i32
      %dma_wait3A_65 = tpu.memref_slice %arg16[%mul3A_55, %dma_wait3A_64] : memref<10240x128xf32, #tpu.memory_space<vmem_shared>> -> memref<640x128xf32, #tpu.memory_space<vmem_shared>>
      tpu.wait_dma2 semaphore(%run_scoped3A : memref<!tpu.dma_semaphore, #tpu.memory_space<semaphore_mem>>) src(%dma_wait3A_65 : memref<640x128xf32, #tpu.memory_space<vmem_shared>>) dst(%dma_wait3A_63 : memref<640x128xf32, #tpu.memory_space<hbm>>)
      tpu.yield
    }) : () -> ()
    return
  }
}

module attributes {stable_mosaic.version = 14 : i64} {
  func.func @_scale_body(%arg0: i32, %arg1: memref<2048x1xf32, #tpu.memory_space<vmem>>, %arg2: memref<2048x1xf32, #tpu.memory_space<vmem>>, %arg3: memref<2048x128xf32, #tpu.memory_space<vmem>>, %arg4: memref<2048x128xf32, #tpu.memory_space<vmem>>, %arg5: memref<2048x1xf32, #tpu.memory_space<vmem>>) attributes {dimension_semantics = [#tpu.dimension_semantics<arbitrary>], iteration_bounds = array<i64: 5>, scalar_prefetch = 0 : i64, scratch_operands = 0 : i64, tpu.core_type = #tpu.core_type<tc>, window_params = [{transform_indices = @transform_0, window_bounds = array<i64: 2048, 1>}, {transform_indices = @transform_1, window_bounds = array<i64: 2048, 1>}, {transform_indices = @transform_2, window_bounds = array<i64: 2048, 128>}, {transform_indices = @transform_3, window_bounds = array<i64: 2048, 128>}, {transform_indices = @transform_4, window_bounds = array<i64: 2048, 1>}]} {
    %get3A = arith.constant 0 : index
    %get3A_0 = arith.constant 0 : index
    %get3A_1 = vector.load %arg1[%get3A, %get3A_0] : memref<2048x1xf32, #tpu.memory_space<vmem>>, vector<2048x1xf32>
    %get3A_2 = arith.constant 0 : index
    %get3A_3 = arith.constant 0 : index
    %get3A_4 = vector.load %arg2[%get3A_2, %get3A_3] : memref<2048x1xf32, #tpu.memory_space<vmem>>, vector<2048x1xf32>
    %add3A = arith.addf %get3A_1, %get3A_4 : vector<2048x1xf32>
    %add3A_5 = arith.constant 1.000000e+00 : f32
    %add3A_6 = vector.broadcast %add3A_5 : f32 to vector<2048x1xf32>
    %add3A_7 = arith.addf %add3A, %add3A_6 : vector<2048x1xf32>
    %rsqrt3A = math.rsqrt %add3A_7 : vector<2048x1xf32>
    %swap3A = arith.constant 0 : index
    %swap3A_8 = arith.constant 0 : index
    %swap3A_9 = vector.load %arg5[%swap3A, %swap3A_8] : memref<2048x1xf32, #tpu.memory_space<vmem>>, vector<2048x1xf32>
    tpu.vector_store %arg5[%swap3A, %swap3A_8], %rsqrt3A {strides = array<i32>} : memref<2048x1xf32, #tpu.memory_space<vmem>>, vector<2048x1xf32>,
    %get3A_10 = arith.constant 0 : index
    %get3A_11 = arith.constant 0 : index
    %get3A_12 = vector.load %arg3[%get3A_10, %get3A_11] : memref<2048x128xf32, #tpu.memory_space<vmem>>, vector<2048x128xf32>
    %mul3A = vector.broadcast %rsqrt3A : vector<2048x1xf32> to vector<2048x128xf32>
    %mul3A_13 = arith.mulf %get3A_12, %mul3A : vector<2048x128xf32>
    %swap3A_14 = arith.constant 0 : index
    %swap3A_15 = arith.constant 0 : index
    %swap3A_16 = vector.load %arg4[%swap3A_14, %swap3A_15] : memref<2048x128xf32, #tpu.memory_space<vmem>>, vector<2048x128xf32>
    tpu.vector_store %arg4[%swap3A_14, %swap3A_15], %mul3A_13 {strides = array<i32>} : memref<2048x128xf32, #tpu.memory_space<vmem>>, vector<2048x128xf32>,
    return
  }
  func.func @transform_0(%arg0: i32) -> (i32, i32) {
    %c0_i32 = arith.constant 0 : i32
    %c0_i32_0 = arith.constant 0 : i32
    return %arg0, %c0_i32 : i32, i32
  }
  func.func @transform_1(%arg0: i32) -> (i32, i32) {
    %c0_i32 = arith.constant 0 : i32
    %c0_i32_0 = arith.constant 0 : i32
    return %arg0, %c0_i32 : i32, i32
  }
  func.func @transform_2(%arg0: i32) -> (i32, i32) {
    %c0_i32 = arith.constant 0 : i32
    %c0_i32_0 = arith.constant 0 : i32
    return %arg0, %c0_i32 : i32, i32
  }
  func.func @transform_3(%arg0: i32) -> (i32, i32) {
    %c0_i32 = arith.constant 0 : i32
    %c0_i32_0 = arith.constant 0 : i32
    return %arg0, %c0_i32 : i32, i32
  }
  func.func @transform_4(%arg0: i32) -> (i32, i32) {
    %c0_i32 = arith.constant 0 : i32
    %c0_i32_0 = arith.constant 0 : i32
    return %arg0, %c0_i32 : i32, i32
  }
}

module attributes {stable_mosaic.version = 14 : i64} {
  func.func @_final_body(%arg0: i32, %arg1: memref<1024x128xf32, #tpu.memory_space<vmem>>, %arg2: memref<1024x128xf32, #tpu.memory_space<vmem>>, %arg3: memref<1024x128xf32, #tpu.memory_space<vmem>>, %arg4: memref<1024x1xf32, #tpu.memory_space<vmem>>, %arg5: memref<128x128xf32, #tpu.memory_space<vmem>>, %arg6: memref<1x128xf32, #tpu.memory_space<vmem>>, %arg7: memref<1024x128xf32, #tpu.memory_space<vmem>>) attributes {dimension_semantics = [#tpu.dimension_semantics<arbitrary>], iteration_bounds = array<i64: 10>, scalar_prefetch = 0 : i64, scratch_operands = 0 : i64, tpu.core_type = #tpu.core_type<tc>, window_params = [{transform_indices = @transform_0, window_bounds = array<i64: 1024, 128>}, {transform_indices = @transform_1, window_bounds = array<i64: 1024, 128>}, {transform_indices = @transform_2, window_bounds = array<i64: 1024, 128>}, {transform_indices = @transform_3, window_bounds = array<i64: 1024, 1>}, {pipeline_mode = #tpu.pipeline_mode<synchronous>, transform_indices = @transform_4, window_bounds = array<i64: 128, 128>}, {pipeline_mode = #tpu.pipeline_mode<synchronous>, transform_indices = @transform_5, window_bounds = array<i64: 1, 128>}, {transform_indices = @transform_6, window_bounds = array<i64: 1024, 128>}]} {
    %get3A = arith.constant 0 : index
    %get3A_0 = arith.constant 0 : index
    %get3A_1 = vector.load %arg1[%get3A, %get3A_0] : memref<1024x128xf32, #tpu.memory_space<vmem>>, vector<1024x128xf32>
    %get3A_2 = arith.constant 0 : index
    %get3A_3 = arith.constant 0 : index
    %get3A_4 = vector.load %arg2[%get3A_2, %get3A_3] : memref<1024x128xf32, #tpu.memory_space<vmem>>, vector<1024x128xf32>
    %add3A = arith.addf %get3A_1, %get3A_4 : vector<1024x128xf32>
    %get3A_5 = arith.constant 0 : index
    %get3A_6 = arith.constant 0 : index
    %get3A_7 = vector.load %arg3[%get3A_5, %get3A_6] : memref<1024x128xf32, #tpu.memory_space<vmem>>, vector<1024x128xf32>
    %add3A_8 = arith.addf %add3A, %get3A_7 : vector<1024x128xf32>
    %get3A_9 = arith.constant 0 : index
    %get3A_10 = arith.constant 0 : index
    %get3A_11 = vector.load %arg4[%get3A_9, %get3A_10] : memref<1024x1xf32, #tpu.memory_space<vmem>>, vector<1024x1xf32>
    %mul3A = vector.broadcast %get3A_11 : vector<1024x1xf32> to vector<1024x128xf32>
    %mul3A_12 = arith.mulf %add3A_8, %mul3A : vector<1024x128xf32>
    %get3A_13 = arith.constant 0 : index
    %get3A_14 = arith.constant 0 : index
    %get3A_15 = vector.load %arg5[%get3A_13, %get3A_14] : memref<128x128xf32, #tpu.memory_space<vmem>>, vector<128x128xf32>
    %dot_general3A = arith.constant dense<0.000000e+00> : vector<1024x128xf32>
    %dot_general3A_16 = tpu.matmul %mul3A_12, %get3A_15, %dot_general3A {dimension_numbers = #tpu.dot_dimension_numbers<[1], [0], [0], [1], [0, 0, 1, 1], [], []>, transpose_lhs_hint = false} : vector<1024x128xf32>, vector<128x128xf32>, vector<1024x128xf32> -> vector<1024x128xf32>
    %get3A_17 = arith.constant 0 : index
    %get3A_18 = arith.constant 0 : index
    %get3A_19 = vector.load %arg6[%get3A_17, %get3A_18] : memref<1x128xf32, #tpu.memory_space<vmem>>, vector<1x128xf32>
    %add3A_20 = vector.broadcast %get3A_19 : vector<1x128xf32> to vector<1024x128xf32>
    %add3A_21 = arith.addf %dot_general3A_16, %add3A_20 : vector<1024x128xf32>
    %reduce_max3A = arith.constant dense<0xFF800000> : vector<1024xf32>
    %reduce_max3A_22 = vector.multi_reduction <maximumf>, %add3A_21, %reduce_max3A [1] : vector<1024x128xf32> to vector<1024xf32>
    %broadcast_in_dim3A = vector.shape_cast %reduce_max3A_22 : vector<1024xf32> to vector<1024x1xf32>
    %sub3A = vector.broadcast %broadcast_in_dim3A : vector<1024x1xf32> to vector<1024x128xf32>
    %sub3A_23 = arith.subf %add3A_21, %sub3A : vector<1024x128xf32>
    %exp3A = math.exp %sub3A_23 : vector<1024x128xf32>
    %reduce_sum3A = arith.constant dense<0.000000e+00> : vector<1024xf32>
    %reduce_sum3A_24 = vector.multi_reduction <add>, %exp3A, %reduce_sum3A [1] : vector<1024x128xf32> to vector<1024xf32>
    %broadcast_in_dim3A_25 = vector.shape_cast %reduce_sum3A_24 : vector<1024xf32> to vector<1024x1xf32>
    %log3A = math.log %broadcast_in_dim3A_25 : vector<1024x1xf32>
    %sub3A_26 = vector.broadcast %broadcast_in_dim3A : vector<1024x1xf32> to vector<1024x128xf32>
    %sub3A_27 = arith.subf %add3A_21, %sub3A_26 : vector<1024x128xf32>
    %sub3A_28 = vector.broadcast %log3A : vector<1024x1xf32> to vector<1024x128xf32>
    %sub3A_29 = arith.subf %sub3A_27, %sub3A_28 : vector<1024x128xf32>
    %swap3A = arith.constant 0 : index
    %swap3A_30 = arith.constant 0 : index
    %swap3A_31 = vector.load %arg7[%swap3A, %swap3A_30] : memref<1024x128xf32, #tpu.memory_space<vmem>>, vector<1024x128xf32>
    tpu.vector_store %arg7[%swap3A, %swap3A_30], %sub3A_29 {strides = array<i32>} : memref<1024x128xf32, #tpu.memory_space<vmem>>, vector<1024x128xf32>,
    return
  }
  func.func @transform_0(%arg0: i32) -> (i32, i32) {
    %c0_i32 = arith.constant 0 : i32
    %c0_i32_0 = arith.constant 0 : i32
    return %arg0, %c0_i32 : i32, i32
  }
  func.func @transform_1(%arg0: i32) -> (i32, i32) {
    %c0_i32 = arith.constant 0 : i32
    %c0_i32_0 = arith.constant 0 : i32
    return %arg0, %c0_i32 : i32, i32
  }
  func.func @transform_2(%arg0: i32) -> (i32, i32) {
    %c0_i32 = arith.constant 0 : i32
    %c0_i32_0 = arith.constant 0 : i32
    return %arg0, %c0_i32 : i32, i32
  }
  func.func @transform_3(%arg0: i32) -> (i32, i32) {
    %c0_i32 = arith.constant 0 : i32
    %c0_i32_0 = arith.constant 0 : i32
    return %arg0, %c0_i32 : i32, i32
  }
  func.func @transform_4(%arg0: i32) -> (i32, i32) {
    %c0_i32 = arith.constant 0 : i32
    %c0_i32_0 = arith.constant 0 : i32
    %c0_i32_1 = arith.constant 0 : i32
    return %c0_i32, %c0_i32_0 : i32, i32
  }
  func.func @transform_5(%arg0: i32) -> (i32, i32) {
    %c0_i32 = arith.constant 0 : i32
    %c0_i32_0 = arith.constant 0 : i32
    %c0_i32_1 = arith.constant 0 : i32
    return %c0_i32, %c0_i32_0 : i32, i32
  }
  func.func @transform_6(%arg0: i32) -> (i32, i32) {
    %c0_i32 = arith.constant 0 : i32
    %c0_i32_0 = arith.constant 0 : i32
    return %arg0, %c0_i32 : i32, i32
  }
}

</mosaic_0001>

<sc_bundles>
// kernel: kernel.6.cloned.1.call-start
scs
__scs_entry_jumppad:
0x0: {  	(pc) =	sbr.rel $0x88, $3  }
0x1: {  	(tag) =	ssettag $0x0;
	lr =	simm.s32 $0x1  }
0x2: {  	[smem:$0x3F9D] =	sst lr;
	_ =	strace $0xD0000000  }
0x3: {  	_ = 	snop  }
0x4: {  	_ = 	snop  }
0x5: {  	_ = 	snop  }
0x6: {  	_ = 	snop  }
0x7: {  	_ = 	snop  }
__scs_overlays_trampoline_lowered:
0x8: {  	[smem:$0x3FAC] =	sst s0  }
0x9: {  	[smem:$0x3FAD] =	sst s1  }
0xa: {  	[smem:$0x3FAE] =	sst s2  }
0xb: {  	[smem:$0x3FAF] =	sst s3  }
0xc: {  	[smem:$0x3FB0] =	sst s4  }
0xd: {  	[smem:$0x3FB1] =	sst s5  }
0xe: {  	[smem:$0x3FB2] =	sst s6  }
0xf: {  	[smem:$0x3FB3] =	sst s7  }
0x10: {  	[smem:$0x3FB4] =	sst s8  }
0x11: {  	[smem:$0x3FB5] =	sst s9;
	s0 =	simm.s32 @!p0 $0x0  }
0x12: {  	s1 =	sld [smem:$0x3F9B];
	s0 =	simm.s32 @p0 $0x1  }
0x13: {  	[smem:$0x3FB6] =	sst s0;
	s0 =	simm.s32 @!p1 $0x0  }
0x14: {  	s2 =	sld [smem:$0x3F9A];
	s0 =	simm.s32 @p1 $0x1  }
0x15: {  	[smem:$0x3FB7] =	sst s0;
	s0 =	simm.s32 @!p2 $0x0  }
0x16: {  	s3 =	sld [smem:$0x3FDB];
	s0 =	simm.s32 @p2 $0x1  }
0x17: {  	s4 =	simm.s32 $0x1BF5;
	[smem:$0x3FB9] =	sst s0  }
0x18: {  	s0 =	sld [smem:$0x3F9C];
	_ =	swait.ge [sflag:s4], $0x0  }
0x19: {  	s7 =	sld [smem:$0x3F9D]  }
0x1a: {  	s8 =	sadd.s32 $0xFFFFE003, lr  }
0x1b: {  	s9 =	sadd.s32 $0xFFFFFEF7, lr;
	s5 =	simm.s32 $0xFFFFFFFF;
	p2 =	slt.u32 s8, $0xFFFFF086  }
0x1c: {  	p1 =	slt.u32 s9, $0xF7A;
	s5 =	simm.s32 @!p2 $0x0  }
0x1d: {  	s5 =	simm.s32 @p1 $0x1;
	p0 =	seq.s32 s7, s2  }
0x1e: {  	s7 =	smul.u32 @!p0 $0xF7A, s2;
	p2 =	seq.s32 @!p0 s5, $0x0  }
0x1f: {  	s9 =	smul.u32 $0xF7A, s1;
	s8 =	simm.s32 @!p0 $0x1BF5;
	p2 =	por !p2, p0  }
0x20: {  	[sflag:s8] =	ssyncset.s32 @!p0 $0xFFFFF086;
	s6 =	sadd.s32 @!p0 s3, s7;
	s7 =	simm.s32 @!p0 $0x108  }
0x21: {  	s3 =	sadd.s32 s3, s9;
	s6 =	sadd.s32 @!p0 $0x88, s6;
	s7 =	simm.s32 @p2 $0x1082  }
0x22: {  	[simem:s7], [sflag:s8] =	dma.local @!p0 [hbm:s6], $0xF7A  }
0x23: {  	s9 =	sor.u32 $0xD0000000, s2;
	s6 =	simm.s32 $0x108;
	_ =	swait.ge @!p0 [sflag:s8], $0x0  }
0x24: {  	s3 =	sadd.s32 $0x88, s3;
	s6 =	simm.s32 @!p1 $0x1082;
	[sflag:s4] =	ssyncset.s32 $0xFFFFF086  }
0x25: {  	[simem:s6], [sflag:s4] =	dma.local [hbm:s3], $0xF7A  }
0x26: {  	[smem:$0x3F9D] =	sst s1;
	(tag) =	ssettag s2;
	_ =	strace s9  }
0x27: {  	s1 =	sld [smem:$0x3FAD]  }
0x28: {  	s2 =	sld [smem:$0x3FAE]  }
0x29: {  	s4 =	sld [smem:$0x3FB0]  }
0x2a: {  	p0 =	seq.s32 s5, $0x0;
	s5 =	sld [smem:$0x3FB1]  }
0x2b: {  	s6 =	sld [smem:$0x3FB2]  }
0x2c: {  	s7 =	sld [smem:$0x3FB3]  }
0x2d: {  	s3 =	simm.s32 $0x108;
	s8 =	sld [smem:$0x3FB4]  }
0x2e: {  	s3 =	simm.s32 @!p0 $0x1082;
	s9 =	sld [smem:$0x3FB5]  }
0x2f: {  	lr =	sadd.s32 s0, s3;
	s0 =	sld [smem:$0x3FAC]  }
0x30: {  	s3 =	sld [smem:$0x3FAF]  }
0x31: {  	[smem:$0x3FB8] =	sst s10  }
0x32: {  	s10 =	sld [smem:$0x3FB6];
	_ =	sdelay $0x3  }
0x33: {  	p0 =	seq.s32 s10, $0x1;
	s10 =	sld [smem:$0x3FB8];
	_ =	sdelay $0x3  }
0x34: {  	[smem:$0x3FB8] =	sst s10  }
0x35: {  	s10 =	sld [smem:$0x3FB7];
	_ =	sdelay $0x3  }
0x36: {  	p1 =	seq.s32 s10, $0x1;
	s10 =	sld [smem:$0x3FB8];
	_ =	sdelay $0x3  }
0x37: {  	[smem:$0x3FB8] =	sst s10  }
0x38: {  	s10 =	sld [smem:$0x3FB9]  }
0x39: {  	_ = 	snop;
	(pc) =	sbr.ind lr, $3  }
0x3a: {  	_ = 	snop  }
0x3b: {  	_ = 	snop  }
0x3c: {  	p2 =	seq.s32 s10, $0x1;
	s10 =	sld [smem:$0x3FB8]  }
0x3d: {  	_ =	shalt  }
0x3e: {  	_ =	shalt  }
0x3f: {  	_ =	shalt  }
0x40: {  	_ =	shalt  }
0x41: {  	_ =	shalt  }
0x42: {  	_ =	shalt  }
0x43: {  	_ =	shalt  }
0x44: {  	_ =	shalt  }
0x45: {  	_ =	shalt  }
0x46: {  	_ =	shalt  }
0x47: {  	_ =	shalt  }
0x48: {  	_ =	shalt  }
0x49: {  	_ =	shalt  }
0x4a: {  	_ =	shalt  }
0x4b: {  	_ =	shalt  }
0x4c: {  	_ =	shalt  }
0x4d: {  	_ =	shalt  }
0x4e: {  	_ =	shalt  }
0x4f: {  	_ =	shalt  }
0x50: {  	_ =	shalt  }
0x51: {  	_ =	shalt  }
0x52: {  	_ =	shalt  }
0x53: {  	_ =	shalt  }
0x54: {  	_ =	shalt  }
0x55: {  	_ =	shalt  }
0x56: {  	_ =	shalt  }
0x57: {  	_ =	shalt  }
0x58: {  	_ =	shalt  }
0x59: {  	_ =	shalt  }
0x5a: {  	_ =	shalt  }
0x5b: {  	_ =	shalt  }
0x5c: {  	_ =	shalt  }
0x5d: {  	_ =	shalt  }
0x5e: {  	_ =	shalt  }
0x5f: {  	_ =	shalt  }
0x60: {  	_ =	shalt  }
0x61: {  	_ =	shalt  }
0x62: {  	_ =	shalt  }
0x63: {  	_ =	shalt  }
0x64: {  	_ =	shalt  }
0x65: {  	_ =	shalt  }
0x66: {  	_ =	shalt  }
0x67: {  	_ =	shalt  }
0x68: {  	_ =	shalt  }
0x69: {  	_ =	shalt  }
0x6a: {  	_ =	shalt  }
0x6b: {  	_ =	shalt  }
0x6c: {  	_ =	shalt  }
0x6d: {  	_ =	shalt  }
0x6e: {  	_ =	shalt  }
0x6f: {  	_ =	shalt  }
0x70: {  	_ =	shalt  }
0x71: {  	_ =	shalt  }
0x72: {  	_ =	shalt  }
0x73: {  	_ =	shalt  }
0x74: {  	_ =	shalt  }
0x75: {  	_ =	shalt  }
0x76: {  	_ =	shalt  }
0x77: {  	_ =	shalt  }
0x78: {  	_ =	shalt  }
0x79: {  	_ =	shalt  }
0x7a: {  	_ =	shalt  }
0x7b: {  	_ =	shalt  }
0x7c: {  	_ =	shalt  }
0x7d: {  	_ =	shalt  }
0x7e: {  	_ =	shalt  }
0x7f: {  	_ =	shalt  }
0x80: {  	_ =	shalt  }
0x81: {  	_ =	shalt  }
0x82: {  	_ =	shalt  }
0x83: {  	_ =	shalt  }
0x84: {  	_ =	shalt  }
0x85: {  	_ =	shalt  }
0x86: {  	_ =	shalt  }
0x87: {  	_ =	shalt  }
.Lfunc_end0:
.L_simem_size_0:
called_computation_lowered:
.L_overlay_start_0:
0x88: {  	s2 =	sld [smem:$0x3FD9]  }
0x89: {  	s3 =	sld [smem:$0x3FFE];
	_ =	sdelay $0x1  }
0x8a: {  	s1 =	srdreg.scid  }
0x8b: {  	s0 =	sand.u32 $0x1, s1  }
0x8c: {  	s16 =	sshll.u32 s0, $0xA;
	s2 =	sadd.s32 s3, s2  }
0x8d: {  	s2 =	sadd.s32 s2, s16  }
0x8e: {  	[smem:$0x3FC4] =	sst s2  }
0x8f: {  	_ = 	snop  }
0x90: {  	(tm) =	ssettm $0x1  }
0x91: {  	s17 =	sld [smem:$0x3FFB];
	_ =	sdelay $0x3  }
0x92: {  	_ =	strace s17  }
0x93: {  	s2 =	sld [smem:$0x3FFC];
	_ =	sdelay $0x3  }
0x94: {  	_ =	strace s2  }
0x95: {  	s2 =	sld [smem:$0x3FFD];
	_ =	sdelay $0x3  }
0x96: {  	_ =	strace s2  }
0x97: {  	_ =	strace $0x8FFFFFFF  }
0x98: {  	s18 =	sld [smem:$0x3FDB];
	_ =	sdelay $0x1  }
0x99: {  	s19 =	simm.s32 $_scs_section_size  }
0x9a: {  	s4 =	simm.s32 $_size__tile_overlayer_lowered;
	s5 =	simm.s32 $_tile_overlayer_lowered  }
0x9b: {  	s22 =	simm.s32 $0x1BFF;
	s21 =	sshll.u32 s5, $0x1;
	s2 =	sadd.s32 s19, s18  }
0x9c: {  	s6 =	simm.s32 $0x0;
	s20 =	sshll.u32 s4, $0x1;
	s4 =	sadd.s32 s21, s2  }
0x9d: {  	[timem:s6], [sflag:s22] =	dma.local [hbm:s4], s20  }
0x9e: {  	_ =	swait.ge [sflag:s22], s20  }
0x9f: {  	s3 =	ssub.s32 $0x0, s20;
	[sflag:s22] =	ssyncset.done $0x0  }
0xa0: {  	[sflag:s22] =	ssyncadd.s32 s3;
	_ =	sdelay $0x1  }
0xa1: {  	s23 =	simm.s32 $0x1B8B  }
0xa2: {  	_ =	swait.ge [sflag:s23], $0x1  }
0xa3: {  	[sflag:s23] =	ssyncset.done $0x0  }
0xa4: {  	s25 =	simm.s32 $0x1B8E;
	s24 =	sld [smem:$0x3FFE];
	[sflag:s23] =	ssyncadd.s32 $0xFFFFFFFF  }
0xa5: {  	s26 =	simm.s32 $execute0_lowered;
	[smem:$0x3FD2] =	sst s25  }
0xa6: {  	s4 =	sshll.u32 s26, $0x1;
	_ =	strace $0x80000046;
	[dreg:$0x1] =	wrdreg $0xFFFFFFFF  }
0xa7: {  	s28 =	simm.s32 $_size_execute0_lowered;
	s2 =	sadd.s32 s2, s4;
	[dreg:$0x0] =	wrdreg $0x0  }
0xa8: {  	s4 =	sshll.u32 s28, $0x1;
	[dreg:$0x2] =	wrdreg s2  }
0xa9: {  	[dreg:$0x3] =	wrdreg s4  }
0xaa: {  	[dreg:$0x4] =	wrdreg $0xC0  }
0xab: {  	_ =	task [dreg:s6], $0x5FFFF  }
0xac: {  	[dreg:$0x1] =	wrdreg $0xFFFFFFFF  }
0xad: {  	[dreg:$0x0] =	wrdreg $0x60  }
0xae: {  	[dreg:$0x2] =	wrdreg s24  }
0xaf: {  	[dreg:$0x3] =	wrdreg $0x2B000  }
0xb0: {  	[dreg:$0x4] =	wrdreg $0x9  }
0xb1: {  	_ =	task.clear_ibuf [dreg:s6], $0x5FFFF;
	_ =	strace $0x90000046  }
0xb2: {  	s29 =	simm.s32 $0x9;
	_ =	strace $0x80000048  }
0xb3: {  	_ =	swait.ge [sflag:s29], $0x1  }
0xb4: {  	[sflag:s29] =	ssyncadd.s32 $0xFFFFFFFF  }
0xb5: {  	_ =	strace $0x90000048  }
0xb6: {  	_ =	sfence  }
0xb7: {  	s30 =	sld [smem:$0x0];
	_ =	sdelay $0x2  }
0xb8: {  	s31 =	sshll.u32 s1, $0xD;
	s1 =	sshrl.u32 s1, $0x2  }
0xb9: {  	s3 =	sand.u32 $0x4000, s31;
	s1 =	sadd.s32 s1, s30  }
0xba: {  	s0 =	sor.u32 s3, s0;
	s1 =	sshll.u32 s1, $0x11  }
0xbb: {  	s0 =	sor.u32 s1, s0  }
0xbc: {  	s0 =	sadd.s32 $0x8F2B, s0  }
0xbd: {  	[sflag:s0] =	ssyncadd.remote.s32 $0x1  }
0xbe: {  	_ =	sfence.sel $0xFFFF  }
0xbf: {  	[dreg:$0x0] =	wrdreg $0xFFFFFFFF;
	(pc) =	sbr.abs _section_cstart, $3  }
0xc0: {  	[dreg:$0x1] =	wrdreg $0xFFFFFFFF  }
0xc1: {  	_ =	task.clear_ibuf [dreg:s6], $0x2FFFF;
	_ =	strace $0x9FFFFFFF  }
0xc2: {  	(tm) =	ssettm $0x7FFFFFFF  }
0xc3: {  	_ =	shalt  }
tec
execute0_lowered:
.L_overlay_start_1:
0x0: {  	(tag) =	ssettag $0x1  }
0x1: {  	s4 =	rddreg [dreg:$0x0];
	s0 =	srdreg.scid  }
0x2: {  	s2 =	rddreg [dreg:$0x1];
	s1 =	stileid.u32  }
0x3: {  	s3 =	simm.s32 $0x0;
	s10 =	simm.s32 $0x80;
	s11 =	simm.s32 $0x2800  }
0x4: {  	s14 =	simm.s32 $0x20;
	s15 =	simm.s32 $0x10;
	s16 =	simm.s32 $0x0  }
0x5: {  	s5 =	sand.u32 $0x1, s0;
	s0 =	rddreg [dreg:$0x2];
	s7 =	smul.u32 $0x500, s1  }
0x6: {  	[smem:$0x7FF] =	sst s3;
	s30 =	smul.u32 $0xA00, s1;
	s12 =	sshll.u32 s1, $0x6  }
0x7: {  	s6 =	sshll.u32 s5, $0x4;
	s8 =	sshll.u32 s5, $0x7;
	_ =	strace $0x80000047  }
0x8: {  	s5 =	ssub.s32 $0x2, s5;
	s12 =	sor.u32 $0x1C01, s12;
	s6 =	sor.u32 s1, s6  }
0x9: {  	s7 =	sor.u32 s8, s7;
	s31 =	sshrl.u32 s5, $0x1;
	s6 =	smul.u32 $0x500, s6  }
0xa: {  	s8 =	sshrl.u32 s30, $0x2;
	s7 =	sshrl.u32 s7, $0x3;
	s9 =	ssub.s32 s5, s31  }
0xb: {  	s5 =	sadd.s32 s8, s2;
	s8 =	simm.s32 $0x1;
	s6 =	sadd.s32 s6, s4  }
0xc: {  	s7 =	sadd.s32 s7, s4;
	s13 =	sshrl.u32 s5, $0x3;
	s4 =	sadd.s32 $0x1A00, s6  }
0xd: {  	v0 =	vimm.f32 $1.000000000e+00;
	v1 =	vimm.f32 $0.0e+00;
	s6 =	sadd.s32 $0xBA00, s7;
	s7 =	smax.u32 s9, $0x1;
	s9 =	simm.s32 $0x2880  }
.LBB2_1:
0xe: {  	[tilespmem:s3], [sflag:$0x1] =	stream.linear.gather [hbm4b:s4+s3], $0x2800, $0x38;
	[tilespmem:$0x2D80] =	vst v63  }
0xf: {  	_ =	swait.ge [sflag:s8], $0x2800  }
0x10: {  	[sflag:s8] =	ssyncset.done $0x0  }
0x11: {  	[sflag:s8] =	ssyncadd.s32 $0xFFFFD800  }
0x12: {  	[tilespmem:$0x2800] =	vst v0  }
0x13: {  	[tilespmem:$0x2810] =	vst v0  }
0x14: {  	[tilespmem:$0x2820] =	vst v0  }
0x15: {  	[tilespmem:$0x2830] =	vst v0  }
0x16: {  	[tilespmem:$0x2840] =	vst v0  }
0x17: {  	[tilespmem:$0x2850] =	vst v0  }
0x18: {  	[tilespmem:$0x2860] =	vst v0  }
0x19: {  	[tilespmem:$0x2870] =	vst v0  }
0x1a: {  	[tilespmem:$0x2880] =	vst v1  }
0x1b: {  	[tilespmem:$0x2890] =	vst v1  }
0x1c: {  	[tilespmem:$0x28A0] =	vst v1  }
0x1d: {  	[tilespmem:$0x28B0] =	vst v1  }
0x1e: {  	[tilespmem:$0x28C0] =	vst v1  }
0x1f: {  	[tilespmem:$0x28D0] =	vst v1  }
0x20: {  	[tilespmem:$0x28E0] =	vst v1  }
0x21: {  	[tilespmem:$0x28F0] =	vst v1  }
0x22: {  	[tilespmem:$0x2900] =	vst v1  }
0x23: {  	[tilespmem:$0x2910] =	vst v1  }
0x24: {  	[tilespmem:$0x2920] =	vst v1  }
0x25: {  	[tilespmem:$0x2930] =	vst v1  }
0x26: {  	[tilespmem:$0x2940] =	vst v1  }
0x27: {  	[tilespmem:$0x2950] =	vst v1  }
0x28: {  	[tilespmem:$0x2960] =	vst v1  }
0x29: {  	[tilespmem:$0x2970] =	vst v1  }
0x2a: {  	[tilespmem:$0x2980] =	vst v1  }
0x2b: {  	[tilespmem:$0x2990] =	vst v1  }
0x2c: {  	[tilespmem:$0x29A0] =	vst v1  }
0x2d: {  	[tilespmem:$0x29B0] =	vst v1  }
0x2e: {  	[tilespmem:$0x29C0] =	vst v1  }
0x2f: {  	[tilespmem:$0x29D0] =	vst v1  }
0x30: {  	[tilespmem:$0x29E0] =	vst v1  }
0x31: {  	[tilespmem:$0x29F0] =	vst v1  }
0x32: {  	[tilespmem:$0x2A00] =	vst v1  }
0x33: {  	[tilespmem:$0x2A10] =	vst v1  }
0x34: {  	[tilespmem:$0x2A20] =	vst v1  }
0x35: {  	[tilespmem:$0x2A30] =	vst v1  }
0x36: {  	[tilespmem:$0x2A40] =	vst v1  }
0x37: {  	[tilespmem:$0x2A50] =	vst v1  }
0x38: {  	[tilespmem:$0x2A60] =	vst v1  }
0x39: {  	[tilespmem:$0x2A70] =	vst v1  }
0x3a: {  	[tilespmem:$0x2A80] =	vst v1  }
0x3b: {  	[tilespmem:$0x2A90] =	vst v1  }
0x3c: {  	[tilespmem:$0x2AA0] =	vst v1  }
0x3d: {  	[tilespmem:$0x2AB0] =	vst v1  }
0x3e: {  	[tilespmem:$0x2AC0] =	vst v1  }
0x3f: {  	[tilespmem:$0x2AD0] =	vst v1  }
0x40: {  	[tilespmem:$0x2AE0] =	vst v1  }
0x41: {  	[tilespmem:$0x2AF0] =	vst v1  }
0x42: {  	[spmem:s5] =	stream.linear.scatter [tilespmem:s9], [sflag:$0x1], $0x280, $0x38;
	[tilespmem:$0x2D80] =	vst v63  }
0x43: {  	_ =	swait.ge [sflag:s8], $0x280  }
0x44: {  	[sflag:s8] =	ssyncset.done $0x0  }
0x45: {  	[sflag:s8] =	ssyncadd.s32 $0xFFFFFD80  }
0x46: {  	s17 =	simm.s32 $0x0;
	[bflag:$0x0] =	sbarrier.arrive $0xFFFF  }
0x47: {  	[spmem:s2] =	stream.indirect.scatter.add.f32 [tilespmem:s11], [sflag:$0x1], $0x1, s17, s10, $0xb8;
	[tilespmem:$0x2D80] =	vst v63  }
0x48: {  	_ =	swait.ge [sflag:s8], $0x80  }
0x49: {  	s17 =	simm.s32 $0x200;
	[sflag:s8] =	ssyncset.done $0x0  }
.LBB2_2:
0x4a: {  	s18 =	sshra.s32 s17, $0x2;
	[sflag:s8] =	ssyncadd.s32 $0xFFFFFF80;
	p0 =	sne.s32 s17, $0x9E00  }
0x4b: {  	[spmem:s2] =	stream.indirect.scatter.add.f32 [tilespmem:s11], [sflag:$0x1], $0x1, s18, s10, $0xb8;
	[tilespmem:$0x2D80] =	vst v63  }
.Ltmp0:
0x4c: {  	_ = 	snop;
	(pc) =	sbr.rel @p0 .LBB2_2-.Ltmp0, $4  }
0x4d: {  	_ = 	snop  }
0x4e: {  	s17 =	sadd.s32 $0x200, s17  }
0x4f: {  	_ =	swait.ge [sflag:s8], $0x80  }
0x50: {  	[sflag:s8] =	ssyncset.done $0x0  }
0x51: {  	s16 =	sadd.s32 $0x1, s16  }
0x52: {  	[sflag:s8] =	ssyncadd.s32 $0xFFFFFF80;
	p0 =	sne.s32 s16, s7  }
.Ltmp1:
0x53: {  	[bflag:$0x0] =	sbarrier.arrive $0xFFFF;
	(pc) =	sbr.rel @p0 .LBB2_1-.Ltmp1, $4  }
0x54: {  	[hbm:s6@s14], [sflag:s12] =	dma.strided [spmem:s13@s15], $0x50, s8, $0x10   }
0x55: {  	_ =	swait.ge [sflag:s8], $0x50  }
0x56: {  	[sflag:s8] =	ssyncset.done $0x0  }
0x57: {  	[sflag:s8] =	ssyncadd.s32 $0xFFFFFFB0  }
0x58: {  	_ =	sfence.sel $0x180000  }
0x59: {  	[bflag:$0x0] =	sbarrier.arrive $0xFFFF  }
0x5a: {  	p0 =	sne.s32 s1, $0x0;
	_ =	strace $0x90000047  }
0x5b: {  	s0 =	sadd.s32 @!p0 $0x100000, s0;
	[bflag:$0x2] =	sbarrier.arrive $0xFFFF  }
0x5c: {  	[sflag:s0] =	ssyncadd.tile.s32 @!p0 $0x1;
	_ =	shalt  }
.Lfunc_end2:
_tile_overlayer_lowered:
.L_overlay_start_2:
0x5d: {  	(tag) =	ssettag $0x2  }
0x5e: {  	s0 =	rddreg [dreg:$0x0];
	s2 =	stileid.u32  }
0x5f: {  	s1 =	rddreg [dreg:$0x1];
	p0 =	sne.s32 s2, $0x0  }
0x60: {  	s3 =	rddreg [dreg:$0x2];
	[bflag:$0x3] =	sbarrier.arrive $0xFFFF;
	s2 =	simm.s32 @!p0 $0x1C01  }
0x61: {  	[timem:s3], [sflag:s2] =	dma.local @!p0 [hbm:s0], s1  }
0x62: {  	s0 =	simm.s32 @!p0 $0x1  }
0x63: {  	_ =	swait.ge @!p0 [sflag:s0], s1  }
0x64: {  	s1 =	ssub.s32 @!p0 $0x0, s1;
	[sflag:s0] =	ssyncset.done @!p0 $0x0  }
0x65: {  	[sflag:s0] =	ssyncadd.s32 @!p0 s1  }
0x66: {  	[bflag:$0x3] =	sbarrier.arrive $0xFFFF  }
0x67: {  	_ =	shalt  }

// kernel: kernel.9.cloned.1.call-start
scs
__scs_entry_jumppad:
0x0: {  	(pc) =	sbr.rel $0x88, $3  }
0x1: {  	(tag) =	ssettag $0x0;
	lr =	simm.s32 $0x1  }
0x2: {  	[smem:$0x3F9D] =	sst lr;
	_ =	strace $0xD0000000  }
0x3: {  	_ = 	snop  }
0x4: {  	_ = 	snop  }
0x5: {  	_ = 	snop  }
0x6: {  	_ = 	snop  }
0x7: {  	_ = 	snop  }
__scs_overlays_trampoline_lowered:
0x8: {  	[smem:$0x3FAC] =	sst s0  }
0x9: {  	[smem:$0x3FAD] =	sst s1  }
0xa: {  	[smem:$0x3FAE] =	sst s2  }
0xb: {  	[smem:$0x3FAF] =	sst s3  }
0xc: {  	[smem:$0x3FB0] =	sst s4  }
0xd: {  	[smem:$0x3FB1] =	sst s5  }
0xe: {  	[smem:$0x3FB2] =	sst s6  }
0xf: {  	[smem:$0x3FB3] =	sst s7  }
0x10: {  	[smem:$0x3FB4] =	sst s8  }
0x11: {  	[smem:$0x3FB5] =	sst s9;
	s0 =	simm.s32 @!p0 $0x0  }
0x12: {  	s1 =	sld [smem:$0x3F9B];
	s0 =	simm.s32 @p0 $0x1  }
0x13: {  	[smem:$0x3FB6] =	sst s0;
	s0 =	simm.s32 @!p1 $0x0  }
0x14: {  	s2 =	sld [smem:$0x3F9A];
	s0 =	simm.s32 @p1 $0x1  }
0x15: {  	[smem:$0x3FB7] =	sst s0;
	s0 =	simm.s32 @!p2 $0x0  }
0x16: {  	s3 =	sld [smem:$0x3FDB];
	s0 =	simm.s32 @p2 $0x1  }
0x17: {  	s4 =	simm.s32 $0x1BF5;
	[smem:$0x3FB9] =	sst s0  }
0x18: {  	s0 =	sld [smem:$0x3F9C];
	_ =	swait.ge [sflag:s4], $0x0  }
0x19: {  	s7 =	sld [smem:$0x3F9D]  }
0x1a: {  	s8 =	sadd.s32 $0xFFFFE003, lr  }
0x1b: {  	s9 =	sadd.s32 $0xFFFFFEF7, lr;
	s5 =	simm.s32 $0xFFFFFFFF;
	p2 =	slt.u32 s8, $0xFFFFF086  }
0x1c: {  	p1 =	slt.u32 s9, $0xF7A;
	s5 =	simm.s32 @!p2 $0x0  }
0x1d: {  	s5 =	simm.s32 @p1 $0x1;
	p0 =	seq.s32 s7, s2  }
0x1e: {  	s7 =	smul.u32 @!p0 $0xF7A, s2;
	p2 =	seq.s32 @!p0 s5, $0x0  }
0x1f: {  	s9 =	smul.u32 $0xF7A, s1;
	s8 =	simm.s32 @!p0 $0x1BF5;
	p2 =	por !p2, p0  }
0x20: {  	[sflag:s8] =	ssyncset.s32 @!p0 $0xFFFFF086;
	s6 =	sadd.s32 @!p0 s3, s7;
	s7 =	simm.s32 @!p0 $0x108  }
0x21: {  	s3 =	sadd.s32 s3, s9;
	s6 =	sadd.s32 @!p0 $0x88, s6;
	s7 =	simm.s32 @p2 $0x1082  }
0x22: {  	[simem:s7], [sflag:s8] =	dma.local @!p0 [hbm:s6], $0xF7A  }
0x23: {  	s9 =	sor.u32 $0xD0000000, s2;
	s6 =	simm.s32 $0x108;
	_ =	swait.ge @!p0 [sflag:s8], $0x0  }
0x24: {  	s3 =	sadd.s32 $0x88, s3;
	s6 =	simm.s32 @!p1 $0x1082;
	[sflag:s4] =	ssyncset.s32 $0xFFFFF086  }
0x25: {  	[simem:s6], [sflag:s4] =	dma.local [hbm:s3], $0xF7A  }
0x26: {  	[smem:$0x3F9D] =	sst s1;
	(tag) =	ssettag s2;
	_ =	strace s9  }
0x27: {  	s1 =	sld [smem:$0x3FAD]  }
0x28: {  	s2 =	sld [smem:$0x3FAE]  }
0x29: {  	s4 =	sld [smem:$0x3FB0]  }
0x2a: {  	p0 =	seq.s32 s5, $0x0;
	s5 =	sld [smem:$0x3FB1]  }
0x2b: {  	s6 =	sld [smem:$0x3FB2]  }
0x2c: {  	s7 =	sld [smem:$0x3FB3]  }
0x2d: {  	s3 =	simm.s32 $0x108;
	s8 =	sld [smem:$0x3FB4]  }
0x2e: {  	s3 =	simm.s32 @!p0 $0x1082;
	s9 =	sld [smem:$0x3FB5]  }
0x2f: {  	lr =	sadd.s32 s0, s3;
	s0 =	sld [smem:$0x3FAC]  }
0x30: {  	s3 =	sld [smem:$0x3FAF]  }
0x31: {  	[smem:$0x3FB8] =	sst s10  }
0x32: {  	s10 =	sld [smem:$0x3FB6];
	_ =	sdelay $0x3  }
0x33: {  	p0 =	seq.s32 s10, $0x1;
	s10 =	sld [smem:$0x3FB8];
	_ =	sdelay $0x3  }
0x34: {  	[smem:$0x3FB8] =	sst s10  }
0x35: {  	s10 =	sld [smem:$0x3FB7];
	_ =	sdelay $0x3  }
0x36: {  	p1 =	seq.s32 s10, $0x1;
	s10 =	sld [smem:$0x3FB8];
	_ =	sdelay $0x3  }
0x37: {  	[smem:$0x3FB8] =	sst s10  }
0x38: {  	s10 =	sld [smem:$0x3FB9]  }
0x39: {  	_ = 	snop;
	(pc) =	sbr.ind lr, $3  }
0x3a: {  	_ = 	snop  }
0x3b: {  	_ = 	snop  }
0x3c: {  	p2 =	seq.s32 s10, $0x1;
	s10 =	sld [smem:$0x3FB8]  }
0x3d: {  	_ =	shalt  }
0x3e: {  	_ =	shalt  }
0x3f: {  	_ =	shalt  }
0x40: {  	_ =	shalt  }
0x41: {  	_ =	shalt  }
0x42: {  	_ =	shalt  }
0x43: {  	_ =	shalt  }
0x44: {  	_ =	shalt  }
0x45: {  	_ =	shalt  }
0x46: {  	_ =	shalt  }
0x47: {  	_ =	shalt  }
0x48: {  	_ =	shalt  }
0x49: {  	_ =	shalt  }
0x4a: {  	_ =	shalt  }
0x4b: {  	_ =	shalt  }
0x4c: {  	_ =	shalt  }
0x4d: {  	_ =	shalt  }
0x4e: {  	_ =	shalt  }
0x4f: {  	_ =	shalt  }
0x50: {  	_ =	shalt  }
0x51: {  	_ =	shalt  }
0x52: {  	_ =	shalt  }
0x53: {  	_ =	shalt  }
0x54: {  	_ =	shalt  }
0x55: {  	_ =	shalt  }
0x56: {  	_ =	shalt  }
0x57: {  	_ =	shalt  }
0x58: {  	_ =	shalt  }
0x59: {  	_ =	shalt  }
0x5a: {  	_ =	shalt  }
0x5b: {  	_ =	shalt  }
0x5c: {  	_ =	shalt  }
0x5d: {  	_ =	shalt  }
0x5e: {  	_ =	shalt  }
0x5f: {  	_ =	shalt  }
0x60: {  	_ =	shalt  }
0x61: {  	_ =	shalt  }
0x62: {  	_ =	shalt  }
0x63: {  	_ =	shalt  }
0x64: {  	_ =	shalt  }
0x65: {  	_ =	shalt  }
0x66: {  	_ =	shalt  }
0x67: {  	_ =	shalt  }
0x68: {  	_ =	shalt  }
0x69: {  	_ =	shalt  }
0x6a: {  	_ =	shalt  }
0x6b: {  	_ =	shalt  }
0x6c: {  	_ =	shalt  }
0x6d: {  	_ =	shalt  }
0x6e: {  	_ =	shalt  }
0x6f: {  	_ =	shalt  }
0x70: {  	_ =	shalt  }
0x71: {  	_ =	shalt  }
0x72: {  	_ =	shalt  }
0x73: {  	_ =	shalt  }
0x74: {  	_ =	shalt  }
0x75: {  	_ =	shalt  }
0x76: {  	_ =	shalt  }
0x77: {  	_ =	shalt  }
0x78: {  	_ =	shalt  }
0x79: {  	_ =	shalt  }
0x7a: {  	_ =	shalt  }
0x7b: {  	_ =	shalt  }
0x7c: {  	_ =	shalt  }
0x7d: {  	_ =	shalt  }
0x7e: {  	_ =	shalt  }
0x7f: {  	_ =	shalt  }
0x80: {  	_ =	shalt  }
0x81: {  	_ =	shalt  }
0x82: {  	_ =	shalt  }
0x83: {  	_ =	shalt  }
0x84: {  	_ =	shalt  }
0x85: {  	_ =	shalt  }
0x86: {  	_ =	shalt  }
0x87: {  	_ =	shalt  }
.Lfunc_end0:
.L_simem_size_0:
called_computation.1_lowered:
.L_overlay_start_0:
0x88: {  	s2 =	sld [smem:$0x3FD9]  }
0x89: {  	s3 =	sld [smem:$0x3FFE];
	_ =	sdelay $0x1  }
0x8a: {  	s1 =	srdreg.scid  }
0x8b: {  	s0 =	sand.u32 $0x1, s1  }
0x8c: {  	s17 =	sshll.u32 s0, $0xA;
	s2 =	sadd.s32 s3, s2  }
0x8d: {  	s2 =	sadd.s32 s2, s17  }
0x8e: {  	[smem:$0x3FC4] =	sst s2  }
0x8f: {  	_ = 	snop  }
0x90: {  	s2 =	sld [smem:$0x3FD0];
	(tm) =	ssettm $0x1  }
0x91: {  	s18 =	sld [smem:$0x3FFB];
	_ =	sdelay $0x3  }
0x92: {  	_ =	strace s18  }
0x93: {  	s3 =	sld [smem:$0x3FFC];
	_ =	sdelay $0x3  }
0x94: {  	_ =	strace s3  }
0x95: {  	s3 =	sld [smem:$0x3FFD];
	_ =	sdelay $0x3  }
0x96: {  	_ =	strace s3  }
0x97: {  	_ =	strace $0x8FFFFFFF  }
0x98: {  	s19 =	sld [smem:$0x3FDB];
	_ =	sdelay $0x1  }
0x99: {  	s4 =	simm.s32 $_scs_section_size  }
0x9a: {  	s5 =	simm.s32 $_size__tile_overlayer_lowered;
	s6 =	simm.s32 $_tile_overlayer_lowered  }
0x9b: {  	s22 =	simm.s32 $0x1BFF;
	s21 =	sshll.u32 s6, $0x1;
	s3 =	sadd.s32 s4, s19  }
0x9c: {  	s7 =	simm.s32 $0x0;
	s20 =	sshll.u32 s5, $0x1;
	s5 =	sadd.s32 s21, s3  }
0x9d: {  	[timem:s7], [sflag:s22] =	dma.local [hbm:s5], s20  }
0x9e: {  	_ =	swait.ge [sflag:s22], s20  }
0x9f: {  	s4 =	ssub.s32 $0x0, s20;
	[sflag:s22] =	ssyncset.done $0x0  }
0xa0: {  	[sflag:s22] =	ssyncadd.s32 s4;
	_ =	sdelay $0x1  }
0xa1: {  	s23 =	simm.s32 $0x1B8B  }
0xa2: {  	_ =	swait.ge [sflag:s23], $0x1  }
0xa3: {  	[sflag:s23] =	ssyncset.done $0x0  }
0xa4: {  	s25 =	simm.s32 $0x1B8E;
	s24 =	sld [smem:$0x3FFE];
	[sflag:s23] =	ssyncadd.s32 $0xFFFFFFFF  }
0xa5: {  	s26 =	simm.s32 $execute0_lowered;
	[smem:$0x3FD2] =	sst s25  }
0xa6: {  	s5 =	sshll.u32 s26, $0x1;
	_ =	strace $0x80000049;
	[dreg:$0x1] =	wrdreg $0xFFFFFFFF  }
0xa7: {  	s28 =	simm.s32 $_size_execute0_lowered;
	s3 =	sadd.s32 s3, s5;
	[dreg:$0x0] =	wrdreg $0x0  }
0xa8: {  	s5 =	sshll.u32 s28, $0x1;
	[dreg:$0x2] =	wrdreg s3  }
0xa9: {  	[dreg:$0x3] =	wrdreg s5  }
0xaa: {  	[dreg:$0x4] =	wrdreg $0xC0  }
0xab: {  	_ =	task [dreg:s7], $0x5FFFF  }
0xac: {  	[dreg:$0x1] =	wrdreg $0xFFFFFFFF  }
0xad: {  	[dreg:$0x0] =	wrdreg $0x60  }
0xae: {  	[dreg:$0x2] =	wrdreg s2  }
0xaf: {  	[dreg:$0x3] =	wrdreg s24  }
0xb0: {  	[dreg:$0x4] =	wrdreg $0xA0000  }
0xb1: {  	[dreg:$0x5] =	wrdreg $0x9  }
0xb2: {  	_ =	task.clear_ibuf [dreg:s7], $0x6FFFF;
	_ =	strace $0x90000049  }
0xb3: {  	s29 =	simm.s32 $0x9;
	_ =	strace $0x8000004B  }
0xb4: {  	_ =	swait.ge [sflag:s29], $0x1  }
0xb5: {  	[sflag:s29] =	ssyncadd.s32 $0xFFFFFFFF  }
0xb6: {  	_ =	strace $0x9000004B  }
0xb7: {  	_ =	sfence  }
0xb8: {  	s30 =	sld [smem:$0x0];
	_ =	sdelay $0x2  }
0xb9: {  	s31 =	sshll.u32 s1, $0xD;
	s1 =	sshrl.u32 s1, $0x2  }
0xba: {  	s3 =	sand.u32 $0x4000, s31;
	s1 =	sadd.s32 s1, s30  }
0xbb: {  	s0 =	sor.u32 s3, s0;
	s1 =	sshll.u32 s1, $0x11  }
0xbc: {  	s0 =	sor.u32 s1, s0  }
0xbd: {  	s0 =	sadd.s32 $0x8F2B, s0  }
0xbe: {  	[sflag:s0] =	ssyncadd.remote.s32 $0x1  }
0xbf: {  	_ =	sfence.sel $0xFFFF  }
0xc0: {  	[dreg:$0x0] =	wrdreg $0xFFFFFFFF;
	(pc) =	sbr.abs _section_cstart, $3  }
0xc1: {  	[dreg:$0x1] =	wrdreg $0xFFFFFFFF  }
0xc2: {  	_ =	task.clear_ibuf [dreg:s7], $0x2FFFF;
	_ =	strace $0x9FFFFFFF  }
0xc3: {  	(tm) =	ssettm $0x7FFFFFFF  }
tec
execute0_lowered:
.L_overlay_start_1:
0x0: {  	(tag) =	ssettag $0x1  }
0x1: {  	s0 =	rddreg [dreg:$0x0]  }
0x2: {  	s4 =	rddreg [dreg:$0x1]  }
0x3: {  	s1 =	rddreg [dreg:$0x2]  }
0x4: {  	s13 =	stileid.u32;
	s2 =	srdreg.scid  }
0x5: {  	s29 =	simm.s32 $0x7;
	s30 =	simm.s32 $0x1000;
	s5 =	smul.u32 $0x14000, s13  }
0x6: {  	s31 =	simm.s32 $0x5;
	s7 =	sand.u32 $0x1, s2;
	s2 =	smul.u32 $0x9, s13  }
0x7: {  	s6 =	sadd.s32 $0xC400, s4;
	s3 =	sor.u32 $0x90, s13;
	s8 =	smul.u32 $0x9000, s13  }
0x8: {  	p0 =	seq.s32 s7, $0x0;
	s9 =	smul.u32 $0x140000, s7;
	s10 =	ssub.s32 $0x2, s7  }
0x9: {  	s3 =	smov.u32 @p0 s2;
	s24 =	sshrl.u32 s10, $0x1;
	s8 =	sshrl.u32 s8, $0x3  }
0xa: {  	p0 =	sne.s32 s7, $0x0;
	s7 =	simm.s32 $0x8000;
	s3 =	sshll.u32 s3, $0x9  }
0xb: {  	s10 =	ssub.s32 s10, s24;
	s11 =	sadd.s32 $0x200, s8;
	s25 =	sadd.s32 $0x400, s8  }
0xc: {  	s14 =	sadd.s32 $0x600, s8;
	s16 =	sadd.s32 $0x800, s8;
	s18 =	sadd.s32 $0xA00, s8  }
0xd: {  	s20 =	sadd.s32 $0xC00, s8;
	s22 =	sadd.s32 $0xE00, s8;
	s8 =	sadd.s32 $0x1000, s8  }
0xe: {  	s24 =	sadd.s32 s5, s9;
	s5 =	sshrl.u32 s5, $0x3;
	s12 =	sadd.s32 s0, s11  }
0xf: {  	s9 =	simm.s32 $0x2;
	s11 =	sadd.s32 s6, s11;
	[dreg:$0x4] =	wrdreg s12  }
0x10: {  	s2 =	sadd.s32 s0, s3;
	s26 =	sadd.s32 s0, s25;
	[dreg:$0x5] =	wrdreg s11  }
0x11: {  	s3 =	sadd.s32 s6, s3;
	s15 =	sadd.s32 s0, s14;
	[dreg:$0x6] =	wrdreg s26  }
0x12: {  	s17 =	sadd.s32 s0, s16;
	s19 =	sadd.s32 s0, s18;
	[dreg:$0x8] =	wrdreg s15  }
0x13: {  	s21 =	sadd.s32 s0, s20;
	s23 =	sadd.s32 s0, s22;
	[dreg:$0xa] =	wrdreg s17  }
0x14: {  	s5 =	sadd.s32 s5, s4;
	s28 =	smax.u32 s10, $0x1;
	[dreg:$0xc] =	wrdreg s19  }
0x15: {  	s10 =	simm.s32 $0x3;
	s12 =	sadd.s32 s6, s25;
	[dreg:$0xe] =	wrdreg s21  }
0x16: {  	s11 =	sadd.s32 s6, s14;
	[dreg:$0x10] =	wrdreg s23;
	s19 =	sadd.s32 s0, s8  }
0x17: {  	s21 =	simm.s32 $0x0;
	s25 =	smul.u32 $0x50000, s13;
	[dreg:$0x7] =	wrdreg s12  }
0x18: {  	s0 =	sshrl.u32 s24, $0x3;
	s26 =	sshll.u32 s13, $0x6;
	[dreg:$0x9] =	wrdreg s11  }
0x19: {  	s24 =	sadd.s32 $0x70400, s5;
	s12 =	sadd.s32 s6, s16;
	[smem:$0x7FF] =	sst s21  }
0x1a: {  	s15 =	simm.s32 $0x6;
	s11 =	sadd.s32 s6, s18;
	[dreg:$0xb] =	wrdreg s12  }
0x1b: {  	s5 =	simm.s32 $0x4000;
	s0 =	sadd.s32 s0, s4;
	[dreg:$0xd] =	wrdreg s11  }
0x1c: {  	s12 =	sadd.s32 s6, s20;
	s11 =	sadd.s32 s6, s22;
	s20 =	sadd.s32 s6, s8  }
.Ltmp0:
0x1d: {  	s6 =	sshrl.u32 s25, $0x2;
	s22 =	sadd.s32 $0x20400, s4;
	(pc) =	sbr.rel .LBB2_1-.Ltmp0, $4  }
0x1e: {  	s25 =	sor.u32 $0x1C07, s26;
	s26 =	sadd.s32 $0x98400, s0;
	s0 =	simm.s32 $0x40  }
0x1f: {  	s4 =	simm.s32 $0x2000;
	s8 =	simm.s32 $0x1;
	[dreg:$0xf] =	wrdreg s12  }
0x20: {  	[dreg:$0x11] =	wrdreg s11;
	s23 =	sadd.s32 s6, s1;
	s6 =	simm.s32 $0x6000  }
0x21: {  	s11 =	simm.s32 $0x4;
	s12 =	simm.s32 $0x0;
	_ =	strace $0x8000004A  }
.LBB2_20:
0x22: {  	s14 =	sshra.s32 s14, $0x2;
	[sflag:s29] =	ssyncadd.s32 $0xFFFFE000  }
0x23: {  	[tilespmem:s4], [sflag:$0x1] =	stream.indirect.gather [hbm4b:s22+s0], $0x80, s14, s0, $0xb8;
	[tilespmem:$0x1E000] =	vst v63  }
0x24: {  	s16 =	sadd.s32 $0x80, s14  }
0x25: {  	[tilespmem:s5], [sflag:$0x2] =	stream.indirect.gather [hbm4b:s22+s0], $0x80, s16, s0, $0xb8;
	[tilespmem:$0x1E000] =	vst v63  }
0x26: {  	s18 =	sadd.s32 $0x100, s14  }
0x27: {  	[tilespmem:s6], [sflag:$0x3] =	stream.indirect.gather [hbm4b:s22+s0], $0x80, s18, s0, $0xb8;
	[tilespmem:$0x1E000] =	vst v63  }
0x28: {  	s17 =	sadd.s32 $0x180, s14  }
0x29: {  	[tilespmem:s7], [sflag:$0x4] =	stream.indirect.gather [hbm4b:s22+s0], $0x80, s17, s0, $0xb8;
	[tilespmem:$0x1E000] =	vst v63  }
0x2a: {  	_ =	swait.ge [sflag:s8], $0x2000  }
0x2b: {  	[sflag:s8] =	ssyncset.done $0x0  }
0x2c: {  	s18 =	sadd.s32 $0x1000, s14;
	[sflag:s8] =	ssyncadd.s32 $0xFFFFE000  }
0x2d: {  	[spmem:s1] =	stream.indirect.scatter.add.f32 [tilespmem:s4], [sflag:$0x7], $0x80, s18, s0, $0xb8;
	[tilespmem:$0x1E000] =	vst v63  }
0x2e: {  	_ =	swait.ge [sflag:s29], $0x2000  }
0x2f: {  	[sflag:s29] =	ssyncset.done $0x0  }
0x30: {  	[sflag:s29] =	ssyncadd.s32 $0xFFFFE000  }
0x31: {  	_ =	swait.ge [sflag:s9], $0x2000  }
0x32: {  	[sflag:s9] =	ssyncset.done $0x0  }
0x33: {  	s17 =	sadd.s32 $0x1080, s14;
	[sflag:s9] =	ssyncadd.s32 $0xFFFFE000  }
0x34: {  	[spmem:s1] =	stream.indirect.scatter.add.f32 [tilespmem:s5], [sflag:$0x7], $0x80, s17, s0, $0xb8;
	[tilespmem:$0x1E000] =	vst v63  }
0x35: {  	_ =	swait.ge [sflag:s29], $0x2000  }
0x36: {  	[sflag:s29] =	ssyncset.done $0x0  }
0x37: {  	[sflag:s29] =	ssyncadd.s32 $0xFFFFE000  }
0x38: {  	_ =	swait.ge [sflag:s10], $0x2000  }
0x39: {  	[sflag:s10] =	ssyncset.done $0x0  }
0x3a: {  	s18 =	sadd.s32 $0x1100, s14;
	[sflag:s10] =	ssyncadd.s32 $0xFFFFE000  }
0x3b: {  	[spmem:s1] =	stream.indirect.scatter.add.f32 [tilespmem:s6], [sflag:$0x7], $0x80, s18, s0, $0xb8;
	[tilespmem:$0x1E000] =	vst v63  }
0x3c: {  	_ =	swait.ge [sflag:s29], $0x2000  }
0x3d: {  	[sflag:s29] =	ssyncset.done $0x0  }
0x3e: {  	[sflag:s29] =	ssyncadd.s32 $0xFFFFE000  }
0x3f: {  	_ =	swait.ge [sflag:s11], $0x2000  }
0x40: {  	[sflag:s11] =	ssyncset.done $0x0  }
0x41: {  	s14 =	sadd.s32 $0x1180, s14;
	[sflag:s11] =	ssyncadd.s32 $0xFFFFE000  }
0x42: {  	[spmem:s1] =	stream.indirect.scatter.add.f32 [tilespmem:s7], [sflag:$0x7], $0x80, s14, s0, $0xb8;
	[tilespmem:$0x1E000] =	vst v63  }
0x43: {  	_ =	swait.ge [sflag:s29], $0x2000  }
0x44: {  	[sflag:s29] =	ssyncset.done $0x0  }
0x45: {  	[sflag:s29] =	ssyncadd.s32 $0xFFFFE000  }
.LBB2_21:
0x46: {  	s12 =	sadd.s32 $0x1, s12  }
0x47: {  	p1 =	sne.s32 s12, s28  }
.Ltmp1:
0x48: {  	[bflag:$0x0] =	sbarrier.arrive $0xFFFF;
	(pc) =	sbr.rel @!p1 .LBB2_22-.Ltmp1, $4  }
0x49: {  	[hbm:s26], [sflag:s25] =	dma.local [spmem:s13], $0x2800  }
0x4a: {  	_ =	swait.ge [sflag:s29], $0x2800  }
0x4b: {  	[sflag:s29] =	ssyncset.done $0x0  }
0x4c: {  	[sflag:s29] =	ssyncadd.s32 $0xFFFFD800  }
.LBB2_1:
0x4d: {  	s13 =	sshrl.u32 s23, $0x3  }
0x4e: {  	[spmem:s13], [sflag:s25] =	dma.local [hbm:s24], $0x2800  }
0x4f: {  	_ =	swait.ge [sflag:s29], $0x2800  }
0x50: {  	[sflag:s29] =	ssyncset.done $0x0  }
0x51: {  	[sflag:s29] =	ssyncadd.s32 $0xFFFFD800  }
0x52: {  	[bflag:$0x0] =	sbarrier.arrive $0xFFFF  }
0x53: {  	[tilespmem:s21], [sflag:$0x5] =	stream.linear.gather [hbm4b:s2+s21], $0x1000, $0x38;
	[tilespmem:$0x1E000] =	vst v63  }
0x54: {  	_ = 	snop  }
0x55: {  	[tilespmem:s30], [sflag:$0x6] =	stream.linear.gather [hbm4b:s3+s21], $0x1000, $0x38;
	[tilespmem:$0x1E000] =	vst v63  }
0x56: {  	_ =	swait.ge [sflag:s31], $0x1000  }
0x57: {  	[sflag:s31] =	ssyncset.done $0x0  }
0x58: {  	[sflag:s31] =	ssyncadd.s32 $0xFFFFF000  }
0x59: {  	_ =	swait.ge [sflag:s15], $0x1000  }
0x5a: {  	[sflag:s15] =	ssyncset.done $0x0  }
0x5b: {  	s14 =	simm.s32 $0x0;
	[sflag:s15] =	ssyncadd.s32 $0xFFFFF000  }
0x5c: {  	[tilespmem:s4], [sflag:$0x1] =	stream.indirect.gather [hbm4b:s22+s0], $0x80, s14, s0, $0xb8;
	[tilespmem:$0x1E000] =	vst v63  }
0x5d: {  	s18 =	simm.s32 $0x80  }
0x5e: {  	[tilespmem:s5], [sflag:$0x2] =	stream.indirect.gather [hbm4b:s22+s0], $0x80, s18, s0, $0xb8;
	[tilespmem:$0x1E000] =	vst v63  }
0x5f: {  	s16 =	simm.s32 $0x100  }
0x60: {  	[tilespmem:s6], [sflag:$0x3] =	stream.indirect.gather [hbm4b:s22+s0], $0x80, s16, s0, $0xb8;
	[tilespmem:$0x1E000] =	vst v63  }
0x61: {  	s17 =	simm.s32 $0x180  }
0x62: {  	[tilespmem:s7], [sflag:$0x4] =	stream.indirect.gather [hbm4b:s22+s0], $0x80, s17, s0, $0xb8;
	[tilespmem:$0x1E000] =	vst v63  }
0x63: {  	_ =	swait.ge [sflag:s8], $0x2000  }
0x64: {  	[sflag:s8] =	ssyncset.done $0x0  }
0x65: {  	s18 =	simm.s32 $0x1000;
	[sflag:s8] =	ssyncadd.s32 $0xFFFFE000  }
0x66: {  	[spmem:s1] =	stream.indirect.scatter.add.f32 [tilespmem:s4], [sflag:$0x7], $0x80, s18, s0, $0xb8;
	[tilespmem:$0x1E000] =	vst v63  }
0x67: {  	_ =	swait.ge [sflag:s29], $0x2000  }
0x68: {  	[sflag:s29] =	ssyncset.done $0x0  }
0x69: {  	[sflag:s29] =	ssyncadd.s32 $0xFFFFE000  }
0x6a: {  	_ =	swait.ge [sflag:s9], $0x2000  }
0x6b: {  	[sflag:s9] =	ssyncset.done $0x0  }
0x6c: {  	s16 =	simm.s32 $0x1080;
	[sflag:s9] =	ssyncadd.s32 $0xFFFFE000  }
0x6d: {  	[spmem:s1] =	stream.indirect.scatter.add.f32 [tilespmem:s5], [sflag:$0x7], $0x80, s16, s0, $0xb8;
	[tilespmem:$0x1E000] =	vst v63  }
0x6e: {  	_ =	swait.ge [sflag:s29], $0x2000  }
0x6f: {  	[sflag:s29] =	ssyncset.done $0x0  }
0x70: {  	[sflag:s29] =	ssyncadd.s32 $0xFFFFE000  }
0x71: {  	_ =	swait.ge [sflag:s10], $0x2000  }
0x72: {  	[sflag:s10] =	ssyncset.done $0x0  }
0x73: {  	s17 =	simm.s32 $0x1100;
	[sflag:s10] =	ssyncadd.s32 $0xFFFFE000  }
0x74: {  	[spmem:s1] =	stream.indirect.scatter.add.f32 [tilespmem:s6], [sflag:$0x7], $0x80, s17, s0, $0xb8;
	[tilespmem:$0x1E000] =	vst v63  }
0x75: {  	_ =	swait.ge [sflag:s29], $0x2000  }
0x76: {  	[sflag:s29] =	ssyncset.done $0x0  }
0x77: {  	[sflag:s29] =	ssyncadd.s32 $0xFFFFE000  }
0x78: {  	_ =	swait.ge [sflag:s11], $0x2000  }
0x79: {  	[sflag:s11] =	ssyncset.done $0x0  }
0x7a: {  	s18 =	simm.s32 $0x1180;
	[sflag:s11] =	ssyncadd.s32 $0xFFFFE000  }
0x7b: {  	[spmem:s1] =	stream.indirect.scatter.add.f32 [tilespmem:s7], [sflag:$0x7], $0x80, s18, s0, $0xb8;
	[tilespmem:$0x1E000] =	vst v63  }
0x7c: {  	_ =	swait.ge [sflag:s29], $0x2000  }
0x7d: {  	s14 =	simm.s32 $0x800;
	s16 =	simm.s32 $0x1000;
	[sflag:s29] =	ssyncset.done $0x0  }
.LBB2_2:
0x7e: {  	s17 =	sshra.s32 s14, $0x2  }
0x7f: {  	[sflag:s29] =	ssyncadd.s32 $0xFFFFE000;
	s14 =	smov.u32 s16;
	s18 =	sadd.s32 $0x800, s16  }
0x80: {  	[tilespmem:s4], [sflag:$0x1] =	stream.indirect.gather [hbm4b:s22+s0], $0x80, s17, s0, $0xb8;
	[tilespmem:$0x1E000] =	vst v63  }
0x81: {  	p1 =	sne.s32 s16, $0x3800;
	s16 =	sadd.s32 $0x80, s17  }
0x82: {  	[tilespmem:s5], [sflag:$0x2] =	stream.indirect.gather [hbm4b:s22+s0], $0x80, s16, s0, $0xb8;
	[tilespmem:$0x1E000] =	vst v63  }
0x83: {  	s16 =	sadd.s32 $0x100, s17  }
0x84: {  	[tilespmem:s6], [sflag:$0x3] =	stream.indirect.gather [hbm4b:s22+s0], $0x80, s16, s0, $0xb8;
	[tilespmem:$0x1E000] =	vst v63  }
0x85: {  	s16 =	sadd.s32 $0x180, s17  }
0x86: {  	[tilespmem:s7], [sflag:$0x4] =	stream.indirect.gather [hbm4b:s22+s0], $0x80, s16, s0, $0xb8;
	[tilespmem:$0x1E000] =	vst v63  }
0x87: {  	_ =	swait.ge [sflag:s8], $0x2000  }
0x88: {  	[sflag:s8] =	ssyncset.done $0x0  }
0x89: {  	s16 =	sadd.s32 $0x1000, s17;
	[sflag:s8] =	ssyncadd.s32 $0xFFFFE000  }
0x8a: {  	[spmem:s1] =	stream.indirect.scatter.add.f32 [tilespmem:s4], [sflag:$0x7], $0x80, s16, s0, $0xb8;
	[tilespmem:$0x1E000] =	vst v63  }
0x8b: {  	_ =	swait.ge [sflag:s29], $0x2000  }
0x8c: {  	[sflag:s29] =	ssyncset.done $0x0  }
0x8d: {  	[sflag:s29] =	ssyncadd.s32 $0xFFFFE000  }
0x8e: {  	_ =	swait.ge [sflag:s9], $0x2000  }
0x8f: {  	[sflag:s9] =	ssyncset.done $0x0  }
0x90: {  	s16 =	sadd.s32 $0x1080, s17;
	[sflag:s9] =	ssyncadd.s32 $0xFFFFE000  }
0x91: {  	[spmem:s1] =	stream.indirect.scatter.add.f32 [tilespmem:s5], [sflag:$0x7], $0x80, s16, s0, $0xb8;
	[tilespmem:$0x1E000] =	vst v63  }
0x92: {  	_ =	swait.ge [sflag:s29], $0x2000  }
0x93: {  	[sflag:s29] =	ssyncset.done $0x0  }
0x94: {  	[sflag:s29] =	ssyncadd.s32 $0xFFFFE000  }
0x95: {  	_ =	swait.ge [sflag:s10], $0x2000  }
0x96: {  	[sflag:s10] =	ssyncset.done $0x0  }
0x97: {  	s16 =	sadd.s32 $0x1100, s17;
	[sflag:s10] =	ssyncadd.s32 $0xFFFFE000  }
0x98: {  	[spmem:s1] =	stream.indirect.scatter.add.f32 [tilespmem:s6], [sflag:$0x7], $0x80, s16, s0, $0xb8;
	[tilespmem:$0x1E000] =	vst v63  }
0x99: {  	_ =	swait.ge [sflag:s29], $0x2000  }
0x9a: {  	[sflag:s29] =	ssyncset.done $0x0  }
0x9b: {  	[sflag:s29] =	ssyncadd.s32 $0xFFFFE000  }
0x9c: {  	_ =	swait.ge [sflag:s11], $0x2000  }
.Ltmp2:
0x9d: {  	[sflag:s11] =	ssyncset.done $0x0;
	(pc) =	sbr.rel @p1 .LBB2_2-.Ltmp2, $4  }
0x9e: {  	s16 =	sadd.s32 $0x1180, s17;
	[sflag:s11] =	ssyncadd.s32 $0xFFFFE000  }
0x9f: {  	[spmem:s1] =	stream.indirect.scatter.add.f32 [tilespmem:s7], [sflag:$0x7], $0x80, s16, s0, $0xb8;
	[tilespmem:$0x1E000] =	vst v63  }
0xa0: {  	_ =	swait.ge [sflag:s29], $0x2000  }
0xa1: {  	s16 =	smov.u32 s18;
	[sflag:s29] =	ssyncset.done $0x0  }
0xa2: {  	s14 =	sshra.s32 s14, $0x2;
	[sflag:s29] =	ssyncadd.s32 $0xFFFFE000  }
0xa3: {  	[tilespmem:s4], [sflag:$0x1] =	stream.indirect.gather [hbm4b:s22+s0], $0x80, s14, s0, $0xb8;
	[tilespmem:$0x1E000] =	vst v63  }
0xa4: {  	s16 =	sadd.s32 $0x80, s14  }
0xa5: {  	[tilespmem:s5], [sflag:$0x2] =	stream.indirect.gather [hbm4b:s22+s0], $0x80, s16, s0, $0xb8;
	[tilespmem:$0x1E000] =	vst v63  }
0xa6: {  	s18 =	sadd.s32 $0x100, s14  }
0xa7: {  	[tilespmem:s6], [sflag:$0x3] =	stream.indirect.gather [hbm4b:s22+s0], $0x80, s18, s0, $0xb8;
	[tilespmem:$0x1E000] =	vst v63  }
0xa8: {  	s17 =	sadd.s32 $0x180, s14  }
0xa9: {  	[tilespmem:s7], [sflag:$0x4] =	stream.indirect.gather [hbm4b:s22+s0], $0x80, s17, s0, $0xb8;
	[tilespmem:$0x1E000] =	vst v63  }
0xaa: {  	_ =	swait.ge [sflag:s8], $0x2000  }
0xab: {  	[sflag:s8] =	ssyncset.done $0x0  }
0xac: {  	s18 =	sadd.s32 $0x1000, s14;
	[sflag:s8] =	ssyncadd.s32 $0xFFFFE000  }
0xad: {  	[spmem:s1] =	stream.indirect.scatter.add.f32 [tilespmem:s4], [sflag:$0x7], $0x80, s18, s0, $0xb8;
	[tilespmem:$0x1E000] =	vst v63  }
0xae: {  	_ =	swait.ge [sflag:s29], $0x2000  }
0xaf: {  	[sflag:s29] =	ssyncset.done $0x0  }
0xb0: {  	[sflag:s29] =	ssyncadd.s32 $0xFFFFE000  }
0xb1: {  	_ =	swait.ge [sflag:s9], $0x2000  }
0xb2: {  	[sflag:s9] =	ssyncset.done $0x0  }
0xb3: {  	s17 =	sadd.s32 $0x1080, s14;
	[sflag:s9] =	ssyncadd.s32 $0xFFFFE000  }
0xb4: {  	[spmem:s1] =	stream.indirect.scatter.add.f32 [tilespmem:s5], [sflag:$0x7], $0x80, s17, s0, $0xb8;
	[tilespmem:$0x1E000] =	vst v63  }
0xb5: {  	_ =	swait.ge [sflag:s29], $0x2000  }
0xb6: {  	[sflag:s29] =	ssyncset.done $0x0  }
0xb7: {  	[sflag:s29] =	ssyncadd.s32 $0xFFFFE000  }
0xb8: {  	_ =	swait.ge [sflag:s10], $0x2000  }
0xb9: {  	[sflag:s10] =	ssyncset.done $0x0  }
0xba: {  	s18 =	sadd.s32 $0x1100, s14;
	[sflag:s10] =	ssyncadd.s32 $0xFFFFE000  }
0xbb: {  	[spmem:s1] =	stream.indirect.scatter.add.f32 [tilespmem:s6], [sflag:$0x7], $0x80, s18, s0, $0xb8;
	[tilespmem:$0x1E000] =	vst v63  }
0xbc: {  	_ =	swait.ge [sflag:s29], $0x2000  }
0xbd: {  	[sflag:s29] =	ssyncset.done $0x0  }
0xbe: {  	[sflag:s29] =	ssyncadd.s32 $0xFFFFE000  }
0xbf: {  	_ =	swait.ge [sflag:s11], $0x2000  }
0xc0: {  	[sflag:s11] =	ssyncset.done $0x0  }
.Ltmp3:
0xc1: {  	s14 =	sadd.s32 $0x1180, s14;
	[sflag:s11] =	ssyncadd.s32 $0xFFFFE000;
	(pc) =	sbr.rel @p0 .LBB2_21-.Ltmp3, $4  }
0xc2: {  	[spmem:s1] =	stream.indirect.scatter.add.f32 [tilespmem:s7], [sflag:$0x7], $0x80, s14, s0, $0xb8;
	[tilespmem:$0x1E000] =	vst v63  }
0xc3: {  	_ =	swait.ge [sflag:s29], $0x2000  }
0xc4: {  	[sflag:s29] =	ssyncset.done $0x0  }
0xc5: {  	[sflag:s29] =	ssyncadd.s32 $0xFFFFE000  }
0xc6: {  	s14 =	simm.s32 $0x0;
	s16 =	rddreg [dreg:$0x4]  }
0xc7: {  	[tilespmem:s14], [sflag:$0x5] =	stream.linear.gather [hbm4b:s16+s14], $0x1000, $0x38;
	[tilespmem:$0x1E000] =	vst v63  }
0xc8: {  	s18 =	rddreg [dreg:$0x5]  }
0xc9: {  	[tilespmem:s30], [sflag:$0x6] =	stream.linear.gather [hbm4b:s18+s14], $0x1000, $0x38;
	[tilespmem:$0x1E000] =	vst v63  }
0xca: {  	_ =	swait.ge [sflag:s31], $0x1000  }
0xcb: {  	[sflag:s31] =	ssyncset.done $0x0  }
0xcc: {  	[sflag:s31] =	ssyncadd.s32 $0xFFFFF000  }
0xcd: {  	_ =	swait.ge [sflag:s15], $0x1000  }
0xce: {  	[sflag:s15] =	ssyncset.done $0x0  }
0xcf: {  	s17 =	simm.s32 $0x0;
	[sflag:s15] =	ssyncadd.s32 $0xFFFFF000  }
0xd0: {  	[tilespmem:s4], [sflag:$0x1] =	stream.indirect.gather [hbm4b:s22+s0], $0x80, s17, s0, $0xb8;
	[tilespmem:$0x1E000] =	vst v63  }
0xd1: {  	s18 =	simm.s32 $0x80  }
0xd2: {  	[tilespmem:s5], [sflag:$0x2] =	stream.indirect.gather [hbm4b:s22+s0], $0x80, s18, s0, $0xb8;
	[tilespmem:$0x1E000] =	vst v63  }
0xd3: {  	s16 =	simm.s32 $0x100  }
0xd4: {  	[tilespmem:s6], [sflag:$0x3] =	stream.indirect.gather [hbm4b:s22+s0], $0x80, s16, s0, $0xb8;
	[tilespmem:$0x1E000] =	vst v63  }
0xd5: {  	s17 =	simm.s32 $0x180  }
0xd6: {  	[tilespmem:s7], [sflag:$0x4] =	stream.indirect.gather [hbm4b:s22+s0], $0x80, s17, s0, $0xb8;
	[tilespmem:$0x1E000] =	vst v63  }
0xd7: {  	_ =	swait.ge [sflag:s8], $0x2000  }
0xd8: {  	[sflag:s8] =	ssyncset.done $0x0  }
0xd9: {  	s18 =	simm.s32 $0x1000;
	[sflag:s8] =	ssyncadd.s32 $0xFFFFE000  }
0xda: {  	[spmem:s1] =	stream.indirect.scatter.add.f32 [tilespmem:s4], [sflag:$0x7], $0x80, s18, s0, $0xb8;
	[tilespmem:$0x1E000] =	vst v63  }
0xdb: {  	_ =	swait.ge [sflag:s29], $0x2000  }
0xdc: {  	[sflag:s29] =	ssyncset.done $0x0  }
0xdd: {  	[sflag:s29] =	ssyncadd.s32 $0xFFFFE000  }
0xde: {  	_ =	swait.ge [sflag:s9], $0x2000  }
0xdf: {  	[sflag:s9] =	ssyncset.done $0x0  }
0xe0: {  	s16 =	simm.s32 $0x1080;
	[sflag:s9] =	ssyncadd.s32 $0xFFFFE000  }
0xe1: {  	[spmem:s1] =	stream.indirect.scatter.add.f32 [tilespmem:s5], [sflag:$0x7], $0x80, s16, s0, $0xb8;
	[tilespmem:$0x1E000] =	vst v63  }
0xe2: {  	_ =	swait.ge [sflag:s29], $0x2000  }
0xe3: {  	[sflag:s29] =	ssyncset.done $0x0  }
0xe4: {  	[sflag:s29] =	ssyncadd.s32 $0xFFFFE000  }
0xe5: {  	_ =	swait.ge [sflag:s10], $0x2000  }
0xe6: {  	[sflag:s10] =	ssyncset.done $0x0  }
0xe7: {  	s17 =	simm.s32 $0x1100;
	[sflag:s10] =	ssyncadd.s32 $0xFFFFE000  }
0xe8: {  	[spmem:s1] =	stream.indirect.scatter.add.f32 [tilespmem:s6], [sflag:$0x7], $0x80, s17, s0, $0xb8;
	[tilespmem:$0x1E000] =	vst v63  }
0xe9: {  	_ =	swait.ge [sflag:s29], $0x2000  }
0xea: {  	[sflag:s29] =	ssyncset.done $0x0  }
0xeb: {  	[sflag:s29] =	ssyncadd.s32 $0xFFFFE000  }
0xec: {  	_ =	swait.ge [sflag:s11], $0x2000  }
0xed: {  	[sflag:s11] =	ssyncset.done $0x0  }
0xee: {  	s18 =	simm.s32 $0x1180;
	[sflag:s11] =	ssyncadd.s32 $0xFFFFE000  }
0xef: {  	[spmem:s1] =	stream.indirect.scatter.add.f32 [tilespmem:s7], [sflag:$0x7], $0x80, s18, s0, $0xb8;
	[tilespmem:$0x1E000] =	vst v63  }
0xf0: {  	_ =	swait.ge [sflag:s29], $0x2000  }
0xf1: {  	s14 =	simm.s32 $0x800;
	s18 =	simm.s32 $0x1000;
	[sflag:s29] =	ssyncset.done $0x0  }
.LBB2_5:
0xf2: {  	s17 =	sshra.s32 s14, $0x2  }
0xf3: {  	[sflag:s29] =	ssyncadd.s32 $0xFFFFE000;
	s14 =	smov.u32 s18;
	s16 =	sadd.s32 $0x800, s18  }
0xf4: {  	[tilespmem:s4], [sflag:$0x1] =	stream.indirect.gather [hbm4b:s22+s0], $0x80, s17, s0, $0xb8;
	[tilespmem:$0x1E000] =	vst v63  }
0xf5: {  	p1 =	sne.s32 s18, $0x3800;
	s18 =	sadd.s32 $0x80, s17  }
0xf6: {  	[tilespmem:s5], [sflag:$0x2] =	stream.indirect.gather [hbm4b:s22+s0], $0x80, s18, s0, $0xb8;
	[tilespmem:$0x1E000] =	vst v63  }
0xf7: {  	s18 =	sadd.s32 $0x100, s17  }
0xf8: {  	[tilespmem:s6], [sflag:$0x3] =	stream.indirect.gather [hbm4b:s22+s0], $0x80, s18, s0, $0xb8;
	[tilespmem:$0x1E000] =	vst v63  }
0xf9: {  	s18 =	sadd.s32 $0x180, s17  }
0xfa: {  	[tilespmem:s7], [sflag:$0x4] =	stream.indirect.gather [hbm4b:s22+s0], $0x80, s18, s0, $0xb8;
	[tilespmem:$0x1E000] =	vst v63  }
0xfb: {  	_ =	swait.ge [sflag:s8], $0x2000  }
0xfc: {  	[sflag:s8] =	ssyncset.done $0x0  }
0xfd: {  	s18 =	sadd.s32 $0x1000, s17;
	[sflag:s8] =	ssyncadd.s32 $0xFFFFE000  }
0xfe: {  	[spmem:s1] =	stream.indirect.scatter.add.f32 [tilespmem:s4], [sflag:$0x7], $0x80, s18, s0, $0xb8;
	[tilespmem:$0x1E000] =	vst v63  }
0xff: {  	_ =	swait.ge [sflag:s29], $0x2000  }
0x100: {  	[sflag:s29] =	ssyncset.done $0x0  }
0x101: {  	[sflag:s29] =	ssyncadd.s32 $0xFFFFE000  }
0x102: {  	_ =	swait.ge [sflag:s9], $0x2000  }
0x103: {  	[sflag:s9] =	ssyncset.done $0x0  }
0x104: {  	s18 =	sadd.s32 $0x1080, s17;
	[sflag:s9] =	ssyncadd.s32 $0xFFFFE000  }
0x105: {  	[spmem:s1] =	stream.indirect.scatter.add.f32 [tilespmem:s5], [sflag:$0x7], $0x80, s18, s0, $0xb8;
	[tilespmem:$0x1E000] =	vst v63  }
0x106: {  	_ =	swait.ge [sflag:s29], $0x2000  }
0x107: {  	[sflag:s29] =	ssyncset.done $0x0  }
0x108: {  	[sflag:s29] =	ssyncadd.s32 $0xFFFFE000  }
0x109: {  	_ =	swait.ge [sflag:s10], $0x2000  }
0x10a: {  	[sflag:s10] =	ssyncset.done $0x0  }
0x10b: {  	s18 =	sadd.s32 $0x1100, s17;
	[sflag:s10] =	ssyncadd.s32 $0xFFFFE000  }
0x10c: {  	[spmem:s1] =	stream.indirect.scatter.add.f32 [tilespmem:s6], [sflag:$0x7], $0x80, s18, s0, $0xb8;
	[tilespmem:$0x1E000] =	vst v63  }
0x10d: {  	_ =	swait.ge [sflag:s29], $0x2000  }
0x10e: {  	[sflag:s29] =	ssyncset.done $0x0  }
0x10f: {  	[sflag:s29] =	ssyncadd.s32 $0xFFFFE000  }
0x110: {  	_ =	swait.ge [sflag:s11], $0x2000  }
.Ltmp4:
0x111: {  	[sflag:s11] =	ssyncset.done $0x0;
	(pc) =	sbr.rel @p1 .LBB2_5-.Ltmp4, $4  }
0x112: {  	s17 =	sadd.s32 $0x1180, s17;
	[sflag:s11] =	ssyncadd.s32 $0xFFFFE000  }
0x113: {  	[spmem:s1] =	stream.indirect.scatter.add.f32 [tilespmem:s7], [sflag:$0x7], $0x80, s17, s0, $0xb8;
	[tilespmem:$0x1E000] =	vst v63  }
0x114: {  	_ =	swait.ge [sflag:s29], $0x2000  }
0x115: {  	s18 =	smov.u32 s16;
	[sflag:s29] =	ssyncset.done $0x0  }
0x116: {  	s14 =	sshra.s32 s14, $0x2;
	[sflag:s29] =	ssyncadd.s32 $0xFFFFE000  }
0x117: {  	[tilespmem:s4], [sflag:$0x1] =	stream.indirect.gather [hbm4b:s22+s0], $0x80, s14, s0, $0xb8;
	[tilespmem:$0x1E000] =	vst v63  }
0x118: {  	s16 =	sadd.s32 $0x80, s14  }
0x119: {  	[tilespmem:s5], [sflag:$0x2] =	stream.indirect.gather [hbm4b:s22+s0], $0x80, s16, s0, $0xb8;
	[tilespmem:$0x1E000] =	vst v63  }
0x11a: {  	s18 =	sadd.s32 $0x100, s14  }
0x11b: {  	[tilespmem:s6], [sflag:$0x3] =	stream.indirect.gather [hbm4b:s22+s0], $0x80, s18, s0, $0xb8;
	[tilespmem:$0x1E000] =	vst v63  }
0x11c: {  	s17 =	sadd.s32 $0x180, s14  }
0x11d: {  	[tilespmem:s7], [sflag:$0x4] =	stream.indirect.gather [hbm4b:s22+s0], $0x80, s17, s0, $0xb8;
	[tilespmem:$0x1E000] =	vst v63  }
0x11e: {  	_ =	swait.ge [sflag:s8], $0x2000  }
0x11f: {  	[sflag:s8] =	ssyncset.done $0x0  }
0x120: {  	s18 =	sadd.s32 $0x1000, s14;
	[sflag:s8] =	ssyncadd.s32 $0xFFFFE000  }
0x121: {  	[spmem:s1] =	stream.indirect.scatter.add.f32 [tilespmem:s4], [sflag:$0x7], $0x80, s18, s0, $0xb8;
	[tilespmem:$0x1E000] =	vst v63  }
0x122: {  	_ =	swait.ge [sflag:s29], $0x2000  }
0x123: {  	[sflag:s29] =	ssyncset.done $0x0  }
0x124: {  	[sflag:s29] =	ssyncadd.s32 $0xFFFFE000  }
0x125: {  	_ =	swait.ge [sflag:s9], $0x2000  }
0x126: {  	[sflag:s9] =	ssyncset.done $0x0  }
0x127: {  	s17 =	sadd.s32 $0x1080, s14;
	[sflag:s9] =	ssyncadd.s32 $0xFFFFE000  }
0x128: {  	[spmem:s1] =	stream.indirect.scatter.add.f32 [tilespmem:s5], [sflag:$0x7], $0x80, s17, s0, $0xb8;
	[tilespmem:$0x1E000] =	vst v63  }
0x129: {  	_ =	swait.ge [sflag:s29], $0x2000  }
0x12a: {  	[sflag:s29] =	ssyncset.done $0x0  }
0x12b: {  	[sflag:s29] =	ssyncadd.s32 $0xFFFFE000  }
0x12c: {  	_ =	swait.ge [sflag:s10], $0x2000  }
0x12d: {  	[sflag:s10] =	ssyncset.done $0x0  }
0x12e: {  	s18 =	sadd.s32 $0x1100, s14;
	[sflag:s10] =	ssyncadd.s32 $0xFFFFE000  }
0x12f: {  	[spmem:s1] =	stream.indirect.scatter.add.f32 [tilespmem:s6], [sflag:$0x7], $0x80, s18, s0, $0xb8;
	[tilespmem:$0x1E000] =	vst v63  }
0x130: {  	_ =	swait.ge [sflag:s29], $0x2000  }
0x131: {  	[sflag:s29] =	ssyncset.done $0x0  }
0x132: {  	[sflag:s29] =	ssyncadd.s32 $0xFFFFE000  }
0x133: {  	_ =	swait.ge [sflag:s11], $0x2000  }
0x134: {  	[sflag:s11] =	ssyncset.done $0x0  }
0x135: {  	s14 =	sadd.s32 $0x1180, s14;
	[sflag:s11] =	ssyncadd.s32 $0xFFFFE000  }
0x136: {  	[spmem:s1] =	stream.indirect.scatter.add.f32 [tilespmem:s7], [sflag:$0x7], $0x80, s14, s0, $0xb8;
	[tilespmem:$0x1E000] =	vst v63  }
0x137: {  	_ =	swait.ge [sflag:s29], $0x2000  }
0x138: {  	[sflag:s29] =	ssyncset.done $0x0  }
0x139: {  	s14 =	simm.s32 $0x0;
	s17 =	rddreg [dreg:$0x6];
	[sflag:s29] =	ssyncadd.s32 $0xFFFFE000  }
0x13a: {  	[tilespmem:s14], [sflag:$0x5] =	stream.linear.gather [hbm4b:s17+s14], $0x1000, $0x38;
	[tilespmem:$0x1E000] =	vst v63  }
0x13b: {  	s18 =	rddreg [dreg:$0x7]  }
0x13c: {  	[tilespmem:s30], [sflag:$0x6] =	stream.linear.gather [hbm4b:s18+s14], $0x1000, $0x38;
	[tilespmem:$0x1E000] =	vst v63  }
0x13d: {  	_ =	swait.ge [sflag:s31], $0x1000  }
0x13e: {  	[sflag:s31] =	ssyncset.done $0x0  }
0x13f: {  	[sflag:s31] =	ssyncadd.s32 $0xFFFFF000  }
0x140: {  	_ =	swait.ge [sflag:s15], $0x1000  }
0x141: {  	[sflag:s15] =	ssyncset.done $0x0  }
0x142: {  	s17 =	simm.s32 $0x0;
	[sflag:s15] =	ssyncadd.s32 $0xFFFFF000  }
0x143: {  	[tilespmem:s4], [sflag:$0x1] =	stream.indirect.gather [hbm4b:s22+s0], $0x80, s17, s0, $0xb8;
	[tilespmem:$0x1E000] =	vst v63  }
0x144: {  	s18 =	simm.s32 $0x80  }
0x145: {  	[tilespmem:s5], [sflag:$0x2] =	stream.indirect.gather [hbm4b:s22+s0], $0x80, s18, s0, $0xb8;
	[tilespmem:$0x1E000] =	vst v63  }
0x146: {  	s16 =	simm.s32 $0x100  }
0x147: {  	[tilespmem:s6], [sflag:$0x3] =	stream.indirect.gather [hbm4b:s22+s0], $0x80, s16, s0, $0xb8;
	[tilespmem:$0x1E000] =	vst v63  }
0x148: {  	s17 =	simm.s32 $0x180  }
0x149: {  	[tilespmem:s7], [sflag:$0x4] =	stream.indirect.gather [hbm4b:s22+s0], $0x80, s17, s0, $0xb8;
	[tilespmem:$0x1E000] =	vst v63  }
0x14a: {  	_ =	swait.ge [sflag:s8], $0x2000  }
0x14b: {  	[sflag:s8] =	ssyncset.done $0x0  }
0x14c: {  	s18 =	simm.s32 $0x1000;
	[sflag:s8] =	ssyncadd.s32 $0xFFFFE000  }
0x14d: {  	[spmem:s1] =	stream.indirect.scatter.add.f32 [tilespmem:s4], [sflag:$0x7], $0x80, s18, s0, $0xb8;
	[tilespmem:$0x1E000] =	vst v63  }
0x14e: {  	_ =	swait.ge [sflag:s29], $0x2000  }
0x14f: {  	[sflag:s29] =	ssyncset.done $0x0  }
0x150: {  	[sflag:s29] =	ssyncadd.s32 $0xFFFFE000  }
0x151: {  	_ =	swait.ge [sflag:s9], $0x2000  }
0x152: {  	[sflag:s9] =	ssyncset.done $0x0  }
0x153: {  	s16 =	simm.s32 $0x1080;
	[sflag:s9] =	ssyncadd.s32 $0xFFFFE000  }
0x154: {  	[spmem:s1] =	stream.indirect.scatter.add.f32 [tilespmem:s5], [sflag:$0x7], $0x80, s16, s0, $0xb8;
	[tilespmem:$0x1E000] =	vst v63  }
0x155: {  	_ =	swait.ge [sflag:s29], $0x2000  }
0x156: {  	[sflag:s29] =	ssyncset.done $0x0  }
0x157: {  	[sflag:s29] =	ssyncadd.s32 $0xFFFFE000  }
0x158: {  	_ =	swait.ge [sflag:s10], $0x2000  }
0x159: {  	[sflag:s10] =	ssyncset.done $0x0  }
0x15a: {  	s17 =	simm.s32 $0x1100;
	[sflag:s10] =	ssyncadd.s32 $0xFFFFE000  }
0x15b: {  	[spmem:s1] =	stream.indirect.scatter.add.f32 [tilespmem:s6], [sflag:$0x7], $0x80, s17, s0, $0xb8;
	[tilespmem:$0x1E000] =	vst v63  }
0x15c: {  	_ =	swait.ge [sflag:s29], $0x2000  }
0x15d: {  	[sflag:s29] =	ssyncset.done $0x0  }
0x15e: {  	[sflag:s29] =	ssyncadd.s32 $0xFFFFE000  }
0x15f: {  	_ =	swait.ge [sflag:s11], $0x2000  }
0x160: {  	[sflag:s11] =	ssyncset.done $0x0  }
0x161: {  	s18 =	simm.s32 $0x1180;
	[sflag:s11] =	ssyncadd.s32 $0xFFFFE000  }
0x162: {  	[spmem:s1] =	stream.indirect.scatter.add.f32 [tilespmem:s7], [sflag:$0x7], $0x80, s18, s0, $0xb8;
	[tilespmem:$0x1E000] =	vst v63  }
0x163: {  	_ =	swait.ge [sflag:s29], $0x2000  }
0x164: {  	s14 =	simm.s32 $0x800;
	s18 =	simm.s32 $0x1000;
	[sflag:s29] =	ssyncset.done $0x0  }
.LBB2_7:
0x165: {  	s17 =	sshra.s32 s14, $0x2  }
0x166: {  	[sflag:s29] =	ssyncadd.s32 $0xFFFFE000;
	s14 =	smov.u32 s18;
	s16 =	sadd.s32 $0x800, s18  }
0x167: {  	[tilespmem:s4], [sflag:$0x1] =	stream.indirect.gather [hbm4b:s22+s0], $0x80, s17, s0, $0xb8;
	[tilespmem:$0x1E000] =	vst v63  }
0x168: {  	p1 =	sne.s32 s18, $0x3800;
	s18 =	sadd.s32 $0x80, s17  }
0x169: {  	[tilespmem:s5], [sflag:$0x2] =	stream.indirect.gather [hbm4b:s22+s0], $0x80, s18, s0, $0xb8;
	[tilespmem:$0x1E000] =	vst v63  }
0x16a: {  	s18 =	sadd.s32 $0x100, s17  }
0x16b: {  	[tilespmem:s6], [sflag:$0x3] =	stream.indirect.gather [hbm4b:s22+s0], $0x80, s18, s0, $0xb8;
	[tilespmem:$0x1E000] =	vst v63  }
0x16c: {  	s18 =	sadd.s32 $0x180, s17  }
0x16d: {  	[tilespmem:s7], [sflag:$0x4] =	stream.indirect.gather [hbm4b:s22+s0], $0x80, s18, s0, $0xb8;
	[tilespmem:$0x1E000] =	vst v63  }
0x16e: {  	_ =	swait.ge [sflag:s8], $0x2000  }
0x16f: {  	[sflag:s8] =	ssyncset.done $0x0  }
0x170: {  	s18 =	sadd.s32 $0x1000, s17;
	[sflag:s8] =	ssyncadd.s32 $0xFFFFE000  }
0x171: {  	[spmem:s1] =	stream.indirect.scatter.add.f32 [tilespmem:s4], [sflag:$0x7], $0x80, s18, s0, $0xb8;
	[tilespmem:$0x1E000] =	vst v63  }
0x172: {  	_ =	swait.ge [sflag:s29], $0x2000  }
0x173: {  	[sflag:s29] =	ssyncset.done $0x0  }
0x174: {  	[sflag:s29] =	ssyncadd.s32 $0xFFFFE000  }
0x175: {  	_ =	swait.ge [sflag:s9], $0x2000  }
0x176: {  	[sflag:s9] =	ssyncset.done $0x0  }
0x177: {  	s18 =	sadd.s32 $0x1080, s17;
	[sflag:s9] =	ssyncadd.s32 $0xFFFFE000  }
0x178: {  	[spmem:s1] =	stream.indirect.scatter.add.f32 [tilespmem:s5], [sflag:$0x7], $0x80, s18, s0, $0xb8;
	[tilespmem:$0x1E000] =	vst v63  }
0x179: {  	_ =	swait.ge [sflag:s29], $0x2000  }
0x17a: {  	[sflag:s29] =	ssyncset.done $0x0  }
0x17b: {  	[sflag:s29] =	ssyncadd.s32 $0xFFFFE000  }
0x17c: {  	_ =	swait.ge [sflag:s10], $0x2000  }
0x17d: {  	[sflag:s10] =	ssyncset.done $0x0  }
0x17e: {  	s18 =	sadd.s32 $0x1100, s17;
	[sflag:s10] =	ssyncadd.s32 $0xFFFFE000  }
0x17f: {  	[spmem:s1] =	stream.indirect.scatter.add.f32 [tilespmem:s6], [sflag:$0x7], $0x80, s18, s0, $0xb8;
	[tilespmem:$0x1E000] =	vst v63  }
0x180: {  	_ =	swait.ge [sflag:s29], $0x2000  }
0x181: {  	[sflag:s29] =	ssyncset.done $0x0  }
0x182: {  	[sflag:s29] =	ssyncadd.s32 $0xFFFFE000  }
0x183: {  	_ =	swait.ge [sflag:s11], $0x2000  }
.Ltmp5:
0x184: {  	[sflag:s11] =	ssyncset.done $0x0;
	(pc) =	sbr.rel @p1 .LBB2_7-.Ltmp5, $4  }
0x185: {  	s17 =	sadd.s32 $0x1180, s17;
	[sflag:s11] =	ssyncadd.s32 $0xFFFFE000  }
0x186: {  	[spmem:s1] =	stream.indirect.scatter.add.f32 [tilespmem:s7], [sflag:$0x7], $0x80, s17, s0, $0xb8;
	[tilespmem:$0x1E000] =	vst v63  }
0x187: {  	_ =	swait.ge [sflag:s29], $0x2000  }
0x188: {  	s18 =	smov.u32 s16;
	[sflag:s29] =	ssyncset.done $0x0  }
0x189: {  	s14 =	sshra.s32 s14, $0x2;
	[sflag:s29] =	ssyncadd.s32 $0xFFFFE000  }
0x18a: {  	[tilespmem:s4], [sflag:$0x1] =	stream.indirect.gather [hbm4b:s22+s0], $0x80, s14, s0, $0xb8;
	[tilespmem:$0x1E000] =	vst v63  }
0x18b: {  	s16 =	sadd.s32 $0x80, s14  }
0x18c: {  	[tilespmem:s5], [sflag:$0x2] =	stream.indirect.gather [hbm4b:s22+s0], $0x80, s16, s0, $0xb8;
	[tilespmem:$0x1E000] =	vst v63  }
0x18d: {  	s18 =	sadd.s32 $0x100, s14  }
0x18e: {  	[tilespmem:s6], [sflag:$0x3] =	stream.indirect.gather [hbm4b:s22+s0], $0x80, s18, s0, $0xb8;
	[tilespmem:$0x1E000] =	vst v63  }
0x18f: {  	s17 =	sadd.s32 $0x180, s14  }
0x190: {  	[tilespmem:s7], [sflag:$0x4] =	stream.indirect.gather [hbm4b:s22+s0], $0x80, s17, s0, $0xb8;
	[tilespmem:$0x1E000] =	vst v63  }
0x191: {  	_ =	swait.ge [sflag:s8], $0x2000  }
0x192: {  	[sflag:s8] =	ssyncset.done $0x0  }
0x193: {  	s18 =	sadd.s32 $0x1000, s14;
	[sflag:s8] =	ssyncadd.s32 $0xFFFFE000  }
0x194: {  	[spmem:s1] =	stream.indirect.scatter.add.f32 [tilespmem:s4], [sflag:$0x7], $0x80, s18, s0, $0xb8;
	[tilespmem:$0x1E000] =	vst v63  }
0x195: {  	_ =	swait.ge [sflag:s29], $0x2000  }
0x196: {  	[sflag:s29] =	ssyncset.done $0x0  }
0x197: {  	[sflag:s29] =	ssyncadd.s32 $0xFFFFE000  }
0x198: {  	_ =	swait.ge [sflag:s9], $0x2000  }
0x199: {  	[sflag:s9] =	ssyncset.done $0x0  }
0x19a: {  	s17 =	sadd.s32 $0x1080, s14;
	[sflag:s9] =	ssyncadd.s32 $0xFFFFE000  }
0x19b: {  	[spmem:s1] =	stream.indirect.scatter.add.f32 [tilespmem:s5], [sflag:$0x7], $0x80, s17, s0, $0xb8;
	[tilespmem:$0x1E000] =	vst v63  }
0x19c: {  	_ =	swait.ge [sflag:s29], $0x2000  }
0x19d: {  	[sflag:s29] =	ssyncset.done $0x0  }
0x19e: {  	[sflag:s29] =	ssyncadd.s32 $0xFFFFE000  }
0x19f: {  	_ =	swait.ge [sflag:s10], $0x2000  }
0x1a0: {  	[sflag:s10] =	ssyncset.done $0x0  }
0x1a1: {  	s18 =	sadd.s32 $0x1100, s14;
	[sflag:s10] =	ssyncadd.s32 $0xFFFFE000  }
0x1a2: {  	[spmem:s1] =	stream.indirect.scatter.add.f32 [tilespmem:s6], [sflag:$0x7], $0x80, s18, s0, $0xb8;
	[tilespmem:$0x1E000] =	vst v63  }
0x1a3: {  	_ =	swait.ge [sflag:s29], $0x2000  }
0x1a4: {  	[sflag:s29] =	ssyncset.done $0x0  }
0x1a5: {  	[sflag:s29] =	ssyncadd.s32 $0xFFFFE000  }
0x1a6: {  	_ =	swait.ge [sflag:s11], $0x2000  }
0x1a7: {  	[sflag:s11] =	ssyncset.done $0x0  }
0x1a8: {  	s14 =	sadd.s32 $0x1180, s14;
	[sflag:s11] =	ssyncadd.s32 $0xFFFFE000  }
0x1a9: {  	[spmem:s1] =	stream.indirect.scatter.add.f32 [tilespmem:s7], [sflag:$0x7], $0x80, s14, s0, $0xb8;
	[tilespmem:$0x1E000] =	vst v63  }
0x1aa: {  	_ =	swait.ge [sflag:s29], $0x2000  }
0x1ab: {  	[sflag:s29] =	ssyncset.done $0x0  }
0x1ac: {  	s14 =	simm.s32 $0x0;
	s17 =	rddreg [dreg:$0x8];
	[sflag:s29] =	ssyncadd.s32 $0xFFFFE000  }
0x1ad: {  	[tilespmem:s14], [sflag:$0x5] =	stream.linear.gather [hbm4b:s17+s14], $0x1000, $0x38;
	[tilespmem:$0x1E000] =	vst v63  }
0x1ae: {  	s18 =	rddreg [dreg:$0x9]  }
0x1af: {  	[tilespmem:s30], [sflag:$0x6] =	stream.linear.gather [hbm4b:s18+s14], $0x1000, $0x38;
	[tilespmem:$0x1E000] =	vst v63  }
0x1b0: {  	_ =	swait.ge [sflag:s31], $0x1000  }
0x1b1: {  	[sflag:s31] =	ssyncset.done $0x0  }
0x1b2: {  	[sflag:s31] =	ssyncadd.s32 $0xFFFFF000  }
0x1b3: {  	_ =	swait.ge [sflag:s15], $0x1000  }
0x1b4: {  	[sflag:s15] =	ssyncset.done $0x0  }
0x1b5: {  	s17 =	simm.s32 $0x0;
	[sflag:s15] =	ssyncadd.s32 $0xFFFFF000  }
0x1b6: {  	[tilespmem:s4], [sflag:$0x1] =	stream.indirect.gather [hbm4b:s22+s0], $0x80, s17, s0, $0xb8;
	[tilespmem:$0x1E000] =	vst v63  }
0x1b7: {  	s18 =	simm.s32 $0x80  }
0x1b8: {  	[tilespmem:s5], [sflag:$0x2] =	stream.indirect.gather [hbm4b:s22+s0], $0x80, s18, s0, $0xb8;
	[tilespmem:$0x1E000] =	vst v63  }
0x1b9: {  	s16 =	simm.s32 $0x100  }
0x1ba: {  	[tilespmem:s6], [sflag:$0x3] =	stream.indirect.gather [hbm4b:s22+s0], $0x80, s16, s0, $0xb8;
	[tilespmem:$0x1E000] =	vst v63  }
0x1bb: {  	s17 =	simm.s32 $0x180  }
0x1bc: {  	[tilespmem:s7], [sflag:$0x4] =	stream.indirect.gather [hbm4b:s22+s0], $0x80, s17, s0, $0xb8;
	[tilespmem:$0x1E000] =	vst v63  }
0x1bd: {  	_ =	swait.ge [sflag:s8], $0x2000  }
0x1be: {  	[sflag:s8] =	ssyncset.done $0x0  }
0x1bf: {  	s18 =	simm.s32 $0x1000;
	[sflag:s8] =	ssyncadd.s32 $0xFFFFE000  }
0x1c0: {  	[spmem:s1] =	stream.indirect.scatter.add.f32 [tilespmem:s4], [sflag:$0x7], $0x80, s18, s0, $0xb8;
	[tilespmem:$0x1E000] =	vst v63  }
0x1c1: {  	_ =	swait.ge [sflag:s29], $0x2000  }
0x1c2: {  	[sflag:s29] =	ssyncset.done $0x0  }
0x1c3: {  	[sflag:s29] =	ssyncadd.s32 $0xFFFFE000  }
0x1c4: {  	_ =	swait.ge [sflag:s9], $0x2000  }
0x1c5: {  	[sflag:s9] =	ssyncset.done $0x0  }
0x1c6: {  	s16 =	simm.s32 $0x1080;
	[sflag:s9] =	ssyncadd.s32 $0xFFFFE000  }
0x1c7: {  	[spmem:s1] =	stream.indirect.scatter.add.f32 [tilespmem:s5], [sflag:$0x7], $0x80, s16, s0, $0xb8;
	[tilespmem:$0x1E000] =	vst v63  }
0x1c8: {  	_ =	swait.ge [sflag:s29], $0x2000  }
0x1c9: {  	[sflag:s29] =	ssyncset.done $0x0  }
0x1ca: {  	[sflag:s29] =	ssyncadd.s32 $0xFFFFE000  }
0x1cb: {  	_ =	swait.ge [sflag:s10], $0x2000  }
0x1cc: {  	[sflag:s10] =	ssyncset.done $0x0  }
0x1cd: {  	s17 =	simm.s32 $0x1100;
	[sflag:s10] =	ssyncadd.s32 $0xFFFFE000  }
0x1ce: {  	[spmem:s1] =	stream.indirect.scatter.add.f32 [tilespmem:s6], [sflag:$0x7], $0x80, s17, s0, $0xb8;
	[tilespmem:$0x1E000] =	vst v63  }
0x1cf: {  	_ =	swait.ge [sflag:s29], $0x2000  }
0x1d0: {  	[sflag:s29] =	ssyncset.done $0x0  }
0x1d1: {  	[sflag:s29] =	ssyncadd.s32 $0xFFFFE000  }
0x1d2: {  	_ =	swait.ge [sflag:s11], $0x2000  }
0x1d3: {  	[sflag:s11] =	ssyncset.done $0x0  }
0x1d4: {  	s18 =	simm.s32 $0x1180;
	[sflag:s11] =	ssyncadd.s32 $0xFFFFE000  }
0x1d5: {  	[spmem:s1] =	stream.indirect.scatter.add.f32 [tilespmem:s7], [sflag:$0x7], $0x80, s18, s0, $0xb8;
	[tilespmem:$0x1E000] =	vst v63  }
0x1d6: {  	_ =	swait.ge [sflag:s29], $0x2000  }
0x1d7: {  	s14 =	simm.s32 $0x800;
	s18 =	simm.s32 $0x1000;
	[sflag:s29] =	ssyncset.done $0x0  }
.LBB2_9:
0x1d8: {  	s17 =	sshra.s32 s14, $0x2  }
0x1d9: {  	[sflag:s29] =	ssyncadd.s32 $0xFFFFE000;
	s14 =	smov.u32 s18;
	s16 =	sadd.s32 $0x800, s18  }
0x1da: {  	[tilespmem:s4], [sflag:$0x1] =	stream.indirect.gather [hbm4b:s22+s0], $0x80, s17, s0, $0xb8;
	[tilespmem:$0x1E000] =	vst v63  }
0x1db: {  	p1 =	sne.s32 s18, $0x3800;
	s18 =	sadd.s32 $0x80, s17  }
0x1dc: {  	[tilespmem:s5], [sflag:$0x2] =	stream.indirect.gather [hbm4b:s22+s0], $0x80, s18, s0, $0xb8;
	[tilespmem:$0x1E000] =	vst v63  }
0x1dd: {  	s18 =	sadd.s32 $0x100, s17  }
0x1de: {  	[tilespmem:s6], [sflag:$0x3] =	stream.indirect.gather [hbm4b:s22+s0], $0x80, s18, s0, $0xb8;
	[tilespmem:$0x1E000] =	vst v63  }
0x1df: {  	s18 =	sadd.s32 $0x180, s17  }
0x1e0: {  	[tilespmem:s7], [sflag:$0x4] =	stream.indirect.gather [hbm4b:s22+s0], $0x80, s18, s0, $0xb8;
	[tilespmem:$0x1E000] =	vst v63  }
0x1e1: {  	_ =	swait.ge [sflag:s8], $0x2000  }
0x1e2: {  	[sflag:s8] =	ssyncset.done $0x0  }
0x1e3: {  	s18 =	sadd.s32 $0x1000, s17;
	[sflag:s8] =	ssyncadd.s32 $0xFFFFE000  }
0x1e4: {  	[spmem:s1] =	stream.indirect.scatter.add.f32 [tilespmem:s4], [sflag:$0x7], $0x80, s18, s0, $0xb8;
	[tilespmem:$0x1E000] =	vst v63  }
0x1e5: {  	_ =	swait.ge [sflag:s29], $0x2000  }
0x1e6: {  	[sflag:s29] =	ssyncset.done $0x0  }
0x1e7: {  	[sflag:s29] =	ssyncadd.s32 $0xFFFFE000  }
0x1e8: {  	_ =	swait.ge [sflag:s9], $0x2000  }
0x1e9: {  	[sflag:s9] =	ssyncset.done $0x0  }
0x1ea: {  	s18 =	sadd.s32 $0x1080, s17;
	[sflag:s9] =	ssyncadd.s32 $0xFFFFE000  }
0x1eb: {  	[spmem:s1] =	stream.indirect.scatter.add.f32 [tilespmem:s5], [sflag:$0x7], $0x80, s18, s0, $0xb8;
	[tilespmem:$0x1E000] =	vst v63  }
0x1ec: {  	_ =	swait.ge [sflag:s29], $0x2000  }
0x1ed: {  	[sflag:s29] =	ssyncset.done $0x0  }
0x1ee: {  	[sflag:s29] =	ssyncadd.s32 $0xFFFFE000  }
0x1ef: {  	_ =	swait.ge [sflag:s10], $0x2000  }
0x1f0: {  	[sflag:s10] =	ssyncset.done $0x0  }
0x1f1: {  	s18 =	sadd.s32 $0x1100, s17;
	[sflag:s10] =	ssyncadd.s32 $0xFFFFE000  }
0x1f2: {  	[spmem:s1] =	stream.indirect.scatter.add.f32 [tilespmem:s6], [sflag:$0x7], $0x80, s18, s0, $0xb8;
	[tilespmem:$0x1E000] =	vst v63  }
0x1f3: {  	_ =	swait.ge [sflag:s29], $0x2000  }
0x1f4: {  	[sflag:s29] =	ssyncset.done $0x0  }
0x1f5: {  	[sflag:s29] =	ssyncadd.s32 $0xFFFFE000  }
0x1f6: {  	_ =	swait.ge [sflag:s11], $0x2000  }
.Ltmp6:
0x1f7: {  	[sflag:s11] =	ssyncset.done $0x0;
	(pc) =	sbr.rel @p1 .LBB2_9-.Ltmp6, $4  }
0x1f8: {  	s17 =	sadd.s32 $0x1180, s17;
	[sflag:s11] =	ssyncadd.s32 $0xFFFFE000  }
0x1f9: {  	[spmem:s1] =	stream.indirect.scatter.add.f32 [tilespmem:s7], [sflag:$0x7], $0x80, s17, s0, $0xb8;
	[tilespmem:$0x1E000] =	vst v63  }
0x1fa: {  	_ =	swait.ge [sflag:s29], $0x2000  }
0x1fb: {  	s18 =	smov.u32 s16;
	[sflag:s29] =	ssyncset.done $0x0  }
0x1fc: {  	s14 =	sshra.s32 s14, $0x2;
	[sflag:s29] =	ssyncadd.s32 $0xFFFFE000  }
0x1fd: {  	[tilespmem:s4], [sflag:$0x1] =	stream.indirect.gather [hbm4b:s22+s0], $0x80, s14, s0, $0xb8;
	[tilespmem:$0x1E000] =	vst v63  }
0x1fe: {  	s16 =	sadd.s32 $0x80, s14  }
0x1ff: {  	[tilespmem:s5], [sflag:$0x2] =	stream.indirect.gather [hbm4b:s22+s0], $0x80, s16, s0, $0xb8;
	[tilespmem:$0x1E000] =	vst v63  }
0x200: {  	s18 =	sadd.s32 $0x100, s14  }
0x201: {  	[tilespmem:s6], [sflag:$0x3] =	stream.indirect.gather [hbm4b:s22+s0], $0x80, s18, s0, $0xb8;
	[tilespmem:$0x1E000] =	vst v63  }
0x202: {  	s17 =	sadd.s32 $0x180, s14  }
0x203: {  	[tilespmem:s7], [sflag:$0x4] =	stream.indirect.gather [hbm4b:s22+s0], $0x80, s17, s0, $0xb8;
	[tilespmem:$0x1E000] =	vst v63  }
0x204: {  	_ =	swait.ge [sflag:s8], $0x2000  }
0x205: {  	[sflag:s8] =	ssyncset.done $0x0  }
0x206: {  	s18 =	sadd.s32 $0x1000, s14;
	[sflag:s8] =	ssyncadd.s32 $0xFFFFE000  }
0x207: {  	[spmem:s1] =	stream.indirect.scatter.add.f32 [tilespmem:s4], [sflag:$0x7], $0x80, s18, s0, $0xb8;
	[tilespmem:$0x1E000] =	vst v63  }
0x208: {  	_ =	swait.ge [sflag:s29], $0x2000  }
0x209: {  	[sflag:s29] =	ssyncset.done $0x0  }
0x20a: {  	[sflag:s29] =	ssyncadd.s32 $0xFFFFE000  }
0x20b: {  	_ =	swait.ge [sflag:s9], $0x2000  }
0x20c: {  	[sflag:s9] =	ssyncset.done $0x0  }
0x20d: {  	s17 =	sadd.s32 $0x1080, s14;
	[sflag:s9] =	ssyncadd.s32 $0xFFFFE000  }
0x20e: {  	[spmem:s1] =	stream.indirect.scatter.add.f32 [tilespmem:s5], [sflag:$0x7], $0x80, s17, s0, $0xb8;
	[tilespmem:$0x1E000] =	vst v63  }
0x20f: {  	_ =	swait.ge [sflag:s29], $0x2000  }
0x210: {  	[sflag:s29] =	ssyncset.done $0x0  }
0x211: {  	[sflag:s29] =	ssyncadd.s32 $0xFFFFE000  }
0x212: {  	_ =	swait.ge [sflag:s10], $0x2000  }
0x213: {  	[sflag:s10] =	ssyncset.done $0x0  }
0x214: {  	s18 =	sadd.s32 $0x1100, s14;
	[sflag:s10] =	ssyncadd.s32 $0xFFFFE000  }
0x215: {  	[spmem:s1] =	stream.indirect.scatter.add.f32 [tilespmem:s6], [sflag:$0x7], $0x80, s18, s0, $0xb8;
	[tilespmem:$0x1E000] =	vst v63  }
0x216: {  	_ =	swait.ge [sflag:s29], $0x2000  }
0x217: {  	[sflag:s29] =	ssyncset.done $0x0  }
0x218: {  	[sflag:s29] =	ssyncadd.s32 $0xFFFFE000  }
0x219: {  	_ =	swait.ge [sflag:s11], $0x2000  }
0x21a: {  	[sflag:s11] =	ssyncset.done $0x0  }
0x21b: {  	s14 =	sadd.s32 $0x1180, s14;
	[sflag:s11] =	ssyncadd.s32 $0xFFFFE000  }
0x21c: {  	[spmem:s1] =	stream.indirect.scatter.add.f32 [tilespmem:s7], [sflag:$0x7], $0x80, s14, s0, $0xb8;
	[tilespmem:$0x1E000] =	vst v63  }
0x21d: {  	_ =	swait.ge [sflag:s29], $0x2000  }
0x21e: {  	[sflag:s29] =	ssyncset.done $0x0  }
0x21f: {  	s14 =	simm.s32 $0x0;
	s17 =	rddreg [dreg:$0xa];
	[sflag:s29] =	ssyncadd.s32 $0xFFFFE000  }
0x220: {  	[tilespmem:s14], [sflag:$0x5] =	stream.linear.gather [hbm4b:s17+s14], $0x1000, $0x38;
	[tilespmem:$0x1E000] =	vst v63  }
0x221: {  	s18 =	rddreg [dreg:$0xb]  }
0x222: {  	[tilespmem:s30], [sflag:$0x6] =	stream.linear.gather [hbm4b:s18+s14], $0x1000, $0x38;
	[tilespmem:$0x1E000] =	vst v63  }
0x223: {  	_ =	swait.ge [sflag:s31], $0x1000  }
0x224: {  	[sflag:s31] =	ssyncset.done $0x0  }
0x225: {  	[sflag:s31] =	ssyncadd.s32 $0xFFFFF000  }
0x226: {  	_ =	swait.ge [sflag:s15], $0x1000  }
0x227: {  	[sflag:s15] =	ssyncset.done $0x0  }
0x228: {  	s17 =	simm.s32 $0x0;
	[sflag:s15] =	ssyncadd.s32 $0xFFFFF000  }
0x229: {  	[tilespmem:s4], [sflag:$0x1] =	stream.indirect.gather [hbm4b:s22+s0], $0x80, s17, s0, $0xb8;
	[tilespmem:$0x1E000] =	vst v63  }
0x22a: {  	s18 =	simm.s32 $0x80  }
0x22b: {  	[tilespmem:s5], [sflag:$0x2] =	stream.indirect.gather [hbm4b:s22+s0], $0x80, s18, s0, $0xb8;
	[tilespmem:$0x1E000] =	vst v63  }
0x22c: {  	s16 =	simm.s32 $0x100  }
0x22d: {  	[tilespmem:s6], [sflag:$0x3] =	stream.indirect.gather [hbm4b:s22+s0], $0x80, s16, s0, $0xb8;
	[tilespmem:$0x1E000] =	vst v63  }
0x22e: {  	s17 =	simm.s32 $0x180  }
0x22f: {  	[tilespmem:s7], [sflag:$0x4] =	stream.indirect.gather [hbm4b:s22+s0], $0x80, s17, s0, $0xb8;
	[tilespmem:$0x1E000] =	vst v63  }
0x230: {  	_ =	swait.ge [sflag:s8], $0x2000  }
0x231: {  	[sflag:s8] =	ssyncset.done $0x0  }
0x232: {  	s18 =	simm.s32 $0x1000;
	[sflag:s8] =	ssyncadd.s32 $0xFFFFE000  }
0x233: {  	[spmem:s1] =	stream.indirect.scatter.add.f32 [tilespmem:s4], [sflag:$0x7], $0x80, s18, s0, $0xb8;
	[tilespmem:$0x1E000] =	vst v63  }
0x234: {  	_ =	swait.ge [sflag:s29], $0x2000  }
0x235: {  	[sflag:s29] =	ssyncset.done $0x0  }
0x236: {  	[sflag:s29] =	ssyncadd.s32 $0xFFFFE000  }
0x237: {  	_ =	swait.ge [sflag:s9], $0x2000  }
0x238: {  	[sflag:s9] =	ssyncset.done $0x0  }
0x239: {  	s16 =	simm.s32 $0x1080;
	[sflag:s9] =	ssyncadd.s32 $0xFFFFE000  }
0x23a: {  	[spmem:s1] =	stream.indirect.scatter.add.f32 [tilespmem:s5], [sflag:$0x7], $0x80, s16, s0, $0xb8;
	[tilespmem:$0x1E000] =	vst v63  }
0x23b: {  	_ =	swait.ge [sflag:s29], $0x2000  }
0x23c: {  	[sflag:s29] =	ssyncset.done $0x0  }
0x23d: {  	[sflag:s29] =	ssyncadd.s32 $0xFFFFE000  }
0x23e: {  	_ =	swait.ge [sflag:s10], $0x2000  }
0x23f: {  	[sflag:s10] =	ssyncset.done $0x0  }
0x240: {  	s17 =	simm.s32 $0x1100;
	[sflag:s10] =	ssyncadd.s32 $0xFFFFE000  }
0x241: {  	[spmem:s1] =	stream.indirect.scatter.add.f32 [tilespmem:s6], [sflag:$0x7], $0x80, s17, s0, $0xb8;
	[tilespmem:$0x1E000] =	vst v63  }
0x242: {  	_ =	swait.ge [sflag:s29], $0x2000  }
0x243: {  	[sflag:s29] =	ssyncset.done $0x0  }
0x244: {  	[sflag:s29] =	ssyncadd.s32 $0xFFFFE000  }
0x245: {  	_ =	swait.ge [sflag:s11], $0x2000  }
0x246: {  	[sflag:s11] =	ssyncset.done $0x0  }
0x247: {  	s18 =	simm.s32 $0x1180;
	[sflag:s11] =	ssyncadd.s32 $0xFFFFE000  }
0x248: {  	[spmem:s1] =	stream.indirect.scatter.add.f32 [tilespmem:s7], [sflag:$0x7], $0x80, s18, s0, $0xb8;
	[tilespmem:$0x1E000] =	vst v63  }
0x249: {  	_ =	swait.ge [sflag:s29], $0x2000  }
0x24a: {  	s14 =	simm.s32 $0x800;
	s18 =	simm.s32 $0x1000;
	[sflag:s29] =	ssyncset.done $0x0  }
.LBB2_11:
0x24b: {  	s17 =	sshra.s32 s14, $0x2  }
0x24c: {  	[sflag:s29] =	ssyncadd.s32 $0xFFFFE000;
	s14 =	smov.u32 s18;
	s16 =	sadd.s32 $0x800, s18  }
0x24d: {  	[tilespmem:s4], [sflag:$0x1] =	stream.indirect.gather [hbm4b:s22+s0], $0x80, s17, s0, $0xb8;
	[tilespmem:$0x1E000] =	vst v63  }
0x24e: {  	p1 =	sne.s32 s18, $0x3800;
	s18 =	sadd.s32 $0x80, s17  }
0x24f: {  	[tilespmem:s5], [sflag:$0x2] =	stream.indirect.gather [hbm4b:s22+s0], $0x80, s18, s0, $0xb8;
	[tilespmem:$0x1E000] =	vst v63  }
0x250: {  	s18 =	sadd.s32 $0x100, s17  }
0x251: {  	[tilespmem:s6], [sflag:$0x3] =	stream.indirect.gather [hbm4b:s22+s0], $0x80, s18, s0, $0xb8;
	[tilespmem:$0x1E000] =	vst v63  }
0x252: {  	s18 =	sadd.s32 $0x180, s17  }
0x253: {  	[tilespmem:s7], [sflag:$0x4] =	stream.indirect.gather [hbm4b:s22+s0], $0x80, s18, s0, $0xb8;
	[tilespmem:$0x1E000] =	vst v63  }
0x254: {  	_ =	swait.ge [sflag:s8], $0x2000  }
0x255: {  	[sflag:s8] =	ssyncset.done $0x0  }
0x256: {  	s18 =	sadd.s32 $0x1000, s17;
	[sflag:s8] =	ssyncadd.s32 $0xFFFFE000  }
0x257: {  	[spmem:s1] =	stream.indirect.scatter.add.f32 [tilespmem:s4], [sflag:$0x7], $0x80, s18, s0, $0xb8;
	[tilespmem:$0x1E000] =	vst v63  }
0x258: {  	_ =	swait.ge [sflag:s29], $0x2000  }
0x259: {  	[sflag:s29] =	ssyncset.done $0x0  }
0x25a: {  	[sflag:s29] =	ssyncadd.s32 $0xFFFFE000  }
0x25b: {  	_ =	swait.ge [sflag:s9], $0x2000  }
0x25c: {  	[sflag:s9] =	ssyncset.done $0x0  }
0x25d: {  	s18 =	sadd.s32 $0x1080, s17;
	[sflag:s9] =	ssyncadd.s32 $0xFFFFE000  }
0x25e: {  	[spmem:s1] =	stream.indirect.scatter.add.f32 [tilespmem:s5], [sflag:$0x7], $0x80, s18, s0, $0xb8;
	[tilespmem:$0x1E000] =	vst v63  }
0x25f: {  	_ =	swait.ge [sflag:s29], $0x2000  }
0x260: {  	[sflag:s29] =	ssyncset.done $0x0  }
0x261: {  	[sflag:s29] =	ssyncadd.s32 $0xFFFFE000  }
0x262: {  	_ =	swait.ge [sflag:s10], $0x2000  }
0x263: {  	[sflag:s10] =	ssyncset.done $0x0  }
0x264: {  	s18 =	sadd.s32 $0x1100, s17;
	[sflag:s10] =	ssyncadd.s32 $0xFFFFE000  }
0x265: {  	[spmem:s1] =	stream.indirect.scatter.add.f32 [tilespmem:s6], [sflag:$0x7], $0x80, s18, s0, $0xb8;
	[tilespmem:$0x1E000] =	vst v63  }
0x266: {  	_ =	swait.ge [sflag:s29], $0x2000  }
0x267: {  	[sflag:s29] =	ssyncset.done $0x0  }
0x268: {  	[sflag:s29] =	ssyncadd.s32 $0xFFFFE000  }
0x269: {  	_ =	swait.ge [sflag:s11], $0x2000  }
.Ltmp7:
0x26a: {  	[sflag:s11] =	ssyncset.done $0x0;
	(pc) =	sbr.rel @p1 .LBB2_11-.Ltmp7, $4  }
0x26b: {  	s17 =	sadd.s32 $0x1180, s17;
	[sflag:s11] =	ssyncadd.s32 $0xFFFFE000  }
0x26c: {  	[spmem:s1] =	stream.indirect.scatter.add.f32 [tilespmem:s7], [sflag:$0x7], $0x80, s17, s0, $0xb8;
	[tilespmem:$0x1E000] =	vst v63  }
0x26d: {  	_ =	swait.ge [sflag:s29], $0x2000  }
0x26e: {  	s18 =	smov.u32 s16;
	[sflag:s29] =	ssyncset.done $0x0  }
0x26f: {  	s14 =	sshra.s32 s14, $0x2;
	[sflag:s29] =	ssyncadd.s32 $0xFFFFE000  }
0x270: {  	[tilespmem:s4], [sflag:$0x1] =	stream.indirect.gather [hbm4b:s22+s0], $0x80, s14, s0, $0xb8;
	[tilespmem:$0x1E000] =	vst v63  }
0x271: {  	s16 =	sadd.s32 $0x80, s14  }
0x272: {  	[tilespmem:s5], [sflag:$0x2] =	stream.indirect.gather [hbm4b:s22+s0], $0x80, s16, s0, $0xb8;
	[tilespmem:$0x1E000] =	vst v63  }
0x273: {  	s18 =	sadd.s32 $0x100, s14  }
0x274: {  	[tilespmem:s6], [sflag:$0x3] =	stream.indirect.gather [hbm4b:s22+s0], $0x80, s18, s0, $0xb8;
	[tilespmem:$0x1E000] =	vst v63  }
0x275: {  	s17 =	sadd.s32 $0x180, s14  }
0x276: {  	[tilespmem:s7], [sflag:$0x4] =	stream.indirect.gather [hbm4b:s22+s0], $0x80, s17, s0, $0xb8;
	[tilespmem:$0x1E000] =	vst v63  }
0x277: {  	_ =	swait.ge [sflag:s8], $0x2000  }
0x278: {  	[sflag:s8] =	ssyncset.done $0x0  }
0x279: {  	s18 =	sadd.s32 $0x1000, s14;
	[sflag:s8] =	ssyncadd.s32 $0xFFFFE000  }
0x27a: {  	[spmem:s1] =	stream.indirect.scatter.add.f32 [tilespmem:s4], [sflag:$0x7], $0x80, s18, s0, $0xb8;
	[tilespmem:$0x1E000] =	vst v63  }
0x27b: {  	_ =	swait.ge [sflag:s29], $0x2000  }
0x27c: {  	[sflag:s29] =	ssyncset.done $0x0  }
0x27d: {  	[sflag:s29] =	ssyncadd.s32 $0xFFFFE000  }
0x27e: {  	_ =	swait.ge [sflag:s9], $0x2000  }
0x27f: {  	[sflag:s9] =	ssyncset.done $0x0  }
0x280: {  	s17 =	sadd.s32 $0x1080, s14;
	[sflag:s9] =	ssyncadd.s32 $0xFFFFE000  }
0x281: {  	[spmem:s1] =	stream.indirect.scatter.add.f32 [tilespmem:s5], [sflag:$0x7], $0x80, s17, s0, $0xb8;
	[tilespmem:$0x1E000] =	vst v63  }
0x282: {  	_ =	swait.ge [sflag:s29], $0x2000  }
0x283: {  	[sflag:s29] =	ssyncset.done $0x0  }
0x284: {  	[sflag:s29] =	ssyncadd.s32 $0xFFFFE000  }
0x285: {  	_ =	swait.ge [sflag:s10], $0x2000  }
0x286: {  	[sflag:s10] =	ssyncset.done $0x0  }
0x287: {  	s18 =	sadd.s32 $0x1100, s14;
	[sflag:s10] =	ssyncadd.s32 $0xFFFFE000  }
0x288: {  	[spmem:s1] =	stream.indirect.scatter.add.f32 [tilespmem:s6], [sflag:$0x7], $0x80, s18, s0, $0xb8;
	[tilespmem:$0x1E000] =	vst v63  }
0x289: {  	_ =	swait.ge [sflag:s29], $0x2000  }
0x28a: {  	[sflag:s29] =	ssyncset.done $0x0  }
0x28b: {  	[sflag:s29] =	ssyncadd.s32 $0xFFFFE000  }
0x28c: {  	_ =	swait.ge [sflag:s11], $0x2000  }
0x28d: {  	[sflag:s11] =	ssyncset.done $0x0  }
0x28e: {  	s14 =	sadd.s32 $0x1180, s14;
	[sflag:s11] =	ssyncadd.s32 $0xFFFFE000  }
0x28f: {  	[spmem:s1] =	stream.indirect.scatter.add.f32 [tilespmem:s7], [sflag:$0x7], $0x80, s14, s0, $0xb8;
	[tilespmem:$0x1E000] =	vst v63  }
0x290: {  	_ =	swait.ge [sflag:s29], $0x2000  }
0x291: {  	[sflag:s29] =	ssyncset.done $0x0  }
0x292: {  	s14 =	simm.s32 $0x0;
	s17 =	rddreg [dreg:$0xc];
	[sflag:s29] =	ssyncadd.s32 $0xFFFFE000  }
0x293: {  	[tilespmem:s14], [sflag:$0x5] =	stream.linear.gather [hbm4b:s17+s14], $0x1000, $0x38;
	[tilespmem:$0x1E000] =	vst v63  }
0x294: {  	s18 =	rddreg [dreg:$0xd]  }
0x295: {  	[tilespmem:s30], [sflag:$0x6] =	stream.linear.gather [hbm4b:s18+s14], $0x1000, $0x38;
	[tilespmem:$0x1E000] =	vst v63  }
0x296: {  	_ =	swait.ge [sflag:s31], $0x1000  }
0x297: {  	[sflag:s31] =	ssyncset.done $0x0  }
0x298: {  	[sflag:s31] =	ssyncadd.s32 $0xFFFFF000  }
0x299: {  	_ =	swait.ge [sflag:s15], $0x1000  }
0x29a: {  	[sflag:s15] =	ssyncset.done $0x0  }
0x29b: {  	s17 =	simm.s32 $0x0;
	[sflag:s15] =	ssyncadd.s32 $0xFFFFF000  }
0x29c: {  	[tilespmem:s4], [sflag:$0x1] =	stream.indirect.gather [hbm4b:s22+s0], $0x80, s17, s0, $0xb8;
	[tilespmem:$0x1E000] =	vst v63  }
0x29d: {  	s18 =	simm.s32 $0x80  }
0x29e: {  	[tilespmem:s5], [sflag:$0x2] =	stream.indirect.gather [hbm4b:s22+s0], $0x80, s18, s0, $0xb8;
	[tilespmem:$0x1E000] =	vst v63  }
0x29f: {  	s16 =	simm.s32 $0x100  }
0x2a0: {  	[tilespmem:s6], [sflag:$0x3] =	stream.indirect.gather [hbm4b:s22+s0], $0x80, s16, s0, $0xb8;
	[tilespmem:$0x1E000] =	vst v63  }
0x2a1: {  	s17 =	simm.s32 $0x180  }
0x2a2: {  	[tilespmem:s7], [sflag:$0x4] =	stream.indirect.gather [hbm4b:s22+s0], $0x80, s17, s0, $0xb8;
	[tilespmem:$0x1E000] =	vst v63  }
0x2a3: {  	_ =	swait.ge [sflag:s8], $0x2000  }
0x2a4: {  	[sflag:s8] =	ssyncset.done $0x0  }
0x2a5: {  	s18 =	simm.s32 $0x1000;
	[sflag:s8] =	ssyncadd.s32 $0xFFFFE000  }
0x2a6: {  	[spmem:s1] =	stream.indirect.scatter.add.f32 [tilespmem:s4], [sflag:$0x7], $0x80, s18, s0, $0xb8;
	[tilespmem:$0x1E000] =	vst v63  }
0x2a7: {  	_ =	swait.ge [sflag:s29], $0x2000  }
0x2a8: {  	[sflag:s29] =	ssyncset.done $0x0  }
0x2a9: {  	[sflag:s29] =	ssyncadd.s32 $0xFFFFE000  }
0x2aa: {  	_ =	swait.ge [sflag:s9], $0x2000  }
0x2ab: {  	[sflag:s9] =	ssyncset.done $0x0  }
0x2ac: {  	s16 =	simm.s32 $0x1080;
	[sflag:s9] =	ssyncadd.s32 $0xFFFFE000  }
0x2ad: {  	[spmem:s1] =	stream.indirect.scatter.add.f32 [tilespmem:s5], [sflag:$0x7], $0x80, s16, s0, $0xb8;
	[tilespmem:$0x1E000] =	vst v63  }
0x2ae: {  	_ =	swait.ge [sflag:s29], $0x2000  }
0x2af: {  	[sflag:s29] =	ssyncset.done $0x0  }
0x2b0: {  	[sflag:s29] =	ssyncadd.s32 $0xFFFFE000  }
0x2b1: {  	_ =	swait.ge [sflag:s10], $0x2000  }
0x2b2: {  	[sflag:s10] =	ssyncset.done $0x0  }
0x2b3: {  	s17 =	simm.s32 $0x1100;
	[sflag:s10] =	ssyncadd.s32 $0xFFFFE000  }
0x2b4: {  	[spmem:s1] =	stream.indirect.scatter.add.f32 [tilespmem:s6], [sflag:$0x7], $0x80, s17, s0, $0xb8;
	[tilespmem:$0x1E000] =	vst v63  }
0x2b5: {  	_ =	swait.ge [sflag:s29], $0x2000  }
0x2b6: {  	[sflag:s29] =	ssyncset.done $0x0  }
0x2b7: {  	[sflag:s29] =	ssyncadd.s32 $0xFFFFE000  }
0x2b8: {  	_ =	swait.ge [sflag:s11], $0x2000  }
0x2b9: {  	[sflag:s11] =	ssyncset.done $0x0  }
0x2ba: {  	s18 =	simm.s32 $0x1180;
	[sflag:s11] =	ssyncadd.s32 $0xFFFFE000  }
0x2bb: {  	[spmem:s1] =	stream.indirect.scatter.add.f32 [tilespmem:s7], [sflag:$0x7], $0x80, s18, s0, $0xb8;
	[tilespmem:$0x1E000] =	vst v63  }
0x2bc: {  	_ =	swait.ge [sflag:s29], $0x2000  }
0x2bd: {  	s14 =	simm.s32 $0x800;
	s18 =	simm.s32 $0x1000;
	[sflag:s29] =	ssyncset.done $0x0  }
.LBB2_13:
0x2be: {  	s17 =	sshra.s32 s14, $0x2  }
0x2bf: {  	[sflag:s29] =	ssyncadd.s32 $0xFFFFE000;
	s14 =	smov.u32 s18;
	s16 =	sadd.s32 $0x800, s18  }
0x2c0: {  	[tilespmem:s4], [sflag:$0x1] =	stream.indirect.gather [hbm4b:s22+s0], $0x80, s17, s0, $0xb8;
	[tilespmem:$0x1E000] =	vst v63  }
0x2c1: {  	p1 =	sne.s32 s18, $0x3800;
	s18 =	sadd.s32 $0x80, s17  }
0x2c2: {  	[tilespmem:s5], [sflag:$0x2] =	stream.indirect.gather [hbm4b:s22+s0], $0x80, s18, s0, $0xb8;
	[tilespmem:$0x1E000] =	vst v63  }
0x2c3: {  	s18 =	sadd.s32 $0x100, s17  }
0x2c4: {  	[tilespmem:s6], [sflag:$0x3] =	stream.indirect.gather [hbm4b:s22+s0], $0x80, s18, s0, $0xb8;
	[tilespmem:$0x1E000] =	vst v63  }
0x2c5: {  	s18 =	sadd.s32 $0x180, s17  }
0x2c6: {  	[tilespmem:s7], [sflag:$0x4] =	stream.indirect.gather [hbm4b:s22+s0], $0x80, s18, s0, $0xb8;
	[tilespmem:$0x1E000] =	vst v63  }
0x2c7: {  	_ =	swait.ge [sflag:s8], $0x2000  }
0x2c8: {  	[sflag:s8] =	ssyncset.done $0x0  }
0x2c9: {  	s18 =	sadd.s32 $0x1000, s17;
	[sflag:s8] =	ssyncadd.s32 $0xFFFFE000  }
0x2ca: {  	[spmem:s1] =	stream.indirect.scatter.add.f32 [tilespmem:s4], [sflag:$0x7], $0x80, s18, s0, $0xb8;
	[tilespmem:$0x1E000] =	vst v63  }
0x2cb: {  	_ =	swait.ge [sflag:s29], $0x2000  }
0x2cc: {  	[sflag:s29] =	ssyncset.done $0x0  }
0x2cd: {  	[sflag:s29] =	ssyncadd.s32 $0xFFFFE000  }
0x2ce: {  	_ =	swait.ge [sflag:s9], $0x2000  }
0x2cf: {  	[sflag:s9] =	ssyncset.done $0x0  }
0x2d0: {  	s18 =	sadd.s32 $0x1080, s17;
	[sflag:s9] =	ssyncadd.s32 $0xFFFFE000  }
0x2d1: {  	[spmem:s1] =	stream.indirect.scatter.add.f32 [tilespmem:s5], [sflag:$0x7], $0x80, s18, s0, $0xb8;
	[tilespmem:$0x1E000] =	vst v63  }
0x2d2: {  	_ =	swait.ge [sflag:s29], $0x2000  }
0x2d3: {  	[sflag:s29] =	ssyncset.done $0x0  }
0x2d4: {  	[sflag:s29] =	ssyncadd.s32 $0xFFFFE000  }
0x2d5: {  	_ =	swait.ge [sflag:s10], $0x2000  }
0x2d6: {  	[sflag:s10] =	ssyncset.done $0x0  }
0x2d7: {  	s18 =	sadd.s32 $0x1100, s17;
	[sflag:s10] =	ssyncadd.s32 $0xFFFFE000  }
0x2d8: {  	[spmem:s1] =	stream.indirect.scatter.add.f32 [tilespmem:s6], [sflag:$0x7], $0x80, s18, s0, $0xb8;
	[tilespmem:$0x1E000] =	vst v63  }
0x2d9: {  	_ =	swait.ge [sflag:s29], $0x2000  }
0x2da: {  	[sflag:s29] =	ssyncset.done $0x0  }
0x2db: {  	[sflag:s29] =	ssyncadd.s32 $0xFFFFE000  }
0x2dc: {  	_ =	swait.ge [sflag:s11], $0x2000  }
.Ltmp8:
0x2dd: {  	[sflag:s11] =	ssyncset.done $0x0;
	(pc) =	sbr.rel @p1 .LBB2_13-.Ltmp8, $4  }
0x2de: {  	s17 =	sadd.s32 $0x1180, s17;
	[sflag:s11] =	ssyncadd.s32 $0xFFFFE000  }
0x2df: {  	[spmem:s1] =	stream.indirect.scatter.add.f32 [tilespmem:s7], [sflag:$0x7], $0x80, s17, s0, $0xb8;
	[tilespmem:$0x1E000] =	vst v63  }
0x2e0: {  	_ =	swait.ge [sflag:s29], $0x2000  }
0x2e1: {  	s18 =	smov.u32 s16;
	[sflag:s29] =	ssyncset.done $0x0  }
0x2e2: {  	s14 =	sshra.s32 s14, $0x2;
	[sflag:s29] =	ssyncadd.s32 $0xFFFFE000  }
0x2e3: {  	[tilespmem:s4], [sflag:$0x1] =	stream.indirect.gather [hbm4b:s22+s0], $0x80, s14, s0, $0xb8;
	[tilespmem:$0x1E000] =	vst v63  }
0x2e4: {  	s16 =	sadd.s32 $0x80, s14  }
0x2e5: {  	[tilespmem:s5], [sflag:$0x2] =	stream.indirect.gather [hbm4b:s22+s0], $0x80, s16, s0, $0xb8;
	[tilespmem:$0x1E000] =	vst v63  }
0x2e6: {  	s18 =	sadd.s32 $0x100, s14  }
0x2e7: {  	[tilespmem:s6], [sflag:$0x3] =	stream.indirect.gather [hbm4b:s22+s0], $0x80, s18, s0, $0xb8;
	[tilespmem:$0x1E000] =	vst v63  }
0x2e8: {  	s17 =	sadd.s32 $0x180, s14  }
0x2e9: {  	[tilespmem:s7], [sflag:$0x4] =	stream.indirect.gather [hbm4b:s22+s0], $0x80, s17, s0, $0xb8;
	[tilespmem:$0x1E000] =	vst v63  }
0x2ea: {  	_ =	swait.ge [sflag:s8], $0x2000  }
0x2eb: {  	[sflag:s8] =	ssyncset.done $0x0  }
0x2ec: {  	s18 =	sadd.s32 $0x1000, s14;
	[sflag:s8] =	ssyncadd.s32 $0xFFFFE000  }
0x2ed: {  	[spmem:s1] =	stream.indirect.scatter.add.f32 [tilespmem:s4], [sflag:$0x7], $0x80, s18, s0, $0xb8;
	[tilespmem:$0x1E000] =	vst v63  }
0x2ee: {  	_ =	swait.ge [sflag:s29], $0x2000  }
0x2ef: {  	[sflag:s29] =	ssyncset.done $0x0  }
0x2f0: {  	[sflag:s29] =	ssyncadd.s32 $0xFFFFE000  }
0x2f1: {  	_ =	swait.ge [sflag:s9], $0x2000  }
0x2f2: {  	[sflag:s9] =	ssyncset.done $0x0  }
0x2f3: {  	s17 =	sadd.s32 $0x1080, s14;
	[sflag:s9] =	ssyncadd.s32 $0xFFFFE000  }
0x2f4: {  	[spmem:s1] =	stream.indirect.scatter.add.f32 [tilespmem:s5], [sflag:$0x7], $0x80, s17, s0, $0xb8;
	[tilespmem:$0x1E000] =	vst v63  }
0x2f5: {  	_ =	swait.ge [sflag:s29], $0x2000  }
0x2f6: {  	[sflag:s29] =	ssyncset.done $0x0  }
0x2f7: {  	[sflag:s29] =	ssyncadd.s32 $0xFFFFE000  }
0x2f8: {  	_ =	swait.ge [sflag:s10], $0x2000  }
0x2f9: {  	[sflag:s10] =	ssyncset.done $0x0  }
0x2fa: {  	s18 =	sadd.s32 $0x1100, s14;
	[sflag:s10] =	ssyncadd.s32 $0xFFFFE000  }
0x2fb: {  	[spmem:s1] =	stream.indirect.scatter.add.f32 [tilespmem:s6], [sflag:$0x7], $0x80, s18, s0, $0xb8;
	[tilespmem:$0x1E000] =	vst v63  }
0x2fc: {  	_ =	swait.ge [sflag:s29], $0x2000  }
0x2fd: {  	[sflag:s29] =	ssyncset.done $0x0  }
0x2fe: {  	[sflag:s29] =	ssyncadd.s32 $0xFFFFE000  }
0x2ff: {  	_ =	swait.ge [sflag:s11], $0x2000  }
0x300: {  	[sflag:s11] =	ssyncset.done $0x0  }
0x301: {  	s14 =	sadd.s32 $0x1180, s14;
	[sflag:s11] =	ssyncadd.s32 $0xFFFFE000  }
0x302: {  	[spmem:s1] =	stream.indirect.scatter.add.f32 [tilespmem:s7], [sflag:$0x7], $0x80, s14, s0, $0xb8;
	[tilespmem:$0x1E000] =	vst v63  }
0x303: {  	_ =	swait.ge [sflag:s29], $0x2000  }
0x304: {  	[sflag:s29] =	ssyncset.done $0x0  }
0x305: {  	s14 =	simm.s32 $0x0;
	s17 =	rddreg [dreg:$0xe];
	[sflag:s29] =	ssyncadd.s32 $0xFFFFE000  }
0x306: {  	[tilespmem:s14], [sflag:$0x5] =	stream.linear.gather [hbm4b:s17+s14], $0x1000, $0x38;
	[tilespmem:$0x1E000] =	vst v63  }
0x307: {  	s18 =	rddreg [dreg:$0xf]  }
0x308: {  	[tilespmem:s30], [sflag:$0x6] =	stream.linear.gather [hbm4b:s18+s14], $0x1000, $0x38;
	[tilespmem:$0x1E000] =	vst v63  }
0x309: {  	_ =	swait.ge [sflag:s31], $0x1000  }
0x30a: {  	[sflag:s31] =	ssyncset.done $0x0  }
0x30b: {  	[sflag:s31] =	ssyncadd.s32 $0xFFFFF000  }
0x30c: {  	_ =	swait.ge [sflag:s15], $0x1000  }
0x30d: {  	[sflag:s15] =	ssyncset.done $0x0  }
0x30e: {  	s17 =	simm.s32 $0x0;
	[sflag:s15] =	ssyncadd.s32 $0xFFFFF000  }
0x30f: {  	[tilespmem:s4], [sflag:$0x1] =	stream.indirect.gather [hbm4b:s22+s0], $0x80, s17, s0, $0xb8;
	[tilespmem:$0x1E000] =	vst v63  }
0x310: {  	s18 =	simm.s32 $0x80  }
0x311: {  	[tilespmem:s5], [sflag:$0x2] =	stream.indirect.gather [hbm4b:s22+s0], $0x80, s18, s0, $0xb8;
	[tilespmem:$0x1E000] =	vst v63  }
0x312: {  	s16 =	simm.s32 $0x100  }
0x313: {  	[tilespmem:s6], [sflag:$0x3] =	stream.indirect.gather [hbm4b:s22+s0], $0x80, s16, s0, $0xb8;
	[tilespmem:$0x1E000] =	vst v63  }
0x314: {  	s17 =	simm.s32 $0x180  }
0x315: {  	[tilespmem:s7], [sflag:$0x4] =	stream.indirect.gather [hbm4b:s22+s0], $0x80, s17, s0, $0xb8;
	[tilespmem:$0x1E000] =	vst v63  }
0x316: {  	_ =	swait.ge [sflag:s8], $0x2000  }
0x317: {  	[sflag:s8] =	ssyncset.done $0x0  }
0x318: {  	s18 =	simm.s32 $0x1000;
	[sflag:s8] =	ssyncadd.s32 $0xFFFFE000  }
0x319: {  	[spmem:s1] =	stream.indirect.scatter.add.f32 [tilespmem:s4], [sflag:$0x7], $0x80, s18, s0, $0xb8;
	[tilespmem:$0x1E000] =	vst v63  }
0x31a: {  	_ =	swait.ge [sflag:s29], $0x2000  }
0x31b: {  	[sflag:s29] =	ssyncset.done $0x0  }
0x31c: {  	[sflag:s29] =	ssyncadd.s32 $0xFFFFE000  }
0x31d: {  	_ =	swait.ge [sflag:s9], $0x2000  }
0x31e: {  	[sflag:s9] =	ssyncset.done $0x0  }
0x31f: {  	s16 =	simm.s32 $0x1080;
	[sflag:s9] =	ssyncadd.s32 $0xFFFFE000  }
0x320: {  	[spmem:s1] =	stream.indirect.scatter.add.f32 [tilespmem:s5], [sflag:$0x7], $0x80, s16, s0, $0xb8;
	[tilespmem:$0x1E000] =	vst v63  }
0x321: {  	_ =	swait.ge [sflag:s29], $0x2000  }
0x322: {  	[sflag:s29] =	ssyncset.done $0x0  }
0x323: {  	[sflag:s29] =	ssyncadd.s32 $0xFFFFE000  }
0x324: {  	_ =	swait.ge [sflag:s10], $0x2000  }
0x325: {  	[sflag:s10] =	ssyncset.done $0x0  }
0x326: {  	s17 =	simm.s32 $0x1100;
	[sflag:s10] =	ssyncadd.s32 $0xFFFFE000  }
0x327: {  	[spmem:s1] =	stream.indirect.scatter.add.f32 [tilespmem:s6], [sflag:$0x7], $0x80, s17, s0, $0xb8;
	[tilespmem:$0x1E000] =	vst v63  }
0x328: {  	_ =	swait.ge [sflag:s29], $0x2000  }
0x329: {  	[sflag:s29] =	ssyncset.done $0x0  }
0x32a: {  	[sflag:s29] =	ssyncadd.s32 $0xFFFFE000  }
0x32b: {  	_ =	swait.ge [sflag:s11], $0x2000  }
0x32c: {  	[sflag:s11] =	ssyncset.done $0x0  }
0x32d: {  	s18 =	simm.s32 $0x1180;
	[sflag:s11] =	ssyncadd.s32 $0xFFFFE000  }
0x32e: {  	[spmem:s1] =	stream.indirect.scatter.add.f32 [tilespmem:s7], [sflag:$0x7], $0x80, s18, s0, $0xb8;
	[tilespmem:$0x1E000] =	vst v63  }
0x32f: {  	_ =	swait.ge [sflag:s29], $0x2000  }
0x330: {  	s14 =	simm.s32 $0x800;
	s18 =	simm.s32 $0x1000;
	[sflag:s29] =	ssyncset.done $0x0  }
.LBB2_15:
0x331: {  	s17 =	sshra.s32 s14, $0x2  }
0x332: {  	[sflag:s29] =	ssyncadd.s32 $0xFFFFE000;
	s14 =	smov.u32 s18;
	s16 =	sadd.s32 $0x800, s18  }
0x333: {  	[tilespmem:s4], [sflag:$0x1] =	stream.indirect.gather [hbm4b:s22+s0], $0x80, s17, s0, $0xb8;
	[tilespmem:$0x1E000] =	vst v63  }
0x334: {  	p1 =	sne.s32 s18, $0x3800;
	s18 =	sadd.s32 $0x80, s17  }
0x335: {  	[tilespmem:s5], [sflag:$0x2] =	stream.indirect.gather [hbm4b:s22+s0], $0x80, s18, s0, $0xb8;
	[tilespmem:$0x1E000] =	vst v63  }
0x336: {  	s18 =	sadd.s32 $0x100, s17  }
0x337: {  	[tilespmem:s6], [sflag:$0x3] =	stream.indirect.gather [hbm4b:s22+s0], $0x80, s18, s0, $0xb8;
	[tilespmem:$0x1E000] =	vst v63  }
0x338: {  	s18 =	sadd.s32 $0x180, s17  }
0x339: {  	[tilespmem:s7], [sflag:$0x4] =	stream.indirect.gather [hbm4b:s22+s0], $0x80, s18, s0, $0xb8;
	[tilespmem:$0x1E000] =	vst v63  }
0x33a: {  	_ =	swait.ge [sflag:s8], $0x2000  }
0x33b: {  	[sflag:s8] =	ssyncset.done $0x0  }
0x33c: {  	s18 =	sadd.s32 $0x1000, s17;
	[sflag:s8] =	ssyncadd.s32 $0xFFFFE000  }
0x33d: {  	[spmem:s1] =	stream.indirect.scatter.add.f32 [tilespmem:s4], [sflag:$0x7], $0x80, s18, s0, $0xb8;
	[tilespmem:$0x1E000] =	vst v63  }
0x33e: {  	_ =	swait.ge [sflag:s29], $0x2000  }
0x33f: {  	[sflag:s29] =	ssyncset.done $0x0  }
0x340: {  	[sflag:s29] =	ssyncadd.s32 $0xFFFFE000  }
0x341: {  	_ =	swait.ge [sflag:s9], $0x2000  }
0x342: {  	[sflag:s9] =	ssyncset.done $0x0  }
0x343: {  	s18 =	sadd.s32 $0x1080, s17;
	[sflag:s9] =	ssyncadd.s32 $0xFFFFE000  }
0x344: {  	[spmem:s1] =	stream.indirect.scatter.add.f32 [tilespmem:s5], [sflag:$0x7], $0x80, s18, s0, $0xb8;
	[tilespmem:$0x1E000] =	vst v63  }
0x345: {  	_ =	swait.ge [sflag:s29], $0x2000  }
0x346: {  	[sflag:s29] =	ssyncset.done $0x0  }
0x347: {  	[sflag:s29] =	ssyncadd.s32 $0xFFFFE000  }
0x348: {  	_ =	swait.ge [sflag:s10], $0x2000  }
0x349: {  	[sflag:s10] =	ssyncset.done $0x0  }
0x34a: {  	s18 =	sadd.s32 $0x1100, s17;
	[sflag:s10] =	ssyncadd.s32 $0xFFFFE000  }
0x34b: {  	[spmem:s1] =	stream.indirect.scatter.add.f32 [tilespmem:s6], [sflag:$0x7], $0x80, s18, s0, $0xb8;
	[tilespmem:$0x1E000] =	vst v63  }
0x34c: {  	_ =	swait.ge [sflag:s29], $0x2000  }
0x34d: {  	[sflag:s29] =	ssyncset.done $0x0  }
0x34e: {  	[sflag:s29] =	ssyncadd.s32 $0xFFFFE000  }
0x34f: {  	_ =	swait.ge [sflag:s11], $0x2000  }
.Ltmp9:
0x350: {  	[sflag:s11] =	ssyncset.done $0x0;
	(pc) =	sbr.rel @p1 .LBB2_15-.Ltmp9, $4  }
0x351: {  	s17 =	sadd.s32 $0x1180, s17;
	[sflag:s11] =	ssyncadd.s32 $0xFFFFE000  }
0x352: {  	[spmem:s1] =	stream.indirect.scatter.add.f32 [tilespmem:s7], [sflag:$0x7], $0x80, s17, s0, $0xb8;
	[tilespmem:$0x1E000] =	vst v63  }
0x353: {  	_ =	swait.ge [sflag:s29], $0x2000  }
0x354: {  	s18 =	smov.u32 s16;
	[sflag:s29] =	ssyncset.done $0x0  }
0x355: {  	s14 =	sshra.s32 s14, $0x2;
	[sflag:s29] =	ssyncadd.s32 $0xFFFFE000  }
0x356: {  	[tilespmem:s4], [sflag:$0x1] =	stream.indirect.gather [hbm4b:s22+s0], $0x80, s14, s0, $0xb8;
	[tilespmem:$0x1E000] =	vst v63  }
0x357: {  	s16 =	sadd.s32 $0x80, s14  }
0x358: {  	[tilespmem:s5], [sflag:$0x2] =	stream.indirect.gather [hbm4b:s22+s0], $0x80, s16, s0, $0xb8;
	[tilespmem:$0x1E000] =	vst v63  }
0x359: {  	s18 =	sadd.s32 $0x100, s14  }
0x35a: {  	[tilespmem:s6], [sflag:$0x3] =	stream.indirect.gather [hbm4b:s22+s0], $0x80, s18, s0, $0xb8;
	[tilespmem:$0x1E000] =	vst v63  }
0x35b: {  	s17 =	sadd.s32 $0x180, s14  }
0x35c: {  	[tilespmem:s7], [sflag:$0x4] =	stream.indirect.gather [hbm4b:s22+s0], $0x80, s17, s0, $0xb8;
	[tilespmem:$0x1E000] =	vst v63  }
0x35d: {  	_ =	swait.ge [sflag:s8], $0x2000  }
0x35e: {  	[sflag:s8] =	ssyncset.done $0x0  }
0x35f: {  	s18 =	sadd.s32 $0x1000, s14;
	[sflag:s8] =	ssyncadd.s32 $0xFFFFE000  }
0x360: {  	[spmem:s1] =	stream.indirect.scatter.add.f32 [tilespmem:s4], [sflag:$0x7], $0x80, s18, s0, $0xb8;
	[tilespmem:$0x1E000] =	vst v63  }
0x361: {  	_ =	swait.ge [sflag:s29], $0x2000  }
0x362: {  	[sflag:s29] =	ssyncset.done $0x0  }
0x363: {  	[sflag:s29] =	ssyncadd.s32 $0xFFFFE000  }
0x364: {  	_ =	swait.ge [sflag:s9], $0x2000  }
0x365: {  	[sflag:s9] =	ssyncset.done $0x0  }
0x366: {  	s17 =	sadd.s32 $0x1080, s14;
	[sflag:s9] =	ssyncadd.s32 $0xFFFFE000  }
0x367: {  	[spmem:s1] =	stream.indirect.scatter.add.f32 [tilespmem:s5], [sflag:$0x7], $0x80, s17, s0, $0xb8;
	[tilespmem:$0x1E000] =	vst v63  }
0x368: {  	_ =	swait.ge [sflag:s29], $0x2000  }
0x369: {  	[sflag:s29] =	ssyncset.done $0x0  }
0x36a: {  	[sflag:s29] =	ssyncadd.s32 $0xFFFFE000  }
0x36b: {  	_ =	swait.ge [sflag:s10], $0x2000  }
0x36c: {  	[sflag:s10] =	ssyncset.done $0x0  }
0x36d: {  	s18 =	sadd.s32 $0x1100, s14;
	[sflag:s10] =	ssyncadd.s32 $0xFFFFE000  }
0x36e: {  	[spmem:s1] =	stream.indirect.scatter.add.f32 [tilespmem:s6], [sflag:$0x7], $0x80, s18, s0, $0xb8;
	[tilespmem:$0x1E000] =	vst v63  }
0x36f: {  	_ =	swait.ge [sflag:s29], $0x2000  }
0x370: {  	[sflag:s29] =	ssyncset.done $0x0  }
0x371: {  	[sflag:s29] =	ssyncadd.s32 $0xFFFFE000  }
0x372: {  	_ =	swait.ge [sflag:s11], $0x2000  }
0x373: {  	[sflag:s11] =	ssyncset.done $0x0  }
0x374: {  	s14 =	sadd.s32 $0x1180, s14;
	[sflag:s11] =	ssyncadd.s32 $0xFFFFE000  }
0x375: {  	[spmem:s1] =	stream.indirect.scatter.add.f32 [tilespmem:s7], [sflag:$0x7], $0x80, s14, s0, $0xb8;
	[tilespmem:$0x1E000] =	vst v63  }
0x376: {  	_ =	swait.ge [sflag:s29], $0x2000  }
0x377: {  	[sflag:s29] =	ssyncset.done $0x0  }
0x378: {  	s14 =	simm.s32 $0x0;
	s17 =	rddreg [dreg:$0x10];
	[sflag:s29] =	ssyncadd.s32 $0xFFFFE000  }
0x379: {  	[tilespmem:s14], [sflag:$0x5] =	stream.linear.gather [hbm4b:s17+s14], $0x1000, $0x38;
	[tilespmem:$0x1E000] =	vst v63  }
0x37a: {  	s18 =	rddreg [dreg:$0x11]  }
0x37b: {  	[tilespmem:s30], [sflag:$0x6] =	stream.linear.gather [hbm4b:s18+s14], $0x1000, $0x38;
	[tilespmem:$0x1E000] =	vst v63  }
0x37c: {  	_ =	swait.ge [sflag:s31], $0x1000  }
0x37d: {  	[sflag:s31] =	ssyncset.done $0x0  }
0x37e: {  	[sflag:s31] =	ssyncadd.s32 $0xFFFFF000  }
0x37f: {  	_ =	swait.ge [sflag:s15], $0x1000  }
0x380: {  	[sflag:s15] =	ssyncset.done $0x0  }
0x381: {  	s17 =	simm.s32 $0x0;
	[sflag:s15] =	ssyncadd.s32 $0xFFFFF000  }
0x382: {  	[tilespmem:s4], [sflag:$0x1] =	stream.indirect.gather [hbm4b:s22+s0], $0x80, s17, s0, $0xb8;
	[tilespmem:$0x1E000] =	vst v63  }
0x383: {  	s18 =	simm.s32 $0x80  }
0x384: {  	[tilespmem:s5], [sflag:$0x2] =	stream.indirect.gather [hbm4b:s22+s0], $0x80, s18, s0, $0xb8;
	[tilespmem:$0x1E000] =	vst v63  }
0x385: {  	s16 =	simm.s32 $0x100  }
0x386: {  	[tilespmem:s6], [sflag:$0x3] =	stream.indirect.gather [hbm4b:s22+s0], $0x80, s16, s0, $0xb8;
	[tilespmem:$0x1E000] =	vst v63  }
0x387: {  	s17 =	simm.s32 $0x180  }
0x388: {  	[tilespmem:s7], [sflag:$0x4] =	stream.indirect.gather [hbm4b:s22+s0], $0x80, s17, s0, $0xb8;
	[tilespmem:$0x1E000] =	vst v63  }
0x389: {  	_ =	swait.ge [sflag:s8], $0x2000  }
0x38a: {  	[sflag:s8] =	ssyncset.done $0x0  }
0x38b: {  	s18 =	simm.s32 $0x1000;
	[sflag:s8] =	ssyncadd.s32 $0xFFFFE000  }
0x38c: {  	[spmem:s1] =	stream.indirect.scatter.add.f32 [tilespmem:s4], [sflag:$0x7], $0x80, s18, s0, $0xb8;
	[tilespmem:$0x1E000] =	vst v63  }
0x38d: {  	_ =	swait.ge [sflag:s29], $0x2000  }
0x38e: {  	[sflag:s29] =	ssyncset.done $0x0  }
0x38f: {  	[sflag:s29] =	ssyncadd.s32 $0xFFFFE000  }
0x390: {  	_ =	swait.ge [sflag:s9], $0x2000  }
0x391: {  	[sflag:s9] =	ssyncset.done $0x0  }
0x392: {  	s16 =	simm.s32 $0x1080;
	[sflag:s9] =	ssyncadd.s32 $0xFFFFE000  }
0x393: {  	[spmem:s1] =	stream.indirect.scatter.add.f32 [tilespmem:s5], [sflag:$0x7], $0x80, s16, s0, $0xb8;
	[tilespmem:$0x1E000] =	vst v63  }
0x394: {  	_ =	swait.ge [sflag:s29], $0x2000  }
0x395: {  	[sflag:s29] =	ssyncset.done $0x0  }
0x396: {  	[sflag:s29] =	ssyncadd.s32 $0xFFFFE000  }
0x397: {  	_ =	swait.ge [sflag:s10], $0x2000  }
0x398: {  	[sflag:s10] =	ssyncset.done $0x0  }
0x399: {  	s17 =	simm.s32 $0x1100;
	[sflag:s10] =	ssyncadd.s32 $0xFFFFE000  }
0x39a: {  	[spmem:s1] =	stream.indirect.scatter.add.f32 [tilespmem:s6], [sflag:$0x7], $0x80, s17, s0, $0xb8;
	[tilespmem:$0x1E000] =	vst v63  }
0x39b: {  	_ =	swait.ge [sflag:s29], $0x2000  }
0x39c: {  	[sflag:s29] =	ssyncset.done $0x0  }
0x39d: {  	[sflag:s29] =	ssyncadd.s32 $0xFFFFE000  }
0x39e: {  	_ =	swait.ge [sflag:s11], $0x2000  }
0x39f: {  	[sflag:s11] =	ssyncset.done $0x0  }
0x3a0: {  	s18 =	simm.s32 $0x1180;
	[sflag:s11] =	ssyncadd.s32 $0xFFFFE000  }
0x3a1: {  	[spmem:s1] =	stream.indirect.scatter.add.f32 [tilespmem:s7], [sflag:$0x7], $0x80, s18, s0, $0xb8;
	[tilespmem:$0x1E000] =	vst v63  }
0x3a2: {  	_ =	swait.ge [sflag:s29], $0x2000  }
0x3a3: {  	s14 =	simm.s32 $0x800;
	s18 =	simm.s32 $0x1000;
	[sflag:s29] =	ssyncset.done $0x0  }
.LBB2_17:
0x3a4: {  	s17 =	sshra.s32 s14, $0x2  }
0x3a5: {  	[sflag:s29] =	ssyncadd.s32 $0xFFFFE000;
	s14 =	smov.u32 s18;
	s16 =	sadd.s32 $0x800, s18  }
0x3a6: {  	[tilespmem:s4], [sflag:$0x1] =	stream.indirect.gather [hbm4b:s22+s0], $0x80, s17, s0, $0xb8;
	[tilespmem:$0x1E000] =	vst v63  }
0x3a7: {  	p1 =	sne.s32 s18, $0x3800;
	s18 =	sadd.s32 $0x80, s17  }
0x3a8: {  	[tilespmem:s5], [sflag:$0x2] =	stream.indirect.gather [hbm4b:s22+s0], $0x80, s18, s0, $0xb8;
	[tilespmem:$0x1E000] =	vst v63  }
0x3a9: {  	s18 =	sadd.s32 $0x100, s17  }
0x3aa: {  	[tilespmem:s6], [sflag:$0x3] =	stream.indirect.gather [hbm4b:s22+s0], $0x80, s18, s0, $0xb8;
	[tilespmem:$0x1E000] =	vst v63  }
0x3ab: {  	s18 =	sadd.s32 $0x180, s17  }
0x3ac: {  	[tilespmem:s7], [sflag:$0x4] =	stream.indirect.gather [hbm4b:s22+s0], $0x80, s18, s0, $0xb8;
	[tilespmem:$0x1E000] =	vst v63  }
0x3ad: {  	_ =	swait.ge [sflag:s8], $0x2000  }
0x3ae: {  	[sflag:s8] =	ssyncset.done $0x0  }
0x3af: {  	s18 =	sadd.s32 $0x1000, s17;
	[sflag:s8] =	ssyncadd.s32 $0xFFFFE000  }
0x3b0: {  	[spmem:s1] =	stream.indirect.scatter.add.f32 [tilespmem:s4], [sflag:$0x7], $0x80, s18, s0, $0xb8;
	[tilespmem:$0x1E000] =	vst v63  }
0x3b1: {  	_ =	swait.ge [sflag:s29], $0x2000  }
0x3b2: {  	[sflag:s29] =	ssyncset.done $0x0  }
0x3b3: {  	[sflag:s29] =	ssyncadd.s32 $0xFFFFE000  }
0x3b4: {  	_ =	swait.ge [sflag:s9], $0x2000  }
0x3b5: {  	[sflag:s9] =	ssyncset.done $0x0  }
0x3b6: {  	s18 =	sadd.s32 $0x1080, s17;
	[sflag:s9] =	ssyncadd.s32 $0xFFFFE000  }
0x3b7: {  	[spmem:s1] =	stream.indirect.scatter.add.f32 [tilespmem:s5], [sflag:$0x7], $0x80, s18, s0, $0xb8;
	[tilespmem:$0x1E000] =	vst v63  }
0x3b8: {  	_ =	swait.ge [sflag:s29], $0x2000  }
0x3b9: {  	[sflag:s29] =	ssyncset.done $0x0  }
0x3ba: {  	[sflag:s29] =	ssyncadd.s32 $0xFFFFE000  }
0x3bb: {  	_ =	swait.ge [sflag:s10], $0x2000  }
0x3bc: {  	[sflag:s10] =	ssyncset.done $0x0  }
0x3bd: {  	s18 =	sadd.s32 $0x1100, s17;
	[sflag:s10] =	ssyncadd.s32 $0xFFFFE000  }
0x3be: {  	[spmem:s1] =	stream.indirect.scatter.add.f32 [tilespmem:s6], [sflag:$0x7], $0x80, s18, s0, $0xb8;
	[tilespmem:$0x1E000] =	vst v63  }
0x3bf: {  	_ =	swait.ge [sflag:s29], $0x2000  }
0x3c0: {  	[sflag:s29] =	ssyncset.done $0x0  }
0x3c1: {  	[sflag:s29] =	ssyncadd.s32 $0xFFFFE000  }
0x3c2: {  	_ =	swait.ge [sflag:s11], $0x2000  }
.Ltmp10:
0x3c3: {  	[sflag:s11] =	ssyncset.done $0x0;
	(pc) =	sbr.rel @p1 .LBB2_17-.Ltmp10, $4  }
0x3c4: {  	s17 =	sadd.s32 $0x1180, s17;
	[sflag:s11] =	ssyncadd.s32 $0xFFFFE000  }
0x3c5: {  	[spmem:s1] =	stream.indirect.scatter.add.f32 [tilespmem:s7], [sflag:$0x7], $0x80, s17, s0, $0xb8;
	[tilespmem:$0x1E000] =	vst v63  }
0x3c6: {  	_ =	swait.ge [sflag:s29], $0x2000  }
0x3c7: {  	s18 =	smov.u32 s16;
	[sflag:s29] =	ssyncset.done $0x0  }
0x3c8: {  	s14 =	sshra.s32 s14, $0x2;
	[sflag:s29] =	ssyncadd.s32 $0xFFFFE000  }
0x3c9: {  	[tilespmem:s4], [sflag:$0x1] =	stream.indirect.gather [hbm4b:s22+s0], $0x80, s14, s0, $0xb8;
	[tilespmem:$0x1E000] =	vst v63  }
0x3ca: {  	s16 =	sadd.s32 $0x80, s14  }
0x3cb: {  	[tilespmem:s5], [sflag:$0x2] =	stream.indirect.gather [hbm4b:s22+s0], $0x80, s16, s0, $0xb8;
	[tilespmem:$0x1E000] =	vst v63  }
0x3cc: {  	s18 =	sadd.s32 $0x100, s14  }
0x3cd: {  	[tilespmem:s6], [sflag:$0x3] =	stream.indirect.gather [hbm4b:s22+s0], $0x80, s18, s0, $0xb8;
	[tilespmem:$0x1E000] =	vst v63  }
0x3ce: {  	s17 =	sadd.s32 $0x180, s14  }
0x3cf: {  	[tilespmem:s7], [sflag:$0x4] =	stream.indirect.gather [hbm4b:s22+s0], $0x80, s17, s0, $0xb8;
	[tilespmem:$0x1E000] =	vst v63  }
0x3d0: {  	_ =	swait.ge [sflag:s8], $0x2000  }
0x3d1: {  	[sflag:s8] =	ssyncset.done $0x0  }
0x3d2: {  	s18 =	sadd.s32 $0x1000, s14;
	[sflag:s8] =	ssyncadd.s32 $0xFFFFE000  }
0x3d3: {  	[spmem:s1] =	stream.indirect.scatter.add.f32 [tilespmem:s4], [sflag:$0x7], $0x80, s18, s0, $0xb8;
	[tilespmem:$0x1E000] =	vst v63  }
0x3d4: {  	_ =	swait.ge [sflag:s29], $0x2000  }
0x3d5: {  	[sflag:s29] =	ssyncset.done $0x0  }
0x3d6: {  	[sflag:s29] =	ssyncadd.s32 $0xFFFFE000  }
0x3d7: {  	_ =	swait.ge [sflag:s9], $0x2000  }
0x3d8: {  	[sflag:s9] =	ssyncset.done $0x0  }
0x3d9: {  	s17 =	sadd.s32 $0x1080, s14;
	[sflag:s9] =	ssyncadd.s32 $0xFFFFE000  }
0x3da: {  	[spmem:s1] =	stream.indirect.scatter.add.f32 [tilespmem:s5], [sflag:$0x7], $0x80, s17, s0, $0xb8;
	[tilespmem:$0x1E000] =	vst v63  }
0x3db: {  	_ =	swait.ge [sflag:s29], $0x2000  }
0x3dc: {  	[sflag:s29] =	ssyncset.done $0x0  }
0x3dd: {  	[sflag:s29] =	ssyncadd.s32 $0xFFFFE000  }
0x3de: {  	_ =	swait.ge [sflag:s10], $0x2000  }
0x3df: {  	[sflag:s10] =	ssyncset.done $0x0  }
0x3e0: {  	s18 =	sadd.s32 $0x1100, s14;
	[sflag:s10] =	ssyncadd.s32 $0xFFFFE000  }
0x3e1: {  	[spmem:s1] =	stream.indirect.scatter.add.f32 [tilespmem:s6], [sflag:$0x7], $0x80, s18, s0, $0xb8;
	[tilespmem:$0x1E000] =	vst v63  }
0x3e2: {  	_ =	swait.ge [sflag:s29], $0x2000  }
0x3e3: {  	[sflag:s29] =	ssyncset.done $0x0  }
0x3e4: {  	[sflag:s29] =	ssyncadd.s32 $0xFFFFE000  }
0x3e5: {  	_ =	swait.ge [sflag:s11], $0x2000  }
0x3e6: {  	[sflag:s11] =	ssyncset.done $0x0  }
0x3e7: {  	s14 =	sadd.s32 $0x1180, s14;
	[sflag:s11] =	ssyncadd.s32 $0xFFFFE000  }
0x3e8: {  	[spmem:s1] =	stream.indirect.scatter.add.f32 [tilespmem:s7], [sflag:$0x7], $0x80, s14, s0, $0xb8;
	[tilespmem:$0x1E000] =	vst v63  }
0x3e9: {  	_ =	swait.ge [sflag:s29], $0x2000  }
0x3ea: {  	[sflag:s29] =	ssyncset.done $0x0  }
0x3eb: {  	s16 =	simm.s32 $0x0;
	[sflag:s29] =	ssyncadd.s32 $0xFFFFE000  }
0x3ec: {  	[tilespmem:s16], [sflag:$0x5] =	stream.linear.gather [hbm4b:s19+s16], $0x1000, $0x38;
	[tilespmem:$0x1E000] =	vst v63  }
0x3ed: {  	_ = 	snop  }
0x3ee: {  	[tilespmem:s30], [sflag:$0x6] =	stream.linear.gather [hbm4b:s20+s16], $0x1000, $0x38;
	[tilespmem:$0x1E000] =	vst v63  }
0x3ef: {  	_ =	swait.ge [sflag:s31], $0x1000  }
0x3f0: {  	[sflag:s31] =	ssyncset.done $0x0  }
0x3f1: {  	[sflag:s31] =	ssyncadd.s32 $0xFFFFF000  }
0x3f2: {  	_ =	swait.ge [sflag:s15], $0x1000  }
0x3f3: {  	[sflag:s15] =	ssyncset.done $0x0  }
0x3f4: {  	s17 =	simm.s32 $0x0;
	[sflag:s15] =	ssyncadd.s32 $0xFFFFF000  }
0x3f5: {  	[tilespmem:s4], [sflag:$0x1] =	stream.indirect.gather [hbm4b:s22+s0], $0x80, s17, s0, $0xb8;
	[tilespmem:$0x1E000] =	vst v63  }
0x3f6: {  	s18 =	simm.s32 $0x80  }
0x3f7: {  	[tilespmem:s5], [sflag:$0x2] =	stream.indirect.gather [hbm4b:s22+s0], $0x80, s18, s0, $0xb8;
	[tilespmem:$0x1E000] =	vst v63  }
0x3f8: {  	s16 =	simm.s32 $0x100  }
0x3f9: {  	[tilespmem:s6], [sflag:$0x3] =	stream.indirect.gather [hbm4b:s22+s0], $0x80, s16, s0, $0xb8;
	[tilespmem:$0x1E000] =	vst v63  }
0x3fa: {  	s17 =	simm.s32 $0x180  }
0x3fb: {  	[tilespmem:s7], [sflag:$0x4] =	stream.indirect.gather [hbm4b:s22+s0], $0x80, s17, s0, $0xb8;
	[tilespmem:$0x1E000] =	vst v63  }
0x3fc: {  	_ =	swait.ge [sflag:s8], $0x2000  }
0x3fd: {  	[sflag:s8] =	ssyncset.done $0x0  }
0x3fe: {  	s18 =	simm.s32 $0x1000;
	[sflag:s8] =	ssyncadd.s32 $0xFFFFE000  }
0x3ff: {  	[spmem:s1] =	stream.indirect.scatter.add.f32 [tilespmem:s4], [sflag:$0x7], $0x80, s18, s0, $0xb8;
	[tilespmem:$0x1E000] =	vst v63  }
0x400: {  	_ =	swait.ge [sflag:s29], $0x2000  }
0x401: {  	[sflag:s29] =	ssyncset.done $0x0  }
0x402: {  	[sflag:s29] =	ssyncadd.s32 $0xFFFFE000  }
0x403: {  	_ =	swait.ge [sflag:s9], $0x2000  }
0x404: {  	[sflag:s9] =	ssyncset.done $0x0  }
0x405: {  	s16 =	simm.s32 $0x1080;
	[sflag:s9] =	ssyncadd.s32 $0xFFFFE000  }
0x406: {  	[spmem:s1] =	stream.indirect.scatter.add.f32 [tilespmem:s5], [sflag:$0x7], $0x80, s16, s0, $0xb8;
	[tilespmem:$0x1E000] =	vst v63  }
0x407: {  	_ =	swait.ge [sflag:s29], $0x2000  }
0x408: {  	[sflag:s29] =	ssyncset.done $0x0  }
0x409: {  	[sflag:s29] =	ssyncadd.s32 $0xFFFFE000  }
0x40a: {  	_ =	swait.ge [sflag:s10], $0x2000  }
0x40b: {  	[sflag:s10] =	ssyncset.done $0x0  }
0x40c: {  	s17 =	simm.s32 $0x1100;
	[sflag:s10] =	ssyncadd.s32 $0xFFFFE000  }
0x40d: {  	[spmem:s1] =	stream.indirect.scatter.add.f32 [tilespmem:s6], [sflag:$0x7], $0x80, s17, s0, $0xb8;
	[tilespmem:$0x1E000] =	vst v63  }
0x40e: {  	_ =	swait.ge [sflag:s29], $0x2000  }
0x40f: {  	[sflag:s29] =	ssyncset.done $0x0  }
0x410: {  	[sflag:s29] =	ssyncadd.s32 $0xFFFFE000  }
0x411: {  	_ =	swait.ge [sflag:s11], $0x2000  }
0x412: {  	[sflag:s11] =	ssyncset.done $0x0  }
0x413: {  	s18 =	simm.s32 $0x1180;
	[sflag:s11] =	ssyncadd.s32 $0xFFFFE000  }
0x414: {  	[spmem:s1] =	stream.indirect.scatter.add.f32 [tilespmem:s7], [sflag:$0x7], $0x80, s18, s0, $0xb8;
	[tilespmem:$0x1E000] =	vst v63  }
0x415: {  	_ =	swait.ge [sflag:s29], $0x2000  }
0x416: {  	s14 =	simm.s32 $0x800;
	s18 =	simm.s32 $0x1000;
	[sflag:s29] =	ssyncset.done $0x0  }
.LBB2_19:
0x417: {  	s17 =	sshra.s32 s14, $0x2  }
0x418: {  	[sflag:s29] =	ssyncadd.s32 $0xFFFFE000;
	s14 =	smov.u32 s18;
	s16 =	sadd.s32 $0x800, s18  }
0x419: {  	[tilespmem:s4], [sflag:$0x1] =	stream.indirect.gather [hbm4b:s22+s0], $0x80, s17, s0, $0xb8;
	[tilespmem:$0x1E000] =	vst v63  }
0x41a: {  	p1 =	sne.s32 s18, $0x3800;
	s18 =	sadd.s32 $0x80, s17  }
0x41b: {  	[tilespmem:s5], [sflag:$0x2] =	stream.indirect.gather [hbm4b:s22+s0], $0x80, s18, s0, $0xb8;
	[tilespmem:$0x1E000] =	vst v63  }
0x41c: {  	s18 =	sadd.s32 $0x100, s17  }
0x41d: {  	[tilespmem:s6], [sflag:$0x3] =	stream.indirect.gather [hbm4b:s22+s0], $0x80, s18, s0, $0xb8;
	[tilespmem:$0x1E000] =	vst v63  }
0x41e: {  	s18 =	sadd.s32 $0x180, s17  }
0x41f: {  	[tilespmem:s7], [sflag:$0x4] =	stream.indirect.gather [hbm4b:s22+s0], $0x80, s18, s0, $0xb8;
	[tilespmem:$0x1E000] =	vst v63  }
0x420: {  	_ =	swait.ge [sflag:s8], $0x2000  }
0x421: {  	[sflag:s8] =	ssyncset.done $0x0  }
0x422: {  	s18 =	sadd.s32 $0x1000, s17;
	[sflag:s8] =	ssyncadd.s32 $0xFFFFE000  }
0x423: {  	[spmem:s1] =	stream.indirect.scatter.add.f32 [tilespmem:s4], [sflag:$0x7], $0x80, s18, s0, $0xb8;
	[tilespmem:$0x1E000] =	vst v63  }
0x424: {  	_ =	swait.ge [sflag:s29], $0x2000  }
0x425: {  	[sflag:s29] =	ssyncset.done $0x0  }
0x426: {  	[sflag:s29] =	ssyncadd.s32 $0xFFFFE000  }
0x427: {  	_ =	swait.ge [sflag:s9], $0x2000  }
0x428: {  	[sflag:s9] =	ssyncset.done $0x0  }
0x429: {  	s18 =	sadd.s32 $0x1080, s17;
	[sflag:s9] =	ssyncadd.s32 $0xFFFFE000  }
0x42a: {  	[spmem:s1] =	stream.indirect.scatter.add.f32 [tilespmem:s5], [sflag:$0x7], $0x80, s18, s0, $0xb8;
	[tilespmem:$0x1E000] =	vst v63  }
0x42b: {  	_ =	swait.ge [sflag:s29], $0x2000  }
0x42c: {  	[sflag:s29] =	ssyncset.done $0x0  }
0x42d: {  	[sflag:s29] =	ssyncadd.s32 $0xFFFFE000  }
0x42e: {  	_ =	swait.ge [sflag:s10], $0x2000  }
0x42f: {  	[sflag:s10] =	ssyncset.done $0x0  }
0x430: {  	s18 =	sadd.s32 $0x1100, s17;
	[sflag:s10] =	ssyncadd.s32 $0xFFFFE000  }
0x431: {  	[spmem:s1] =	stream.indirect.scatter.add.f32 [tilespmem:s6], [sflag:$0x7], $0x80, s18, s0, $0xb8;
	[tilespmem:$0x1E000] =	vst v63  }
0x432: {  	_ =	swait.ge [sflag:s29], $0x2000  }
0x433: {  	[sflag:s29] =	ssyncset.done $0x0  }
0x434: {  	[sflag:s29] =	ssyncadd.s32 $0xFFFFE000  }
0x435: {  	_ =	swait.ge [sflag:s11], $0x2000  }
.Ltmp11:
0x436: {  	[sflag:s11] =	ssyncset.done $0x0;
	(pc) =	sbr.rel @p1 .LBB2_19-.Ltmp11, $4  }
0x437: {  	s17 =	sadd.s32 $0x1180, s17;
	[sflag:s11] =	ssyncadd.s32 $0xFFFFE000  }
0x438: {  	[spmem:s1] =	stream.indirect.scatter.add.f32 [tilespmem:s7], [sflag:$0x7], $0x80, s17, s0, $0xb8;
	[tilespmem:$0x1E000] =	vst v63  }
0x439: {  	_ =	swait.ge [sflag:s29], $0x2000  }
0x43a: {  	s18 =	smov.u32 s16;
	[sflag:s29] =	ssyncset.done $0x0  }
.Ltmp12:
0x43b: {  	_ = 	snop;
	(pc) =	sbr.rel .LBB2_20-.Ltmp12, $1  }
0x43c: {  	_ =	sdelay $0x3  }
.LBB2_22:
0x43d: {  	_ =	sfence.sel $0x180000  }
0x43e: {  	[bflag:$0x0] =	sbarrier.arrive $0xFFFF  }
0x43f: {  	_ =	strace $0x9000004A  }
0x440: {  	s0 =	stileid.u32;
	[bflag:$0x2] =	sbarrier.arrive $0xFFFF  }
0x441: {  	p0 =	sne.s32 s0, $0x0;
	s0 =	rddreg [dreg:$0x3]  }
0x442: {  	s0 =	sadd.s32 @!p0 $0x100000, s0  }
0x443: {  	[sflag:s0] =	ssyncadd.tile.s32 @!p0 $0x1;
	_ =	shalt  }
.Lfunc_end2:
_tile_overlayer_lowered:
.L_overlay_start_2:
0x444: {  	(tag) =	ssettag $0x2  }
0x445: {  	s0 =	rddreg [dreg:$0x0];
	s2 =	stileid.u32  }
0x446: {  	s1 =	rddreg [dreg:$0x1];
	p0 =	sne.s32 s2, $0x0  }
0x447: {  	s3 =	rddreg [dreg:$0x2];
	[bflag:$0x3] =	sbarrier.arrive $0xFFFF;
	s2 =	simm.s32 @!p0 $0x1C07  }
0x448: {  	[timem:s3], [sflag:s2] =	dma.local @!p0 [hbm:s0], s1  }
0x449: {  	s0 =	simm.s32 @!p0 $0x7  }
0x44a: {  	_ =	swait.ge @!p0 [sflag:s0], s1  }
0x44b: {  	s1 =	ssub.s32 @!p0 $0x0, s1;
	[sflag:s0] =	ssyncset.done @!p0 $0x0  }
0x44c: {  	[sflag:s0] =	ssyncadd.s32 @!p0 s1  }
0x44d: {  	[bflag:$0x3] =	sbarrier.arrive $0xFFFF  }
0x44e: {  	_ =	shalt  }

</sc_bundles>
